<compile_context>
chip_gen: v7x
topology: tpu7x:2x2x1
jax: 0.10.2.dev20260603
libtpu: 0.0.44.dev20260713+nightly
codegen_flags: <defaults>
</compile_context>

<pallas_src>
import functools

import jax
import jax.numpy as jnp
from jax import lax
from jax.experimental import pallas as pl
from jax.experimental.pallas import tpu as pltpu
from jax.experimental.pallas import tpu_sc as plsc

N = 10000
E = 320000
B = 1024
H = 128
NC = 2
NS = 16
CH = 80

_f32 = jnp.float32


def _mesh():
    return plsc.VectorSubcoreMesh(
        core_axis_name="c", subcore_axis_name="s", num_cores=NC, num_subcores=NS
    )


_NRB = (N // NS) // 8 * 8
_NTAIL = N - _NRB * NS


def _copy_rows(s, src_ref, dst_ref):
    pltpu.sync_copy(src_ref.at[pl.ds(s * _NRB, _NRB)],
                    dst_ref.at[pl.ds(s * _NRB, _NRB)])

    @pl.when(s == NS - 1)
    def _():
        pltpu.sync_copy(src_ref.at[pl.ds(_NRB * NS, _NTAIL)],
                        dst_ref.at[pl.ds(_NRB * NS, _NTAIL)])


_copy_elems = _copy_rows


_EROWS = 2560
_RPW = _EROWS // NS
_CW = 128
_SLAB = 32


def _sc_deg_body(src1, dst1, src2, dst2, zeros_n, ones_hbm,
                 o_s1, o_d1, o_s2, o_d2, hist, ones_v, zbuf, obuf, idx_v,
                 ssem0, ssem1):
    c = lax.axis_index("c")
    s = lax.axis_index("s")
    pltpu.sync_copy(ones_hbm, ones_v)
    pltpu.sync_copy(zeros_n.at[pl.ds(0, _NRB)], zbuf)
    r0 = s * _RPW
    e0 = s * _NRB

    def phase(idx_ref, out_ref):
        pltpu.sync_copy(zbuf, hist.at[pl.ds(e0, _NRB)])

        @pl.when(s == NS - 1)
        def _():
            pltpu.sync_copy(zbuf.at[pl.ds(0, _NTAIL)],
                            hist.at[pl.ds(_NRB * NS, _NTAIL)])
        plsc.subcore_barrier()

        def start(j, sem):
            pltpu.async_copy(ones_v, hist.at[idx_v.at[j]], sem, add=True)

        def wait(j, sem):
            pltpu.make_async_copy(ones_v, hist.at[idx_v.at[j]], sem).wait()

        def seg(si, carry):
            pltpu.sync_copy(idx_ref.at[pl.ds(r0 + si * _SLAB, _SLAB)], idx_v)
            start(0, ssem0)

            def body2(t, carry2):
                j0 = 2 * t
                j1 = j0 + 1
                start(j1, ssem1)
                wait(j0, ssem0)

                @pl.when(j0 + 2 < _SLAB)
                def _():
                    start(j0 + 2, ssem0)
                wait(j1, ssem1)
                return carry2
            lax.fori_loop(0, _SLAB // 2, body2, 0)
            return carry
        lax.fori_loop(0, _RPW // _SLAB, seg, 0)
        plsc.subcore_barrier()
        pltpu.sync_copy(hist.at[pl.ds(e0, _NRB)], obuf)
        pltpu.sync_copy(obuf, out_ref.at[pl.ds(e0, _NRB)])

        @pl.when(s == NS - 1)
        def _():
            pltpu.sync_copy(hist.at[pl.ds(_NRB * NS, _NTAIL)],
                            obuf.at[pl.ds(0, _NTAIL)])
            pltpu.sync_copy(obuf.at[pl.ds(0, _NTAIL)],
                            out_ref.at[pl.ds(_NRB * NS, _NTAIL)])

    @pl.when(c == 0)
    def _():
        phase(src1, o_s1)
        phase(dst1, o_d1)

    @pl.when(c == 1)
    def _():
        phase(src2, o_s2)
        phase(dst2, o_d2)


_NSPLIT = 2


def _sc_agg_body(hs1, hs2, src1, dst1, src2, dst2, zeros_nh,
                 o1, o2, acc, rows0, rows1, sidx_v, didx_v, gsem0, gsem1):
    c = lax.axis_index("c")
    s = lax.axis_index("s")
    _copy_rows(s, zeros_nh, acc)
    r0 = s * _RPW
    rows = (rows0, rows1)
    gsems = (gsem0, gsem1)
    part = _CW // _NSPLIT

    def run(h_ref, src_ref, dst_ref):
        plsc.subcore_barrier()

        def gparts(j, k):
            return [
                pltpu.make_async_copy(
                    h_ref.at[sidx_v.at[j, pl.ds(p * part, part)]],
                    rows[k].at[pl.ds(p * part, part)], gsems[k])
                for p in range(_NSPLIT)
            ]

        def gstart(j, k):
            for g in gparts(j, k):
                g.start()

        def gwait(j, k):
            for g in gparts(j, k):
                g.wait()

        def seg(si, carry):
            base = r0 + si * _SLAB
            pltpu.sync_copy(src_ref.at[pl.ds(base, _SLAB)], sidx_v)
            pltpu.sync_copy(dst_ref.at[pl.ds(base, _SLAB)], didx_v)
            gstart(0, 0)

            def body2(t, carry2):
                j0 = 2 * t
                j1 = j0 + 1
                gstart(j1, 1)
                gwait(j0, 0)
                pltpu.sync_copy(rows0, acc.at[didx_v.at[j0]], add=True)

                @pl.when(j0 + 2 < _SLAB)
                def _():
                    gstart(j0 + 2, 0)
                gwait(j1, 1)
                pltpu.sync_copy(rows1, acc.at[didx_v.at[j1]], add=True)
                return carry2
            lax.fori_loop(0, _SLAB // 2, body2, 0)
            return carry
        lax.fori_loop(0, _RPW // _SLAB, seg, 0)

    @pl.when(c == 0)
    def _():
        run(hs1, src1, dst1)

    @pl.when(c == 1)
    def _():
        run(hs2, src2, dst2)

    plsc.subcore_barrier()

    @pl.when(c == 0)
    def _():
        _copy_rows(s, acc, o1)

    @pl.when(c == 1)
    def _():
        _copy_rows(s, acc, o2)


_NCHUNK = N // CH


def _sc_pool_body(h1t, h2t, batch1, batch2, zeros_nh, ones_hbm,
                  o_sum1, o_cnt1, o_sum2, o_cnt2,
                  acc_s, acc_c, rows_v, ones_v, idx_v):
    c = lax.axis_index("c")
    s = lax.axis_index("s")
    br = B // NS
    b0 = s * br
    pltpu.sync_copy(zeros_nh.at[pl.ds(b0, br)], acc_s.at[pl.ds(b0, br)])
    pltpu.sync_copy(zeros_nh.at[pl.ds(b0, br)], acc_c.at[pl.ds(b0, br)])
    pltpu.sync_copy(ones_hbm, ones_v)
    plsc.subcore_barrier()

    def run(h_ref, batch_ref):
        def body(t, carry):
            j = s + t * NS

            @pl.when(j < _NCHUNK)
            def _():
                b = j * CH
                pltpu.sync_copy(h_ref.at[pl.ds(b, CH)], rows_v)
                pltpu.sync_copy(batch_ref.at[pl.ds(b, CH)], idx_v)
                pltpu.sync_copy(rows_v, acc_s.at[idx_v], add=True)
                pltpu.sync_copy(ones_v, acc_c.at[idx_v], add=True)
            return carry
        lax.fori_loop(0, (_NCHUNK + NS - 1) // NS, body, 0)

    @pl.when(c == 0)
    def _():
        run(h1t, batch1)

    @pl.when(c == 1)
    def _():
        run(h2t, batch2)

    plsc.subcore_barrier()

    @pl.when(c == 0)
    def _():
        pltpu.sync_copy(acc_s.at[pl.ds(b0, br)], o_sum1.at[pl.ds(b0, br)])
        pltpu.sync_copy(acc_c.at[pl.ds(b0, br)], o_cnt1.at[pl.ds(b0, br)])

    @pl.when(c == 1)
    def _():
        pltpu.sync_copy(acc_s.at[pl.ds(b0, br)], o_sum2.at[pl.ds(b0, br)])
        pltpu.sync_copy(acc_c.at[pl.ds(b0, br)], o_cnt2.at[pl.ds(b0, br)])


@functools.cache
def _build_sc_deg():
    return pl.kernel(
        _sc_deg_body,
        out_type=[jax.ShapeDtypeStruct((N,), _f32)] * 4,
        mesh=_mesh(),
        scratch_types=[
            pltpu.VMEM_SHARED((N + 8,), _f32),
            pltpu.VMEM((_CW,), _f32),
            pltpu.VMEM((_NRB,), _f32),
            pltpu.VMEM((_NRB,), _f32),
            pltpu.VMEM((_SLAB, _CW), jnp.int32),
            pltpu.SemaphoreType.DMA,
            pltpu.SemaphoreType.DMA,
        ],
    )


@functools.cache
def _build_sc_agg():
    return pl.kernel(
        _sc_agg_body,
        out_type=[jax.ShapeDtypeStruct((N, H), _f32)] * 2,
        mesh=_mesh(),
        scratch_types=[
            pltpu.VMEM_SHARED((N + 8, H), _f32),
            pltpu.VMEM((_CW, H), _f32),
            pltpu.VMEM((_CW, H), _f32),
            pltpu.VMEM((_SLAB, _CW), jnp.int32),
            pltpu.VMEM((_SLAB, _CW), jnp.int32),
            pltpu.SemaphoreType.DMA,
            pltpu.SemaphoreType.DMA,
        ],
    )


@functools.cache
def _build_sc_pool():
    return pl.kernel(
        _sc_pool_body,
        out_type=[jax.ShapeDtypeStruct((B, H), _f32)] * 4,
        mesh=_mesh(),
        scratch_types=[
            pltpu.VMEM_SHARED((B, H), _f32),
            pltpu.VMEM_SHARED((B, H), _f32),
            pltpu.VMEM((CH, H), _f32),
            pltpu.VMEM((CH, H), _f32),
            pltpu.VMEM((CH,), jnp.int32),
        ],
    )


def _pad2d(idx, fill, width):
    pad = jnp.full((_EROWS * _CW - E,), fill, jnp.int32)
    return jnp.concatenate([idx.astype(jnp.int32), pad]).reshape(-1, width)


def _sc_deg(src1, dst1, src2, dst2):
    zeros_n = jnp.zeros((N,), _f32)
    ones_hbm = jnp.ones((_CW,), _f32)
    return _build_sc_deg()(_pad2d(src1, N, _CW), _pad2d(dst1, N, _CW),
                           _pad2d(src2, N, _CW), _pad2d(dst2, N, _CW),
                           zeros_n, ones_hbm)


def _sc_agg(hs1, hs2, src1, dst1, src2, dst2):
    zeros_nh = jnp.zeros((N, H), _f32)
    return _build_sc_agg()(hs1, hs2,
                           _pad2d(src1, 0, _CW), _pad2d(dst1, N, _CW),
                           _pad2d(src2, 0, _CW), _pad2d(dst2, N, _CW),
                           zeros_nh)


def _sc_pool(h1t, h2t, batch1, batch2):
    zeros_nh = jnp.zeros((N, H), _f32)
    ones_hbm = jnp.ones((CH, H), _f32)
    return _build_sc_pool()(h1t, h2t, batch1, batch2, zeros_nh, ones_hbm)


_ROWS = 1000


def _tc_prep(h1, hist_s1, h2, hist_s2):
    def body(h1_ref, hh1_ref, h2_ref, hh2_ref, o1_ref, o2_ref):
        for h_ref, hh_ref, o_ref in ((h1_ref, hh1_ref, o1_ref),
                                     (h2_ref, hh2_ref, o2_ref)):
            deg = jnp.maximum(hh_ref[...], 1.0)
            o_ref[...] = h_ref[...] * lax.rsqrt(deg)

    grid = (N // _ROWS,)
    row_spec = pl.BlockSpec((_ROWS, H), lambda i: (i, 0))
    col_spec = pl.BlockSpec((_ROWS, 1), lambda i: (i, 0))
    return pl.pallas_call(
        body,
        grid=grid,
        in_specs=[row_spec, col_spec, row_spec, col_spec],
        out_specs=[row_spec, row_spec],
        out_shape=[jax.ShapeDtypeStruct((N, H), _f32)] * 2,
    )(h1, hist_s1, h2, hist_s2)


def _tc_conv_dense(agg1, hist_d1, hist_s1, agg2, hist_d2, hist_s2, W, b,
                   scale_out):
    def body(a1_ref, hd1_ref, hs1_ref, a2_ref, hd2_ref, hs2_ref, w_ref, b_ref,
             o1_ref, o2_ref):
        w = w_ref[...]
        bias = b_ref[...]
        for a_ref, hd_ref, hs_ref, o_ref in (
                (a1_ref, hd1_ref, hs1_ref, o1_ref),
                (a2_ref, hd2_ref, hs2_ref, o2_ref)):
            sin = lax.rsqrt(jnp.maximum(hd_ref[...], 1.0))
            h = jnp.dot(a_ref[...] * sin, w, preferred_element_type=_f32)
            h = jnp.maximum(h + bias, 0.0)
            if scale_out:
                h = h * lax.rsqrt(jnp.maximum(hs_ref[...], 1.0))
            o_ref[...] = h

    grid = (N // _ROWS,)
    row_spec = pl.BlockSpec((_ROWS, H), lambda i: (i, 0))
    col_spec = pl.BlockSpec((_ROWS, 1), lambda i: (i, 0))
    w_spec = pl.BlockSpec((H, H), lambda i: (0, 0))
    b_spec = pl.BlockSpec((1, H), lambda i: (0, 0))
    return pl.pallas_call(
        body,
        grid=grid,
        in_specs=[row_spec, col_spec, col_spec,
                  row_spec, col_spec, col_spec, w_spec, b_spec],
        out_specs=[row_spec, row_spec],
        out_shape=[jax.ShapeDtypeStruct((N, H), _f32)] * 2,
    )(agg1, hist_d1, hist_s1, agg2, hist_d2, hist_s2, W, b)


_BR = 128


def _tc_tail(sum1, cnt1, sum2, cnt2, scal, wp):
    def body(s1_ref, c1_ref, s2_ref, c2_ref, sc_ref,
             projW_ref, projb_ref, enw1_ref, enb1_ref, wt_ref, b2r_ref,
             nnb_ref, wihr_ref, wihz_ref, wihn_ref, bihr_ref, bihz_ref,
             bihn_ref, whhr_ref, whhz_ref, whhn_ref, bhhr_ref, bhhz_ref,
             bhhn_ref, c1a_ref, c1b_ref, c1bias_ref, c2w_ref, c2b_ref,
             c3w_ref, c3b_ref, o_ref):
        scalv = sc_ref[...]
        solv = scalv[:, 0:1]
        inter = scalv[:, 1:2]
        intra1 = scalv[:, 2:3]
        intra2 = scalv[:, 3:4]

        hg1 = solv * (s1_ref[...] / jnp.maximum(c1_ref[...][:, 0:1], 1.0))
        hg2 = (1.0 - solv) * (s2_ref[...] / jnp.maximum(c2_ref[...][:, 0:1], 1.0))

        projW = projW_ref[...]
        projb = projb_ref[...]
        x1 = jnp.maximum(jnp.dot(hg1, projW, preferred_element_type=_f32) + projb, 0.0)
        x2 = jnp.maximum(jnp.dot(hg2, projW, preferred_element_type=_f32) + projb, 0.0)

        wt = wt_ref[...]
        t1 = jnp.dot(x1, wt, preferred_element_type=_f32, precision=lax.Precision.HIGHEST)
        t2 = jnp.dot(x2, wt, preferred_element_type=_f32, precision=lax.Precision.HIGHEST)

        enw1 = enw1_ref[...]
        enb1 = enb1_ref[...]
        a_inter = jnp.maximum(inter * enw1 + enb1, 0.0)
        a_i1 = jnp.maximum(intra1 * enw1 + enb1, 0.0)
        a_i2 = jnp.maximum(intra2 * enw1 + enb1, 0.0)

        def contract(amat, t):
            acc = amat[:, 0:1] * t[:, 0:H]
            for k in range(1, 32):
                acc = acc + amat[:, k:k + 1] * t[:, k * H:(k + 1) * H]
            return acc

        b2r = b2r_ref[...]
        xb1 = jnp.dot(x1, b2r, preferred_element_type=_f32, precision=lax.Precision.HIGHEST)
        xb2 = jnp.dot(x2, b2r, preferred_element_type=_f32, precision=lax.Precision.HIGHEST)
        nnb = nnb_ref[...]
        agg1 = contract(a_inter, t2) + xb2 + contract(a_i1, t1) + xb1 + nnb
        agg2 = contract(a_inter, t1) + xb1 + contract(a_i2, t2) + xb2 + nnb
        xt1 = jnp.maximum(agg1, 0.0)
        xt2 = jnp.maximum(agg2, 0.0)

        wihr, wihz, wihn = wihr_ref[...], wihz_ref[...], wihn_ref[...]
        whhr, whhz, whhn = whhr_ref[...], whhz_ref[...], whhn_ref[...]
        bihr, bihz, bihn = bihr_ref[...], bihz_ref[...], bihn_ref[...]
        bhhr, bhhz, bhhn = bhhr_ref[...], bhhz_ref[...], bhhn_ref[...]

        def gru(xt, hid):
            ir = jnp.dot(xt, wihr, preferred_element_type=_f32) + bihr
            iz = jnp.dot(xt, wihz, preferred_element_type=_f32) + bihz
            inn = jnp.dot(xt, wihn, preferred_element_type=_f32) + bihn
            hr = jnp.dot(hid, whhr, preferred_element_type=_f32) + bhhr
            hz = jnp.dot(hid, whhz, preferred_element_type=_f32) + bhhz
            hn = jnp.dot(hid, whhn, preferred_element_type=_f32) + bhhn
            r = jax.nn.sigmoid(ir + hr)
            z = jax.nn.sigmoid(iz + hz)
            nn_ = jnp.tanh(inn + r * hn)
            return (1.0 - z) * nn_ + z * hid

        hid1 = gru(xt1, x1)
        hid2 = gru(xt2, x2)

        o = jnp.dot(hid1, c1a_ref[...], preferred_element_type=_f32)
        o = o + jnp.dot(hid2, c1b_ref[...], preferred_element_type=_f32)
        o = jnp.maximum(o + c1bias_ref[...], 0.0)
        o = jnp.maximum(
            jnp.dot(o, c2w_ref[...], preferred_element_type=_f32) + c2b_ref[...], 0.0)
        o_ref[...] = jnp.dot(o, c3w_ref[...], preferred_element_type=_f32) + c3b_ref[...]

    grid = (B // _BR,)
    row_spec = pl.BlockSpec((_BR, H), lambda i: (i, 0))
    cnt_spec = row_spec
    scal_spec = pl.BlockSpec((_BR, 8), lambda i: (i, 0))

    def const2(shape):
        return pl.BlockSpec(shape, lambda i: (0, 0))

    in_specs = [row_spec, cnt_spec, row_spec, cnt_spec, scal_spec,
                const2((H, H)), const2((1, H)), const2((1, 32)),
                const2((1, 32)), const2((H, 32 * H)), const2((H, H)),
                const2((1, H))]
    in_specs += [const2((H, H))] * 3 + [const2((1, H))] * 3
    in_specs += [const2((H, H))] * 3 + [const2((1, H))] * 3
    in_specs += [const2((H, H)), const2((H, H)), const2((1, H)),
                 const2((H, H)), const2((1, H)), const2((H, H)),
                 const2((1, H))]
    return pl.pallas_call(
        body,
        grid=grid,
        in_specs=in_specs,
        out_specs=pl.BlockSpec((_BR, H), lambda i: (i, 0)),
        out_shape=jax.ShapeDtypeStruct((B, H), _f32),
    )(sum1, cnt1, sum2, cnt2, scal, *wp)


def kernel(h1, h2, solv1_x, inter_hb, intra_hb1, intra_hb2, params,
           edge_index1, edge_index2, batch1, batch2):
    src1, dst1 = edge_index1[0], edge_index1[1]
    src2, dst2 = edge_index2[0], edge_index2[1]

    hs1_hist, hd1_hist, hs2_hist, hd2_hist = (
        h[:, None] for h in _sc_deg(src1, dst1, src2, dst2))

    hs1, hs2 = _tc_prep(h1, hs1_hist, h2, hs2_hist)

    agg1, agg2 = _sc_agg(hs1, hs2, src1, dst1, src2, dst2)
    hsl2_1, hsl2_2 = _tc_conv_dense(
        agg1, hd1_hist, hs1_hist, agg2, hd2_hist, hs2_hist,
        params['conv1_W'], params['conv1_b'][None, :], scale_out=True)

    agg1b, agg2b = _sc_agg(hsl2_1, hsl2_2, src1, dst1, src2, dst2)
    h1t, h2t = _tc_conv_dense(
        agg1b, hd1_hist, hs1_hist, agg2b, hd2_hist, hs2_hist,
        params['conv2_W'], params['conv2_b'][None, :], scale_out=False)

    sum1, cnt1, sum2, cnt2 = _sc_pool(h1t, h2t, batch1, batch2)

    scal = jnp.zeros((B, 8), _f32)
    scal = scal.at[:, 0].set(solv1_x)
    scal = scal.at[:, 1].set(inter_hb)
    scal = scal.at[:, 2].set(intra_hb1)
    scal = scal.at[:, 3].set(intra_hb2)

    p = params
    wt = p['en_W2'].reshape(32, H, H).transpose(1, 0, 2).reshape(H, 32 * H)
    b2r = p['en_b2'].reshape(H, H)
    gih = p['gru_Wih']
    ghh = p['gru_Whh']
    wp = (
        p['proj_W'], p['proj_b'][None, :], p['en_W1'], p['en_b1'][None, :],
        wt, b2r, p['nn_bias'][None, :],
        gih[0:H].T, gih[H:2 * H].T, gih[2 * H:3 * H].T,
        p['gru_bih'][None, 0:H], p['gru_bih'][None, H:2 * H],
        p['gru_bih'][None, 2 * H:3 * H],
        ghh[0:H].T, ghh[H:2 * H].T, ghh[2 * H:3 * H].T,
        p['gru_bhh'][None, 0:H], p['gru_bhh'][None, H:2 * H],
        p['gru_bhh'][None, 2 * H:3 * H],
        p['c1_W'][0:H], p['c1_W'][H:2 * H], p['c1_b'][None, :],
        p['c2_W'], p['c2_b'][None, :],
        jnp.pad(p['c3_W'], ((0, 0), (0, H - p['c3_W'].shape[1]))),
        jnp.pad(p['c3_b'], (0, H - p['c3_b'].shape[0]))[None, :],
    )
    outp = _tc_tail(sum1, cnt1, sum2, cnt2, scal, wp)
    return outp[:, :2]

# --- scband reference (transcript-rebuilt; emitter-appended) ---
"""Pipeline reference for scband-solvgnn-binary-40785009443204 (READ-ONLY COPY).

The authoritative reference and input builder live on the scoring server;
editing this copy changes nothing except your own understanding.
"""

import jax, jax.numpy as jnp
import numpy as np

N = 10000
E = 320000
B = 1024
D = 128
H = 128
NC = 2


def setup_inputs(seed: int = 0) -> dict:
    key = jax.random.key(seed)
    ks = jax.random.split(key, 32)
    h1 = jax.random.normal(ks[0], (N, D), jnp.float32)
    h2 = jax.random.normal(ks[1], (N, D), jnp.float32)
    edge_index1 = jax.random.randint(ks[2], (2, E), 0, N)
    edge_index2 = jax.random.randint(ks[3], (2, E), 0, N)
    batch1 = jnp.sort(jax.random.randint(ks[4], (N,), 0, B))
    batch2 = jnp.sort(jax.random.randint(ks[5], (N,), 0, B))
    solv1_x = jax.random.uniform(ks[6], (B,), jnp.float32)
    inter_hb = jax.random.uniform(ks[7], (B,), jnp.float32)
    intra_hb1 = jax.random.uniform(ks[8], (B,), jnp.float32)
    intra_hb2 = jax.random.uniform(ks[9], (B,), jnp.float32)

    def p(k, shape):
        return jax.random.normal(k, shape, jnp.float32) * 0.05

    params = {
        'conv1_W': p(ks[10], (D, H)), 'conv1_b': jnp.zeros((H,), jnp.float32),
        'conv2_W': p(ks[11], (H, H)), 'conv2_b': jnp.zeros((H,), jnp.float32),
        'proj_W': p(ks[12], (H, H)), 'proj_b': jnp.zeros((H,), jnp.float32),
        'en_W1': p(ks[13], (1, 32)), 'en_b1': jnp.zeros((32,), jnp.float32),
        'en_W2': p(ks[14], (32, H * H)), 'en_b2': jnp.zeros((H * H,), jnp.float32),
        'nn_bias': jnp.zeros((H,), jnp.float32),
        'gru_Wih': p(ks[15], (3 * H, H)), 'gru_bih': jnp.zeros((3 * H,), jnp.float32),
        'gru_Whh': p(ks[16], (3 * H, H)), 'gru_bhh': jnp.zeros((3 * H,), jnp.float32),
        'c1_W': p(ks[17], (2 * H, H)), 'c1_b': jnp.zeros((H,), jnp.float32),
        'c2_W': p(ks[18], (H, H)), 'c2_b': jnp.zeros((H,), jnp.float32),
        'c3_W': p(ks[19], (H, NC)), 'c3_b': jnp.zeros((NC,), jnp.float32),
    }
    return {'h1': h1, 'h2': h2, 'solv1_x': solv1_x, 'inter_hb': inter_hb,
            'intra_hb1': intra_hb1, 'intra_hb2': intra_hb2, 'params': params,
            'edge_index1': edge_index1, 'edge_index2': edge_index2,
            'batch1': batch1, 'batch2': batch2}


def _graph_conv(h, src, dst, n, W, b):
    ones = jnp.ones((src.shape[0],), jnp.float32)
    out_deg = jnp.clip(jax.ops.segment_sum(ones, src, num_segments=n), 1.0)
    in_deg = jnp.clip(jax.ops.segment_sum(ones, dst, num_segments=n), 1.0)
    hs = h * (out_deg ** -0.5)[:, None]
    agg = jax.ops.segment_sum(hs[src], dst, num_segments=n)
    agg = agg * (in_deg ** -0.5)[:, None]
    return agg @ W + b


def _mean_nodes(h, batch, nb):
    s = jax.ops.segment_sum(h, batch, num_segments=nb)
    c = jnp.clip(jax.ops.segment_sum(jnp.ones((h.shape[0],), jnp.float32), batch, num_segments=nb), 1.0)
    return s / c[:, None]


def _mpnn(h, efeat, src, dst, n, p):
    x = jax.nn.relu(h @ p['proj_W'] + p['proj_b'])
    hidden = x
    for _ in range(1):  # num_step_message_passing=1
        We = jax.nn.relu(efeat @ p['en_W1'] + p['en_b1']) @ p['en_W2'] + p['en_b2']
        We = We.reshape(-1, H, H)
        msg = jnp.einsum('ei,eio->eo', x[src], We)
        agg = jax.ops.segment_sum(msg, dst, num_segments=n) + p['nn_bias']
        xt = jax.nn.relu(agg)
        gi = xt @ p['gru_Wih'].T + p['gru_bih']
        gh = hidden @ p['gru_Whh'].T + p['gru_bhh']
        ir, iz, inn = jnp.split(gi, 3, axis=1)
        hr, hz, hn = jnp.split(gh, 3, axis=1)
        r = jax.nn.sigmoid(ir + hr)
        z = jax.nn.sigmoid(iz + hz)
        nn_ = jnp.tanh(inn + r * hn)
        hidden = (1.0 - z) * nn_ + z * hidden
        x = hidden
    return x


def _forward(h1, h2, solv1_x, inter_hb, intra_hb1, intra_hb2, params,
             edge_index1, edge_index2, batch1, batch2):
    s1, d1 = edge_index1[0], edge_index1[1]
    s2, d2 = edge_index2[0], edge_index2[1]
    h1t = jax.nn.relu(_graph_conv(h1, s1, d1, N, params['conv1_W'], params['conv1_b']))
    h1t = jax.nn.relu(_graph_conv(h1t, s1, d1, N, params['conv2_W'], params['conv2_b']))
    h2t = jax.nn.relu(_graph_conv(h2, s2, d2, N, params['conv1_W'], params['conv1_b']))
    h2t = jax.nn.relu(_graph_conv(h2t, s2, d2, N, params['conv2_W'], params['conv2_b']))
    hg1 = _mean_nodes(h1t, batch1, B)
    hg2 = _mean_nodes(h2t, batch2, B)
    hg1 = solv1_x[:, None] * hg1
    hg2 = (1.0 - solv1_x)[:, None] * hg2
    nodef = jnp.concatenate([hg1, hg2], axis=0)
    # empty_solvsys graph: inter edges (i->B+i, B+i->i), self loops i->i, B+i->B+i
    ar = jnp.arange(B)
    src = jnp.concatenate([ar, ar + B, ar, ar + B])
    dst = jnp.concatenate([ar + B, ar, ar, ar + B])
    efeat = jnp.concatenate([inter_hb, inter_hb, intra_hb1, intra_hb2])[:, None]
    hg = _mpnn(nodef, efeat, src, dst, 2 * B, params)
    hg = jnp.concatenate([hg[:B, :], hg[B:, :]], axis=1)
    out = jax.nn.relu(hg @ params['c1_W'] + params['c1_b'])
    out = jax.nn.relu(out @ params['c2_W'] + params['c2_b'])
    out = out @ params['c3_W'] + params['c3_b']
    return out


def reference(h1, h2, solv1_x, inter_hb, intra_hb1, intra_hb2, params,
              edge_index1, edge_index2, batch1, batch2):
    return _forward(h1, h2, solv1_x, inter_hb, intra_hb1, intra_hb2, params,
                    edge_index1, edge_index2, batch1, batch2)

if __name__ == "__main__":
    import jax
    _d = setup_inputs()
    print(jax.jit(kernel)(*tuple(_d.values())))

</pallas_src>

<mosaic_0001>
#map = affine_map<(d0, d1) -> (0, 0)>
module attributes {stable_mosaic.version = 14 : i64} {
  func.func @_sc_agg_body(%arg0: i32, %arg1: i32, %arg2: memref<10000x128xf32, #tpu.memory_space<hbm>>, %arg3: memref<10000x128xf32, #tpu.memory_space<hbm>>, %arg4: memref<2560x128xi32, #tpu.memory_space<hbm>>, %arg5: memref<2560x128xi32, #tpu.memory_space<hbm>>, %arg6: memref<2560x128xi32, #tpu.memory_space<hbm>>, %arg7: memref<2560x128xi32, #tpu.memory_space<hbm>>, %arg8: memref<10000x128xf32, #tpu.memory_space<hbm>>, %arg9: memref<10000x128xf32, #tpu.memory_space<hbm>>, %arg10: memref<10000x128xf32, #tpu.memory_space<hbm>>, %arg11: memref<10008x128xf32, #tpu.memory_space<vmem_shared>>, %arg12: memref<128x128xf32, #tpu.memory_space<vmem>>, %arg13: memref<128x128xf32, #tpu.memory_space<vmem>>, %arg14: memref<32x128xi32, #tpu.memory_space<vmem>>, %arg15: memref<32x128xi32, #tpu.memory_space<vmem>>, %arg16: memref<!tpu.dma_semaphore, #tpu.memory_space<semaphore_mem>>, %arg17: memref<!tpu.dma_semaphore, #tpu.memory_space<semaphore_mem>>) attributes {dimension_semantics = [#tpu.dimension_semantics<core_parallel>, #tpu.dimension_semantics<subcore_parallel>], iteration_bounds = array<i64: 2, 16>, scalar_prefetch = 0 : i64, scratch_operands = 7 : i64, tpu.core_type = #tpu.core_type<sc_vector_subcore>, window_params = [{transform_indices = #map}, {transform_indices = #map}, {transform_indices = #map}, {transform_indices = #map}, {transform_indices = #map}, {transform_indices = #map}, {transform_indices = #map}, {transform_indices = #map}, {transform_indices = #map}]} {
    %mul3A = arith.constant 624 : i32
    %mul3A_0 = arith.muli %arg1, %mul3A : i32
    %mul3A_1 = arith.constant 624 : i32
    %mul3A_2 = arith.muli %arg1, %mul3A_1 : i32
    "tpu.region"() ({
      %run_scoped3A = tpu.sem_alloc : memref<!tpu.dma_semaphore, #tpu.memory_space<semaphore_mem>>
      %dma_start3A = arith.constant 0 : i32
      %dma_start3A_27 = tpu.memref_slice %arg11[%mul3A_2, %dma_start3A] : memref<10008x128xf32, #tpu.memory_space<vmem_shared>> -> memref<624x128xf32, #tpu.memory_space<vmem_shared>>
      %dma_start3A_28 = arith.constant 0 : i32
      %dma_start3A_29 = tpu.memref_slice %arg8[%mul3A_0, %dma_start3A_28] : memref<10000x128xf32, #tpu.memory_space<hbm>> -> memref<624x128xf32, #tpu.memory_space<hbm>>
      tpu.enqueue_dma source(%dma_start3A_29 : memref<624x128xf32, #tpu.memory_space<hbm>>) target(%dma_start3A_27 : memref<624x128xf32, #tpu.memory_space<vmem_shared>>) target_semaphore(%run_scoped3A : memref<!tpu.dma_semaphore, #tpu.memory_space<semaphore_mem>>)
      %dma_wait3A = arith.constant 0 : i32
      %dma_wait3A_30 = tpu.memref_slice %arg11[%mul3A_2, %dma_wait3A] : memref<10008x128xf32, #tpu.memory_space<vmem_shared>> -> memref<624x128xf32, #tpu.memory_space<vmem_shared>>
      %dma_wait3A_31 = arith.constant 0 : i32
      %dma_wait3A_32 = tpu.memref_slice %arg8[%mul3A_0, %dma_wait3A_31] : memref<10000x128xf32, #tpu.memory_space<hbm>> -> memref<624x128xf32, #tpu.memory_space<hbm>>
      tpu.wait_dma2 semaphore(%run_scoped3A : memref<!tpu.dma_semaphore, #tpu.memory_space<semaphore_mem>>) src(%dma_wait3A_32 : memref<624x128xf32, #tpu.memory_space<hbm>>) dst(%dma_wait3A_30 : memref<624x128xf32, #tpu.memory_space<vmem_shared>>)
      tpu.yield
    }) : () -> ()
    %eq3A = arith.constant 15 : i32
    %eq3A_3 = arith.cmpi eq, %arg1, %eq3A : i32
    %convert_element_type3A = arith.extui %eq3A_3 : i1 to i32
    %cond3A = arith.constant 0 : i32
    %cond3A_4 = arith.cmpi ne, %convert_element_type3A, %cond3A : i32
    scf.if %cond3A_4 {
      "tpu.region"() ({
        %run_scoped3A = tpu.sem_alloc : memref<!tpu.dma_semaphore, #tpu.memory_space<semaphore_mem>>
        %dma_start3A = arith.constant 9984 : i32
        %dma_start3A_27 = arith.constant 0 : i32
        %dma_start3A_28 = tpu.memref_slice %arg11[%dma_start3A, %dma_start3A_27] : memref<10008x128xf32, #tpu.memory_space<vmem_shared>> -> memref<16x128xf32, #tpu.memory_space<vmem_shared>>
        %dma_start3A_29 = arith.constant 9984 : i32
        %dma_start3A_30 = arith.constant 0 : i32
        %dma_start3A_31 = tpu.memref_slice %arg8[%dma_start3A_29, %dma_start3A_30] : memref<10000x128xf32, #tpu.memory_space<hbm>> -> memref<16x128xf32, #tpu.memory_space<hbm>>
        tpu.enqueue_dma source(%dma_start3A_31 : memref<16x128xf32, #tpu.memory_space<hbm>>) target(%dma_start3A_28 : memref<16x128xf32, #tpu.memory_space<vmem_shared>>) target_semaphore(%run_scoped3A : memref<!tpu.dma_semaphore, #tpu.memory_space<semaphore_mem>>)
        %dma_wait3A = arith.constant 9984 : i32
        %dma_wait3A_32 = arith.constant 0 : i32
        %dma_wait3A_33 = tpu.memref_slice %arg11[%dma_wait3A, %dma_wait3A_32] : memref<10008x128xf32, #tpu.memory_space<vmem_shared>> -> memref<16x128xf32, #tpu.memory_space<vmem_shared>>
        %dma_wait3A_34 = arith.constant 9984 : i32
        %dma_wait3A_35 = arith.constant 0 : i32
        %dma_wait3A_36 = tpu.memref_slice %arg8[%dma_wait3A_34, %dma_wait3A_35] : memref<10000x128xf32, #tpu.memory_space<hbm>> -> memref<16x128xf32, #tpu.memory_space<hbm>>
        tpu.wait_dma2 semaphore(%run_scoped3A : memref<!tpu.dma_semaphore, #tpu.memory_space<semaphore_mem>>) src(%dma_wait3A_36 : memref<16x128xf32, #tpu.memory_space<hbm>>) dst(%dma_wait3A_33 : memref<16x128xf32, #tpu.memory_space<vmem_shared>>)
        tpu.yield
      }) : () -> ()
    } else {
    }
    %mul3A_5 = arith.constant 160 : i32
    %mul3A_6 = arith.muli %arg1, %mul3A_5 : i32
    %eq3A_7 = arith.constant 0 : i32
    %eq3A_8 = arith.cmpi eq, %arg0, %eq3A_7 : i32
    %convert_element_type3A_9 = arith.extui %eq3A_8 : i1 to i32
    %cond3A_10 = arith.constant 0 : i32
    %cond3A_11 = arith.cmpi ne, %convert_element_type3A_9, %cond3A_10 : i32
    scf.if %cond3A_11 {
      %barrier3A_27 = arith.constant 0 : index
      tpu.barrier barrier_id(%barrier3A_27)
      %scan3A = arith.constant 0 : i32
      %scan3A_28 = arith.constant 0 : i32
      %scan3A_29 = arith.constant 5 : i32
      %scan3A_30 = arith.addi %scan3A_28, %scan3A_29 : i32
      %scan3A_31 = arith.constant 1 : i32
      scf.for %scan3A_33 = %scan3A_28 to %scan3A_30 step %scan3A_31  : i32 {
        %mul3A_34 = arith.constant 32 : i32
        %mul3A_35 = arith.muli %scan3A_33, %mul3A_34 : i32
        %add3A = arith.addi %mul3A_6, %mul3A_35 : i32
        "tpu.region"() ({
          %run_scoped3A = tpu.sem_alloc : memref<!tpu.dma_semaphore, #tpu.memory_space<semaphore_mem>>
          %dma_start3A_61 = arith.constant 0 : i32
          %dma_start3A_62 = tpu.memref_slice %arg4[%add3A, %dma_start3A_61] : memref<2560x128xi32, #tpu.memory_space<hbm>> -> memref<32x128xi32, #tpu.memory_space<hbm>>
          %dma_start3A_63 = arith.constant 0 : i32
          %dma_start3A_64 = tpu.memref_slice %arg4[%add3A, %dma_start3A_63] : memref<2560x128xi32, #tpu.memory_space<hbm>> -> memref<32x128xi32, #tpu.memory_space<hbm>>
          tpu.enqueue_dma source(%dma_start3A_64 : memref<32x128xi32, #tpu.memory_space<hbm>>) target(%arg14 : memref<32x128xi32, #tpu.memory_space<vmem>>) target_semaphore(%run_scoped3A : memref<!tpu.dma_semaphore, #tpu.memory_space<semaphore_mem>>)
          %dma_wait3A = arith.constant 0 : i32
          %dma_wait3A_65 = tpu.memref_slice %arg4[%add3A, %dma_wait3A] : memref<2560x128xi32, #tpu.memory_space<hbm>> -> memref<32x128xi32, #tpu.memory_space<hbm>>
          %dma_wait3A_66 = arith.constant 0 : i32
          %dma_wait3A_67 = tpu.memref_slice %arg4[%add3A, %dma_wait3A_66] : memref<2560x128xi32, #tpu.memory_space<hbm>> -> memref<32x128xi32, #tpu.memory_space<hbm>>
          tpu.wait_dma2 semaphore(%run_scoped3A : memref<!tpu.dma_semaphore, #tpu.memory_space<semaphore_mem>>) src(%dma_wait3A_67 : memref<32x128xi32, #tpu.memory_space<hbm>>) dst(%arg14 : memref<32x128xi32, #tpu.memory_space<vmem>>)
          tpu.yield
        }) : () -> ()
        "tpu.region"() ({
          %run_scoped3A = tpu.sem_alloc : memref<!tpu.dma_semaphore, #tpu.memory_space<semaphore_mem>>
          %dma_start3A_61 = arith.constant 0 : i32
          %dma_start3A_62 = tpu.memref_slice %arg5[%add3A, %dma_start3A_61] : memref<2560x128xi32, #tpu.memory_space<hbm>> -> memref<32x128xi32, #tpu.memory_space<hbm>>
          %dma_start3A_63 = arith.constant 0 : i32
          %dma_start3A_64 = tpu.memref_slice %arg5[%add3A, %dma_start3A_63] : memref<2560x128xi32, #tpu.memory_space<hbm>> -> memref<32x128xi32, #tpu.memory_space<hbm>>
          tpu.enqueue_dma source(%dma_start3A_64 : memref<32x128xi32, #tpu.memory_space<hbm>>) target(%arg15 : memref<32x128xi32, #tpu.memory_space<vmem>>) target_semaphore(%run_scoped3A : memref<!tpu.dma_semaphore, #tpu.memory_space<semaphore_mem>>)
          %dma_wait3A = arith.constant 0 : i32
          %dma_wait3A_65 = tpu.memref_slice %arg5[%add3A, %dma_wait3A] : memref<2560x128xi32, #tpu.memory_space<hbm>> -> memref<32x128xi32, #tpu.memory_space<hbm>>
          %dma_wait3A_66 = arith.constant 0 : i32
          %dma_wait3A_67 = tpu.memref_slice %arg5[%add3A, %dma_wait3A_66] : memref<2560x128xi32, #tpu.memory_space<hbm>> -> memref<32x128xi32, #tpu.memory_space<hbm>>
          tpu.wait_dma2 semaphore(%run_scoped3A : memref<!tpu.dma_semaphore, #tpu.memory_space<semaphore_mem>>) src(%dma_wait3A_67 : memref<32x128xi32, #tpu.memory_space<hbm>>) dst(%arg15 : memref<32x128xi32, #tpu.memory_space<vmem>>)
          tpu.yield
        }) : () -> ()
        %dma_start3A = arith.constant 0 : i32
        %dma_start3A_36 = arith.constant 0 : i32
        %dma_start3A_37 = arith.constant 0 : i32
        %dma_start3A_38 = tpu.memref_slice %arg12[%dma_start3A_36, %dma_start3A_37] : memref<128x128xf32, #tpu.memory_space<vmem>> -> memref<64x128xf32, #tpu.memory_space<vmem>>
        %dma_start3A_39 = arith.constant 0 : i32
        %dma_start3A_40 = tpu.memref_slice %arg14[%dma_start3A, %dma_start3A_39] : memref<32x128xi32, #tpu.memory_space<vmem>> -> memref<1x64xi32, #tpu.memory_space<vmem>>
        %dma_start3A_41 = tpu.memref_squeeze %dma_start3A_40 : memref<1x64xi32, #tpu.memory_space<vmem>> -> memref<64xi32, #tpu.memory_space<vmem>>
        %dma_start3A_42 = arith.constant 0 : i32
        %dma_start3A_43 = arith.constant 0 : i32
        %dma_start3A_44 = tpu.memref_slice %arg2[%dma_start3A_42, %dma_start3A_43] : memref<10000x128xf32, #tpu.memory_space<hbm>> -> memref<10000x128xf32, #tpu.memory_space<hbm>>
        tpu.enqueue_indirect_dma source(%dma_start3A_44 : memref<10000x128xf32, #tpu.memory_space<hbm>>) target(%dma_start3A_38 : memref<64x128xf32, #tpu.memory_space<vmem>>) offsets(%dma_start3A_41 : memref<64xi32, #tpu.memory_space<vmem>>) semaphore(%arg16 : memref<!tpu.dma_semaphore, #tpu.memory_space<semaphore_mem>>)
        %dma_start3A_45 = arith.constant 0 : i32
        %dma_start3A_46 = arith.constant 64 : i32
        %dma_start3A_47 = arith.constant 0 : i32
        %dma_start3A_48 = tpu.memref_slice %arg12[%dma_start3A_46, %dma_start3A_47] : memref<128x128xf32, #tpu.memory_space<vmem>> -> memref<64x128xf32, #tpu.memory_space<vmem>>
        %dma_start3A_49 = arith.constant 64 : i32
        %dma_start3A_50 = tpu.memref_slice %arg14[%dma_start3A_45, %dma_start3A_49] : memref<32x128xi32, #tpu.memory_space<vmem>> -> memref<1x64xi32, #tpu.memory_space<vmem>>
        %dma_start3A_51 = tpu.memref_squeeze %dma_start3A_50 : memref<1x64xi32, #tpu.memory_space<vmem>> -> memref<64xi32, #tpu.memory_space<vmem>>
        %dma_start3A_52 = arith.constant 0 : i32
        %dma_start3A_53 = arith.constant 0 : i32
        %dma_start3A_54 = tpu.memref_slice %arg2[%dma_start3A_52, %dma_start3A_53] : memref<10000x128xf32, #tpu.memory_space<hbm>> -> memref<10000x128xf32, #tpu.memory_space<hbm>>
        tpu.enqueue_indirect_dma source(%dma_start3A_54 : memref<10000x128xf32, #tpu.memory_space<hbm>>) target(%dma_start3A_48 : memref<64x128xf32, #tpu.memory_space<vmem>>) offsets(%dma_start3A_51 : memref<64xi32, #tpu.memory_space<vmem>>) semaphore(%arg16 : memref<!tpu.dma_semaphore, #tpu.memory_space<semaphore_mem>>)
        %scan3A_55 = arith.constant 0 : i32
        %scan3A_56 = arith.constant 0 : i32
        %scan3A_57 = arith.constant 16 : i32
        %scan3A_58 = arith.addi %scan3A_56, %scan3A_57 : i32
        %scan3A_59 = arith.constant 1 : i32
        scf.for %scan3A_61 = %scan3A_56 to %scan3A_58 step %scan3A_59  : i32 {
          %mul3A_62 = arith.constant 2 : i32
          %mul3A_63 = arith.muli %mul3A_62, %scan3A_61 : i32
          %add3A_64 = arith.constant 1 : i32
          %add3A_65 = arith.addi %mul3A_63, %add3A_64 : i32
          %dma_start3A_66 = arith.constant 0 : i32
          %dma_start3A_67 = arith.constant 0 : i32
          %dma_start3A_68 = tpu.memref_slice %arg13[%dma_start3A_66, %dma_start3A_67] : memref<128x128xf32, #tpu.memory_space<vmem>> -> memref<64x128xf32, #tpu.memory_space<vmem>>
          %dma_start3A_69 = arith.constant 0 : i32
          %dma_start3A_70 = tpu.memref_slice %arg14[%add3A_65, %dma_start3A_69] : memref<32x128xi32, #tpu.memory_space<vmem>> -> memref<1x64xi32, #tpu.memory_space<vmem>>
          %dma_start3A_71 = tpu.memref_squeeze %dma_start3A_70 : memref<1x64xi32, #tpu.memory_space<vmem>> -> memref<64xi32, #tpu.memory_space<vmem>>
          %dma_start3A_72 = arith.constant 0 : i32
          %dma_start3A_73 = arith.constant 0 : i32
          %dma_start3A_74 = tpu.memref_slice %arg2[%dma_start3A_72, %dma_start3A_73] : memref<10000x128xf32, #tpu.memory_space<hbm>> -> memref<10000x128xf32, #tpu.memory_space<hbm>>
          tpu.enqueue_indirect_dma source(%dma_start3A_74 : memref<10000x128xf32, #tpu.memory_space<hbm>>) target(%dma_start3A_68 : memref<64x128xf32, #tpu.memory_space<vmem>>) offsets(%dma_start3A_71 : memref<64xi32, #tpu.memory_space<vmem>>) semaphore(%arg17 : memref<!tpu.dma_semaphore, #tpu.memory_space<semaphore_mem>>)
          %dma_start3A_75 = arith.constant 64 : i32
          %dma_start3A_76 = arith.constant 0 : i32
          %dma_start3A_77 = tpu.memref_slice %arg13[%dma_start3A_75, %dma_start3A_76] : memref<128x128xf32, #tpu.memory_space<vmem>> -> memref<64x128xf32, #tpu.memory_space<vmem>>
          %dma_start3A_78 = arith.constant 64 : i32
          %dma_start3A_79 = tpu.memref_slice %arg14[%add3A_65, %dma_start3A_78] : memref<32x128xi32, #tpu.memory_space<vmem>> -> memref<1x64xi32, #tpu.memory_space<vmem>>
          %dma_start3A_80 = tpu.memref_squeeze %dma_start3A_79 : memref<1x64xi32, #tpu.memory_space<vmem>> -> memref<64xi32, #tpu.memory_space<vmem>>
          %dma_start3A_81 = arith.constant 0 : i32
          %dma_start3A_82 = arith.constant 0 : i32
          %dma_start3A_83 = tpu.memref_slice %arg2[%dma_start3A_81, %dma_start3A_82] : memref<10000x128xf32, #tpu.memory_space<hbm>> -> memref<10000x128xf32, #tpu.memory_space<hbm>>
          tpu.enqueue_indirect_dma source(%dma_start3A_83 : memref<10000x128xf32, #tpu.memory_space<hbm>>) target(%dma_start3A_77 : memref<64x128xf32, #tpu.memory_space<vmem>>) offsets(%dma_start3A_80 : memref<64xi32, #tpu.memory_space<vmem>>) semaphore(%arg17 : memref<!tpu.dma_semaphore, #tpu.memory_space<semaphore_mem>>)
          %dma_wait3A = arith.constant 0 : i32
          %dma_wait3A_84 = arith.constant 0 : i32
          %dma_wait3A_85 = tpu.memref_slice %arg12[%dma_wait3A, %dma_wait3A_84] : memref<128x128xf32, #tpu.memory_space<vmem>> -> memref<64x128xf32, #tpu.memory_space<vmem>>
          %dma_wait3A_86 = arith.constant 0 : i32
          %dma_wait3A_87 = tpu.memref_slice %arg14[%mul3A_63, %dma_wait3A_86] : memref<32x128xi32, #tpu.memory_space<vmem>> -> memref<1x64xi32, #tpu.memory_space<vmem>>
          %dma_wait3A_88 = tpu.memref_squeeze %dma_wait3A_87 : memref<1x64xi32, #tpu.memory_space<vmem>> -> memref<64xi32, #tpu.memory_space<vmem>>
          %dma_wait3A_89 = arith.constant 0 : i32
          %dma_wait3A_90 = arith.constant 0 : i32
          %dma_wait3A_91 = tpu.memref_slice %arg2[%dma_wait3A_89, %dma_wait3A_90] : memref<10000x128xf32, #tpu.memory_space<hbm>> -> memref<10000x128xf32, #tpu.memory_space<hbm>>
          tpu.wait_indirect_dma semaphore(%arg16 : memref<!tpu.dma_semaphore, #tpu.memory_space<semaphore_mem>>) src(%dma_wait3A_91 : memref<10000x128xf32, #tpu.memory_space<hbm>>) dst(%dma_wait3A_85 : memref<64x128xf32, #tpu.memory_space<vmem>>)
          %dma_wait3A_92 = arith.constant 64 : i32
          %dma_wait3A_93 = arith.constant 0 : i32
          %dma_wait3A_94 = tpu.memref_slice %arg12[%dma_wait3A_92, %dma_wait3A_93] : memref<128x128xf32, #tpu.memory_space<vmem>> -> memref<64x128xf32, #tpu.memory_space<vmem>>
          %dma_wait3A_95 = arith.constant 64 : i32
          %dma_wait3A_96 = tpu.memref_slice %arg14[%mul3A_63, %dma_wait3A_95] : memref<32x128xi32, #tpu.memory_space<vmem>> -> memref<1x64xi32, #tpu.memory_space<vmem>>
          %dma_wait3A_97 = tpu.memref_squeeze %dma_wait3A_96 : memref<1x64xi32, #tpu.memory_space<vmem>> -> memref<64xi32, #tpu.memory_space<vmem>>
          %dma_wait3A_98 = arith.constant 0 : i32
          %dma_wait3A_99 = arith.constant 0 : i32
          %dma_wait3A_100 = tpu.memref_slice %arg2[%dma_wait3A_98, %dma_wait3A_99] : memref<10000x128xf32, #tpu.memory_space<hbm>> -> memref<10000x128xf32, #tpu.memory_space<hbm>>
          tpu.wait_indirect_dma semaphore(%arg16 : memref<!tpu.dma_semaphore, #tpu.memory_space<semaphore_mem>>) src(%dma_wait3A_100 : memref<10000x128xf32, #tpu.memory_space<hbm>>) dst(%dma_wait3A_94 : memref<64x128xf32, #tpu.memory_space<vmem>>)
          "tpu.region"() ({
            %run_scoped3A = tpu.sem_alloc : memref<!tpu.dma_semaphore, #tpu.memory_space<semaphore_mem>>
            %dma_start3A_125 = arith.constant 0 : i32
            %dma_start3A_126 = tpu.memref_slice %arg15[%mul3A_63, %dma_start3A_125] : memref<32x128xi32, #tpu.memory_space<vmem>> -> memref<1x128xi32, #tpu.memory_space<vmem>>
            %dma_start3A_127 = tpu.memref_squeeze %dma_start3A_126 : memref<1x128xi32, #tpu.memory_space<vmem>> -> memref<128xi32, #tpu.memory_space<vmem>>
            %dma_start3A_128 = arith.constant 0 : i32
            %dma_start3A_129 = arith.constant 0 : i32
            %dma_start3A_130 = tpu.memref_slice %arg11[%dma_start3A_128, %dma_start3A_129] : memref<10008x128xf32, #tpu.memory_space<vmem_shared>> -> memref<10008x128xf32, #tpu.memory_space<vmem_shared>>
            tpu.enqueue_indirect_dma source(%arg12 : memref<128x128xf32, #tpu.memory_space<vmem>>) target(%dma_start3A_130 : memref<10008x128xf32, #tpu.memory_space<vmem_shared>>) offsets(%dma_start3A_127 : memref<128xi32, #tpu.memory_space<vmem>>) semaphore(%run_scoped3A : memref<!tpu.dma_semaphore, #tpu.memory_space<semaphore_mem>>) {add = true}
            %dma_wait3A_131 = arith.constant 0 : i32
            %dma_wait3A_132 = tpu.memref_slice %arg15[%mul3A_63, %dma_wait3A_131] : memref<32x128xi32, #tpu.memory_space<vmem>> -> memref<1x128xi32, #tpu.memory_space<vmem>>
            %dma_wait3A_133 = tpu.memref_squeeze %dma_wait3A_132 : memref<1x128xi32, #tpu.memory_space<vmem>> -> memref<128xi32, #tpu.memory_space<vmem>>
            %dma_wait3A_134 = arith.constant 0 : i32
            %dma_wait3A_135 = arith.constant 0 : i32
            %dma_wait3A_136 = tpu.memref_slice %arg11[%dma_wait3A_134, %dma_wait3A_135] : memref<10008x128xf32, #tpu.memory_space<vmem_shared>> -> memref<10008x128xf32, #tpu.memory_space<vmem_shared>>
            tpu.wait_indirect_dma semaphore(%run_scoped3A : memref<!tpu.dma_semaphore, #tpu.memory_space<semaphore_mem>>) src(%arg12 : memref<128x128xf32, #tpu.memory_space<vmem>>) dst(%dma_wait3A_136 : memref<10008x128xf32, #tpu.memory_space<vmem_shared>>)
            tpu.yield
          }) : () -> ()
          %add3A_101 = arith.constant 2 : i32
          %add3A_102 = arith.addi %mul3A_63, %add3A_101 : i32
          %lt3A = arith.constant 32 : i32
          %lt3A_103 = arith.cmpi slt, %add3A_102, %lt3A : i32
          %convert_element_type3A_104 = arith.extui %lt3A_103 : i1 to i32
          %cond3A_105 = arith.constant 0 : i32
          %cond3A_106 = arith.cmpi ne, %convert_element_type3A_104, %cond3A_105 : i32
          scf.if %cond3A_106 {
            %add3A_125 = arith.constant 2 : i32
            %add3A_126 = arith.addi %mul3A_63, %add3A_125 : i32
            %dma_start3A_127 = arith.constant 0 : i32
            %dma_start3A_128 = arith.constant 0 : i32
            %dma_start3A_129 = tpu.memref_slice %arg12[%dma_start3A_127, %dma_start3A_128] : memref<128x128xf32, #tpu.memory_space<vmem>> -> memref<64x128xf32, #tpu.memory_space<vmem>>
            %dma_start3A_130 = arith.constant 0 : i32
            %dma_start3A_131 = tpu.memref_slice %arg14[%add3A_126, %dma_start3A_130] : memref<32x128xi32, #tpu.memory_space<vmem>> -> memref<1x64xi32, #tpu.memory_space<vmem>>
            %dma_start3A_132 = tpu.memref_squeeze %dma_start3A_131 : memref<1x64xi32, #tpu.memory_space<vmem>> -> memref<64xi32, #tpu.memory_space<vmem>>
            %dma_start3A_133 = arith.constant 0 : i32
            %dma_start3A_134 = arith.constant 0 : i32
            %dma_start3A_135 = tpu.memref_slice %arg2[%dma_start3A_133, %dma_start3A_134] : memref<10000x128xf32, #tpu.memory_space<hbm>> -> memref<10000x128xf32, #tpu.memory_space<hbm>>
            tpu.enqueue_indirect_dma source(%dma_start3A_135 : memref<10000x128xf32, #tpu.memory_space<hbm>>) target(%dma_start3A_129 : memref<64x128xf32, #tpu.memory_space<vmem>>) offsets(%dma_start3A_132 : memref<64xi32, #tpu.memory_space<vmem>>) semaphore(%arg16 : memref<!tpu.dma_semaphore, #tpu.memory_space<semaphore_mem>>)
            %dma_start3A_136 = arith.constant 64 : i32
            %dma_start3A_137 = arith.constant 0 : i32
            %dma_start3A_138 = tpu.memref_slice %arg12[%dma_start3A_136, %dma_start3A_137] : memref<128x128xf32, #tpu.memory_space<vmem>> -> memref<64x128xf32, #tpu.memory_space<vmem>>
            %dma_start3A_139 = arith.constant 64 : i32
            %dma_start3A_140 = tpu.memref_slice %arg14[%add3A_126, %dma_start3A_139] : memref<32x128xi32, #tpu.memory_space<vmem>> -> memref<1x64xi32, #tpu.memory_space<vmem>>
            %dma_start3A_141 = tpu.memref_squeeze %dma_start3A_140 : memref<1x64xi32, #tpu.memory_space<vmem>> -> memref<64xi32, #tpu.memory_space<vmem>>
            %dma_start3A_142 = arith.constant 0 : i32
            %dma_start3A_143 = arith.constant 0 : i32
            %dma_start3A_144 = tpu.memref_slice %arg2[%dma_start3A_142, %dma_start3A_143] : memref<10000x128xf32, #tpu.memory_space<hbm>> -> memref<10000x128xf32, #tpu.memory_space<hbm>>
            tpu.enqueue_indirect_dma source(%dma_start3A_144 : memref<10000x128xf32, #tpu.memory_space<hbm>>) target(%dma_start3A_138 : memref<64x128xf32, #tpu.memory_space<vmem>>) offsets(%dma_start3A_141 : memref<64xi32, #tpu.memory_space<vmem>>) semaphore(%arg16 : memref<!tpu.dma_semaphore, #tpu.memory_space<semaphore_mem>>)
          } else {
          }
          %dma_wait3A_107 = arith.constant 0 : i32
          %dma_wait3A_108 = arith.constant 0 : i32
          %dma_wait3A_109 = tpu.memref_slice %arg13[%dma_wait3A_107, %dma_wait3A_108] : memref<128x128xf32, #tpu.memory_space<vmem>> -> memref<64x128xf32, #tpu.memory_space<vmem>>
          %dma_wait3A_110 = arith.constant 0 : i32
          %dma_wait3A_111 = tpu.memref_slice %arg14[%add3A_65, %dma_wait3A_110] : memref<32x128xi32, #tpu.memory_space<vmem>> -> memref<1x64xi32, #tpu.memory_space<vmem>>
          %dma_wait3A_112 = tpu.memref_squeeze %dma_wait3A_111 : memref<1x64xi32, #tpu.memory_space<vmem>> -> memref<64xi32, #tpu.memory_space<vmem>>
          %dma_wait3A_113 = arith.constant 0 : i32
          %dma_wait3A_114 = arith.constant 0 : i32
          %dma_wait3A_115 = tpu.memref_slice %arg2[%dma_wait3A_113, %dma_wait3A_114] : memref<10000x128xf32, #tpu.memory_space<hbm>> -> memref<10000x128xf32, #tpu.memory_space<hbm>>
          tpu.wait_indirect_dma semaphore(%arg17 : memref<!tpu.dma_semaphore, #tpu.memory_space<semaphore_mem>>) src(%dma_wait3A_115 : memref<10000x128xf32, #tpu.memory_space<hbm>>) dst(%dma_wait3A_109 : memref<64x128xf32, #tpu.memory_space<vmem>>)
          %dma_wait3A_116 = arith.constant 64 : i32
          %dma_wait3A_117 = arith.constant 0 : i32
          %dma_wait3A_118 = tpu.memref_slice %arg13[%dma_wait3A_116, %dma_wait3A_117] : memref<128x128xf32, #tpu.memory_space<vmem>> -> memref<64x128xf32, #tpu.memory_space<vmem>>
          %dma_wait3A_119 = arith.constant 64 : i32
          %dma_wait3A_120 = tpu.memref_slice %arg14[%add3A_65, %dma_wait3A_119] : memref<32x128xi32, #tpu.memory_space<vmem>> -> memref<1x64xi32, #tpu.memory_space<vmem>>
          %dma_wait3A_121 = tpu.memref_squeeze %dma_wait3A_120 : memref<1x64xi32, #tpu.memory_space<vmem>> -> memref<64xi32, #tpu.memory_space<vmem>>
          %dma_wait3A_122 = arith.constant 0 : i32
          %dma_wait3A_123 = arith.constant 0 : i32
          %dma_wait3A_124 = tpu.memref_slice %arg2[%dma_wait3A_122, %dma_wait3A_123] : memref<10000x128xf32, #tpu.memory_space<hbm>> -> memref<10000x128xf32, #tpu.memory_space<hbm>>
          tpu.wait_indirect_dma semaphore(%arg17 : memref<!tpu.dma_semaphore, #tpu.memory_space<semaphore_mem>>) src(%dma_wait3A_124 : memref<10000x128xf32, #tpu.memory_space<hbm>>) dst(%dma_wait3A_118 : memref<64x128xf32, #tpu.memory_space<vmem>>)
          "tpu.region"() ({
            %run_scoped3A = tpu.sem_alloc : memref<!tpu.dma_semaphore, #tpu.memory_space<semaphore_mem>>
            %dma_start3A_125 = arith.constant 0 : i32
            %dma_start3A_126 = tpu.memref_slice %arg15[%add3A_65, %dma_start3A_125] : memref<32x128xi32, #tpu.memory_space<vmem>> -> memref<1x128xi32, #tpu.memory_space<vmem>>
            %dma_start3A_127 = tpu.memref_squeeze %dma_start3A_126 : memref<1x128xi32, #tpu.memory_space<vmem>> -> memref<128xi32, #tpu.memory_space<vmem>>
            %dma_start3A_128 = arith.constant 0 : i32
            %dma_start3A_129 = arith.constant 0 : i32
            %dma_start3A_130 = tpu.memref_slice %arg11[%dma_start3A_128, %dma_start3A_129] : memref<10008x128xf32, #tpu.memory_space<vmem_shared>> -> memref<10008x128xf32, #tpu.memory_space<vmem_shared>>
            tpu.enqueue_indirect_dma source(%arg13 : memref<128x128xf32, #tpu.memory_space<vmem>>) target(%dma_start3A_130 : memref<10008x128xf32, #tpu.memory_space<vmem_shared>>) offsets(%dma_start3A_127 : memref<128xi32, #tpu.memory_space<vmem>>) semaphore(%run_scoped3A : memref<!tpu.dma_semaphore, #tpu.memory_space<semaphore_mem>>) {add = true}
            %dma_wait3A_131 = arith.constant 0 : i32
            %dma_wait3A_132 = tpu.memref_slice %arg15[%add3A_65, %dma_wait3A_131] : memref<32x128xi32, #tpu.memory_space<vmem>> -> memref<1x128xi32, #tpu.memory_space<vmem>>
            %dma_wait3A_133 = tpu.memref_squeeze %dma_wait3A_132 : memref<1x128xi32, #tpu.memory_space<vmem>> -> memref<128xi32, #tpu.memory_space<vmem>>
            %dma_wait3A_134 = arith.constant 0 : i32
            %dma_wait3A_135 = arith.constant 0 : i32
            %dma_wait3A_136 = tpu.memref_slice %arg11[%dma_wait3A_134, %dma_wait3A_135] : memref<10008x128xf32, #tpu.memory_space<vmem_shared>> -> memref<10008x128xf32, #tpu.memory_space<vmem_shared>>
            tpu.wait_indirect_dma semaphore(%run_scoped3A : memref<!tpu.dma_semaphore, #tpu.memory_space<semaphore_mem>>) src(%arg13 : memref<128x128xf32, #tpu.memory_space<vmem>>) dst(%dma_wait3A_136 : memref<10008x128xf32, #tpu.memory_space<vmem_shared>>)
            tpu.yield
          }) : () -> ()
        }
        %scan3A_60 = arith.constant 16 : i32
      }
      %scan3A_32 = arith.constant 5 : i32
    } else {
    }
    %eq3A_12 = arith.constant 1 : i32
    %eq3A_13 = arith.cmpi eq, %arg0, %eq3A_12 : i32
    %convert_element_type3A_14 = arith.extui %eq3A_13 : i1 to i32
    %cond3A_15 = arith.constant 0 : i32
    %cond3A_16 = arith.cmpi ne, %convert_element_type3A_14, %cond3A_15 : i32
    scf.if %cond3A_16 {
      %barrier3A_27 = arith.constant 0 : index
      tpu.barrier barrier_id(%barrier3A_27)
      %scan3A = arith.constant 0 : i32
      %scan3A_28 = arith.constant 0 : i32
      %scan3A_29 = arith.constant 5 : i32
      %scan3A_30 = arith.addi %scan3A_28, %scan3A_29 : i32
      %scan3A_31 = arith.constant 1 : i32
      scf.for %scan3A_33 = %scan3A_28 to %scan3A_30 step %scan3A_31  : i32 {
        %mul3A_34 = arith.constant 32 : i32
        %mul3A_35 = arith.muli %scan3A_33, %mul3A_34 : i32
        %add3A = arith.addi %mul3A_6, %mul3A_35 : i32
        "tpu.region"() ({
          %run_scoped3A = tpu.sem_alloc : memref<!tpu.dma_semaphore, #tpu.memory_space<semaphore_mem>>
          %dma_start3A_61 = arith.constant 0 : i32
          %dma_start3A_62 = tpu.memref_slice %arg6[%add3A, %dma_start3A_61] : memref<2560x128xi32, #tpu.memory_space<hbm>> -> memref<32x128xi32, #tpu.memory_space<hbm>>
          %dma_start3A_63 = arith.constant 0 : i32
          %dma_start3A_64 = tpu.memref_slice %arg6[%add3A, %dma_start3A_63] : memref<2560x128xi32, #tpu.memory_space<hbm>> -> memref<32x128xi32, #tpu.memory_space<hbm>>
          tpu.enqueue_dma source(%dma_start3A_64 : memref<32x128xi32, #tpu.memory_space<hbm>>) target(%arg14 : memref<32x128xi32, #tpu.memory_space<vmem>>) target_semaphore(%run_scoped3A : memref<!tpu.dma_semaphore, #tpu.memory_space<semaphore_mem>>)
          %dma_wait3A = arith.constant 0 : i32
          %dma_wait3A_65 = tpu.memref_slice %arg6[%add3A, %dma_wait3A] : memref<2560x128xi32, #tpu.memory_space<hbm>> -> memref<32x128xi32, #tpu.memory_space<hbm>>
          %dma_wait3A_66 = arith.constant 0 : i32
          %dma_wait3A_67 = tpu.memref_slice %arg6[%add3A, %dma_wait3A_66] : memref<2560x128xi32, #tpu.memory_space<hbm>> -> memref<32x128xi32, #tpu.memory_space<hbm>>
          tpu.wait_dma2 semaphore(%run_scoped3A : memref<!tpu.dma_semaphore, #tpu.memory_space<semaphore_mem>>) src(%dma_wait3A_67 : memref<32x128xi32, #tpu.memory_space<hbm>>) dst(%arg14 : memref<32x128xi32, #tpu.memory_space<vmem>>)
          tpu.yield
        }) : () -> ()
        "tpu.region"() ({
          %run_scoped3A = tpu.sem_alloc : memref<!tpu.dma_semaphore, #tpu.memory_space<semaphore_mem>>
          %dma_start3A_61 = arith.constant 0 : i32
          %dma_start3A_62 = tpu.memref_slice %arg7[%add3A, %dma_start3A_61] : memref<2560x128xi32, #tpu.memory_space<hbm>> -> memref<32x128xi32, #tpu.memory_space<hbm>>
          %dma_start3A_63 = arith.constant 0 : i32
          %dma_start3A_64 = tpu.memref_slice %arg7[%add3A, %dma_start3A_63] : memref<2560x128xi32, #tpu.memory_space<hbm>> -> memref<32x128xi32, #tpu.memory_space<hbm>>
          tpu.enqueue_dma source(%dma_start3A_64 : memref<32x128xi32, #tpu.memory_space<hbm>>) target(%arg15 : memref<32x128xi32, #tpu.memory_space<vmem>>) target_semaphore(%run_scoped3A : memref<!tpu.dma_semaphore, #tpu.memory_space<semaphore_mem>>)
          %dma_wait3A = arith.constant 0 : i32
          %dma_wait3A_65 = tpu.memref_slice %arg7[%add3A, %dma_wait3A] : memref<2560x128xi32, #tpu.memory_space<hbm>> -> memref<32x128xi32, #tpu.memory_space<hbm>>
          %dma_wait3A_66 = arith.constant 0 : i32
          %dma_wait3A_67 = tpu.memref_slice %arg7[%add3A, %dma_wait3A_66] : memref<2560x128xi32, #tpu.memory_space<hbm>> -> memref<32x128xi32, #tpu.memory_space<hbm>>
          tpu.wait_dma2 semaphore(%run_scoped3A : memref<!tpu.dma_semaphore, #tpu.memory_space<semaphore_mem>>) src(%dma_wait3A_67 : memref<32x128xi32, #tpu.memory_space<hbm>>) dst(%arg15 : memref<32x128xi32, #tpu.memory_space<vmem>>)
          tpu.yield
        }) : () -> ()
        %dma_start3A = arith.constant 0 : i32
        %dma_start3A_36 = arith.constant 0 : i32
        %dma_start3A_37 = arith.constant 0 : i32
        %dma_start3A_38 = tpu.memref_slice %arg12[%dma_start3A_36, %dma_start3A_37] : memref<128x128xf32, #tpu.memory_space<vmem>> -> memref<64x128xf32, #tpu.memory_space<vmem>>
        %dma_start3A_39 = arith.constant 0 : i32
        %dma_start3A_40 = tpu.memref_slice %arg14[%dma_start3A, %dma_start3A_39] : memref<32x128xi32, #tpu.memory_space<vmem>> -> memref<1x64xi32, #tpu.memory_space<vmem>>
        %dma_start3A_41 = tpu.memref_squeeze %dma_start3A_40 : memref<1x64xi32, #tpu.memory_space<vmem>> -> memref<64xi32, #tpu.memory_space<vmem>>
        %dma_start3A_42 = arith.constant 0 : i32
        %dma_start3A_43 = arith.constant 0 : i32
        %dma_start3A_44 = tpu.memref_slice %arg3[%dma_start3A_42, %dma_start3A_43] : memref<10000x128xf32, #tpu.memory_space<hbm>> -> memref<10000x128xf32, #tpu.memory_space<hbm>>
        tpu.enqueue_indirect_dma source(%dma_start3A_44 : memref<10000x128xf32, #tpu.memory_space<hbm>>) target(%dma_start3A_38 : memref<64x128xf32, #tpu.memory_space<vmem>>) offsets(%dma_start3A_41 : memref<64xi32, #tpu.memory_space<vmem>>) semaphore(%arg16 : memref<!tpu.dma_semaphore, #tpu.memory_space<semaphore_mem>>)
        %dma_start3A_45 = arith.constant 0 : i32
        %dma_start3A_46 = arith.constant 64 : i32
        %dma_start3A_47 = arith.constant 0 : i32
        %dma_start3A_48 = tpu.memref_slice %arg12[%dma_start3A_46, %dma_start3A_47] : memref<128x128xf32, #tpu.memory_space<vmem>> -> memref<64x128xf32, #tpu.memory_space<vmem>>
        %dma_start3A_49 = arith.constant 64 : i32
        %dma_start3A_50 = tpu.memref_slice %arg14[%dma_start3A_45, %dma_start3A_49] : memref<32x128xi32, #tpu.memory_space<vmem>> -> memref<1x64xi32, #tpu.memory_space<vmem>>
        %dma_start3A_51 = tpu.memref_squeeze %dma_start3A_50 : memref<1x64xi32, #tpu.memory_space<vmem>> -> memref<64xi32, #tpu.memory_space<vmem>>
        %dma_start3A_52 = arith.constant 0 : i32
        %dma_start3A_53 = arith.constant 0 : i32
        %dma_start3A_54 = tpu.memref_slice %arg3[%dma_start3A_52, %dma_start3A_53] : memref<10000x128xf32, #tpu.memory_space<hbm>> -> memref<10000x128xf32, #tpu.memory_space<hbm>>
        tpu.enqueue_indirect_dma source(%dma_start3A_54 : memref<10000x128xf32, #tpu.memory_space<hbm>>) target(%dma_start3A_48 : memref<64x128xf32, #tpu.memory_space<vmem>>) offsets(%dma_start3A_51 : memref<64xi32, #tpu.memory_space<vmem>>) semaphore(%arg16 : memref<!tpu.dma_semaphore, #tpu.memory_space<semaphore_mem>>)
        %scan3A_55 = arith.constant 0 : i32
        %scan3A_56 = arith.constant 0 : i32
        %scan3A_57 = arith.constant 16 : i32
        %scan3A_58 = arith.addi %scan3A_56, %scan3A_57 : i32
        %scan3A_59 = arith.constant 1 : i32
        scf.for %scan3A_61 = %scan3A_56 to %scan3A_58 step %scan3A_59  : i32 {
          %mul3A_62 = arith.constant 2 : i32
          %mul3A_63 = arith.muli %mul3A_62, %scan3A_61 : i32
          %add3A_64 = arith.constant 1 : i32
          %add3A_65 = arith.addi %mul3A_63, %add3A_64 : i32
          %dma_start3A_66 = arith.constant 0 : i32
          %dma_start3A_67 = arith.constant 0 : i32
          %dma_start3A_68 = tpu.memref_slice %arg13[%dma_start3A_66, %dma_start3A_67] : memref<128x128xf32, #tpu.memory_space<vmem>> -> memref<64x128xf32, #tpu.memory_space<vmem>>
          %dma_start3A_69 = arith.constant 0 : i32
          %dma_start3A_70 = tpu.memref_slice %arg14[%add3A_65, %dma_start3A_69] : memref<32x128xi32, #tpu.memory_space<vmem>> -> memref<1x64xi32, #tpu.memory_space<vmem>>
          %dma_start3A_71 = tpu.memref_squeeze %dma_start3A_70 : memref<1x64xi32, #tpu.memory_space<vmem>> -> memref<64xi32, #tpu.memory_space<vmem>>
          %dma_start3A_72 = arith.constant 0 : i32
          %dma_start3A_73 = arith.constant 0 : i32
          %dma_start3A_74 = tpu.memref_slice %arg3[%dma_start3A_72, %dma_start3A_73] : memref<10000x128xf32, #tpu.memory_space<hbm>> -> memref<10000x128xf32, #tpu.memory_space<hbm>>
          tpu.enqueue_indirect_dma source(%dma_start3A_74 : memref<10000x128xf32, #tpu.memory_space<hbm>>) target(%dma_start3A_68 : memref<64x128xf32, #tpu.memory_space<vmem>>) offsets(%dma_start3A_71 : memref<64xi32, #tpu.memory_space<vmem>>) semaphore(%arg17 : memref<!tpu.dma_semaphore, #tpu.memory_space<semaphore_mem>>)
          %dma_start3A_75 = arith.constant 64 : i32
          %dma_start3A_76 = arith.constant 0 : i32
          %dma_start3A_77 = tpu.memref_slice %arg13[%dma_start3A_75, %dma_start3A_76] : memref<128x128xf32, #tpu.memory_space<vmem>> -> memref<64x128xf32, #tpu.memory_space<vmem>>
          %dma_start3A_78 = arith.constant 64 : i32
          %dma_start3A_79 = tpu.memref_slice %arg14[%add3A_65, %dma_start3A_78] : memref<32x128xi32, #tpu.memory_space<vmem>> -> memref<1x64xi32, #tpu.memory_space<vmem>>
          %dma_start3A_80 = tpu.memref_squeeze %dma_start3A_79 : memref<1x64xi32, #tpu.memory_space<vmem>> -> memref<64xi32, #tpu.memory_space<vmem>>
          %dma_start3A_81 = arith.constant 0 : i32
          %dma_start3A_82 = arith.constant 0 : i32
          %dma_start3A_83 = tpu.memref_slice %arg3[%dma_start3A_81, %dma_start3A_82] : memref<10000x128xf32, #tpu.memory_space<hbm>> -> memref<10000x128xf32, #tpu.memory_space<hbm>>
          tpu.enqueue_indirect_dma source(%dma_start3A_83 : memref<10000x128xf32, #tpu.memory_space<hbm>>) target(%dma_start3A_77 : memref<64x128xf32, #tpu.memory_space<vmem>>) offsets(%dma_start3A_80 : memref<64xi32, #tpu.memory_space<vmem>>) semaphore(%arg17 : memref<!tpu.dma_semaphore, #tpu.memory_space<semaphore_mem>>)
          %dma_wait3A = arith.constant 0 : i32
          %dma_wait3A_84 = arith.constant 0 : i32
          %dma_wait3A_85 = tpu.memref_slice %arg12[%dma_wait3A, %dma_wait3A_84] : memref<128x128xf32, #tpu.memory_space<vmem>> -> memref<64x128xf32, #tpu.memory_space<vmem>>
          %dma_wait3A_86 = arith.constant 0 : i32
          %dma_wait3A_87 = tpu.memref_slice %arg14[%mul3A_63, %dma_wait3A_86] : memref<32x128xi32, #tpu.memory_space<vmem>> -> memref<1x64xi32, #tpu.memory_space<vmem>>
          %dma_wait3A_88 = tpu.memref_squeeze %dma_wait3A_87 : memref<1x64xi32, #tpu.memory_space<vmem>> -> memref<64xi32, #tpu.memory_space<vmem>>
          %dma_wait3A_89 = arith.constant 0 : i32
          %dma_wait3A_90 = arith.constant 0 : i32
          %dma_wait3A_91 = tpu.memref_slice %arg3[%dma_wait3A_89, %dma_wait3A_90] : memref<10000x128xf32, #tpu.memory_space<hbm>> -> memref<10000x128xf32, #tpu.memory_space<hbm>>
          tpu.wait_indirect_dma semaphore(%arg16 : memref<!tpu.dma_semaphore, #tpu.memory_space<semaphore_mem>>) src(%dma_wait3A_91 : memref<10000x128xf32, #tpu.memory_space<hbm>>) dst(%dma_wait3A_85 : memref<64x128xf32, #tpu.memory_space<vmem>>)
          %dma_wait3A_92 = arith.constant 64 : i32
          %dma_wait3A_93 = arith.constant 0 : i32
          %dma_wait3A_94 = tpu.memref_slice %arg12[%dma_wait3A_92, %dma_wait3A_93] : memref<128x128xf32, #tpu.memory_space<vmem>> -> memref<64x128xf32, #tpu.memory_space<vmem>>
          %dma_wait3A_95 = arith.constant 64 : i32
          %dma_wait3A_96 = tpu.memref_slice %arg14[%mul3A_63, %dma_wait3A_95] : memref<32x128xi32, #tpu.memory_space<vmem>> -> memref<1x64xi32, #tpu.memory_space<vmem>>
          %dma_wait3A_97 = tpu.memref_squeeze %dma_wait3A_96 : memref<1x64xi32, #tpu.memory_space<vmem>> -> memref<64xi32, #tpu.memory_space<vmem>>
          %dma_wait3A_98 = arith.constant 0 : i32
          %dma_wait3A_99 = arith.constant 0 : i32
          %dma_wait3A_100 = tpu.memref_slice %arg3[%dma_wait3A_98, %dma_wait3A_99] : memref<10000x128xf32, #tpu.memory_space<hbm>> -> memref<10000x128xf32, #tpu.memory_space<hbm>>
          tpu.wait_indirect_dma semaphore(%arg16 : memref<!tpu.dma_semaphore, #tpu.memory_space<semaphore_mem>>) src(%dma_wait3A_100 : memref<10000x128xf32, #tpu.memory_space<hbm>>) dst(%dma_wait3A_94 : memref<64x128xf32, #tpu.memory_space<vmem>>)
          "tpu.region"() ({
            %run_scoped3A = tpu.sem_alloc : memref<!tpu.dma_semaphore, #tpu.memory_space<semaphore_mem>>
            %dma_start3A_125 = arith.constant 0 : i32
            %dma_start3A_126 = tpu.memref_slice %arg15[%mul3A_63, %dma_start3A_125] : memref<32x128xi32, #tpu.memory_space<vmem>> -> memref<1x128xi32, #tpu.memory_space<vmem>>
            %dma_start3A_127 = tpu.memref_squeeze %dma_start3A_126 : memref<1x128xi32, #tpu.memory_space<vmem>> -> memref<128xi32, #tpu.memory_space<vmem>>
            %dma_start3A_128 = arith.constant 0 : i32
            %dma_start3A_129 = arith.constant 0 : i32
            %dma_start3A_130 = tpu.memref_slice %arg11[%dma_start3A_128, %dma_start3A_129] : memref<10008x128xf32, #tpu.memory_space<vmem_shared>> -> memref<10008x128xf32, #tpu.memory_space<vmem_shared>>
            tpu.enqueue_indirect_dma source(%arg12 : memref<128x128xf32, #tpu.memory_space<vmem>>) target(%dma_start3A_130 : memref<10008x128xf32, #tpu.memory_space<vmem_shared>>) offsets(%dma_start3A_127 : memref<128xi32, #tpu.memory_space<vmem>>) semaphore(%run_scoped3A : memref<!tpu.dma_semaphore, #tpu.memory_space<semaphore_mem>>) {add = true}
            %dma_wait3A_131 = arith.constant 0 : i32
            %dma_wait3A_132 = tpu.memref_slice %arg15[%mul3A_63, %dma_wait3A_131] : memref<32x128xi32, #tpu.memory_space<vmem>> -> memref<1x128xi32, #tpu.memory_space<vmem>>
            %dma_wait3A_133 = tpu.memref_squeeze %dma_wait3A_132 : memref<1x128xi32, #tpu.memory_space<vmem>> -> memref<128xi32, #tpu.memory_space<vmem>>
            %dma_wait3A_134 = arith.constant 0 : i32
            %dma_wait3A_135 = arith.constant 0 : i32
            %dma_wait3A_136 = tpu.memref_slice %arg11[%dma_wait3A_134, %dma_wait3A_135] : memref<10008x128xf32, #tpu.memory_space<vmem_shared>> -> memref<10008x128xf32, #tpu.memory_space<vmem_shared>>
            tpu.wait_indirect_dma semaphore(%run_scoped3A : memref<!tpu.dma_semaphore, #tpu.memory_space<semaphore_mem>>) src(%arg12 : memref<128x128xf32, #tpu.memory_space<vmem>>) dst(%dma_wait3A_136 : memref<10008x128xf32, #tpu.memory_space<vmem_shared>>)
            tpu.yield
          }) : () -> ()
          %add3A_101 = arith.constant 2 : i32
          %add3A_102 = arith.addi %mul3A_63, %add3A_101 : i32
          %lt3A = arith.constant 32 : i32
          %lt3A_103 = arith.cmpi slt, %add3A_102, %lt3A : i32
          %convert_element_type3A_104 = arith.extui %lt3A_103 : i1 to i32
          %cond3A_105 = arith.constant 0 : i32
          %cond3A_106 = arith.cmpi ne, %convert_element_type3A_104, %cond3A_105 : i32
          scf.if %cond3A_106 {
            %add3A_125 = arith.constant 2 : i32
            %add3A_126 = arith.addi %mul3A_63, %add3A_125 : i32
            %dma_start3A_127 = arith.constant 0 : i32
            %dma_start3A_128 = arith.constant 0 : i32
            %dma_start3A_129 = tpu.memref_slice %arg12[%dma_start3A_127, %dma_start3A_128] : memref<128x128xf32, #tpu.memory_space<vmem>> -> memref<64x128xf32, #tpu.memory_space<vmem>>
            %dma_start3A_130 = arith.constant 0 : i32
            %dma_start3A_131 = tpu.memref_slice %arg14[%add3A_126, %dma_start3A_130] : memref<32x128xi32, #tpu.memory_space<vmem>> -> memref<1x64xi32, #tpu.memory_space<vmem>>
            %dma_start3A_132 = tpu.memref_squeeze %dma_start3A_131 : memref<1x64xi32, #tpu.memory_space<vmem>> -> memref<64xi32, #tpu.memory_space<vmem>>
            %dma_start3A_133 = arith.constant 0 : i32
            %dma_start3A_134 = arith.constant 0 : i32
            %dma_start3A_135 = tpu.memref_slice %arg3[%dma_start3A_133, %dma_start3A_134] : memref<10000x128xf32, #tpu.memory_space<hbm>> -> memref<10000x128xf32, #tpu.memory_space<hbm>>
            tpu.enqueue_indirect_dma source(%dma_start3A_135 : memref<10000x128xf32, #tpu.memory_space<hbm>>) target(%dma_start3A_129 : memref<64x128xf32, #tpu.memory_space<vmem>>) offsets(%dma_start3A_132 : memref<64xi32, #tpu.memory_space<vmem>>) semaphore(%arg16 : memref<!tpu.dma_semaphore, #tpu.memory_space<semaphore_mem>>)
            %dma_start3A_136 = arith.constant 64 : i32
            %dma_start3A_137 = arith.constant 0 : i32
            %dma_start3A_138 = tpu.memref_slice %arg12[%dma_start3A_136, %dma_start3A_137] : memref<128x128xf32, #tpu.memory_space<vmem>> -> memref<64x128xf32, #tpu.memory_space<vmem>>
            %dma_start3A_139 = arith.constant 64 : i32
            %dma_start3A_140 = tpu.memref_slice %arg14[%add3A_126, %dma_start3A_139] : memref<32x128xi32, #tpu.memory_space<vmem>> -> memref<1x64xi32, #tpu.memory_space<vmem>>
            %dma_start3A_141 = tpu.memref_squeeze %dma_start3A_140 : memref<1x64xi32, #tpu.memory_space<vmem>> -> memref<64xi32, #tpu.memory_space<vmem>>
            %dma_start3A_142 = arith.constant 0 : i32
            %dma_start3A_143 = arith.constant 0 : i32
            %dma_start3A_144 = tpu.memref_slice %arg3[%dma_start3A_142, %dma_start3A_143] : memref<10000x128xf32, #tpu.memory_space<hbm>> -> memref<10000x128xf32, #tpu.memory_space<hbm>>
            tpu.enqueue_indirect_dma source(%dma_start3A_144 : memref<10000x128xf32, #tpu.memory_space<hbm>>) target(%dma_start3A_138 : memref<64x128xf32, #tpu.memory_space<vmem>>) offsets(%dma_start3A_141 : memref<64xi32, #tpu.memory_space<vmem>>) semaphore(%arg16 : memref<!tpu.dma_semaphore, #tpu.memory_space<semaphore_mem>>)
          } else {
          }
          %dma_wait3A_107 = arith.constant 0 : i32
          %dma_wait3A_108 = arith.constant 0 : i32
          %dma_wait3A_109 = tpu.memref_slice %arg13[%dma_wait3A_107, %dma_wait3A_108] : memref<128x128xf32, #tpu.memory_space<vmem>> -> memref<64x128xf32, #tpu.memory_space<vmem>>
          %dma_wait3A_110 = arith.constant 0 : i32
          %dma_wait3A_111 = tpu.memref_slice %arg14[%add3A_65, %dma_wait3A_110] : memref<32x128xi32, #tpu.memory_space<vmem>> -> memref<1x64xi32, #tpu.memory_space<vmem>>
          %dma_wait3A_112 = tpu.memref_squeeze %dma_wait3A_111 : memref<1x64xi32, #tpu.memory_space<vmem>> -> memref<64xi32, #tpu.memory_space<vmem>>
          %dma_wait3A_113 = arith.constant 0 : i32
          %dma_wait3A_114 = arith.constant 0 : i32
          %dma_wait3A_115 = tpu.memref_slice %arg3[%dma_wait3A_113, %dma_wait3A_114] : memref<10000x128xf32, #tpu.memory_space<hbm>> -> memref<10000x128xf32, #tpu.memory_space<hbm>>
          tpu.wait_indirect_dma semaphore(%arg17 : memref<!tpu.dma_semaphore, #tpu.memory_space<semaphore_mem>>) src(%dma_wait3A_115 : memref<10000x128xf32, #tpu.memory_space<hbm>>) dst(%dma_wait3A_109 : memref<64x128xf32, #tpu.memory_space<vmem>>)
          %dma_wait3A_116 = arith.constant 64 : i32
          %dma_wait3A_117 = arith.constant 0 : i32
          %dma_wait3A_118 = tpu.memref_slice %arg13[%dma_wait3A_116, %dma_wait3A_117] : memref<128x128xf32, #tpu.memory_space<vmem>> -> memref<64x128xf32, #tpu.memory_space<vmem>>
          %dma_wait3A_119 = arith.constant 64 : i32
          %dma_wait3A_120 = tpu.memref_slice %arg14[%add3A_65, %dma_wait3A_119] : memref<32x128xi32, #tpu.memory_space<vmem>> -> memref<1x64xi32, #tpu.memory_space<vmem>>
          %dma_wait3A_121 = tpu.memref_squeeze %dma_wait3A_120 : memref<1x64xi32, #tpu.memory_space<vmem>> -> memref<64xi32, #tpu.memory_space<vmem>>
          %dma_wait3A_122 = arith.constant 0 : i32
          %dma_wait3A_123 = arith.constant 0 : i32
          %dma_wait3A_124 = tpu.memref_slice %arg3[%dma_wait3A_122, %dma_wait3A_123] : memref<10000x128xf32, #tpu.memory_space<hbm>> -> memref<10000x128xf32, #tpu.memory_space<hbm>>
          tpu.wait_indirect_dma semaphore(%arg17 : memref<!tpu.dma_semaphore, #tpu.memory_space<semaphore_mem>>) src(%dma_wait3A_124 : memref<10000x128xf32, #tpu.memory_space<hbm>>) dst(%dma_wait3A_118 : memref<64x128xf32, #tpu.memory_space<vmem>>)
          "tpu.region"() ({
            %run_scoped3A = tpu.sem_alloc : memref<!tpu.dma_semaphore, #tpu.memory_space<semaphore_mem>>
            %dma_start3A_125 = arith.constant 0 : i32
            %dma_start3A_126 = tpu.memref_slice %arg15[%add3A_65, %dma_start3A_125] : memref<32x128xi32, #tpu.memory_space<vmem>> -> memref<1x128xi32, #tpu.memory_space<vmem>>
            %dma_start3A_127 = tpu.memref_squeeze %dma_start3A_126 : memref<1x128xi32, #tpu.memory_space<vmem>> -> memref<128xi32, #tpu.memory_space<vmem>>
            %dma_start3A_128 = arith.constant 0 : i32
            %dma_start3A_129 = arith.constant 0 : i32
            %dma_start3A_130 = tpu.memref_slice %arg11[%dma_start3A_128, %dma_start3A_129] : memref<10008x128xf32, #tpu.memory_space<vmem_shared>> -> memref<10008x128xf32, #tpu.memory_space<vmem_shared>>
            tpu.enqueue_indirect_dma source(%arg13 : memref<128x128xf32, #tpu.memory_space<vmem>>) target(%dma_start3A_130 : memref<10008x128xf32, #tpu.memory_space<vmem_shared>>) offsets(%dma_start3A_127 : memref<128xi32, #tpu.memory_space<vmem>>) semaphore(%run_scoped3A : memref<!tpu.dma_semaphore, #tpu.memory_space<semaphore_mem>>) {add = true}
            %dma_wait3A_131 = arith.constant 0 : i32
            %dma_wait3A_132 = tpu.memref_slice %arg15[%add3A_65, %dma_wait3A_131] : memref<32x128xi32, #tpu.memory_space<vmem>> -> memref<1x128xi32, #tpu.memory_space<vmem>>
            %dma_wait3A_133 = tpu.memref_squeeze %dma_wait3A_132 : memref<1x128xi32, #tpu.memory_space<vmem>> -> memref<128xi32, #tpu.memory_space<vmem>>
            %dma_wait3A_134 = arith.constant 0 : i32
            %dma_wait3A_135 = arith.constant 0 : i32
            %dma_wait3A_136 = tpu.memref_slice %arg11[%dma_wait3A_134, %dma_wait3A_135] : memref<10008x128xf32, #tpu.memory_space<vmem_shared>> -> memref<10008x128xf32, #tpu.memory_space<vmem_shared>>
            tpu.wait_indirect_dma semaphore(%run_scoped3A : memref<!tpu.dma_semaphore, #tpu.memory_space<semaphore_mem>>) src(%arg13 : memref<128x128xf32, #tpu.memory_space<vmem>>) dst(%dma_wait3A_136 : memref<10008x128xf32, #tpu.memory_space<vmem_shared>>)
            tpu.yield
          }) : () -> ()
        }
        %scan3A_60 = arith.constant 16 : i32
      }
      %scan3A_32 = arith.constant 5 : i32
    } else {
    }
    %barrier3A = arith.constant 0 : index
    tpu.barrier barrier_id(%barrier3A)
    %eq3A_17 = arith.constant 0 : i32
    %eq3A_18 = arith.cmpi eq, %arg0, %eq3A_17 : i32
    %convert_element_type3A_19 = arith.extui %eq3A_18 : i1 to i32
    %cond3A_20 = arith.constant 0 : i32
    %cond3A_21 = arith.cmpi ne, %convert_element_type3A_19, %cond3A_20 : i32
    scf.if %cond3A_21 {
      %mul3A_27 = arith.constant 624 : i32
      %mul3A_28 = arith.muli %arg1, %mul3A_27 : i32
      %mul3A_29 = arith.constant 624 : i32
      %mul3A_30 = arith.muli %arg1, %mul3A_29 : i32
      "tpu.region"() ({
        %run_scoped3A = tpu.sem_alloc : memref<!tpu.dma_semaphore, #tpu.memory_space<semaphore_mem>>
        %dma_start3A = arith.constant 0 : i32
        %dma_start3A_36 = tpu.memref_slice %arg9[%mul3A_30, %dma_start3A] : memref<10000x128xf32, #tpu.memory_space<hbm>> -> memref<624x128xf32, #tpu.memory_space<hbm>>
        %dma_start3A_37 = arith.constant 0 : i32
        %dma_start3A_38 = tpu.memref_slice %arg11[%mul3A_28, %dma_start3A_37] : memref<10008x128xf32, #tpu.memory_space<vmem_shared>> -> memref<624x128xf32, #tpu.memory_space<vmem_shared>>
        tpu.enqueue_dma source(%dma_start3A_38 : memref<624x128xf32, #tpu.memory_space<vmem_shared>>) target(%dma_start3A_36 : memref<624x128xf32, #tpu.memory_space<hbm>>) target_semaphore(%run_scoped3A : memref<!tpu.dma_semaphore, #tpu.memory_space<semaphore_mem>>)
        %dma_wait3A = arith.constant 0 : i32
        %dma_wait3A_39 = tpu.memref_slice %arg9[%mul3A_30, %dma_wait3A] : memref<10000x128xf32, #tpu.memory_space<hbm>> -> memref<624x128xf32, #tpu.memory_space<hbm>>
        %dma_wait3A_40 = arith.constant 0 : i32
        %dma_wait3A_41 = tpu.memref_slice %arg11[%mul3A_28, %dma_wait3A_40] : memref<10008x128xf32, #tpu.memory_space<vmem_shared>> -> memref<624x128xf32, #tpu.memory_space<vmem_shared>>
        tpu.wait_dma2 semaphore(%run_scoped3A : memref<!tpu.dma_semaphore, #tpu.memory_space<semaphore_mem>>) src(%dma_wait3A_41 : memref<624x128xf32, #tpu.memory_space<vmem_shared>>) dst(%dma_wait3A_39 : memref<624x128xf32, #tpu.memory_space<hbm>>)
        tpu.yield
      }) : () -> ()
      %eq3A_31 = arith.constant 15 : i32
      %eq3A_32 = arith.cmpi eq, %arg1, %eq3A_31 : i32
      %convert_element_type3A_33 = arith.extui %eq3A_32 : i1 to i32
      %cond3A_34 = arith.constant 0 : i32
      %cond3A_35 = arith.cmpi ne, %convert_element_type3A_33, %cond3A_34 : i32
      scf.if %cond3A_35 {
        "tpu.region"() ({
          %run_scoped3A = tpu.sem_alloc : memref<!tpu.dma_semaphore, #tpu.memory_space<semaphore_mem>>
          %dma_start3A = arith.constant 9984 : i32
          %dma_start3A_36 = arith.constant 0 : i32
          %dma_start3A_37 = tpu.memref_slice %arg9[%dma_start3A, %dma_start3A_36] : memref<10000x128xf32, #tpu.memory_space<hbm>> -> memref<16x128xf32, #tpu.memory_space<hbm>>
          %dma_start3A_38 = arith.constant 9984 : i32
          %dma_start3A_39 = arith.constant 0 : i32
          %dma_start3A_40 = tpu.memref_slice %arg11[%dma_start3A_38, %dma_start3A_39] : memref<10008x128xf32, #tpu.memory_space<vmem_shared>> -> memref<16x128xf32, #tpu.memory_space<vmem_shared>>
          tpu.enqueue_dma source(%dma_start3A_40 : memref<16x128xf32, #tpu.memory_space<vmem_shared>>) target(%dma_start3A_37 : memref<16x128xf32, #tpu.memory_space<hbm>>) target_semaphore(%run_scoped3A : memref<!tpu.dma_semaphore, #tpu.memory_space<semaphore_mem>>)
          %dma_wait3A = arith.constant 9984 : i32
          %dma_wait3A_41 = arith.constant 0 : i32
          %dma_wait3A_42 = tpu.memref_slice %arg9[%dma_wait3A, %dma_wait3A_41] : memref<10000x128xf32, #tpu.memory_space<hbm>> -> memref<16x128xf32, #tpu.memory_space<hbm>>
          %dma_wait3A_43 = arith.constant 9984 : i32
          %dma_wait3A_44 = arith.constant 0 : i32
          %dma_wait3A_45 = tpu.memref_slice %arg11[%dma_wait3A_43, %dma_wait3A_44] : memref<10008x128xf32, #tpu.memory_space<vmem_shared>> -> memref<16x128xf32, #tpu.memory_space<vmem_shared>>
          tpu.wait_dma2 semaphore(%run_scoped3A : memref<!tpu.dma_semaphore, #tpu.memory_space<semaphore_mem>>) src(%dma_wait3A_45 : memref<16x128xf32, #tpu.memory_space<vmem_shared>>) dst(%dma_wait3A_42 : memref<16x128xf32, #tpu.memory_space<hbm>>)
          tpu.yield
        }) : () -> ()
      } else {
      }
    } else {
    }
    %eq3A_22 = arith.constant 1 : i32
    %eq3A_23 = arith.cmpi eq, %arg0, %eq3A_22 : i32
    %convert_element_type3A_24 = arith.extui %eq3A_23 : i1 to i32
    %cond3A_25 = arith.constant 0 : i32
    %cond3A_26 = arith.cmpi ne, %convert_element_type3A_24, %cond3A_25 : i32
    scf.if %cond3A_26 {
      %mul3A_27 = arith.constant 624 : i32
      %mul3A_28 = arith.muli %arg1, %mul3A_27 : i32
      %mul3A_29 = arith.constant 624 : i32
      %mul3A_30 = arith.muli %arg1, %mul3A_29 : i32
      "tpu.region"() ({
        %run_scoped3A = tpu.sem_alloc : memref<!tpu.dma_semaphore, #tpu.memory_space<semaphore_mem>>
        %dma_start3A = arith.constant 0 : i32
        %dma_start3A_36 = tpu.memref_slice %arg10[%mul3A_30, %dma_start3A] : memref<10000x128xf32, #tpu.memory_space<hbm>> -> memref<624x128xf32, #tpu.memory_space<hbm>>
        %dma_start3A_37 = arith.constant 0 : i32
        %dma_start3A_38 = tpu.memref_slice %arg11[%mul3A_28, %dma_start3A_37] : memref<10008x128xf32, #tpu.memory_space<vmem_shared>> -> memref<624x128xf32, #tpu.memory_space<vmem_shared>>
        tpu.enqueue_dma source(%dma_start3A_38 : memref<624x128xf32, #tpu.memory_space<vmem_shared>>) target(%dma_start3A_36 : memref<624x128xf32, #tpu.memory_space<hbm>>) target_semaphore(%run_scoped3A : memref<!tpu.dma_semaphore, #tpu.memory_space<semaphore_mem>>)
        %dma_wait3A = arith.constant 0 : i32
        %dma_wait3A_39 = tpu.memref_slice %arg10[%mul3A_30, %dma_wait3A] : memref<10000x128xf32, #tpu.memory_space<hbm>> -> memref<624x128xf32, #tpu.memory_space<hbm>>
        %dma_wait3A_40 = arith.constant 0 : i32
        %dma_wait3A_41 = tpu.memref_slice %arg11[%mul3A_28, %dma_wait3A_40] : memref<10008x128xf32, #tpu.memory_space<vmem_shared>> -> memref<624x128xf32, #tpu.memory_space<vmem_shared>>
        tpu.wait_dma2 semaphore(%run_scoped3A : memref<!tpu.dma_semaphore, #tpu.memory_space<semaphore_mem>>) src(%dma_wait3A_41 : memref<624x128xf32, #tpu.memory_space<vmem_shared>>) dst(%dma_wait3A_39 : memref<624x128xf32, #tpu.memory_space<hbm>>)
        tpu.yield
      }) : () -> ()
      %eq3A_31 = arith.constant 15 : i32
      %eq3A_32 = arith.cmpi eq, %arg1, %eq3A_31 : i32
      %convert_element_type3A_33 = arith.extui %eq3A_32 : i1 to i32
      %cond3A_34 = arith.constant 0 : i32
      %cond3A_35 = arith.cmpi ne, %convert_element_type3A_33, %cond3A_34 : i32
      scf.if %cond3A_35 {
        "tpu.region"() ({
          %run_scoped3A = tpu.sem_alloc : memref<!tpu.dma_semaphore, #tpu.memory_space<semaphore_mem>>
          %dma_start3A = arith.constant 9984 : i32
          %dma_start3A_36 = arith.constant 0 : i32
          %dma_start3A_37 = tpu.memref_slice %arg10[%dma_start3A, %dma_start3A_36] : memref<10000x128xf32, #tpu.memory_space<hbm>> -> memref<16x128xf32, #tpu.memory_space<hbm>>
          %dma_start3A_38 = arith.constant 9984 : i32
          %dma_start3A_39 = arith.constant 0 : i32
          %dma_start3A_40 = tpu.memref_slice %arg11[%dma_start3A_38, %dma_start3A_39] : memref<10008x128xf32, #tpu.memory_space<vmem_shared>> -> memref<16x128xf32, #tpu.memory_space<vmem_shared>>
          tpu.enqueue_dma source(%dma_start3A_40 : memref<16x128xf32, #tpu.memory_space<vmem_shared>>) target(%dma_start3A_37 : memref<16x128xf32, #tpu.memory_space<hbm>>) target_semaphore(%run_scoped3A : memref<!tpu.dma_semaphore, #tpu.memory_space<semaphore_mem>>)
          %dma_wait3A = arith.constant 9984 : i32
          %dma_wait3A_41 = arith.constant 0 : i32
          %dma_wait3A_42 = tpu.memref_slice %arg10[%dma_wait3A, %dma_wait3A_41] : memref<10000x128xf32, #tpu.memory_space<hbm>> -> memref<16x128xf32, #tpu.memory_space<hbm>>
          %dma_wait3A_43 = arith.constant 9984 : i32
          %dma_wait3A_44 = arith.constant 0 : i32
          %dma_wait3A_45 = tpu.memref_slice %arg11[%dma_wait3A_43, %dma_wait3A_44] : memref<10008x128xf32, #tpu.memory_space<vmem_shared>> -> memref<16x128xf32, #tpu.memory_space<vmem_shared>>
          tpu.wait_dma2 semaphore(%run_scoped3A : memref<!tpu.dma_semaphore, #tpu.memory_space<semaphore_mem>>) src(%dma_wait3A_45 : memref<16x128xf32, #tpu.memory_space<vmem_shared>>) dst(%dma_wait3A_42 : memref<16x128xf32, #tpu.memory_space<hbm>>)
          tpu.yield
        }) : () -> ()
      } else {
      }
    } else {
    }
    return
  }
}

#map = affine_map<(d0, d1) -> (0, 0)>
#map1 = affine_map<(d0, d1) -> (0)>
module attributes {stable_mosaic.version = 14 : i64} {
  func.func @_sc_deg_body(%arg0: i32, %arg1: i32, %arg2: memref<2560x128xi32, #tpu.memory_space<hbm>>, %arg3: memref<2560x128xi32, #tpu.memory_space<hbm>>, %arg4: memref<2560x128xi32, #tpu.memory_space<hbm>>, %arg5: memref<2560x128xi32, #tpu.memory_space<hbm>>, %arg6: memref<10000xf32, #tpu.memory_space<hbm>>, %arg7: memref<128xf32, #tpu.memory_space<hbm>>, %arg8: memref<10000xf32, #tpu.memory_space<hbm>>, %arg9: memref<10000xf32, #tpu.memory_space<hbm>>, %arg10: memref<10000xf32, #tpu.memory_space<hbm>>, %arg11: memref<10000xf32, #tpu.memory_space<hbm>>, %arg12: memref<10008xf32, #tpu.memory_space<vmem_shared>>, %arg13: memref<128xf32, #tpu.memory_space<vmem>>, %arg14: memref<624xf32, #tpu.memory_space<vmem>>, %arg15: memref<624xf32, #tpu.memory_space<vmem>>, %arg16: memref<32x128xi32, #tpu.memory_space<vmem>>, %arg17: memref<!tpu.dma_semaphore, #tpu.memory_space<semaphore_mem>>, %arg18: memref<!tpu.dma_semaphore, #tpu.memory_space<semaphore_mem>>) attributes {dimension_semantics = [#tpu.dimension_semantics<core_parallel>, #tpu.dimension_semantics<subcore_parallel>], iteration_bounds = array<i64: 2, 16>, scalar_prefetch = 0 : i64, scratch_operands = 7 : i64, tpu.core_type = #tpu.core_type<sc_vector_subcore>, window_params = [{transform_indices = #map}, {transform_indices = #map}, {transform_indices = #map}, {transform_indices = #map}, {transform_indices = #map1}, {transform_indices = #map1}, {transform_indices = #map1}, {transform_indices = #map1}, {transform_indices = #map1}, {transform_indices = #map1}]} {
    "tpu.region"() ({
      %run_scoped3A = tpu.sem_alloc : memref<!tpu.dma_semaphore, #tpu.memory_space<semaphore_mem>>
      tpu.enqueue_dma source(%arg7 : memref<128xf32, #tpu.memory_space<hbm>>) target(%arg13 : memref<128xf32, #tpu.memory_space<vmem>>) target_semaphore(%run_scoped3A : memref<!tpu.dma_semaphore, #tpu.memory_space<semaphore_mem>>)
      tpu.wait_dma2 semaphore(%run_scoped3A : memref<!tpu.dma_semaphore, #tpu.memory_space<semaphore_mem>>) src(%arg7 : memref<128xf32, #tpu.memory_space<hbm>>) dst(%arg13 : memref<128xf32, #tpu.memory_space<vmem>>)
      tpu.yield
    }) : () -> ()
    "tpu.region"() ({
      %run_scoped3A = tpu.sem_alloc : memref<!tpu.dma_semaphore, #tpu.memory_space<semaphore_mem>>
      %dma_start3A = arith.constant 0 : i32
      %dma_start3A_10 = tpu.memref_slice %arg6[%dma_start3A] : memref<10000xf32, #tpu.memory_space<hbm>> -> memref<624xf32, #tpu.memory_space<hbm>>
      %dma_start3A_11 = arith.constant 0 : i32
      %dma_start3A_12 = tpu.memref_slice %arg6[%dma_start3A_11] : memref<10000xf32, #tpu.memory_space<hbm>> -> memref<624xf32, #tpu.memory_space<hbm>>
      tpu.enqueue_dma source(%dma_start3A_12 : memref<624xf32, #tpu.memory_space<hbm>>) target(%arg14 : memref<624xf32, #tpu.memory_space<vmem>>) target_semaphore(%run_scoped3A : memref<!tpu.dma_semaphore, #tpu.memory_space<semaphore_mem>>)
      %dma_wait3A = arith.constant 0 : i32
      %dma_wait3A_13 = tpu.memref_slice %arg6[%dma_wait3A] : memref<10000xf32, #tpu.memory_space<hbm>> -> memref<624xf32, #tpu.memory_space<hbm>>
      %dma_wait3A_14 = arith.constant 0 : i32
      %dma_wait3A_15 = tpu.memref_slice %arg6[%dma_wait3A_14] : memref<10000xf32, #tpu.memory_space<hbm>> -> memref<624xf32, #tpu.memory_space<hbm>>
      tpu.wait_dma2 semaphore(%run_scoped3A : memref<!tpu.dma_semaphore, #tpu.memory_space<semaphore_mem>>) src(%dma_wait3A_15 : memref<624xf32, #tpu.memory_space<hbm>>) dst(%arg14 : memref<624xf32, #tpu.memory_space<vmem>>)
      tpu.yield
    }) : () -> ()
    %mul3A = arith.constant 160 : i32
    %mul3A_0 = arith.muli %arg1, %mul3A : i32
    %mul3A_1 = arith.constant 624 : i32
    %mul3A_2 = arith.muli %arg1, %mul3A_1 : i32
    %eq3A = arith.constant 0 : i32
    %eq3A_3 = arith.cmpi eq, %arg0, %eq3A : i32
    %convert_element_type3A = arith.extui %eq3A_3 : i1 to i32
    %cond3A = arith.constant 0 : i32
    %cond3A_4 = arith.cmpi ne, %convert_element_type3A, %cond3A : i32
    scf.if %cond3A_4 {
      "tpu.region"() ({
        %run_scoped3A = tpu.sem_alloc : memref<!tpu.dma_semaphore, #tpu.memory_space<semaphore_mem>>
        %dma_start3A = tpu.memref_slice %arg12[%mul3A_2] : memref<10008xf32, #tpu.memory_space<vmem_shared>> -> memref<624xf32, #tpu.memory_space<vmem_shared>>
        %dma_start3A_44 = tpu.memref_slice %arg12[%mul3A_2] : memref<10008xf32, #tpu.memory_space<vmem_shared>> -> memref<624xf32, #tpu.memory_space<vmem_shared>>
        tpu.enqueue_dma source(%arg14 : memref<624xf32, #tpu.memory_space<vmem>>) target(%dma_start3A_44 : memref<624xf32, #tpu.memory_space<vmem_shared>>) target_semaphore(%run_scoped3A : memref<!tpu.dma_semaphore, #tpu.memory_space<semaphore_mem>>)
        %dma_wait3A = tpu.memref_slice %arg12[%mul3A_2] : memref<10008xf32, #tpu.memory_space<vmem_shared>> -> memref<624xf32, #tpu.memory_space<vmem_shared>>
        %dma_wait3A_45 = tpu.memref_slice %arg12[%mul3A_2] : memref<10008xf32, #tpu.memory_space<vmem_shared>> -> memref<624xf32, #tpu.memory_space<vmem_shared>>
        tpu.wait_dma2 semaphore(%run_scoped3A : memref<!tpu.dma_semaphore, #tpu.memory_space<semaphore_mem>>) src(%arg14 : memref<624xf32, #tpu.memory_space<vmem>>) dst(%dma_wait3A_45 : memref<624xf32, #tpu.memory_space<vmem_shared>>)
        tpu.yield
      }) : () -> ()
      %eq3A_10 = arith.constant 15 : i32
      %eq3A_11 = arith.cmpi eq, %arg1, %eq3A_10 : i32
      %convert_element_type3A_12 = arith.extui %eq3A_11 : i1 to i32
      %cond3A_13 = arith.constant 0 : i32
      %cond3A_14 = arith.cmpi ne, %convert_element_type3A_12, %cond3A_13 : i32
      scf.if %cond3A_14 {
        "tpu.region"() ({
          %run_scoped3A = tpu.sem_alloc : memref<!tpu.dma_semaphore, #tpu.memory_space<semaphore_mem>>
          %dma_start3A = arith.constant 0 : i32
          %dma_start3A_44 = tpu.memref_slice %arg14[%dma_start3A] : memref<624xf32, #tpu.memory_space<vmem>> -> memref<16xf32, #tpu.memory_space<vmem>>
          %dma_start3A_45 = arith.constant 9984 : i32
          %dma_start3A_46 = tpu.memref_slice %arg12[%dma_start3A_45] : memref<10008xf32, #tpu.memory_space<vmem_shared>> -> memref<16xf32, #tpu.memory_space<vmem_shared>>
          %dma_start3A_47 = arith.constant 9984 : i32
          %dma_start3A_48 = tpu.memref_slice %arg12[%dma_start3A_47] : memref<10008xf32, #tpu.memory_space<vmem_shared>> -> memref<16xf32, #tpu.memory_space<vmem_shared>>
          %dma_start3A_49 = arith.constant 0 : i32
          %dma_start3A_50 = tpu.memref_slice %arg14[%dma_start3A_49] : memref<624xf32, #tpu.memory_space<vmem>> -> memref<16xf32, #tpu.memory_space<vmem>>
          tpu.enqueue_dma source(%dma_start3A_50 : memref<16xf32, #tpu.memory_space<vmem>>) target(%dma_start3A_48 : memref<16xf32, #tpu.memory_space<vmem_shared>>) target_semaphore(%run_scoped3A : memref<!tpu.dma_semaphore, #tpu.memory_space<semaphore_mem>>)
          %dma_wait3A = arith.constant 0 : i32
          %dma_wait3A_51 = tpu.memref_slice %arg14[%dma_wait3A] : memref<624xf32, #tpu.memory_space<vmem>> -> memref<16xf32, #tpu.memory_space<vmem>>
          %dma_wait3A_52 = arith.constant 9984 : i32
          %dma_wait3A_53 = tpu.memref_slice %arg12[%dma_wait3A_52] : memref<10008xf32, #tpu.memory_space<vmem_shared>> -> memref<16xf32, #tpu.memory_space<vmem_shared>>
          %dma_wait3A_54 = arith.constant 9984 : i32
          %dma_wait3A_55 = tpu.memref_slice %arg12[%dma_wait3A_54] : memref<10008xf32, #tpu.memory_space<vmem_shared>> -> memref<16xf32, #tpu.memory_space<vmem_shared>>
          %dma_wait3A_56 = arith.constant 0 : i32
          %dma_wait3A_57 = tpu.memref_slice %arg14[%dma_wait3A_56] : memref<624xf32, #tpu.memory_space<vmem>> -> memref<16xf32, #tpu.memory_space<vmem>>
          tpu.wait_dma2 semaphore(%run_scoped3A : memref<!tpu.dma_semaphore, #tpu.memory_space<semaphore_mem>>) src(%dma_wait3A_57 : memref<16xf32, #tpu.memory_space<vmem>>) dst(%dma_wait3A_55 : memref<16xf32, #tpu.memory_space<vmem_shared>>)
          tpu.yield
        }) : () -> ()
      } else {
      }
      %barrier3A = arith.constant 0 : index
      tpu.barrier barrier_id(%barrier3A)
      %scan3A = arith.constant 0 : i32
      %scan3A_15 = arith.constant 0 : i32
      %scan3A_16 = arith.constant 5 : i32
      %scan3A_17 = arith.addi %scan3A_15, %scan3A_16 : i32
      %scan3A_18 = arith.constant 1 : i32
      scf.for %scan3A_44 = %scan3A_15 to %scan3A_17 step %scan3A_18  : i32 {
        %mul3A_45 = arith.constant 32 : i32
        %mul3A_46 = arith.muli %scan3A_44, %mul3A_45 : i32
        %add3A = arith.addi %mul3A_0, %mul3A_46 : i32
        "tpu.region"() ({
          %run_scoped3A = tpu.sem_alloc : memref<!tpu.dma_semaphore, #tpu.memory_space<semaphore_mem>>
          %dma_start3A_58 = arith.constant 0 : i32
          %dma_start3A_59 = tpu.memref_slice %arg2[%add3A, %dma_start3A_58] : memref<2560x128xi32, #tpu.memory_space<hbm>> -> memref<32x128xi32, #tpu.memory_space<hbm>>
          %dma_start3A_60 = arith.constant 0 : i32
          %dma_start3A_61 = tpu.memref_slice %arg2[%add3A, %dma_start3A_60] : memref<2560x128xi32, #tpu.memory_space<hbm>> -> memref<32x128xi32, #tpu.memory_space<hbm>>
          tpu.enqueue_dma source(%dma_start3A_61 : memref<32x128xi32, #tpu.memory_space<hbm>>) target(%arg16 : memref<32x128xi32, #tpu.memory_space<vmem>>) target_semaphore(%run_scoped3A : memref<!tpu.dma_semaphore, #tpu.memory_space<semaphore_mem>>)
          %dma_wait3A = arith.constant 0 : i32
          %dma_wait3A_62 = tpu.memref_slice %arg2[%add3A, %dma_wait3A] : memref<2560x128xi32, #tpu.memory_space<hbm>> -> memref<32x128xi32, #tpu.memory_space<hbm>>
          %dma_wait3A_63 = arith.constant 0 : i32
          %dma_wait3A_64 = tpu.memref_slice %arg2[%add3A, %dma_wait3A_63] : memref<2560x128xi32, #tpu.memory_space<hbm>> -> memref<32x128xi32, #tpu.memory_space<hbm>>
          tpu.wait_dma2 semaphore(%run_scoped3A : memref<!tpu.dma_semaphore, #tpu.memory_space<semaphore_mem>>) src(%dma_wait3A_64 : memref<32x128xi32, #tpu.memory_space<hbm>>) dst(%arg16 : memref<32x128xi32, #tpu.memory_space<vmem>>)
          tpu.yield
        }) : () -> ()
        %dma_start3A = arith.constant 0 : i32
        %dma_start3A_47 = arith.constant 0 : i32
        %dma_start3A_48 = tpu.memref_slice %arg16[%dma_start3A, %dma_start3A_47] : memref<32x128xi32, #tpu.memory_space<vmem>> -> memref<1x128xi32, #tpu.memory_space<vmem>>
        %dma_start3A_49 = tpu.memref_squeeze %dma_start3A_48 : memref<1x128xi32, #tpu.memory_space<vmem>> -> memref<128xi32, #tpu.memory_space<vmem>>
        %dma_start3A_50 = arith.constant 0 : i32
        %dma_start3A_51 = tpu.memref_slice %arg12[%dma_start3A_50] : memref<10008xf32, #tpu.memory_space<vmem_shared>> -> memref<10008xf32, #tpu.memory_space<vmem_shared>>
        tpu.enqueue_indirect_dma source(%arg13 : memref<128xf32, #tpu.memory_space<vmem>>) target(%dma_start3A_51 : memref<10008xf32, #tpu.memory_space<vmem_shared>>) offsets(%dma_start3A_49 : memref<128xi32, #tpu.memory_space<vmem>>) semaphore(%arg17 : memref<!tpu.dma_semaphore, #tpu.memory_space<semaphore_mem>>) {add = true}
        %scan3A_52 = arith.constant 0 : i32
        %scan3A_53 = arith.constant 0 : i32
        %scan3A_54 = arith.constant 16 : i32
        %scan3A_55 = arith.addi %scan3A_53, %scan3A_54 : i32
        %scan3A_56 = arith.constant 1 : i32
        scf.for %scan3A_58 = %scan3A_53 to %scan3A_55 step %scan3A_56  : i32 {
          %mul3A_59 = arith.constant 2 : i32
          %mul3A_60 = arith.muli %mul3A_59, %scan3A_58 : i32
          %add3A_61 = arith.constant 1 : i32
          %add3A_62 = arith.addi %mul3A_60, %add3A_61 : i32
          %dma_start3A_63 = arith.constant 0 : i32
          %dma_start3A_64 = tpu.memref_slice %arg16[%add3A_62, %dma_start3A_63] : memref<32x128xi32, #tpu.memory_space<vmem>> -> memref<1x128xi32, #tpu.memory_space<vmem>>
          %dma_start3A_65 = tpu.memref_squeeze %dma_start3A_64 : memref<1x128xi32, #tpu.memory_space<vmem>> -> memref<128xi32, #tpu.memory_space<vmem>>
          %dma_start3A_66 = arith.constant 0 : i32
          %dma_start3A_67 = tpu.memref_slice %arg12[%dma_start3A_66] : memref<10008xf32, #tpu.memory_space<vmem_shared>> -> memref<10008xf32, #tpu.memory_space<vmem_shared>>
          tpu.enqueue_indirect_dma source(%arg13 : memref<128xf32, #tpu.memory_space<vmem>>) target(%dma_start3A_67 : memref<10008xf32, #tpu.memory_space<vmem_shared>>) offsets(%dma_start3A_65 : memref<128xi32, #tpu.memory_space<vmem>>) semaphore(%arg18 : memref<!tpu.dma_semaphore, #tpu.memory_space<semaphore_mem>>) {add = true}
          %dma_wait3A = arith.constant 0 : i32
          %dma_wait3A_68 = tpu.memref_slice %arg16[%mul3A_60, %dma_wait3A] : memref<32x128xi32, #tpu.memory_space<vmem>> -> memref<1x128xi32, #tpu.memory_space<vmem>>
          %dma_wait3A_69 = tpu.memref_squeeze %dma_wait3A_68 : memref<1x128xi32, #tpu.memory_space<vmem>> -> memref<128xi32, #tpu.memory_space<vmem>>
          %dma_wait3A_70 = arith.constant 0 : i32
          %dma_wait3A_71 = tpu.memref_slice %arg12[%dma_wait3A_70] : memref<10008xf32, #tpu.memory_space<vmem_shared>> -> memref<10008xf32, #tpu.memory_space<vmem_shared>>
          tpu.wait_indirect_dma semaphore(%arg17 : memref<!tpu.dma_semaphore, #tpu.memory_space<semaphore_mem>>) src(%arg13 : memref<128xf32, #tpu.memory_space<vmem>>) dst(%dma_wait3A_71 : memref<10008xf32, #tpu.memory_space<vmem_shared>>)
          %add3A_72 = arith.constant 2 : i32
          %add3A_73 = arith.addi %mul3A_60, %add3A_72 : i32
          %lt3A = arith.constant 32 : i32
          %lt3A_74 = arith.cmpi slt, %add3A_73, %lt3A : i32
          %convert_element_type3A_75 = arith.extui %lt3A_74 : i1 to i32
          %cond3A_76 = arith.constant 0 : i32
          %cond3A_77 = arith.cmpi ne, %convert_element_type3A_75, %cond3A_76 : i32
          scf.if %cond3A_77 {
            %add3A_83 = arith.constant 2 : i32
            %add3A_84 = arith.addi %mul3A_60, %add3A_83 : i32
            %dma_start3A_85 = arith.constant 0 : i32
            %dma_start3A_86 = tpu.memref_slice %arg16[%add3A_84, %dma_start3A_85] : memref<32x128xi32, #tpu.memory_space<vmem>> -> memref<1x128xi32, #tpu.memory_space<vmem>>
            %dma_start3A_87 = tpu.memref_squeeze %dma_start3A_86 : memref<1x128xi32, #tpu.memory_space<vmem>> -> memref<128xi32, #tpu.memory_space<vmem>>
            %dma_start3A_88 = arith.constant 0 : i32
            %dma_start3A_89 = tpu.memref_slice %arg12[%dma_start3A_88] : memref<10008xf32, #tpu.memory_space<vmem_shared>> -> memref<10008xf32, #tpu.memory_space<vmem_shared>>
            tpu.enqueue_indirect_dma source(%arg13 : memref<128xf32, #tpu.memory_space<vmem>>) target(%dma_start3A_89 : memref<10008xf32, #tpu.memory_space<vmem_shared>>) offsets(%dma_start3A_87 : memref<128xi32, #tpu.memory_space<vmem>>) semaphore(%arg17 : memref<!tpu.dma_semaphore, #tpu.memory_space<semaphore_mem>>) {add = true}
          } else {
          }
          %dma_wait3A_78 = arith.constant 0 : i32
          %dma_wait3A_79 = tpu.memref_slice %arg16[%add3A_62, %dma_wait3A_78] : memref<32x128xi32, #tpu.memory_space<vmem>> -> memref<1x128xi32, #tpu.memory_space<vmem>>
          %dma_wait3A_80 = tpu.memref_squeeze %dma_wait3A_79 : memref<1x128xi32, #tpu.memory_space<vmem>> -> memref<128xi32, #tpu.memory_space<vmem>>
          %dma_wait3A_81 = arith.constant 0 : i32
          %dma_wait3A_82 = tpu.memref_slice %arg12[%dma_wait3A_81] : memref<10008xf32, #tpu.memory_space<vmem_shared>> -> memref<10008xf32, #tpu.memory_space<vmem_shared>>
          tpu.wait_indirect_dma semaphore(%arg18 : memref<!tpu.dma_semaphore, #tpu.memory_space<semaphore_mem>>) src(%arg13 : memref<128xf32, #tpu.memory_space<vmem>>) dst(%dma_wait3A_82 : memref<10008xf32, #tpu.memory_space<vmem_shared>>)
        }
        %scan3A_57 = arith.constant 16 : i32
      }
      %scan3A_19 = arith.constant 5 : i32
      %barrier3A_20 = arith.constant 0 : index
      tpu.barrier barrier_id(%barrier3A_20)
      "tpu.region"() ({
        %run_scoped3A = tpu.sem_alloc : memref<!tpu.dma_semaphore, #tpu.memory_space<semaphore_mem>>
        %dma_start3A = tpu.memref_slice %arg12[%mul3A_2] : memref<10008xf32, #tpu.memory_space<vmem_shared>> -> memref<624xf32, #tpu.memory_space<vmem_shared>>
        %dma_start3A_44 = tpu.memref_slice %arg12[%mul3A_2] : memref<10008xf32, #tpu.memory_space<vmem_shared>> -> memref<624xf32, #tpu.memory_space<vmem_shared>>
        tpu.enqueue_dma source(%dma_start3A_44 : memref<624xf32, #tpu.memory_space<vmem_shared>>) target(%arg15 : memref<624xf32, #tpu.memory_space<vmem>>) target_semaphore(%run_scoped3A : memref<!tpu.dma_semaphore, #tpu.memory_space<semaphore_mem>>)
        %dma_wait3A = tpu.memref_slice %arg12[%mul3A_2] : memref<10008xf32, #tpu.memory_space<vmem_shared>> -> memref<624xf32, #tpu.memory_space<vmem_shared>>
        %dma_wait3A_45 = tpu.memref_slice %arg12[%mul3A_2] : memref<10008xf32, #tpu.memory_space<vmem_shared>> -> memref<624xf32, #tpu.memory_space<vmem_shared>>
        tpu.wait_dma2 semaphore(%run_scoped3A : memref<!tpu.dma_semaphore, #tpu.memory_space<semaphore_mem>>) src(%dma_wait3A_45 : memref<624xf32, #tpu.memory_space<vmem_shared>>) dst(%arg15 : memref<624xf32, #tpu.memory_space<vmem>>)
        tpu.yield
      }) : () -> ()
      "tpu.region"() ({
        %run_scoped3A = tpu.sem_alloc : memref<!tpu.dma_semaphore, #tpu.memory_space<semaphore_mem>>
        %dma_start3A = tpu.memref_slice %arg8[%mul3A_2] : memref<10000xf32, #tpu.memory_space<hbm>> -> memref<624xf32, #tpu.memory_space<hbm>>
        %dma_start3A_44 = tpu.memref_slice %arg8[%mul3A_2] : memref<10000xf32, #tpu.memory_space<hbm>> -> memref<624xf32, #tpu.memory_space<hbm>>
        tpu.enqueue_dma source(%arg15 : memref<624xf32, #tpu.memory_space<vmem>>) target(%dma_start3A_44 : memref<624xf32, #tpu.memory_space<hbm>>) target_semaphore(%run_scoped3A : memref<!tpu.dma_semaphore, #tpu.memory_space<semaphore_mem>>)
        %dma_wait3A = tpu.memref_slice %arg8[%mul3A_2] : memref<10000xf32, #tpu.memory_space<hbm>> -> memref<624xf32, #tpu.memory_space<hbm>>
        %dma_wait3A_45 = tpu.memref_slice %arg8[%mul3A_2] : memref<10000xf32, #tpu.memory_space<hbm>> -> memref<624xf32, #tpu.memory_space<hbm>>
        tpu.wait_dma2 semaphore(%run_scoped3A : memref<!tpu.dma_semaphore, #tpu.memory_space<semaphore_mem>>) src(%arg15 : memref<624xf32, #tpu.memory_space<vmem>>) dst(%dma_wait3A_45 : memref<624xf32, #tpu.memory_space<hbm>>)
        tpu.yield
      }) : () -> ()
      %eq3A_21 = arith.constant 15 : i32
      %eq3A_22 = arith.cmpi eq, %arg1, %eq3A_21 : i32
      %convert_element_type3A_23 = arith.extui %eq3A_22 : i1 to i32
      %cond3A_24 = arith.constant 0 : i32
      %cond3A_25 = arith.cmpi ne, %convert_element_type3A_23, %cond3A_24 : i32
      scf.if %cond3A_25 {
        "tpu.region"() ({
          %run_scoped3A = tpu.sem_alloc : memref<!tpu.dma_semaphore, #tpu.memory_space<semaphore_mem>>
          %dma_start3A = arith.constant 0 : i32
          %dma_start3A_44 = tpu.memref_slice %arg15[%dma_start3A] : memref<624xf32, #tpu.memory_space<vmem>> -> memref<16xf32, #tpu.memory_space<vmem>>
          %dma_start3A_45 = arith.constant 9984 : i32
          %dma_start3A_46 = tpu.memref_slice %arg12[%dma_start3A_45] : memref<10008xf32, #tpu.memory_space<vmem_shared>> -> memref<16xf32, #tpu.memory_space<vmem_shared>>
          %dma_start3A_47 = arith.constant 0 : i32
          %dma_start3A_48 = tpu.memref_slice %arg15[%dma_start3A_47] : memref<624xf32, #tpu.memory_space<vmem>> -> memref<16xf32, #tpu.memory_space<vmem>>
          %dma_start3A_49 = arith.constant 9984 : i32
          %dma_start3A_50 = tpu.memref_slice %arg12[%dma_start3A_49] : memref<10008xf32, #tpu.memory_space<vmem_shared>> -> memref<16xf32, #tpu.memory_space<vmem_shared>>
          tpu.enqueue_dma source(%dma_start3A_50 : memref<16xf32, #tpu.memory_space<vmem_shared>>) target(%dma_start3A_48 : memref<16xf32, #tpu.memory_space<vmem>>) target_semaphore(%run_scoped3A : memref<!tpu.dma_semaphore, #tpu.memory_space<semaphore_mem>>)
          %dma_wait3A = arith.constant 0 : i32
          %dma_wait3A_51 = tpu.memref_slice %arg15[%dma_wait3A] : memref<624xf32, #tpu.memory_space<vmem>> -> memref<16xf32, #tpu.memory_space<vmem>>
          %dma_wait3A_52 = arith.constant 9984 : i32
          %dma_wait3A_53 = tpu.memref_slice %arg12[%dma_wait3A_52] : memref<10008xf32, #tpu.memory_space<vmem_shared>> -> memref<16xf32, #tpu.memory_space<vmem_shared>>
          %dma_wait3A_54 = arith.constant 0 : i32
          %dma_wait3A_55 = tpu.memref_slice %arg15[%dma_wait3A_54] : memref<624xf32, #tpu.memory_space<vmem>> -> memref<16xf32, #tpu.memory_space<vmem>>
          %dma_wait3A_56 = arith.constant 9984 : i32
          %dma_wait3A_57 = tpu.memref_slice %arg12[%dma_wait3A_56] : memref<10008xf32, #tpu.memory_space<vmem_shared>> -> memref<16xf32, #tpu.memory_space<vmem_shared>>
          tpu.wait_dma2 semaphore(%run_scoped3A : memref<!tpu.dma_semaphore, #tpu.memory_space<semaphore_mem>>) src(%dma_wait3A_57 : memref<16xf32, #tpu.memory_space<vmem_shared>>) dst(%dma_wait3A_55 : memref<16xf32, #tpu.memory_space<vmem>>)
          tpu.yield
        }) : () -> ()
        "tpu.region"() ({
          %run_scoped3A = tpu.sem_alloc : memref<!tpu.dma_semaphore, #tpu.memory_space<semaphore_mem>>
          %dma_start3A = arith.constant 0 : i32
          %dma_start3A_44 = tpu.memref_slice %arg15[%dma_start3A] : memref<624xf32, #tpu.memory_space<vmem>> -> memref<16xf32, #tpu.memory_space<vmem>>
          %dma_start3A_45 = arith.constant 9984 : i32
          %dma_start3A_46 = tpu.memref_slice %arg8[%dma_start3A_45] : memref<10000xf32, #tpu.memory_space<hbm>> -> memref<16xf32, #tpu.memory_space<hbm>>
          %dma_start3A_47 = arith.constant 9984 : i32
          %dma_start3A_48 = tpu.memref_slice %arg8[%dma_start3A_47] : memref<10000xf32, #tpu.memory_space<hbm>> -> memref<16xf32, #tpu.memory_space<hbm>>
          %dma_start3A_49 = arith.constant 0 : i32
          %dma_start3A_50 = tpu.memref_slice %arg15[%dma_start3A_49] : memref<624xf32, #tpu.memory_space<vmem>> -> memref<16xf32, #tpu.memory_space<vmem>>
          tpu.enqueue_dma source(%dma_start3A_50 : memref<16xf32, #tpu.memory_space<vmem>>) target(%dma_start3A_48 : memref<16xf32, #tpu.memory_space<hbm>>) target_semaphore(%run_scoped3A : memref<!tpu.dma_semaphore, #tpu.memory_space<semaphore_mem>>)
          %dma_wait3A = arith.constant 0 : i32
          %dma_wait3A_51 = tpu.memref_slice %arg15[%dma_wait3A] : memref<624xf32, #tpu.memory_space<vmem>> -> memref<16xf32, #tpu.memory_space<vmem>>
          %dma_wait3A_52 = arith.constant 9984 : i32
          %dma_wait3A_53 = tpu.memref_slice %arg8[%dma_wait3A_52] : memref<10000xf32, #tpu.memory_space<hbm>> -> memref<16xf32, #tpu.memory_space<hbm>>
          %dma_wait3A_54 = arith.constant 9984 : i32
          %dma_wait3A_55 = tpu.memref_slice %arg8[%dma_wait3A_54] : memref<10000xf32, #tpu.memory_space<hbm>> -> memref<16xf32, #tpu.memory_space<hbm>>
          %dma_wait3A_56 = arith.constant 0 : i32
          %dma_wait3A_57 = tpu.memref_slice %arg15[%dma_wait3A_56] : memref<624xf32, #tpu.memory_space<vmem>> -> memref<16xf32, #tpu.memory_space<vmem>>
          tpu.wait_dma2 semaphore(%run_scoped3A : memref<!tpu.dma_semaphore, #tpu.memory_space<semaphore_mem>>) src(%dma_wait3A_57 : memref<16xf32, #tpu.memory_space<vmem>>) dst(%dma_wait3A_55 : memref<16xf32, #tpu.memory_space<hbm>>)
          tpu.yield
        }) : () -> ()
      } else {
      }
      "tpu.region"() ({
        %run_scoped3A = tpu.sem_alloc : memref<!tpu.dma_semaphore, #tpu.memory_space<semaphore_mem>>
        %dma_start3A = tpu.memref_slice %arg12[%mul3A_2] : memref<10008xf32, #tpu.memory_space<vmem_shared>> -> memref<624xf32, #tpu.memory_space<vmem_shared>>
        %dma_start3A_44 = tpu.memref_slice %arg12[%mul3A_2] : memref<10008xf32, #tpu.memory_space<vmem_shared>> -> memref<624xf32, #tpu.memory_space<vmem_shared>>
        tpu.enqueue_dma source(%arg14 : memref<624xf32, #tpu.memory_space<vmem>>) target(%dma_start3A_44 : memref<624xf32, #tpu.memory_space<vmem_shared>>) target_semaphore(%run_scoped3A : memref<!tpu.dma_semaphore, #tpu.memory_space<semaphore_mem>>)
        %dma_wait3A = tpu.memref_slice %arg12[%mul3A_2] : memref<10008xf32, #tpu.memory_space<vmem_shared>> -> memref<624xf32, #tpu.memory_space<vmem_shared>>
        %dma_wait3A_45 = tpu.memref_slice %arg12[%mul3A_2] : memref<10008xf32, #tpu.memory_space<vmem_shared>> -> memref<624xf32, #tpu.memory_space<vmem_shared>>
        tpu.wait_dma2 semaphore(%run_scoped3A : memref<!tpu.dma_semaphore, #tpu.memory_space<semaphore_mem>>) src(%arg14 : memref<624xf32, #tpu.memory_space<vmem>>) dst(%dma_wait3A_45 : memref<624xf32, #tpu.memory_space<vmem_shared>>)
        tpu.yield
      }) : () -> ()
      %eq3A_26 = arith.constant 15 : i32
      %eq3A_27 = arith.cmpi eq, %arg1, %eq3A_26 : i32
      %convert_element_type3A_28 = arith.extui %eq3A_27 : i1 to i32
      %cond3A_29 = arith.constant 0 : i32
      %cond3A_30 = arith.cmpi ne, %convert_element_type3A_28, %cond3A_29 : i32
      scf.if %cond3A_30 {
        "tpu.region"() ({
          %run_scoped3A = tpu.sem_alloc : memref<!tpu.dma_semaphore, #tpu.memory_space<semaphore_mem>>
          %dma_start3A = arith.constant 0 : i32
          %dma_start3A_44 = tpu.memref_slice %arg14[%dma_start3A] : memref<624xf32, #tpu.memory_space<vmem>> -> memref<16xf32, #tpu.memory_space<vmem>>
          %dma_start3A_45 = arith.constant 9984 : i32
          %dma_start3A_46 = tpu.memref_slice %arg12[%dma_start3A_45] : memref<10008xf32, #tpu.memory_space<vmem_shared>> -> memref<16xf32, #tpu.memory_space<vmem_shared>>
          %dma_start3A_47 = arith.constant 9984 : i32
          %dma_start3A_48 = tpu.memref_slice %arg12[%dma_start3A_47] : memref<10008xf32, #tpu.memory_space<vmem_shared>> -> memref<16xf32, #tpu.memory_space<vmem_shared>>
          %dma_start3A_49 = arith.constant 0 : i32
          %dma_start3A_50 = tpu.memref_slice %arg14[%dma_start3A_49] : memref<624xf32, #tpu.memory_space<vmem>> -> memref<16xf32, #tpu.memory_space<vmem>>
          tpu.enqueue_dma source(%dma_start3A_50 : memref<16xf32, #tpu.memory_space<vmem>>) target(%dma_start3A_48 : memref<16xf32, #tpu.memory_space<vmem_shared>>) target_semaphore(%run_scoped3A : memref<!tpu.dma_semaphore, #tpu.memory_space<semaphore_mem>>)
          %dma_wait3A = arith.constant 0 : i32
          %dma_wait3A_51 = tpu.memref_slice %arg14[%dma_wait3A] : memref<624xf32, #tpu.memory_space<vmem>> -> memref<16xf32, #tpu.memory_space<vmem>>
          %dma_wait3A_52 = arith.constant 9984 : i32
          %dma_wait3A_53 = tpu.memref_slice %arg12[%dma_wait3A_52] : memref<10008xf32, #tpu.memory_space<vmem_shared>> -> memref<16xf32, #tpu.memory_space<vmem_shared>>
          %dma_wait3A_54 = arith.constant 9984 : i32
          %dma_wait3A_55 = tpu.memref_slice %arg12[%dma_wait3A_54] : memref<10008xf32, #tpu.memory_space<vmem_shared>> -> memref<16xf32, #tpu.memory_space<vmem_shared>>
          %dma_wait3A_56 = arith.constant 0 : i32
          %dma_wait3A_57 = tpu.memref_slice %arg14[%dma_wait3A_56] : memref<624xf32, #tpu.memory_space<vmem>> -> memref<16xf32, #tpu.memory_space<vmem>>
          tpu.wait_dma2 semaphore(%run_scoped3A : memref<!tpu.dma_semaphore, #tpu.memory_space<semaphore_mem>>) src(%dma_wait3A_57 : memref<16xf32, #tpu.memory_space<vmem>>) dst(%dma_wait3A_55 : memref<16xf32, #tpu.memory_space<vmem_shared>>)
          tpu.yield
        }) : () -> ()
      } else {
      }
      %barrier3A_31 = arith.constant 0 : index
      tpu.barrier barrier_id(%barrier3A_31)
      %scan3A_32 = arith.constant 0 : i32
      %scan3A_33 = arith.constant 0 : i32
      %scan3A_34 = arith.constant 5 : i32
      %scan3A_35 = arith.addi %scan3A_33, %scan3A_34 : i32
      %scan3A_36 = arith.constant 1 : i32
      scf.for %scan3A_44 = %scan3A_33 to %scan3A_35 step %scan3A_36  : i32 {
        %mul3A_45 = arith.constant 32 : i32
        %mul3A_46 = arith.muli %scan3A_44, %mul3A_45 : i32
        %add3A = arith.addi %mul3A_0, %mul3A_46 : i32
        "tpu.region"() ({
          %run_scoped3A = tpu.sem_alloc : memref<!tpu.dma_semaphore, #tpu.memory_space<semaphore_mem>>
          %dma_start3A_58 = arith.constant 0 : i32
          %dma_start3A_59 = tpu.memref_slice %arg3[%add3A, %dma_start3A_58] : memref<2560x128xi32, #tpu.memory_space<hbm>> -> memref<32x128xi32, #tpu.memory_space<hbm>>
          %dma_start3A_60 = arith.constant 0 : i32
          %dma_start3A_61 = tpu.memref_slice %arg3[%add3A, %dma_start3A_60] : memref<2560x128xi32, #tpu.memory_space<hbm>> -> memref<32x128xi32, #tpu.memory_space<hbm>>
          tpu.enqueue_dma source(%dma_start3A_61 : memref<32x128xi32, #tpu.memory_space<hbm>>) target(%arg16 : memref<32x128xi32, #tpu.memory_space<vmem>>) target_semaphore(%run_scoped3A : memref<!tpu.dma_semaphore, #tpu.memory_space<semaphore_mem>>)
          %dma_wait3A = arith.constant 0 : i32
          %dma_wait3A_62 = tpu.memref_slice %arg3[%add3A, %dma_wait3A] : memref<2560x128xi32, #tpu.memory_space<hbm>> -> memref<32x128xi32, #tpu.memory_space<hbm>>
          %dma_wait3A_63 = arith.constant 0 : i32
          %dma_wait3A_64 = tpu.memref_slice %arg3[%add3A, %dma_wait3A_63] : memref<2560x128xi32, #tpu.memory_space<hbm>> -> memref<32x128xi32, #tpu.memory_space<hbm>>
          tpu.wait_dma2 semaphore(%run_scoped3A : memref<!tpu.dma_semaphore, #tpu.memory_space<semaphore_mem>>) src(%dma_wait3A_64 : memref<32x128xi32, #tpu.memory_space<hbm>>) dst(%arg16 : memref<32x128xi32, #tpu.memory_space<vmem>>)
          tpu.yield
        }) : () -> ()
        %dma_start3A = arith.constant 0 : i32
        %dma_start3A_47 = arith.constant 0 : i32
        %dma_start3A_48 = tpu.memref_slice %arg16[%dma_start3A, %dma_start3A_47] : memref<32x128xi32, #tpu.memory_space<vmem>> -> memref<1x128xi32, #tpu.memory_space<vmem>>
        %dma_start3A_49 = tpu.memref_squeeze %dma_start3A_48 : memref<1x128xi32, #tpu.memory_space<vmem>> -> memref<128xi32, #tpu.memory_space<vmem>>
        %dma_start3A_50 = arith.constant 0 : i32
        %dma_start3A_51 = tpu.memref_slice %arg12[%dma_start3A_50] : memref<10008xf32, #tpu.memory_space<vmem_shared>> -> memref<10008xf32, #tpu.memory_space<vmem_shared>>
        tpu.enqueue_indirect_dma source(%arg13 : memref<128xf32, #tpu.memory_space<vmem>>) target(%dma_start3A_51 : memref<10008xf32, #tpu.memory_space<vmem_shared>>) offsets(%dma_start3A_49 : memref<128xi32, #tpu.memory_space<vmem>>) semaphore(%arg17 : memref<!tpu.dma_semaphore, #tpu.memory_space<semaphore_mem>>) {add = true}
        %scan3A_52 = arith.constant 0 : i32
        %scan3A_53 = arith.constant 0 : i32
        %scan3A_54 = arith.constant 16 : i32
        %scan3A_55 = arith.addi %scan3A_53, %scan3A_54 : i32
        %scan3A_56 = arith.constant 1 : i32
        scf.for %scan3A_58 = %scan3A_53 to %scan3A_55 step %scan3A_56  : i32 {
          %mul3A_59 = arith.constant 2 : i32
          %mul3A_60 = arith.muli %mul3A_59, %scan3A_58 : i32
          %add3A_61 = arith.constant 1 : i32
          %add3A_62 = arith.addi %mul3A_60, %add3A_61 : i32
          %dma_start3A_63 = arith.constant 0 : i32
          %dma_start3A_64 = tpu.memref_slice %arg16[%add3A_62, %dma_start3A_63] : memref<32x128xi32, #tpu.memory_space<vmem>> -> memref<1x128xi32, #tpu.memory_space<vmem>>
          %dma_start3A_65 = tpu.memref_squeeze %dma_start3A_64 : memref<1x128xi32, #tpu.memory_space<vmem>> -> memref<128xi32, #tpu.memory_space<vmem>>
          %dma_start3A_66 = arith.constant 0 : i32
          %dma_start3A_67 = tpu.memref_slice %arg12[%dma_start3A_66] : memref<10008xf32, #tpu.memory_space<vmem_shared>> -> memref<10008xf32, #tpu.memory_space<vmem_shared>>
          tpu.enqueue_indirect_dma source(%arg13 : memref<128xf32, #tpu.memory_space<vmem>>) target(%dma_start3A_67 : memref<10008xf32, #tpu.memory_space<vmem_shared>>) offsets(%dma_start3A_65 : memref<128xi32, #tpu.memory_space<vmem>>) semaphore(%arg18 : memref<!tpu.dma_semaphore, #tpu.memory_space<semaphore_mem>>) {add = true}
          %dma_wait3A = arith.constant 0 : i32
          %dma_wait3A_68 = tpu.memref_slice %arg16[%mul3A_60, %dma_wait3A] : memref<32x128xi32, #tpu.memory_space<vmem>> -> memref<1x128xi32, #tpu.memory_space<vmem>>
          %dma_wait3A_69 = tpu.memref_squeeze %dma_wait3A_68 : memref<1x128xi32, #tpu.memory_space<vmem>> -> memref<128xi32, #tpu.memory_space<vmem>>
          %dma_wait3A_70 = arith.constant 0 : i32
          %dma_wait3A_71 = tpu.memref_slice %arg12[%dma_wait3A_70] : memref<10008xf32, #tpu.memory_space<vmem_shared>> -> memref<10008xf32, #tpu.memory_space<vmem_shared>>
          tpu.wait_indirect_dma semaphore(%arg17 : memref<!tpu.dma_semaphore, #tpu.memory_space<semaphore_mem>>) src(%arg13 : memref<128xf32, #tpu.memory_space<vmem>>) dst(%dma_wait3A_71 : memref<10008xf32, #tpu.memory_space<vmem_shared>>)
          %add3A_72 = arith.constant 2 : i32
          %add3A_73 = arith.addi %mul3A_60, %add3A_72 : i32
          %lt3A = arith.constant 32 : i32
          %lt3A_74 = arith.cmpi slt, %add3A_73, %lt3A : i32
          %convert_element_type3A_75 = arith.extui %lt3A_74 : i1 to i32
          %cond3A_76 = arith.constant 0 : i32
          %cond3A_77 = arith.cmpi ne, %convert_element_type3A_75, %cond3A_76 : i32
          scf.if %cond3A_77 {
            %add3A_83 = arith.constant 2 : i32
            %add3A_84 = arith.addi %mul3A_60, %add3A_83 : i32
            %dma_start3A_85 = arith.constant 0 : i32
            %dma_start3A_86 = tpu.memref_slice %arg16[%add3A_84, %dma_start3A_85] : memref<32x128xi32, #tpu.memory_space<vmem>> -> memref<1x128xi32, #tpu.memory_space<vmem>>
            %dma_start3A_87 = tpu.memref_squeeze %dma_start3A_86 : memref<1x128xi32, #tpu.memory_space<vmem>> -> memref<128xi32, #tpu.memory_space<vmem>>
            %dma_start3A_88 = arith.constant 0 : i32
            %dma_start3A_89 = tpu.memref_slice %arg12[%dma_start3A_88] : memref<10008xf32, #tpu.memory_space<vmem_shared>> -> memref<10008xf32, #tpu.memory_space<vmem_shared>>
            tpu.enqueue_indirect_dma source(%arg13 : memref<128xf32, #tpu.memory_space<vmem>>) target(%dma_start3A_89 : memref<10008xf32, #tpu.memory_space<vmem_shared>>) offsets(%dma_start3A_87 : memref<128xi32, #tpu.memory_space<vmem>>) semaphore(%arg17 : memref<!tpu.dma_semaphore, #tpu.memory_space<semaphore_mem>>) {add = true}
          } else {
          }
          %dma_wait3A_78 = arith.constant 0 : i32
          %dma_wait3A_79 = tpu.memref_slice %arg16[%add3A_62, %dma_wait3A_78] : memref<32x128xi32, #tpu.memory_space<vmem>> -> memref<1x128xi32, #tpu.memory_space<vmem>>
          %dma_wait3A_80 = tpu.memref_squeeze %dma_wait3A_79 : memref<1x128xi32, #tpu.memory_space<vmem>> -> memref<128xi32, #tpu.memory_space<vmem>>
          %dma_wait3A_81 = arith.constant 0 : i32
          %dma_wait3A_82 = tpu.memref_slice %arg12[%dma_wait3A_81] : memref<10008xf32, #tpu.memory_space<vmem_shared>> -> memref<10008xf32, #tpu.memory_space<vmem_shared>>
          tpu.wait_indirect_dma semaphore(%arg18 : memref<!tpu.dma_semaphore, #tpu.memory_space<semaphore_mem>>) src(%arg13 : memref<128xf32, #tpu.memory_space<vmem>>) dst(%dma_wait3A_82 : memref<10008xf32, #tpu.memory_space<vmem_shared>>)
        }
        %scan3A_57 = arith.constant 16 : i32
      }
      %scan3A_37 = arith.constant 5 : i32
      %barrier3A_38 = arith.constant 0 : index
      tpu.barrier barrier_id(%barrier3A_38)
      "tpu.region"() ({
        %run_scoped3A = tpu.sem_alloc : memref<!tpu.dma_semaphore, #tpu.memory_space<semaphore_mem>>
        %dma_start3A = tpu.memref_slice %arg12[%mul3A_2] : memref<10008xf32, #tpu.memory_space<vmem_shared>> -> memref<624xf32, #tpu.memory_space<vmem_shared>>
        %dma_start3A_44 = tpu.memref_slice %arg12[%mul3A_2] : memref<10008xf32, #tpu.memory_space<vmem_shared>> -> memref<624xf32, #tpu.memory_space<vmem_shared>>
        tpu.enqueue_dma source(%dma_start3A_44 : memref<624xf32, #tpu.memory_space<vmem_shared>>) target(%arg15 : memref<624xf32, #tpu.memory_space<vmem>>) target_semaphore(%run_scoped3A : memref<!tpu.dma_semaphore, #tpu.memory_space<semaphore_mem>>)
        %dma_wait3A = tpu.memref_slice %arg12[%mul3A_2] : memref<10008xf32, #tpu.memory_space<vmem_shared>> -> memref<624xf32, #tpu.memory_space<vmem_shared>>
        %dma_wait3A_45 = tpu.memref_slice %arg12[%mul3A_2] : memref<10008xf32, #tpu.memory_space<vmem_shared>> -> memref<624xf32, #tpu.memory_space<vmem_shared>>
        tpu.wait_dma2 semaphore(%run_scoped3A : memref<!tpu.dma_semaphore, #tpu.memory_space<semaphore_mem>>) src(%dma_wait3A_45 : memref<624xf32, #tpu.memory_space<vmem_shared>>) dst(%arg15 : memref<624xf32, #tpu.memory_space<vmem>>)
        tpu.yield
      }) : () -> ()
      "tpu.region"() ({
        %run_scoped3A = tpu.sem_alloc : memref<!tpu.dma_semaphore, #tpu.memory_space<semaphore_mem>>
        %dma_start3A = tpu.memref_slice %arg9[%mul3A_2] : memref<10000xf32, #tpu.memory_space<hbm>> -> memref<624xf32, #tpu.memory_space<hbm>>
        %dma_start3A_44 = tpu.memref_slice %arg9[%mul3A_2] : memref<10000xf32, #tpu.memory_space<hbm>> -> memref<624xf32, #tpu.memory_space<hbm>>
        tpu.enqueue_dma source(%arg15 : memref<624xf32, #tpu.memory_space<vmem>>) target(%dma_start3A_44 : memref<624xf32, #tpu.memory_space<hbm>>) target_semaphore(%run_scoped3A : memref<!tpu.dma_semaphore, #tpu.memory_space<semaphore_mem>>)
        %dma_wait3A = tpu.memref_slice %arg9[%mul3A_2] : memref<10000xf32, #tpu.memory_space<hbm>> -> memref<624xf32, #tpu.memory_space<hbm>>
        %dma_wait3A_45 = tpu.memref_slice %arg9[%mul3A_2] : memref<10000xf32, #tpu.memory_space<hbm>> -> memref<624xf32, #tpu.memory_space<hbm>>
        tpu.wait_dma2 semaphore(%run_scoped3A : memref<!tpu.dma_semaphore, #tpu.memory_space<semaphore_mem>>) src(%arg15 : memref<624xf32, #tpu.memory_space<vmem>>) dst(%dma_wait3A_45 : memref<624xf32, #tpu.memory_space<hbm>>)
        tpu.yield
      }) : () -> ()
      %eq3A_39 = arith.constant 15 : i32
      %eq3A_40 = arith.cmpi eq, %arg1, %eq3A_39 : i32
      %convert_element_type3A_41 = arith.extui %eq3A_40 : i1 to i32
      %cond3A_42 = arith.constant 0 : i32
      %cond3A_43 = arith.cmpi ne, %convert_element_type3A_41, %cond3A_42 : i32
      scf.if %cond3A_43 {
        "tpu.region"() ({
          %run_scoped3A = tpu.sem_alloc : memref<!tpu.dma_semaphore, #tpu.memory_space<semaphore_mem>>
          %dma_start3A = arith.constant 0 : i32
          %dma_start3A_44 = tpu.memref_slice %arg15[%dma_start3A] : memref<624xf32, #tpu.memory_space<vmem>> -> memref<16xf32, #tpu.memory_space<vmem>>
          %dma_start3A_45 = arith.constant 9984 : i32
          %dma_start3A_46 = tpu.memref_slice %arg12[%dma_start3A_45] : memref<10008xf32, #tpu.memory_space<vmem_shared>> -> memref<16xf32, #tpu.memory_space<vmem_shared>>
          %dma_start3A_47 = arith.constant 0 : i32
          %dma_start3A_48 = tpu.memref_slice %arg15[%dma_start3A_47] : memref<624xf32, #tpu.memory_space<vmem>> -> memref<16xf32, #tpu.memory_space<vmem>>
          %dma_start3A_49 = arith.constant 9984 : i32
          %dma_start3A_50 = tpu.memref_slice %arg12[%dma_start3A_49] : memref<10008xf32, #tpu.memory_space<vmem_shared>> -> memref<16xf32, #tpu.memory_space<vmem_shared>>
          tpu.enqueue_dma source(%dma_start3A_50 : memref<16xf32, #tpu.memory_space<vmem_shared>>) target(%dma_start3A_48 : memref<16xf32, #tpu.memory_space<vmem>>) target_semaphore(%run_scoped3A : memref<!tpu.dma_semaphore, #tpu.memory_space<semaphore_mem>>)
          %dma_wait3A = arith.constant 0 : i32
          %dma_wait3A_51 = tpu.memref_slice %arg15[%dma_wait3A] : memref<624xf32, #tpu.memory_space<vmem>> -> memref<16xf32, #tpu.memory_space<vmem>>
          %dma_wait3A_52 = arith.constant 9984 : i32
          %dma_wait3A_53 = tpu.memref_slice %arg12[%dma_wait3A_52] : memref<10008xf32, #tpu.memory_space<vmem_shared>> -> memref<16xf32, #tpu.memory_space<vmem_shared>>
          %dma_wait3A_54 = arith.constant 0 : i32
          %dma_wait3A_55 = tpu.memref_slice %arg15[%dma_wait3A_54] : memref<624xf32, #tpu.memory_space<vmem>> -> memref<16xf32, #tpu.memory_space<vmem>>
          %dma_wait3A_56 = arith.constant 9984 : i32
          %dma_wait3A_57 = tpu.memref_slice %arg12[%dma_wait3A_56] : memref<10008xf32, #tpu.memory_space<vmem_shared>> -> memref<16xf32, #tpu.memory_space<vmem_shared>>
          tpu.wait_dma2 semaphore(%run_scoped3A : memref<!tpu.dma_semaphore, #tpu.memory_space<semaphore_mem>>) src(%dma_wait3A_57 : memref<16xf32, #tpu.memory_space<vmem_shared>>) dst(%dma_wait3A_55 : memref<16xf32, #tpu.memory_space<vmem>>)
          tpu.yield
        }) : () -> ()
        "tpu.region"() ({
          %run_scoped3A = tpu.sem_alloc : memref<!tpu.dma_semaphore, #tpu.memory_space<semaphore_mem>>
          %dma_start3A = arith.constant 0 : i32
          %dma_start3A_44 = tpu.memref_slice %arg15[%dma_start3A] : memref<624xf32, #tpu.memory_space<vmem>> -> memref<16xf32, #tpu.memory_space<vmem>>
          %dma_start3A_45 = arith.constant 9984 : i32
          %dma_start3A_46 = tpu.memref_slice %arg9[%dma_start3A_45] : memref<10000xf32, #tpu.memory_space<hbm>> -> memref<16xf32, #tpu.memory_space<hbm>>
          %dma_start3A_47 = arith.constant 9984 : i32
          %dma_start3A_48 = tpu.memref_slice %arg9[%dma_start3A_47] : memref<10000xf32, #tpu.memory_space<hbm>> -> memref<16xf32, #tpu.memory_space<hbm>>
          %dma_start3A_49 = arith.constant 0 : i32
          %dma_start3A_50 = tpu.memref_slice %arg15[%dma_start3A_49] : memref<624xf32, #tpu.memory_space<vmem>> -> memref<16xf32, #tpu.memory_space<vmem>>
          tpu.enqueue_dma source(%dma_start3A_50 : memref<16xf32, #tpu.memory_space<vmem>>) target(%dma_start3A_48 : memref<16xf32, #tpu.memory_space<hbm>>) target_semaphore(%run_scoped3A : memref<!tpu.dma_semaphore, #tpu.memory_space<semaphore_mem>>)
          %dma_wait3A = arith.constant 0 : i32
          %dma_wait3A_51 = tpu.memref_slice %arg15[%dma_wait3A] : memref<624xf32, #tpu.memory_space<vmem>> -> memref<16xf32, #tpu.memory_space<vmem>>
          %dma_wait3A_52 = arith.constant 9984 : i32
          %dma_wait3A_53 = tpu.memref_slice %arg9[%dma_wait3A_52] : memref<10000xf32, #tpu.memory_space<hbm>> -> memref<16xf32, #tpu.memory_space<hbm>>
          %dma_wait3A_54 = arith.constant 9984 : i32
          %dma_wait3A_55 = tpu.memref_slice %arg9[%dma_wait3A_54] : memref<10000xf32, #tpu.memory_space<hbm>> -> memref<16xf32, #tpu.memory_space<hbm>>
          %dma_wait3A_56 = arith.constant 0 : i32
          %dma_wait3A_57 = tpu.memref_slice %arg15[%dma_wait3A_56] : memref<624xf32, #tpu.memory_space<vmem>> -> memref<16xf32, #tpu.memory_space<vmem>>
          tpu.wait_dma2 semaphore(%run_scoped3A : memref<!tpu.dma_semaphore, #tpu.memory_space<semaphore_mem>>) src(%dma_wait3A_57 : memref<16xf32, #tpu.memory_space<vmem>>) dst(%dma_wait3A_55 : memref<16xf32, #tpu.memory_space<hbm>>)
          tpu.yield
        }) : () -> ()
      } else {
      }
    } else {
    }
    %eq3A_5 = arith.constant 1 : i32
    %eq3A_6 = arith.cmpi eq, %arg0, %eq3A_5 : i32
    %convert_element_type3A_7 = arith.extui %eq3A_6 : i1 to i32
    %cond3A_8 = arith.constant 0 : i32
    %cond3A_9 = arith.cmpi ne, %convert_element_type3A_7, %cond3A_8 : i32
    scf.if %cond3A_9 {
      "tpu.region"() ({
        %run_scoped3A = tpu.sem_alloc : memref<!tpu.dma_semaphore, #tpu.memory_space<semaphore_mem>>
        %dma_start3A = tpu.memref_slice %arg12[%mul3A_2] : memref<10008xf32, #tpu.memory_space<vmem_shared>> -> memref<624xf32, #tpu.memory_space<vmem_shared>>
        %dma_start3A_44 = tpu.memref_slice %arg12[%mul3A_2] : memref<10008xf32, #tpu.memory_space<vmem_shared>> -> memref<624xf32, #tpu.memory_space<vmem_shared>>
        tpu.enqueue_dma source(%arg14 : memref<624xf32, #tpu.memory_space<vmem>>) target(%dma_start3A_44 : memref<624xf32, #tpu.memory_space<vmem_shared>>) target_semaphore(%run_scoped3A : memref<!tpu.dma_semaphore, #tpu.memory_space<semaphore_mem>>)
        %dma_wait3A = tpu.memref_slice %arg12[%mul3A_2] : memref<10008xf32, #tpu.memory_space<vmem_shared>> -> memref<624xf32, #tpu.memory_space<vmem_shared>>
        %dma_wait3A_45 = tpu.memref_slice %arg12[%mul3A_2] : memref<10008xf32, #tpu.memory_space<vmem_shared>> -> memref<624xf32, #tpu.memory_space<vmem_shared>>
        tpu.wait_dma2 semaphore(%run_scoped3A : memref<!tpu.dma_semaphore, #tpu.memory_space<semaphore_mem>>) src(%arg14 : memref<624xf32, #tpu.memory_space<vmem>>) dst(%dma_wait3A_45 : memref<624xf32, #tpu.memory_space<vmem_shared>>)
        tpu.yield
      }) : () -> ()
      %eq3A_10 = arith.constant 15 : i32
      %eq3A_11 = arith.cmpi eq, %arg1, %eq3A_10 : i32
      %convert_element_type3A_12 = arith.extui %eq3A_11 : i1 to i32
      %cond3A_13 = arith.constant 0 : i32
      %cond3A_14 = arith.cmpi ne, %convert_element_type3A_12, %cond3A_13 : i32
      scf.if %cond3A_14 {
        "tpu.region"() ({
          %run_scoped3A = tpu.sem_alloc : memref<!tpu.dma_semaphore, #tpu.memory_space<semaphore_mem>>
          %dma_start3A = arith.constant 0 : i32
          %dma_start3A_44 = tpu.memref_slice %arg14[%dma_start3A] : memref<624xf32, #tpu.memory_space<vmem>> -> memref<16xf32, #tpu.memory_space<vmem>>
          %dma_start3A_45 = arith.constant 9984 : i32
          %dma_start3A_46 = tpu.memref_slice %arg12[%dma_start3A_45] : memref<10008xf32, #tpu.memory_space<vmem_shared>> -> memref<16xf32, #tpu.memory_space<vmem_shared>>
          %dma_start3A_47 = arith.constant 9984 : i32
          %dma_start3A_48 = tpu.memref_slice %arg12[%dma_start3A_47] : memref<10008xf32, #tpu.memory_space<vmem_shared>> -> memref<16xf32, #tpu.memory_space<vmem_shared>>
          %dma_start3A_49 = arith.constant 0 : i32
          %dma_start3A_50 = tpu.memref_slice %arg14[%dma_start3A_49] : memref<624xf32, #tpu.memory_space<vmem>> -> memref<16xf32, #tpu.memory_space<vmem>>
          tpu.enqueue_dma source(%dma_start3A_50 : memref<16xf32, #tpu.memory_space<vmem>>) target(%dma_start3A_48 : memref<16xf32, #tpu.memory_space<vmem_shared>>) target_semaphore(%run_scoped3A : memref<!tpu.dma_semaphore, #tpu.memory_space<semaphore_mem>>)
          %dma_wait3A = arith.constant 0 : i32
          %dma_wait3A_51 = tpu.memref_slice %arg14[%dma_wait3A] : memref<624xf32, #tpu.memory_space<vmem>> -> memref<16xf32, #tpu.memory_space<vmem>>
          %dma_wait3A_52 = arith.constant 9984 : i32
          %dma_wait3A_53 = tpu.memref_slice %arg12[%dma_wait3A_52] : memref<10008xf32, #tpu.memory_space<vmem_shared>> -> memref<16xf32, #tpu.memory_space<vmem_shared>>
          %dma_wait3A_54 = arith.constant 9984 : i32
          %dma_wait3A_55 = tpu.memref_slice %arg12[%dma_wait3A_54] : memref<10008xf32, #tpu.memory_space<vmem_shared>> -> memref<16xf32, #tpu.memory_space<vmem_shared>>
          %dma_wait3A_56 = arith.constant 0 : i32
          %dma_wait3A_57 = tpu.memref_slice %arg14[%dma_wait3A_56] : memref<624xf32, #tpu.memory_space<vmem>> -> memref<16xf32, #tpu.memory_space<vmem>>
          tpu.wait_dma2 semaphore(%run_scoped3A : memref<!tpu.dma_semaphore, #tpu.memory_space<semaphore_mem>>) src(%dma_wait3A_57 : memref<16xf32, #tpu.memory_space<vmem>>) dst(%dma_wait3A_55 : memref<16xf32, #tpu.memory_space<vmem_shared>>)
          tpu.yield
        }) : () -> ()
      } else {
      }
      %barrier3A = arith.constant 0 : index
      tpu.barrier barrier_id(%barrier3A)
      %scan3A = arith.constant 0 : i32
      %scan3A_15 = arith.constant 0 : i32
      %scan3A_16 = arith.constant 5 : i32
      %scan3A_17 = arith.addi %scan3A_15, %scan3A_16 : i32
      %scan3A_18 = arith.constant 1 : i32
      scf.for %scan3A_44 = %scan3A_15 to %scan3A_17 step %scan3A_18  : i32 {
        %mul3A_45 = arith.constant 32 : i32
        %mul3A_46 = arith.muli %scan3A_44, %mul3A_45 : i32
        %add3A = arith.addi %mul3A_0, %mul3A_46 : i32
        "tpu.region"() ({
          %run_scoped3A = tpu.sem_alloc : memref<!tpu.dma_semaphore, #tpu.memory_space<semaphore_mem>>
          %dma_start3A_58 = arith.constant 0 : i32
          %dma_start3A_59 = tpu.memref_slice %arg4[%add3A, %dma_start3A_58] : memref<2560x128xi32, #tpu.memory_space<hbm>> -> memref<32x128xi32, #tpu.memory_space<hbm>>
          %dma_start3A_60 = arith.constant 0 : i32
          %dma_start3A_61 = tpu.memref_slice %arg4[%add3A, %dma_start3A_60] : memref<2560x128xi32, #tpu.memory_space<hbm>> -> memref<32x128xi32, #tpu.memory_space<hbm>>
          tpu.enqueue_dma source(%dma_start3A_61 : memref<32x128xi32, #tpu.memory_space<hbm>>) target(%arg16 : memref<32x128xi32, #tpu.memory_space<vmem>>) target_semaphore(%run_scoped3A : memref<!tpu.dma_semaphore, #tpu.memory_space<semaphore_mem>>)
          %dma_wait3A = arith.constant 0 : i32
          %dma_wait3A_62 = tpu.memref_slice %arg4[%add3A, %dma_wait3A] : memref<2560x128xi32, #tpu.memory_space<hbm>> -> memref<32x128xi32, #tpu.memory_space<hbm>>
          %dma_wait3A_63 = arith.constant 0 : i32
          %dma_wait3A_64 = tpu.memref_slice %arg4[%add3A, %dma_wait3A_63] : memref<2560x128xi32, #tpu.memory_space<hbm>> -> memref<32x128xi32, #tpu.memory_space<hbm>>
          tpu.wait_dma2 semaphore(%run_scoped3A : memref<!tpu.dma_semaphore, #tpu.memory_space<semaphore_mem>>) src(%dma_wait3A_64 : memref<32x128xi32, #tpu.memory_space<hbm>>) dst(%arg16 : memref<32x128xi32, #tpu.memory_space<vmem>>)
          tpu.yield
        }) : () -> ()
        %dma_start3A = arith.constant 0 : i32
        %dma_start3A_47 = arith.constant 0 : i32
        %dma_start3A_48 = tpu.memref_slice %arg16[%dma_start3A, %dma_start3A_47] : memref<32x128xi32, #tpu.memory_space<vmem>> -> memref<1x128xi32, #tpu.memory_space<vmem>>
        %dma_start3A_49 = tpu.memref_squeeze %dma_start3A_48 : memref<1x128xi32, #tpu.memory_space<vmem>> -> memref<128xi32, #tpu.memory_space<vmem>>
        %dma_start3A_50 = arith.constant 0 : i32
        %dma_start3A_51 = tpu.memref_slice %arg12[%dma_start3A_50] : memref<10008xf32, #tpu.memory_space<vmem_shared>> -> memref<10008xf32, #tpu.memory_space<vmem_shared>>
        tpu.enqueue_indirect_dma source(%arg13 : memref<128xf32, #tpu.memory_space<vmem>>) target(%dma_start3A_51 : memref<10008xf32, #tpu.memory_space<vmem_shared>>) offsets(%dma_start3A_49 : memref<128xi32, #tpu.memory_space<vmem>>) semaphore(%arg17 : memref<!tpu.dma_semaphore, #tpu.memory_space<semaphore_mem>>) {add = true}
        %scan3A_52 = arith.constant 0 : i32
        %scan3A_53 = arith.constant 0 : i32
        %scan3A_54 = arith.constant 16 : i32
        %scan3A_55 = arith.addi %scan3A_53, %scan3A_54 : i32
        %scan3A_56 = arith.constant 1 : i32
        scf.for %scan3A_58 = %scan3A_53 to %scan3A_55 step %scan3A_56  : i32 {
          %mul3A_59 = arith.constant 2 : i32
          %mul3A_60 = arith.muli %mul3A_59, %scan3A_58 : i32
          %add3A_61 = arith.constant 1 : i32
          %add3A_62 = arith.addi %mul3A_60, %add3A_61 : i32
          %dma_start3A_63 = arith.constant 0 : i32
          %dma_start3A_64 = tpu.memref_slice %arg16[%add3A_62, %dma_start3A_63] : memref<32x128xi32, #tpu.memory_space<vmem>> -> memref<1x128xi32, #tpu.memory_space<vmem>>
          %dma_start3A_65 = tpu.memref_squeeze %dma_start3A_64 : memref<1x128xi32, #tpu.memory_space<vmem>> -> memref<128xi32, #tpu.memory_space<vmem>>
          %dma_start3A_66 = arith.constant 0 : i32
          %dma_start3A_67 = tpu.memref_slice %arg12[%dma_start3A_66] : memref<10008xf32, #tpu.memory_space<vmem_shared>> -> memref<10008xf32, #tpu.memory_space<vmem_shared>>
          tpu.enqueue_indirect_dma source(%arg13 : memref<128xf32, #tpu.memory_space<vmem>>) target(%dma_start3A_67 : memref<10008xf32, #tpu.memory_space<vmem_shared>>) offsets(%dma_start3A_65 : memref<128xi32, #tpu.memory_space<vmem>>) semaphore(%arg18 : memref<!tpu.dma_semaphore, #tpu.memory_space<semaphore_mem>>) {add = true}
          %dma_wait3A = arith.constant 0 : i32
          %dma_wait3A_68 = tpu.memref_slice %arg16[%mul3A_60, %dma_wait3A] : memref<32x128xi32, #tpu.memory_space<vmem>> -> memref<1x128xi32, #tpu.memory_space<vmem>>
          %dma_wait3A_69 = tpu.memref_squeeze %dma_wait3A_68 : memref<1x128xi32, #tpu.memory_space<vmem>> -> memref<128xi32, #tpu.memory_space<vmem>>
          %dma_wait3A_70 = arith.constant 0 : i32
          %dma_wait3A_71 = tpu.memref_slice %arg12[%dma_wait3A_70] : memref<10008xf32, #tpu.memory_space<vmem_shared>> -> memref<10008xf32, #tpu.memory_space<vmem_shared>>
          tpu.wait_indirect_dma semaphore(%arg17 : memref<!tpu.dma_semaphore, #tpu.memory_space<semaphore_mem>>) src(%arg13 : memref<128xf32, #tpu.memory_space<vmem>>) dst(%dma_wait3A_71 : memref<10008xf32, #tpu.memory_space<vmem_shared>>)
          %add3A_72 = arith.constant 2 : i32
          %add3A_73 = arith.addi %mul3A_60, %add3A_72 : i32
          %lt3A = arith.constant 32 : i32
          %lt3A_74 = arith.cmpi slt, %add3A_73, %lt3A : i32
          %convert_element_type3A_75 = arith.extui %lt3A_74 : i1 to i32
          %cond3A_76 = arith.constant 0 : i32
          %cond3A_77 = arith.cmpi ne, %convert_element_type3A_75, %cond3A_76 : i32
          scf.if %cond3A_77 {
            %add3A_83 = arith.constant 2 : i32
            %add3A_84 = arith.addi %mul3A_60, %add3A_83 : i32
            %dma_start3A_85 = arith.constant 0 : i32
            %dma_start3A_86 = tpu.memref_slice %arg16[%add3A_84, %dma_start3A_85] : memref<32x128xi32, #tpu.memory_space<vmem>> -> memref<1x128xi32, #tpu.memory_space<vmem>>
            %dma_start3A_87 = tpu.memref_squeeze %dma_start3A_86 : memref<1x128xi32, #tpu.memory_space<vmem>> -> memref<128xi32, #tpu.memory_space<vmem>>
            %dma_start3A_88 = arith.constant 0 : i32
            %dma_start3A_89 = tpu.memref_slice %arg12[%dma_start3A_88] : memref<10008xf32, #tpu.memory_space<vmem_shared>> -> memref<10008xf32, #tpu.memory_space<vmem_shared>>
            tpu.enqueue_indirect_dma source(%arg13 : memref<128xf32, #tpu.memory_space<vmem>>) target(%dma_start3A_89 : memref<10008xf32, #tpu.memory_space<vmem_shared>>) offsets(%dma_start3A_87 : memref<128xi32, #tpu.memory_space<vmem>>) semaphore(%arg17 : memref<!tpu.dma_semaphore, #tpu.memory_space<semaphore_mem>>) {add = true}
          } else {
          }
          %dma_wait3A_78 = arith.constant 0 : i32
          %dma_wait3A_79 = tpu.memref_slice %arg16[%add3A_62, %dma_wait3A_78] : memref<32x128xi32, #tpu.memory_space<vmem>> -> memref<1x128xi32, #tpu.memory_space<vmem>>
          %dma_wait3A_80 = tpu.memref_squeeze %dma_wait3A_79 : memref<1x128xi32, #tpu.memory_space<vmem>> -> memref<128xi32, #tpu.memory_space<vmem>>
          %dma_wait3A_81 = arith.constant 0 : i32
          %dma_wait3A_82 = tpu.memref_slice %arg12[%dma_wait3A_81] : memref<10008xf32, #tpu.memory_space<vmem_shared>> -> memref<10008xf32, #tpu.memory_space<vmem_shared>>
          tpu.wait_indirect_dma semaphore(%arg18 : memref<!tpu.dma_semaphore, #tpu.memory_space<semaphore_mem>>) src(%arg13 : memref<128xf32, #tpu.memory_space<vmem>>) dst(%dma_wait3A_82 : memref<10008xf32, #tpu.memory_space<vmem_shared>>)
        }
        %scan3A_57 = arith.constant 16 : i32
      }
      %scan3A_19 = arith.constant 5 : i32
      %barrier3A_20 = arith.constant 0 : index
      tpu.barrier barrier_id(%barrier3A_20)
      "tpu.region"() ({
        %run_scoped3A = tpu.sem_alloc : memref<!tpu.dma_semaphore, #tpu.memory_space<semaphore_mem>>
        %dma_start3A = tpu.memref_slice %arg12[%mul3A_2] : memref<10008xf32, #tpu.memory_space<vmem_shared>> -> memref<624xf32, #tpu.memory_space<vmem_shared>>
        %dma_start3A_44 = tpu.memref_slice %arg12[%mul3A_2] : memref<10008xf32, #tpu.memory_space<vmem_shared>> -> memref<624xf32, #tpu.memory_space<vmem_shared>>
        tpu.enqueue_dma source(%dma_start3A_44 : memref<624xf32, #tpu.memory_space<vmem_shared>>) target(%arg15 : memref<624xf32, #tpu.memory_space<vmem>>) target_semaphore(%run_scoped3A : memref<!tpu.dma_semaphore, #tpu.memory_space<semaphore_mem>>)
        %dma_wait3A = tpu.memref_slice %arg12[%mul3A_2] : memref<10008xf32, #tpu.memory_space<vmem_shared>> -> memref<624xf32, #tpu.memory_space<vmem_shared>>
        %dma_wait3A_45 = tpu.memref_slice %arg12[%mul3A_2] : memref<10008xf32, #tpu.memory_space<vmem_shared>> -> memref<624xf32, #tpu.memory_space<vmem_shared>>
        tpu.wait_dma2 semaphore(%run_scoped3A : memref<!tpu.dma_semaphore, #tpu.memory_space<semaphore_mem>>) src(%dma_wait3A_45 : memref<624xf32, #tpu.memory_space<vmem_shared>>) dst(%arg15 : memref<624xf32, #tpu.memory_space<vmem>>)
        tpu.yield
      }) : () -> ()
      "tpu.region"() ({
        %run_scoped3A = tpu.sem_alloc : memref<!tpu.dma_semaphore, #tpu.memory_space<semaphore_mem>>
        %dma_start3A = tpu.memref_slice %arg10[%mul3A_2] : memref<10000xf32, #tpu.memory_space<hbm>> -> memref<624xf32, #tpu.memory_space<hbm>>
        %dma_start3A_44 = tpu.memref_slice %arg10[%mul3A_2] : memref<10000xf32, #tpu.memory_space<hbm>> -> memref<624xf32, #tpu.memory_space<hbm>>
        tpu.enqueue_dma source(%arg15 : memref<624xf32, #tpu.memory_space<vmem>>) target(%dma_start3A_44 : memref<624xf32, #tpu.memory_space<hbm>>) target_semaphore(%run_scoped3A : memref<!tpu.dma_semaphore, #tpu.memory_space<semaphore_mem>>)
        %dma_wait3A = tpu.memref_slice %arg10[%mul3A_2] : memref<10000xf32, #tpu.memory_space<hbm>> -> memref<624xf32, #tpu.memory_space<hbm>>
        %dma_wait3A_45 = tpu.memref_slice %arg10[%mul3A_2] : memref<10000xf32, #tpu.memory_space<hbm>> -> memref<624xf32, #tpu.memory_space<hbm>>
        tpu.wait_dma2 semaphore(%run_scoped3A : memref<!tpu.dma_semaphore, #tpu.memory_space<semaphore_mem>>) src(%arg15 : memref<624xf32, #tpu.memory_space<vmem>>) dst(%dma_wait3A_45 : memref<624xf32, #tpu.memory_space<hbm>>)
        tpu.yield
      }) : () -> ()
      %eq3A_21 = arith.constant 15 : i32
      %eq3A_22 = arith.cmpi eq, %arg1, %eq3A_21 : i32
      %convert_element_type3A_23 = arith.extui %eq3A_22 : i1 to i32
      %cond3A_24 = arith.constant 0 : i32
      %cond3A_25 = arith.cmpi ne, %convert_element_type3A_23, %cond3A_24 : i32
      scf.if %cond3A_25 {
        "tpu.region"() ({
          %run_scoped3A = tpu.sem_alloc : memref<!tpu.dma_semaphore, #tpu.memory_space<semaphore_mem>>
          %dma_start3A = arith.constant 0 : i32
          %dma_start3A_44 = tpu.memref_slice %arg15[%dma_start3A] : memref<624xf32, #tpu.memory_space<vmem>> -> memref<16xf32, #tpu.memory_space<vmem>>
          %dma_start3A_45 = arith.constant 9984 : i32
          %dma_start3A_46 = tpu.memref_slice %arg12[%dma_start3A_45] : memref<10008xf32, #tpu.memory_space<vmem_shared>> -> memref<16xf32, #tpu.memory_space<vmem_shared>>
          %dma_start3A_47 = arith.constant 0 : i32
          %dma_start3A_48 = tpu.memref_slice %arg15[%dma_start3A_47] : memref<624xf32, #tpu.memory_space<vmem>> -> memref<16xf32, #tpu.memory_space<vmem>>
          %dma_start3A_49 = arith.constant 9984 : i32
          %dma_start3A_50 = tpu.memref_slice %arg12[%dma_start3A_49] : memref<10008xf32, #tpu.memory_space<vmem_shared>> -> memref<16xf32, #tpu.memory_space<vmem_shared>>
          tpu.enqueue_dma source(%dma_start3A_50 : memref<16xf32, #tpu.memory_space<vmem_shared>>) target(%dma_start3A_48 : memref<16xf32, #tpu.memory_space<vmem>>) target_semaphore(%run_scoped3A : memref<!tpu.dma_semaphore, #tpu.memory_space<semaphore_mem>>)
          %dma_wait3A = arith.constant 0 : i32
          %dma_wait3A_51 = tpu.memref_slice %arg15[%dma_wait3A] : memref<624xf32, #tpu.memory_space<vmem>> -> memref<16xf32, #tpu.memory_space<vmem>>
          %dma_wait3A_52 = arith.constant 9984 : i32
          %dma_wait3A_53 = tpu.memref_slice %arg12[%dma_wait3A_52] : memref<10008xf32, #tpu.memory_space<vmem_shared>> -> memref<16xf32, #tpu.memory_space<vmem_shared>>
          %dma_wait3A_54 = arith.constant 0 : i32
          %dma_wait3A_55 = tpu.memref_slice %arg15[%dma_wait3A_54] : memref<624xf32, #tpu.memory_space<vmem>> -> memref<16xf32, #tpu.memory_space<vmem>>
          %dma_wait3A_56 = arith.constant 9984 : i32
          %dma_wait3A_57 = tpu.memref_slice %arg12[%dma_wait3A_56] : memref<10008xf32, #tpu.memory_space<vmem_shared>> -> memref<16xf32, #tpu.memory_space<vmem_shared>>
          tpu.wait_dma2 semaphore(%run_scoped3A : memref<!tpu.dma_semaphore, #tpu.memory_space<semaphore_mem>>) src(%dma_wait3A_57 : memref<16xf32, #tpu.memory_space<vmem_shared>>) dst(%dma_wait3A_55 : memref<16xf32, #tpu.memory_space<vmem>>)
          tpu.yield
        }) : () -> ()
        "tpu.region"() ({
          %run_scoped3A = tpu.sem_alloc : memref<!tpu.dma_semaphore, #tpu.memory_space<semaphore_mem>>
          %dma_start3A = arith.constant 0 : i32
          %dma_start3A_44 = tpu.memref_slice %arg15[%dma_start3A] : memref<624xf32, #tpu.memory_space<vmem>> -> memref<16xf32, #tpu.memory_space<vmem>>
          %dma_start3A_45 = arith.constant 9984 : i32
          %dma_start3A_46 = tpu.memref_slice %arg10[%dma_start3A_45] : memref<10000xf32, #tpu.memory_space<hbm>> -> memref<16xf32, #tpu.memory_space<hbm>>
          %dma_start3A_47 = arith.constant 9984 : i32
          %dma_start3A_48 = tpu.memref_slice %arg10[%dma_start3A_47] : memref<10000xf32, #tpu.memory_space<hbm>> -> memref<16xf32, #tpu.memory_space<hbm>>
          %dma_start3A_49 = arith.constant 0 : i32
          %dma_start3A_50 = tpu.memref_slice %arg15[%dma_start3A_49] : memref<624xf32, #tpu.memory_space<vmem>> -> memref<16xf32, #tpu.memory_space<vmem>>
          tpu.enqueue_dma source(%dma_start3A_50 : memref<16xf32, #tpu.memory_space<vmem>>) target(%dma_start3A_48 : memref<16xf32, #tpu.memory_space<hbm>>) target_semaphore(%run_scoped3A : memref<!tpu.dma_semaphore, #tpu.memory_space<semaphore_mem>>)
          %dma_wait3A = arith.constant 0 : i32
          %dma_wait3A_51 = tpu.memref_slice %arg15[%dma_wait3A] : memref<624xf32, #tpu.memory_space<vmem>> -> memref<16xf32, #tpu.memory_space<vmem>>
          %dma_wait3A_52 = arith.constant 9984 : i32
          %dma_wait3A_53 = tpu.memref_slice %arg10[%dma_wait3A_52] : memref<10000xf32, #tpu.memory_space<hbm>> -> memref<16xf32, #tpu.memory_space<hbm>>
          %dma_wait3A_54 = arith.constant 9984 : i32
          %dma_wait3A_55 = tpu.memref_slice %arg10[%dma_wait3A_54] : memref<10000xf32, #tpu.memory_space<hbm>> -> memref<16xf32, #tpu.memory_space<hbm>>
          %dma_wait3A_56 = arith.constant 0 : i32
          %dma_wait3A_57 = tpu.memref_slice %arg15[%dma_wait3A_56] : memref<624xf32, #tpu.memory_space<vmem>> -> memref<16xf32, #tpu.memory_space<vmem>>
          tpu.wait_dma2 semaphore(%run_scoped3A : memref<!tpu.dma_semaphore, #tpu.memory_space<semaphore_mem>>) src(%dma_wait3A_57 : memref<16xf32, #tpu.memory_space<vmem>>) dst(%dma_wait3A_55 : memref<16xf32, #tpu.memory_space<hbm>>)
          tpu.yield
        }) : () -> ()
      } else {
      }
      "tpu.region"() ({
        %run_scoped3A = tpu.sem_alloc : memref<!tpu.dma_semaphore, #tpu.memory_space<semaphore_mem>>
        %dma_start3A = tpu.memref_slice %arg12[%mul3A_2] : memref<10008xf32, #tpu.memory_space<vmem_shared>> -> memref<624xf32, #tpu.memory_space<vmem_shared>>
        %dma_start3A_44 = tpu.memref_slice %arg12[%mul3A_2] : memref<10008xf32, #tpu.memory_space<vmem_shared>> -> memref<624xf32, #tpu.memory_space<vmem_shared>>
        tpu.enqueue_dma source(%arg14 : memref<624xf32, #tpu.memory_space<vmem>>) target(%dma_start3A_44 : memref<624xf32, #tpu.memory_space<vmem_shared>>) target_semaphore(%run_scoped3A : memref<!tpu.dma_semaphore, #tpu.memory_space<semaphore_mem>>)
        %dma_wait3A = tpu.memref_slice %arg12[%mul3A_2] : memref<10008xf32, #tpu.memory_space<vmem_shared>> -> memref<624xf32, #tpu.memory_space<vmem_shared>>
        %dma_wait3A_45 = tpu.memref_slice %arg12[%mul3A_2] : memref<10008xf32, #tpu.memory_space<vmem_shared>> -> memref<624xf32, #tpu.memory_space<vmem_shared>>
        tpu.wait_dma2 semaphore(%run_scoped3A : memref<!tpu.dma_semaphore, #tpu.memory_space<semaphore_mem>>) src(%arg14 : memref<624xf32, #tpu.memory_space<vmem>>) dst(%dma_wait3A_45 : memref<624xf32, #tpu.memory_space<vmem_shared>>)
        tpu.yield
      }) : () -> ()
      %eq3A_26 = arith.constant 15 : i32
      %eq3A_27 = arith.cmpi eq, %arg1, %eq3A_26 : i32
      %convert_element_type3A_28 = arith.extui %eq3A_27 : i1 to i32
      %cond3A_29 = arith.constant 0 : i32
      %cond3A_30 = arith.cmpi ne, %convert_element_type3A_28, %cond3A_29 : i32
      scf.if %cond3A_30 {
        "tpu.region"() ({
          %run_scoped3A = tpu.sem_alloc : memref<!tpu.dma_semaphore, #tpu.memory_space<semaphore_mem>>
          %dma_start3A = arith.constant 0 : i32
          %dma_start3A_44 = tpu.memref_slice %arg14[%dma_start3A] : memref<624xf32, #tpu.memory_space<vmem>> -> memref<16xf32, #tpu.memory_space<vmem>>
          %dma_start3A_45 = arith.constant 9984 : i32
          %dma_start3A_46 = tpu.memref_slice %arg12[%dma_start3A_45] : memref<10008xf32, #tpu.memory_space<vmem_shared>> -> memref<16xf32, #tpu.memory_space<vmem_shared>>
          %dma_start3A_47 = arith.constant 9984 : i32
          %dma_start3A_48 = tpu.memref_slice %arg12[%dma_start3A_47] : memref<10008xf32, #tpu.memory_space<vmem_shared>> -> memref<16xf32, #tpu.memory_space<vmem_shared>>
          %dma_start3A_49 = arith.constant 0 : i32
          %dma_start3A_50 = tpu.memref_slice %arg14[%dma_start3A_49] : memref<624xf32, #tpu.memory_space<vmem>> -> memref<16xf32, #tpu.memory_space<vmem>>
          tpu.enqueue_dma source(%dma_start3A_50 : memref<16xf32, #tpu.memory_space<vmem>>) target(%dma_start3A_48 : memref<16xf32, #tpu.memory_space<vmem_shared>>) target_semaphore(%run_scoped3A : memref<!tpu.dma_semaphore, #tpu.memory_space<semaphore_mem>>)
          %dma_wait3A = arith.constant 0 : i32
          %dma_wait3A_51 = tpu.memref_slice %arg14[%dma_wait3A] : memref<624xf32, #tpu.memory_space<vmem>> -> memref<16xf32, #tpu.memory_space<vmem>>
          %dma_wait3A_52 = arith.constant 9984 : i32
          %dma_wait3A_53 = tpu.memref_slice %arg12[%dma_wait3A_52] : memref<10008xf32, #tpu.memory_space<vmem_shared>> -> memref<16xf32, #tpu.memory_space<vmem_shared>>
          %dma_wait3A_54 = arith.constant 9984 : i32
          %dma_wait3A_55 = tpu.memref_slice %arg12[%dma_wait3A_54] : memref<10008xf32, #tpu.memory_space<vmem_shared>> -> memref<16xf32, #tpu.memory_space<vmem_shared>>
          %dma_wait3A_56 = arith.constant 0 : i32
          %dma_wait3A_57 = tpu.memref_slice %arg14[%dma_wait3A_56] : memref<624xf32, #tpu.memory_space<vmem>> -> memref<16xf32, #tpu.memory_space<vmem>>
          tpu.wait_dma2 semaphore(%run_scoped3A : memref<!tpu.dma_semaphore, #tpu.memory_space<semaphore_mem>>) src(%dma_wait3A_57 : memref<16xf32, #tpu.memory_space<vmem>>) dst(%dma_wait3A_55 : memref<16xf32, #tpu.memory_space<vmem_shared>>)
          tpu.yield
        }) : () -> ()
      } else {
      }
      %barrier3A_31 = arith.constant 0 : index
      tpu.barrier barrier_id(%barrier3A_31)
      %scan3A_32 = arith.constant 0 : i32
      %scan3A_33 = arith.constant 0 : i32
      %scan3A_34 = arith.constant 5 : i32
      %scan3A_35 = arith.addi %scan3A_33, %scan3A_34 : i32
      %scan3A_36 = arith.constant 1 : i32
      scf.for %scan3A_44 = %scan3A_33 to %scan3A_35 step %scan3A_36  : i32 {
        %mul3A_45 = arith.constant 32 : i32
        %mul3A_46 = arith.muli %scan3A_44, %mul3A_45 : i32
        %add3A = arith.addi %mul3A_0, %mul3A_46 : i32
        "tpu.region"() ({
          %run_scoped3A = tpu.sem_alloc : memref<!tpu.dma_semaphore, #tpu.memory_space<semaphore_mem>>
          %dma_start3A_58 = arith.constant 0 : i32
          %dma_start3A_59 = tpu.memref_slice %arg5[%add3A, %dma_start3A_58] : memref<2560x128xi32, #tpu.memory_space<hbm>> -> memref<32x128xi32, #tpu.memory_space<hbm>>
          %dma_start3A_60 = arith.constant 0 : i32
          %dma_start3A_61 = tpu.memref_slice %arg5[%add3A, %dma_start3A_60] : memref<2560x128xi32, #tpu.memory_space<hbm>> -> memref<32x128xi32, #tpu.memory_space<hbm>>
          tpu.enqueue_dma source(%dma_start3A_61 : memref<32x128xi32, #tpu.memory_space<hbm>>) target(%arg16 : memref<32x128xi32, #tpu.memory_space<vmem>>) target_semaphore(%run_scoped3A : memref<!tpu.dma_semaphore, #tpu.memory_space<semaphore_mem>>)
          %dma_wait3A = arith.constant 0 : i32
          %dma_wait3A_62 = tpu.memref_slice %arg5[%add3A, %dma_wait3A] : memref<2560x128xi32, #tpu.memory_space<hbm>> -> memref<32x128xi32, #tpu.memory_space<hbm>>
          %dma_wait3A_63 = arith.constant 0 : i32
          %dma_wait3A_64 = tpu.memref_slice %arg5[%add3A, %dma_wait3A_63] : memref<2560x128xi32, #tpu.memory_space<hbm>> -> memref<32x128xi32, #tpu.memory_space<hbm>>
          tpu.wait_dma2 semaphore(%run_scoped3A : memref<!tpu.dma_semaphore, #tpu.memory_space<semaphore_mem>>) src(%dma_wait3A_64 : memref<32x128xi32, #tpu.memory_space<hbm>>) dst(%arg16 : memref<32x128xi32, #tpu.memory_space<vmem>>)
          tpu.yield
        }) : () -> ()
        %dma_start3A = arith.constant 0 : i32
        %dma_start3A_47 = arith.constant 0 : i32
        %dma_start3A_48 = tpu.memref_slice %arg16[%dma_start3A, %dma_start3A_47] : memref<32x128xi32, #tpu.memory_space<vmem>> -> memref<1x128xi32, #tpu.memory_space<vmem>>
        %dma_start3A_49 = tpu.memref_squeeze %dma_start3A_48 : memref<1x128xi32, #tpu.memory_space<vmem>> -> memref<128xi32, #tpu.memory_space<vmem>>
        %dma_start3A_50 = arith.constant 0 : i32
        %dma_start3A_51 = tpu.memref_slice %arg12[%dma_start3A_50] : memref<10008xf32, #tpu.memory_space<vmem_shared>> -> memref<10008xf32, #tpu.memory_space<vmem_shared>>
        tpu.enqueue_indirect_dma source(%arg13 : memref<128xf32, #tpu.memory_space<vmem>>) target(%dma_start3A_51 : memref<10008xf32, #tpu.memory_space<vmem_shared>>) offsets(%dma_start3A_49 : memref<128xi32, #tpu.memory_space<vmem>>) semaphore(%arg17 : memref<!tpu.dma_semaphore, #tpu.memory_space<semaphore_mem>>) {add = true}
        %scan3A_52 = arith.constant 0 : i32
        %scan3A_53 = arith.constant 0 : i32
        %scan3A_54 = arith.constant 16 : i32
        %scan3A_55 = arith.addi %scan3A_53, %scan3A_54 : i32
        %scan3A_56 = arith.constant 1 : i32
        scf.for %scan3A_58 = %scan3A_53 to %scan3A_55 step %scan3A_56  : i32 {
          %mul3A_59 = arith.constant 2 : i32
          %mul3A_60 = arith.muli %mul3A_59, %scan3A_58 : i32
          %add3A_61 = arith.constant 1 : i32
          %add3A_62 = arith.addi %mul3A_60, %add3A_61 : i32
          %dma_start3A_63 = arith.constant 0 : i32
          %dma_start3A_64 = tpu.memref_slice %arg16[%add3A_62, %dma_start3A_63] : memref<32x128xi32, #tpu.memory_space<vmem>> -> memref<1x128xi32, #tpu.memory_space<vmem>>
          %dma_start3A_65 = tpu.memref_squeeze %dma_start3A_64 : memref<1x128xi32, #tpu.memory_space<vmem>> -> memref<128xi32, #tpu.memory_space<vmem>>
          %dma_start3A_66 = arith.constant 0 : i32
          %dma_start3A_67 = tpu.memref_slice %arg12[%dma_start3A_66] : memref<10008xf32, #tpu.memory_space<vmem_shared>> -> memref<10008xf32, #tpu.memory_space<vmem_shared>>
          tpu.enqueue_indirect_dma source(%arg13 : memref<128xf32, #tpu.memory_space<vmem>>) target(%dma_start3A_67 : memref<10008xf32, #tpu.memory_space<vmem_shared>>) offsets(%dma_start3A_65 : memref<128xi32, #tpu.memory_space<vmem>>) semaphore(%arg18 : memref<!tpu.dma_semaphore, #tpu.memory_space<semaphore_mem>>) {add = true}
          %dma_wait3A = arith.constant 0 : i32
          %dma_wait3A_68 = tpu.memref_slice %arg16[%mul3A_60, %dma_wait3A] : memref<32x128xi32, #tpu.memory_space<vmem>> -> memref<1x128xi32, #tpu.memory_space<vmem>>
          %dma_wait3A_69 = tpu.memref_squeeze %dma_wait3A_68 : memref<1x128xi32, #tpu.memory_space<vmem>> -> memref<128xi32, #tpu.memory_space<vmem>>
          %dma_wait3A_70 = arith.constant 0 : i32
          %dma_wait3A_71 = tpu.memref_slice %arg12[%dma_wait3A_70] : memref<10008xf32, #tpu.memory_space<vmem_shared>> -> memref<10008xf32, #tpu.memory_space<vmem_shared>>
          tpu.wait_indirect_dma semaphore(%arg17 : memref<!tpu.dma_semaphore, #tpu.memory_space<semaphore_mem>>) src(%arg13 : memref<128xf32, #tpu.memory_space<vmem>>) dst(%dma_wait3A_71 : memref<10008xf32, #tpu.memory_space<vmem_shared>>)
          %add3A_72 = arith.constant 2 : i32
          %add3A_73 = arith.addi %mul3A_60, %add3A_72 : i32
          %lt3A = arith.constant 32 : i32
          %lt3A_74 = arith.cmpi slt, %add3A_73, %lt3A : i32
          %convert_element_type3A_75 = arith.extui %lt3A_74 : i1 to i32
          %cond3A_76 = arith.constant 0 : i32
          %cond3A_77 = arith.cmpi ne, %convert_element_type3A_75, %cond3A_76 : i32
          scf.if %cond3A_77 {
            %add3A_83 = arith.constant 2 : i32
            %add3A_84 = arith.addi %mul3A_60, %add3A_83 : i32
            %dma_start3A_85 = arith.constant 0 : i32
            %dma_start3A_86 = tpu.memref_slice %arg16[%add3A_84, %dma_start3A_85] : memref<32x128xi32, #tpu.memory_space<vmem>> -> memref<1x128xi32, #tpu.memory_space<vmem>>
            %dma_start3A_87 = tpu.memref_squeeze %dma_start3A_86 : memref<1x128xi32, #tpu.memory_space<vmem>> -> memref<128xi32, #tpu.memory_space<vmem>>
            %dma_start3A_88 = arith.constant 0 : i32
            %dma_start3A_89 = tpu.memref_slice %arg12[%dma_start3A_88] : memref<10008xf32, #tpu.memory_space<vmem_shared>> -> memref<10008xf32, #tpu.memory_space<vmem_shared>>
            tpu.enqueue_indirect_dma source(%arg13 : memref<128xf32, #tpu.memory_space<vmem>>) target(%dma_start3A_89 : memref<10008xf32, #tpu.memory_space<vmem_shared>>) offsets(%dma_start3A_87 : memref<128xi32, #tpu.memory_space<vmem>>) semaphore(%arg17 : memref<!tpu.dma_semaphore, #tpu.memory_space<semaphore_mem>>) {add = true}
          } else {
          }
          %dma_wait3A_78 = arith.constant 0 : i32
          %dma_wait3A_79 = tpu.memref_slice %arg16[%add3A_62, %dma_wait3A_78] : memref<32x128xi32, #tpu.memory_space<vmem>> -> memref<1x128xi32, #tpu.memory_space<vmem>>
          %dma_wait3A_80 = tpu.memref_squeeze %dma_wait3A_79 : memref<1x128xi32, #tpu.memory_space<vmem>> -> memref<128xi32, #tpu.memory_space<vmem>>
          %dma_wait3A_81 = arith.constant 0 : i32
          %dma_wait3A_82 = tpu.memref_slice %arg12[%dma_wait3A_81] : memref<10008xf32, #tpu.memory_space<vmem_shared>> -> memref<10008xf32, #tpu.memory_space<vmem_shared>>
          tpu.wait_indirect_dma semaphore(%arg18 : memref<!tpu.dma_semaphore, #tpu.memory_space<semaphore_mem>>) src(%arg13 : memref<128xf32, #tpu.memory_space<vmem>>) dst(%dma_wait3A_82 : memref<10008xf32, #tpu.memory_space<vmem_shared>>)
        }
        %scan3A_57 = arith.constant 16 : i32
      }
      %scan3A_37 = arith.constant 5 : i32
      %barrier3A_38 = arith.constant 0 : index
      tpu.barrier barrier_id(%barrier3A_38)
      "tpu.region"() ({
        %run_scoped3A = tpu.sem_alloc : memref<!tpu.dma_semaphore, #tpu.memory_space<semaphore_mem>>
        %dma_start3A = tpu.memref_slice %arg12[%mul3A_2] : memref<10008xf32, #tpu.memory_space<vmem_shared>> -> memref<624xf32, #tpu.memory_space<vmem_shared>>
        %dma_start3A_44 = tpu.memref_slice %arg12[%mul3A_2] : memref<10008xf32, #tpu.memory_space<vmem_shared>> -> memref<624xf32, #tpu.memory_space<vmem_shared>>
        tpu.enqueue_dma source(%dma_start3A_44 : memref<624xf32, #tpu.memory_space<vmem_shared>>) target(%arg15 : memref<624xf32, #tpu.memory_space<vmem>>) target_semaphore(%run_scoped3A : memref<!tpu.dma_semaphore, #tpu.memory_space<semaphore_mem>>)
        %dma_wait3A = tpu.memref_slice %arg12[%mul3A_2] : memref<10008xf32, #tpu.memory_space<vmem_shared>> -> memref<624xf32, #tpu.memory_space<vmem_shared>>
        %dma_wait3A_45 = tpu.memref_slice %arg12[%mul3A_2] : memref<10008xf32, #tpu.memory_space<vmem_shared>> -> memref<624xf32, #tpu.memory_space<vmem_shared>>
        tpu.wait_dma2 semaphore(%run_scoped3A : memref<!tpu.dma_semaphore, #tpu.memory_space<semaphore_mem>>) src(%dma_wait3A_45 : memref<624xf32, #tpu.memory_space<vmem_shared>>) dst(%arg15 : memref<624xf32, #tpu.memory_space<vmem>>)
        tpu.yield
      }) : () -> ()
      "tpu.region"() ({
        %run_scoped3A = tpu.sem_alloc : memref<!tpu.dma_semaphore, #tpu.memory_space<semaphore_mem>>
        %dma_start3A = tpu.memref_slice %arg11[%mul3A_2] : memref<10000xf32, #tpu.memory_space<hbm>> -> memref<624xf32, #tpu.memory_space<hbm>>
        %dma_start3A_44 = tpu.memref_slice %arg11[%mul3A_2] : memref<10000xf32, #tpu.memory_space<hbm>> -> memref<624xf32, #tpu.memory_space<hbm>>
        tpu.enqueue_dma source(%arg15 : memref<624xf32, #tpu.memory_space<vmem>>) target(%dma_start3A_44 : memref<624xf32, #tpu.memory_space<hbm>>) target_semaphore(%run_scoped3A : memref<!tpu.dma_semaphore, #tpu.memory_space<semaphore_mem>>)
        %dma_wait3A = tpu.memref_slice %arg11[%mul3A_2] : memref<10000xf32, #tpu.memory_space<hbm>> -> memref<624xf32, #tpu.memory_space<hbm>>
        %dma_wait3A_45 = tpu.memref_slice %arg11[%mul3A_2] : memref<10000xf32, #tpu.memory_space<hbm>> -> memref<624xf32, #tpu.memory_space<hbm>>
        tpu.wait_dma2 semaphore(%run_scoped3A : memref<!tpu.dma_semaphore, #tpu.memory_space<semaphore_mem>>) src(%arg15 : memref<624xf32, #tpu.memory_space<vmem>>) dst(%dma_wait3A_45 : memref<624xf32, #tpu.memory_space<hbm>>)
        tpu.yield
      }) : () -> ()
      %eq3A_39 = arith.constant 15 : i32
      %eq3A_40 = arith.cmpi eq, %arg1, %eq3A_39 : i32
      %convert_element_type3A_41 = arith.extui %eq3A_40 : i1 to i32
      %cond3A_42 = arith.constant 0 : i32
      %cond3A_43 = arith.cmpi ne, %convert_element_type3A_41, %cond3A_42 : i32
      scf.if %cond3A_43 {
        "tpu.region"() ({
          %run_scoped3A = tpu.sem_alloc : memref<!tpu.dma_semaphore, #tpu.memory_space<semaphore_mem>>
          %dma_start3A = arith.constant 0 : i32
          %dma_start3A_44 = tpu.memref_slice %arg15[%dma_start3A] : memref<624xf32, #tpu.memory_space<vmem>> -> memref<16xf32, #tpu.memory_space<vmem>>
          %dma_start3A_45 = arith.constant 9984 : i32
          %dma_start3A_46 = tpu.memref_slice %arg12[%dma_start3A_45] : memref<10008xf32, #tpu.memory_space<vmem_shared>> -> memref<16xf32, #tpu.memory_space<vmem_shared>>
          %dma_start3A_47 = arith.constant 0 : i32
          %dma_start3A_48 = tpu.memref_slice %arg15[%dma_start3A_47] : memref<624xf32, #tpu.memory_space<vmem>> -> memref<16xf32, #tpu.memory_space<vmem>>
          %dma_start3A_49 = arith.constant 9984 : i32
          %dma_start3A_50 = tpu.memref_slice %arg12[%dma_start3A_49] : memref<10008xf32, #tpu.memory_space<vmem_shared>> -> memref<16xf32, #tpu.memory_space<vmem_shared>>
          tpu.enqueue_dma source(%dma_start3A_50 : memref<16xf32, #tpu.memory_space<vmem_shared>>) target(%dma_start3A_48 : memref<16xf32, #tpu.memory_space<vmem>>) target_semaphore(%run_scoped3A : memref<!tpu.dma_semaphore, #tpu.memory_space<semaphore_mem>>)
          %dma_wait3A = arith.constant 0 : i32
          %dma_wait3A_51 = tpu.memref_slice %arg15[%dma_wait3A] : memref<624xf32, #tpu.memory_space<vmem>> -> memref<16xf32, #tpu.memory_space<vmem>>
          %dma_wait3A_52 = arith.constant 9984 : i32
          %dma_wait3A_53 = tpu.memref_slice %arg12[%dma_wait3A_52] : memref<10008xf32, #tpu.memory_space<vmem_shared>> -> memref<16xf32, #tpu.memory_space<vmem_shared>>
          %dma_wait3A_54 = arith.constant 0 : i32
          %dma_wait3A_55 = tpu.memref_slice %arg15[%dma_wait3A_54] : memref<624xf32, #tpu.memory_space<vmem>> -> memref<16xf32, #tpu.memory_space<vmem>>
          %dma_wait3A_56 = arith.constant 9984 : i32
          %dma_wait3A_57 = tpu.memref_slice %arg12[%dma_wait3A_56] : memref<10008xf32, #tpu.memory_space<vmem_shared>> -> memref<16xf32, #tpu.memory_space<vmem_shared>>
          tpu.wait_dma2 semaphore(%run_scoped3A : memref<!tpu.dma_semaphore, #tpu.memory_space<semaphore_mem>>) src(%dma_wait3A_57 : memref<16xf32, #tpu.memory_space<vmem_shared>>) dst(%dma_wait3A_55 : memref<16xf32, #tpu.memory_space<vmem>>)
          tpu.yield
        }) : () -> ()
        "tpu.region"() ({
          %run_scoped3A = tpu.sem_alloc : memref<!tpu.dma_semaphore, #tpu.memory_space<semaphore_mem>>
          %dma_start3A = arith.constant 0 : i32
          %dma_start3A_44 = tpu.memref_slice %arg15[%dma_start3A] : memref<624xf32, #tpu.memory_space<vmem>> -> memref<16xf32, #tpu.memory_space<vmem>>
          %dma_start3A_45 = arith.constant 9984 : i32
          %dma_start3A_46 = tpu.memref_slice %arg11[%dma_start3A_45] : memref<10000xf32, #tpu.memory_space<hbm>> -> memref<16xf32, #tpu.memory_space<hbm>>
          %dma_start3A_47 = arith.constant 9984 : i32
          %dma_start3A_48 = tpu.memref_slice %arg11[%dma_start3A_47] : memref<10000xf32, #tpu.memory_space<hbm>> -> memref<16xf32, #tpu.memory_space<hbm>>
          %dma_start3A_49 = arith.constant 0 : i32
          %dma_start3A_50 = tpu.memref_slice %arg15[%dma_start3A_49] : memref<624xf32, #tpu.memory_space<vmem>> -> memref<16xf32, #tpu.memory_space<vmem>>
          tpu.enqueue_dma source(%dma_start3A_50 : memref<16xf32, #tpu.memory_space<vmem>>) target(%dma_start3A_48 : memref<16xf32, #tpu.memory_space<hbm>>) target_semaphore(%run_scoped3A : memref<!tpu.dma_semaphore, #tpu.memory_space<semaphore_mem>>)
          %dma_wait3A = arith.constant 0 : i32
          %dma_wait3A_51 = tpu.memref_slice %arg15[%dma_wait3A] : memref<624xf32, #tpu.memory_space<vmem>> -> memref<16xf32, #tpu.memory_space<vmem>>
          %dma_wait3A_52 = arith.constant 9984 : i32
          %dma_wait3A_53 = tpu.memref_slice %arg11[%dma_wait3A_52] : memref<10000xf32, #tpu.memory_space<hbm>> -> memref<16xf32, #tpu.memory_space<hbm>>
          %dma_wait3A_54 = arith.constant 9984 : i32
          %dma_wait3A_55 = tpu.memref_slice %arg11[%dma_wait3A_54] : memref<10000xf32, #tpu.memory_space<hbm>> -> memref<16xf32, #tpu.memory_space<hbm>>
          %dma_wait3A_56 = arith.constant 0 : i32
          %dma_wait3A_57 = tpu.memref_slice %arg15[%dma_wait3A_56] : memref<624xf32, #tpu.memory_space<vmem>> -> memref<16xf32, #tpu.memory_space<vmem>>
          tpu.wait_dma2 semaphore(%run_scoped3A : memref<!tpu.dma_semaphore, #tpu.memory_space<semaphore_mem>>) src(%dma_wait3A_57 : memref<16xf32, #tpu.memory_space<vmem>>) dst(%dma_wait3A_55 : memref<16xf32, #tpu.memory_space<hbm>>)
          tpu.yield
        }) : () -> ()
      } else {
      }
    } else {
    }
    return
  }
}

#map = affine_map<(d0, d1) -> (0, 0)>
module attributes {stable_mosaic.version = 14 : i64} {
  func.func @_sc_agg_body(%arg0: i32, %arg1: i32, %arg2: memref<10000x128xf32, #tpu.memory_space<hbm>>, %arg3: memref<10000x128xf32, #tpu.memory_space<hbm>>, %arg4: memref<2560x128xi32, #tpu.memory_space<hbm>>, %arg5: memref<2560x128xi32, #tpu.memory_space<hbm>>, %arg6: memref<2560x128xi32, #tpu.memory_space<hbm>>, %arg7: memref<2560x128xi32, #tpu.memory_space<hbm>>, %arg8: memref<10000x128xf32, #tpu.memory_space<hbm>>, %arg9: memref<10000x128xf32, #tpu.memory_space<hbm>>, %arg10: memref<10000x128xf32, #tpu.memory_space<hbm>>, %arg11: memref<10008x128xf32, #tpu.memory_space<vmem_shared>>, %arg12: memref<128x128xf32, #tpu.memory_space<vmem>>, %arg13: memref<128x128xf32, #tpu.memory_space<vmem>>, %arg14: memref<32x128xi32, #tpu.memory_space<vmem>>, %arg15: memref<32x128xi32, #tpu.memory_space<vmem>>, %arg16: memref<!tpu.dma_semaphore, #tpu.memory_space<semaphore_mem>>, %arg17: memref<!tpu.dma_semaphore, #tpu.memory_space<semaphore_mem>>) attributes {dimension_semantics = [#tpu.dimension_semantics<core_parallel>, #tpu.dimension_semantics<subcore_parallel>], iteration_bounds = array<i64: 2, 16>, scalar_prefetch = 0 : i64, scratch_operands = 7 : i64, tpu.core_type = #tpu.core_type<sc_vector_subcore>, window_params = [{transform_indices = #map}, {transform_indices = #map}, {transform_indices = #map}, {transform_indices = #map}, {transform_indices = #map}, {transform_indices = #map}, {transform_indices = #map}, {transform_indices = #map}, {transform_indices = #map}]} {
    %mul3A = arith.constant 624 : i32
    %mul3A_0 = arith.muli %arg1, %mul3A : i32
    %mul3A_1 = arith.constant 624 : i32
    %mul3A_2 = arith.muli %arg1, %mul3A_1 : i32
    "tpu.region"() ({
      %run_scoped3A = tpu.sem_alloc : memref<!tpu.dma_semaphore, #tpu.memory_space<semaphore_mem>>
      %dma_start3A = arith.constant 0 : i32
      %dma_start3A_27 = tpu.memref_slice %arg11[%mul3A_2, %dma_start3A] : memref<10008x128xf32, #tpu.memory_space<vmem_shared>> -> memref<624x128xf32, #tpu.memory_space<vmem_shared>>
      %dma_start3A_28 = arith.constant 0 : i32
      %dma_start3A_29 = tpu.memref_slice %arg8[%mul3A_0, %dma_start3A_28] : memref<10000x128xf32, #tpu.memory_space<hbm>> -> memref<624x128xf32, #tpu.memory_space<hbm>>
      tpu.enqueue_dma source(%dma_start3A_29 : memref<624x128xf32, #tpu.memory_space<hbm>>) target(%dma_start3A_27 : memref<624x128xf32, #tpu.memory_space<vmem_shared>>) target_semaphore(%run_scoped3A : memref<!tpu.dma_semaphore, #tpu.memory_space<semaphore_mem>>)
      %dma_wait3A = arith.constant 0 : i32
      %dma_wait3A_30 = tpu.memref_slice %arg11[%mul3A_2, %dma_wait3A] : memref<10008x128xf32, #tpu.memory_space<vmem_shared>> -> memref<624x128xf32, #tpu.memory_space<vmem_shared>>
      %dma_wait3A_31 = arith.constant 0 : i32
      %dma_wait3A_32 = tpu.memref_slice %arg8[%mul3A_0, %dma_wait3A_31] : memref<10000x128xf32, #tpu.memory_space<hbm>> -> memref<624x128xf32, #tpu.memory_space<hbm>>
      tpu.wait_dma2 semaphore(%run_scoped3A : memref<!tpu.dma_semaphore, #tpu.memory_space<semaphore_mem>>) src(%dma_wait3A_32 : memref<624x128xf32, #tpu.memory_space<hbm>>) dst(%dma_wait3A_30 : memref<624x128xf32, #tpu.memory_space<vmem_shared>>)
      tpu.yield
    }) : () -> ()
    %eq3A = arith.constant 15 : i32
    %eq3A_3 = arith.cmpi eq, %arg1, %eq3A : i32
    %convert_element_type3A = arith.extui %eq3A_3 : i1 to i32
    %cond3A = arith.constant 0 : i32
    %cond3A_4 = arith.cmpi ne, %convert_element_type3A, %cond3A : i32
    scf.if %cond3A_4 {
      "tpu.region"() ({
        %run_scoped3A = tpu.sem_alloc : memref<!tpu.dma_semaphore, #tpu.memory_space<semaphore_mem>>
        %dma_start3A = arith.constant 9984 : i32
        %dma_start3A_27 = arith.constant 0 : i32
        %dma_start3A_28 = tpu.memref_slice %arg11[%dma_start3A, %dma_start3A_27] : memref<10008x128xf32, #tpu.memory_space<vmem_shared>> -> memref<16x128xf32, #tpu.memory_space<vmem_shared>>
        %dma_start3A_29 = arith.constant 9984 : i32
        %dma_start3A_30 = arith.constant 0 : i32
        %dma_start3A_31 = tpu.memref_slice %arg8[%dma_start3A_29, %dma_start3A_30] : memref<10000x128xf32, #tpu.memory_space<hbm>> -> memref<16x128xf32, #tpu.memory_space<hbm>>
        tpu.enqueue_dma source(%dma_start3A_31 : memref<16x128xf32, #tpu.memory_space<hbm>>) target(%dma_start3A_28 : memref<16x128xf32, #tpu.memory_space<vmem_shared>>) target_semaphore(%run_scoped3A : memref<!tpu.dma_semaphore, #tpu.memory_space<semaphore_mem>>)
        %dma_wait3A = arith.constant 9984 : i32
        %dma_wait3A_32 = arith.constant 0 : i32
        %dma_wait3A_33 = tpu.memref_slice %arg11[%dma_wait3A, %dma_wait3A_32] : memref<10008x128xf32, #tpu.memory_space<vmem_shared>> -> memref<16x128xf32, #tpu.memory_space<vmem_shared>>
        %dma_wait3A_34 = arith.constant 9984 : i32
        %dma_wait3A_35 = arith.constant 0 : i32
        %dma_wait3A_36 = tpu.memref_slice %arg8[%dma_wait3A_34, %dma_wait3A_35] : memref<10000x128xf32, #tpu.memory_space<hbm>> -> memref<16x128xf32, #tpu.memory_space<hbm>>
        tpu.wait_dma2 semaphore(%run_scoped3A : memref<!tpu.dma_semaphore, #tpu.memory_space<semaphore_mem>>) src(%dma_wait3A_36 : memref<16x128xf32, #tpu.memory_space<hbm>>) dst(%dma_wait3A_33 : memref<16x128xf32, #tpu.memory_space<vmem_shared>>)
        tpu.yield
      }) : () -> ()
    } else {
    }
    %mul3A_5 = arith.constant 160 : i32
    %mul3A_6 = arith.muli %arg1, %mul3A_5 : i32
    %eq3A_7 = arith.constant 0 : i32
    %eq3A_8 = arith.cmpi eq, %arg0, %eq3A_7 : i32
    %convert_element_type3A_9 = arith.extui %eq3A_8 : i1 to i32
    %cond3A_10 = arith.constant 0 : i32
    %cond3A_11 = arith.cmpi ne, %convert_element_type3A_9, %cond3A_10 : i32
    scf.if %cond3A_11 {
      %barrier3A_27 = arith.constant 0 : index
      tpu.barrier barrier_id(%barrier3A_27)
      %scan3A = arith.constant 0 : i32
      %scan3A_28 = arith.constant 0 : i32
      %scan3A_29 = arith.constant 5 : i32
      %scan3A_30 = arith.addi %scan3A_28, %scan3A_29 : i32
      %scan3A_31 = arith.constant 1 : i32
      scf.for %scan3A_33 = %scan3A_28 to %scan3A_30 step %scan3A_31  : i32 {
        %mul3A_34 = arith.constant 32 : i32
        %mul3A_35 = arith.muli %scan3A_33, %mul3A_34 : i32
        %add3A = arith.addi %mul3A_6, %mul3A_35 : i32
        "tpu.region"() ({
          %run_scoped3A = tpu.sem_alloc : memref<!tpu.dma_semaphore, #tpu.memory_space<semaphore_mem>>
          %dma_start3A_61 = arith.constant 0 : i32
          %dma_start3A_62 = tpu.memref_slice %arg4[%add3A, %dma_start3A_61] : memref<2560x128xi32, #tpu.memory_space<hbm>> -> memref<32x128xi32, #tpu.memory_space<hbm>>
          %dma_start3A_63 = arith.constant 0 : i32
          %dma_start3A_64 = tpu.memref_slice %arg4[%add3A, %dma_start3A_63] : memref<2560x128xi32, #tpu.memory_space<hbm>> -> memref<32x128xi32, #tpu.memory_space<hbm>>
          tpu.enqueue_dma source(%dma_start3A_64 : memref<32x128xi32, #tpu.memory_space<hbm>>) target(%arg14 : memref<32x128xi32, #tpu.memory_space<vmem>>) target_semaphore(%run_scoped3A : memref<!tpu.dma_semaphore, #tpu.memory_space<semaphore_mem>>)
          %dma_wait3A = arith.constant 0 : i32
          %dma_wait3A_65 = tpu.memref_slice %arg4[%add3A, %dma_wait3A] : memref<2560x128xi32, #tpu.memory_space<hbm>> -> memref<32x128xi32, #tpu.memory_space<hbm>>
          %dma_wait3A_66 = arith.constant 0 : i32
          %dma_wait3A_67 = tpu.memref_slice %arg4[%add3A, %dma_wait3A_66] : memref<2560x128xi32, #tpu.memory_space<hbm>> -> memref<32x128xi32, #tpu.memory_space<hbm>>
          tpu.wait_dma2 semaphore(%run_scoped3A : memref<!tpu.dma_semaphore, #tpu.memory_space<semaphore_mem>>) src(%dma_wait3A_67 : memref<32x128xi32, #tpu.memory_space<hbm>>) dst(%arg14 : memref<32x128xi32, #tpu.memory_space<vmem>>)
          tpu.yield
        }) : () -> ()
        "tpu.region"() ({
          %run_scoped3A = tpu.sem_alloc : memref<!tpu.dma_semaphore, #tpu.memory_space<semaphore_mem>>
          %dma_start3A_61 = arith.constant 0 : i32
          %dma_start3A_62 = tpu.memref_slice %arg5[%add3A, %dma_start3A_61] : memref<2560x128xi32, #tpu.memory_space<hbm>> -> memref<32x128xi32, #tpu.memory_space<hbm>>
          %dma_start3A_63 = arith.constant 0 : i32
          %dma_start3A_64 = tpu.memref_slice %arg5[%add3A, %dma_start3A_63] : memref<2560x128xi32, #tpu.memory_space<hbm>> -> memref<32x128xi32, #tpu.memory_space<hbm>>
          tpu.enqueue_dma source(%dma_start3A_64 : memref<32x128xi32, #tpu.memory_space<hbm>>) target(%arg15 : memref<32x128xi32, #tpu.memory_space<vmem>>) target_semaphore(%run_scoped3A : memref<!tpu.dma_semaphore, #tpu.memory_space<semaphore_mem>>)
          %dma_wait3A = arith.constant 0 : i32
          %dma_wait3A_65 = tpu.memref_slice %arg5[%add3A, %dma_wait3A] : memref<2560x128xi32, #tpu.memory_space<hbm>> -> memref<32x128xi32, #tpu.memory_space<hbm>>
          %dma_wait3A_66 = arith.constant 0 : i32
          %dma_wait3A_67 = tpu.memref_slice %arg5[%add3A, %dma_wait3A_66] : memref<2560x128xi32, #tpu.memory_space<hbm>> -> memref<32x128xi32, #tpu.memory_space<hbm>>
          tpu.wait_dma2 semaphore(%run_scoped3A : memref<!tpu.dma_semaphore, #tpu.memory_space<semaphore_mem>>) src(%dma_wait3A_67 : memref<32x128xi32, #tpu.memory_space<hbm>>) dst(%arg15 : memref<32x128xi32, #tpu.memory_space<vmem>>)
          tpu.yield
        }) : () -> ()
        %dma_start3A = arith.constant 0 : i32
        %dma_start3A_36 = arith.constant 0 : i32
        %dma_start3A_37 = arith.constant 0 : i32
        %dma_start3A_38 = tpu.memref_slice %arg12[%dma_start3A_36, %dma_start3A_37] : memref<128x128xf32, #tpu.memory_space<vmem>> -> memref<64x128xf32, #tpu.memory_space<vmem>>
        %dma_start3A_39 = arith.constant 0 : i32
        %dma_start3A_40 = tpu.memref_slice %arg14[%dma_start3A, %dma_start3A_39] : memref<32x128xi32, #tpu.memory_space<vmem>> -> memref<1x64xi32, #tpu.memory_space<vmem>>
        %dma_start3A_41 = tpu.memref_squeeze %dma_start3A_40 : memref<1x64xi32, #tpu.memory_space<vmem>> -> memref<64xi32, #tpu.memory_space<vmem>>
        %dma_start3A_42 = arith.constant 0 : i32
        %dma_start3A_43 = arith.constant 0 : i32
        %dma_start3A_44 = tpu.memref_slice %arg2[%dma_start3A_42, %dma_start3A_43] : memref<10000x128xf32, #tpu.memory_space<hbm>> -> memref<10000x128xf32, #tpu.memory_space<hbm>>
        tpu.enqueue_indirect_dma source(%dma_start3A_44 : memref<10000x128xf32, #tpu.memory_space<hbm>>) target(%dma_start3A_38 : memref<64x128xf32, #tpu.memory_space<vmem>>) offsets(%dma_start3A_41 : memref<64xi32, #tpu.memory_space<vmem>>) semaphore(%arg16 : memref<!tpu.dma_semaphore, #tpu.memory_space<semaphore_mem>>)
        %dma_start3A_45 = arith.constant 0 : i32
        %dma_start3A_46 = arith.constant 64 : i32
        %dma_start3A_47 = arith.constant 0 : i32
        %dma_start3A_48 = tpu.memref_slice %arg12[%dma_start3A_46, %dma_start3A_47] : memref<128x128xf32, #tpu.memory_space<vmem>> -> memref<64x128xf32, #tpu.memory_space<vmem>>
        %dma_start3A_49 = arith.constant 64 : i32
        %dma_start3A_50 = tpu.memref_slice %arg14[%dma_start3A_45, %dma_start3A_49] : memref<32x128xi32, #tpu.memory_space<vmem>> -> memref<1x64xi32, #tpu.memory_space<vmem>>
        %dma_start3A_51 = tpu.memref_squeeze %dma_start3A_50 : memref<1x64xi32, #tpu.memory_space<vmem>> -> memref<64xi32, #tpu.memory_space<vmem>>
        %dma_start3A_52 = arith.constant 0 : i32
        %dma_start3A_53 = arith.constant 0 : i32
        %dma_start3A_54 = tpu.memref_slice %arg2[%dma_start3A_52, %dma_start3A_53] : memref<10000x128xf32, #tpu.memory_space<hbm>> -> memref<10000x128xf32, #tpu.memory_space<hbm>>
        tpu.enqueue_indirect_dma source(%dma_start3A_54 : memref<10000x128xf32, #tpu.memory_space<hbm>>) target(%dma_start3A_48 : memref<64x128xf32, #tpu.memory_space<vmem>>) offsets(%dma_start3A_51 : memref<64xi32, #tpu.memory_space<vmem>>) semaphore(%arg16 : memref<!tpu.dma_semaphore, #tpu.memory_space<semaphore_mem>>)
        %scan3A_55 = arith.constant 0 : i32
        %scan3A_56 = arith.constant 0 : i32
        %scan3A_57 = arith.constant 16 : i32
        %scan3A_58 = arith.addi %scan3A_56, %scan3A_57 : i32
        %scan3A_59 = arith.constant 1 : i32
        scf.for %scan3A_61 = %scan3A_56 to %scan3A_58 step %scan3A_59  : i32 {
          %mul3A_62 = arith.constant 2 : i32
          %mul3A_63 = arith.muli %mul3A_62, %scan3A_61 : i32
          %add3A_64 = arith.constant 1 : i32
          %add3A_65 = arith.addi %mul3A_63, %add3A_64 : i32
          %dma_start3A_66 = arith.constant 0 : i32
          %dma_start3A_67 = arith.constant 0 : i32
          %dma_start3A_68 = tpu.memref_slice %arg13[%dma_start3A_66, %dma_start3A_67] : memref<128x128xf32, #tpu.memory_space<vmem>> -> memref<64x128xf32, #tpu.memory_space<vmem>>
          %dma_start3A_69 = arith.constant 0 : i32
          %dma_start3A_70 = tpu.memref_slice %arg14[%add3A_65, %dma_start3A_69] : memref<32x128xi32, #tpu.memory_space<vmem>> -> memref<1x64xi32, #tpu.memory_space<vmem>>
          %dma_start3A_71 = tpu.memref_squeeze %dma_start3A_70 : memref<1x64xi32, #tpu.memory_space<vmem>> -> memref<64xi32, #tpu.memory_space<vmem>>
          %dma_start3A_72 = arith.constant 0 : i32
          %dma_start3A_73 = arith.constant 0 : i32
          %dma_start3A_74 = tpu.memref_slice %arg2[%dma_start3A_72, %dma_start3A_73] : memref<10000x128xf32, #tpu.memory_space<hbm>> -> memref<10000x128xf32, #tpu.memory_space<hbm>>
          tpu.enqueue_indirect_dma source(%dma_start3A_74 : memref<10000x128xf32, #tpu.memory_space<hbm>>) target(%dma_start3A_68 : memref<64x128xf32, #tpu.memory_space<vmem>>) offsets(%dma_start3A_71 : memref<64xi32, #tpu.memory_space<vmem>>) semaphore(%arg17 : memref<!tpu.dma_semaphore, #tpu.memory_space<semaphore_mem>>)
          %dma_start3A_75 = arith.constant 64 : i32
          %dma_start3A_76 = arith.constant 0 : i32
          %dma_start3A_77 = tpu.memref_slice %arg13[%dma_start3A_75, %dma_start3A_76] : memref<128x128xf32, #tpu.memory_space<vmem>> -> memref<64x128xf32, #tpu.memory_space<vmem>>
          %dma_start3A_78 = arith.constant 64 : i32
          %dma_start3A_79 = tpu.memref_slice %arg14[%add3A_65, %dma_start3A_78] : memref<32x128xi32, #tpu.memory_space<vmem>> -> memref<1x64xi32, #tpu.memory_space<vmem>>
          %dma_start3A_80 = tpu.memref_squeeze %dma_start3A_79 : memref<1x64xi32, #tpu.memory_space<vmem>> -> memref<64xi32, #tpu.memory_space<vmem>>
          %dma_start3A_81 = arith.constant 0 : i32
          %dma_start3A_82 = arith.constant 0 : i32
          %dma_start3A_83 = tpu.memref_slice %arg2[%dma_start3A_81, %dma_start3A_82] : memref<10000x128xf32, #tpu.memory_space<hbm>> -> memref<10000x128xf32, #tpu.memory_space<hbm>>
          tpu.enqueue_indirect_dma source(%dma_start3A_83 : memref<10000x128xf32, #tpu.memory_space<hbm>>) target(%dma_start3A_77 : memref<64x128xf32, #tpu.memory_space<vmem>>) offsets(%dma_start3A_80 : memref<64xi32, #tpu.memory_space<vmem>>) semaphore(%arg17 : memref<!tpu.dma_semaphore, #tpu.memory_space<semaphore_mem>>)
          %dma_wait3A = arith.constant 0 : i32
          %dma_wait3A_84 = arith.constant 0 : i32
          %dma_wait3A_85 = tpu.memref_slice %arg12[%dma_wait3A, %dma_wait3A_84] : memref<128x128xf32, #tpu.memory_space<vmem>> -> memref<64x128xf32, #tpu.memory_space<vmem>>
          %dma_wait3A_86 = arith.constant 0 : i32
          %dma_wait3A_87 = tpu.memref_slice %arg14[%mul3A_63, %dma_wait3A_86] : memref<32x128xi32, #tpu.memory_space<vmem>> -> memref<1x64xi32, #tpu.memory_space<vmem>>
          %dma_wait3A_88 = tpu.memref_squeeze %dma_wait3A_87 : memref<1x64xi32, #tpu.memory_space<vmem>> -> memref<64xi32, #tpu.memory_space<vmem>>
          %dma_wait3A_89 = arith.constant 0 : i32
          %dma_wait3A_90 = arith.constant 0 : i32
          %dma_wait3A_91 = tpu.memref_slice %arg2[%dma_wait3A_89, %dma_wait3A_90] : memref<10000x128xf32, #tpu.memory_space<hbm>> -> memref<10000x128xf32, #tpu.memory_space<hbm>>
          tpu.wait_indirect_dma semaphore(%arg16 : memref<!tpu.dma_semaphore, #tpu.memory_space<semaphore_mem>>) src(%dma_wait3A_91 : memref<10000x128xf32, #tpu.memory_space<hbm>>) dst(%dma_wait3A_85 : memref<64x128xf32, #tpu.memory_space<vmem>>)
          %dma_wait3A_92 = arith.constant 64 : i32
          %dma_wait3A_93 = arith.constant 0 : i32
          %dma_wait3A_94 = tpu.memref_slice %arg12[%dma_wait3A_92, %dma_wait3A_93] : memref<128x128xf32, #tpu.memory_space<vmem>> -> memref<64x128xf32, #tpu.memory_space<vmem>>
          %dma_wait3A_95 = arith.constant 64 : i32
          %dma_wait3A_96 = tpu.memref_slice %arg14[%mul3A_63, %dma_wait3A_95] : memref<32x128xi32, #tpu.memory_space<vmem>> -> memref<1x64xi32, #tpu.memory_space<vmem>>
          %dma_wait3A_97 = tpu.memref_squeeze %dma_wait3A_96 : memref<1x64xi32, #tpu.memory_space<vmem>> -> memref<64xi32, #tpu.memory_space<vmem>>
          %dma_wait3A_98 = arith.constant 0 : i32
          %dma_wait3A_99 = arith.constant 0 : i32
          %dma_wait3A_100 = tpu.memref_slice %arg2[%dma_wait3A_98, %dma_wait3A_99] : memref<10000x128xf32, #tpu.memory_space<hbm>> -> memref<10000x128xf32, #tpu.memory_space<hbm>>
          tpu.wait_indirect_dma semaphore(%arg16 : memref<!tpu.dma_semaphore, #tpu.memory_space<semaphore_mem>>) src(%dma_wait3A_100 : memref<10000x128xf32, #tpu.memory_space<hbm>>) dst(%dma_wait3A_94 : memref<64x128xf32, #tpu.memory_space<vmem>>)
          "tpu.region"() ({
            %run_scoped3A = tpu.sem_alloc : memref<!tpu.dma_semaphore, #tpu.memory_space<semaphore_mem>>
            %dma_start3A_125 = arith.constant 0 : i32
            %dma_start3A_126 = tpu.memref_slice %arg15[%mul3A_63, %dma_start3A_125] : memref<32x128xi32, #tpu.memory_space<vmem>> -> memref<1x128xi32, #tpu.memory_space<vmem>>
            %dma_start3A_127 = tpu.memref_squeeze %dma_start3A_126 : memref<1x128xi32, #tpu.memory_space<vmem>> -> memref<128xi32, #tpu.memory_space<vmem>>
            %dma_start3A_128 = arith.constant 0 : i32
            %dma_start3A_129 = arith.constant 0 : i32
            %dma_start3A_130 = tpu.memref_slice %arg11[%dma_start3A_128, %dma_start3A_129] : memref<10008x128xf32, #tpu.memory_space<vmem_shared>> -> memref<10008x128xf32, #tpu.memory_space<vmem_shared>>
            tpu.enqueue_indirect_dma source(%arg12 : memref<128x128xf32, #tpu.memory_space<vmem>>) target(%dma_start3A_130 : memref<10008x128xf32, #tpu.memory_space<vmem_shared>>) offsets(%dma_start3A_127 : memref<128xi32, #tpu.memory_space<vmem>>) semaphore(%run_scoped3A : memref<!tpu.dma_semaphore, #tpu.memory_space<semaphore_mem>>) {add = true}
            %dma_wait3A_131 = arith.constant 0 : i32
            %dma_wait3A_132 = tpu.memref_slice %arg15[%mul3A_63, %dma_wait3A_131] : memref<32x128xi32, #tpu.memory_space<vmem>> -> memref<1x128xi32, #tpu.memory_space<vmem>>
            %dma_wait3A_133 = tpu.memref_squeeze %dma_wait3A_132 : memref<1x128xi32, #tpu.memory_space<vmem>> -> memref<128xi32, #tpu.memory_space<vmem>>
            %dma_wait3A_134 = arith.constant 0 : i32
            %dma_wait3A_135 = arith.constant 0 : i32
            %dma_wait3A_136 = tpu.memref_slice %arg11[%dma_wait3A_134, %dma_wait3A_135] : memref<10008x128xf32, #tpu.memory_space<vmem_shared>> -> memref<10008x128xf32, #tpu.memory_space<vmem_shared>>
            tpu.wait_indirect_dma semaphore(%run_scoped3A : memref<!tpu.dma_semaphore, #tpu.memory_space<semaphore_mem>>) src(%arg12 : memref<128x128xf32, #tpu.memory_space<vmem>>) dst(%dma_wait3A_136 : memref<10008x128xf32, #tpu.memory_space<vmem_shared>>)
            tpu.yield
          }) : () -> ()
          %add3A_101 = arith.constant 2 : i32
          %add3A_102 = arith.addi %mul3A_63, %add3A_101 : i32
          %lt3A = arith.constant 32 : i32
          %lt3A_103 = arith.cmpi slt, %add3A_102, %lt3A : i32
          %convert_element_type3A_104 = arith.extui %lt3A_103 : i1 to i32
          %cond3A_105 = arith.constant 0 : i32
          %cond3A_106 = arith.cmpi ne, %convert_element_type3A_104, %cond3A_105 : i32
          scf.if %cond3A_106 {
            %add3A_125 = arith.constant 2 : i32
            %add3A_126 = arith.addi %mul3A_63, %add3A_125 : i32
            %dma_start3A_127 = arith.constant 0 : i32
            %dma_start3A_128 = arith.constant 0 : i32
            %dma_start3A_129 = tpu.memref_slice %arg12[%dma_start3A_127, %dma_start3A_128] : memref<128x128xf32, #tpu.memory_space<vmem>> -> memref<64x128xf32, #tpu.memory_space<vmem>>
            %dma_start3A_130 = arith.constant 0 : i32
            %dma_start3A_131 = tpu.memref_slice %arg14[%add3A_126, %dma_start3A_130] : memref<32x128xi32, #tpu.memory_space<vmem>> -> memref<1x64xi32, #tpu.memory_space<vmem>>
            %dma_start3A_132 = tpu.memref_squeeze %dma_start3A_131 : memref<1x64xi32, #tpu.memory_space<vmem>> -> memref<64xi32, #tpu.memory_space<vmem>>
            %dma_start3A_133 = arith.constant 0 : i32
            %dma_start3A_134 = arith.constant 0 : i32
            %dma_start3A_135 = tpu.memref_slice %arg2[%dma_start3A_133, %dma_start3A_134] : memref<10000x128xf32, #tpu.memory_space<hbm>> -> memref<10000x128xf32, #tpu.memory_space<hbm>>
            tpu.enqueue_indirect_dma source(%dma_start3A_135 : memref<10000x128xf32, #tpu.memory_space<hbm>>) target(%dma_start3A_129 : memref<64x128xf32, #tpu.memory_space<vmem>>) offsets(%dma_start3A_132 : memref<64xi32, #tpu.memory_space<vmem>>) semaphore(%arg16 : memref<!tpu.dma_semaphore, #tpu.memory_space<semaphore_mem>>)
            %dma_start3A_136 = arith.constant 64 : i32
            %dma_start3A_137 = arith.constant 0 : i32
            %dma_start3A_138 = tpu.memref_slice %arg12[%dma_start3A_136, %dma_start3A_137] : memref<128x128xf32, #tpu.memory_space<vmem>> -> memref<64x128xf32, #tpu.memory_space<vmem>>
            %dma_start3A_139 = arith.constant 64 : i32
            %dma_start3A_140 = tpu.memref_slice %arg14[%add3A_126, %dma_start3A_139] : memref<32x128xi32, #tpu.memory_space<vmem>> -> memref<1x64xi32, #tpu.memory_space<vmem>>
            %dma_start3A_141 = tpu.memref_squeeze %dma_start3A_140 : memref<1x64xi32, #tpu.memory_space<vmem>> -> memref<64xi32, #tpu.memory_space<vmem>>
            %dma_start3A_142 = arith.constant 0 : i32
            %dma_start3A_143 = arith.constant 0 : i32
            %dma_start3A_144 = tpu.memref_slice %arg2[%dma_start3A_142, %dma_start3A_143] : memref<10000x128xf32, #tpu.memory_space<hbm>> -> memref<10000x128xf32, #tpu.memory_space<hbm>>
            tpu.enqueue_indirect_dma source(%dma_start3A_144 : memref<10000x128xf32, #tpu.memory_space<hbm>>) target(%dma_start3A_138 : memref<64x128xf32, #tpu.memory_space<vmem>>) offsets(%dma_start3A_141 : memref<64xi32, #tpu.memory_space<vmem>>) semaphore(%arg16 : memref<!tpu.dma_semaphore, #tpu.memory_space<semaphore_mem>>)
          } else {
          }
          %dma_wait3A_107 = arith.constant 0 : i32
          %dma_wait3A_108 = arith.constant 0 : i32
          %dma_wait3A_109 = tpu.memref_slice %arg13[%dma_wait3A_107, %dma_wait3A_108] : memref<128x128xf32, #tpu.memory_space<vmem>> -> memref<64x128xf32, #tpu.memory_space<vmem>>
          %dma_wait3A_110 = arith.constant 0 : i32
          %dma_wait3A_111 = tpu.memref_slice %arg14[%add3A_65, %dma_wait3A_110] : memref<32x128xi32, #tpu.memory_space<vmem>> -> memref<1x64xi32, #tpu.memory_space<vmem>>
          %dma_wait3A_112 = tpu.memref_squeeze %dma_wait3A_111 : memref<1x64xi32, #tpu.memory_space<vmem>> -> memref<64xi32, #tpu.memory_space<vmem>>
          %dma_wait3A_113 = arith.constant 0 : i32
          %dma_wait3A_114 = arith.constant 0 : i32
          %dma_wait3A_115 = tpu.memref_slice %arg2[%dma_wait3A_113, %dma_wait3A_114] : memref<10000x128xf32, #tpu.memory_space<hbm>> -> memref<10000x128xf32, #tpu.memory_space<hbm>>
          tpu.wait_indirect_dma semaphore(%arg17 : memref<!tpu.dma_semaphore, #tpu.memory_space<semaphore_mem>>) src(%dma_wait3A_115 : memref<10000x128xf32, #tpu.memory_space<hbm>>) dst(%dma_wait3A_109 : memref<64x128xf32, #tpu.memory_space<vmem>>)
          %dma_wait3A_116 = arith.constant 64 : i32
          %dma_wait3A_117 = arith.constant 0 : i32
          %dma_wait3A_118 = tpu.memref_slice %arg13[%dma_wait3A_116, %dma_wait3A_117] : memref<128x128xf32, #tpu.memory_space<vmem>> -> memref<64x128xf32, #tpu.memory_space<vmem>>
          %dma_wait3A_119 = arith.constant 64 : i32
          %dma_wait3A_120 = tpu.memref_slice %arg14[%add3A_65, %dma_wait3A_119] : memref<32x128xi32, #tpu.memory_space<vmem>> -> memref<1x64xi32, #tpu.memory_space<vmem>>
          %dma_wait3A_121 = tpu.memref_squeeze %dma_wait3A_120 : memref<1x64xi32, #tpu.memory_space<vmem>> -> memref<64xi32, #tpu.memory_space<vmem>>
          %dma_wait3A_122 = arith.constant 0 : i32
          %dma_wait3A_123 = arith.constant 0 : i32
          %dma_wait3A_124 = tpu.memref_slice %arg2[%dma_wait3A_122, %dma_wait3A_123] : memref<10000x128xf32, #tpu.memory_space<hbm>> -> memref<10000x128xf32, #tpu.memory_space<hbm>>
          tpu.wait_indirect_dma semaphore(%arg17 : memref<!tpu.dma_semaphore, #tpu.memory_space<semaphore_mem>>) src(%dma_wait3A_124 : memref<10000x128xf32, #tpu.memory_space<hbm>>) dst(%dma_wait3A_118 : memref<64x128xf32, #tpu.memory_space<vmem>>)
          "tpu.region"() ({
            %run_scoped3A = tpu.sem_alloc : memref<!tpu.dma_semaphore, #tpu.memory_space<semaphore_mem>>
            %dma_start3A_125 = arith.constant 0 : i32
            %dma_start3A_126 = tpu.memref_slice %arg15[%add3A_65, %dma_start3A_125] : memref<32x128xi32, #tpu.memory_space<vmem>> -> memref<1x128xi32, #tpu.memory_space<vmem>>
            %dma_start3A_127 = tpu.memref_squeeze %dma_start3A_126 : memref<1x128xi32, #tpu.memory_space<vmem>> -> memref<128xi32, #tpu.memory_space<vmem>>
            %dma_start3A_128 = arith.constant 0 : i32
            %dma_start3A_129 = arith.constant 0 : i32
            %dma_start3A_130 = tpu.memref_slice %arg11[%dma_start3A_128, %dma_start3A_129] : memref<10008x128xf32, #tpu.memory_space<vmem_shared>> -> memref<10008x128xf32, #tpu.memory_space<vmem_shared>>
            tpu.enqueue_indirect_dma source(%arg13 : memref<128x128xf32, #tpu.memory_space<vmem>>) target(%dma_start3A_130 : memref<10008x128xf32, #tpu.memory_space<vmem_shared>>) offsets(%dma_start3A_127 : memref<128xi32, #tpu.memory_space<vmem>>) semaphore(%run_scoped3A : memref<!tpu.dma_semaphore, #tpu.memory_space<semaphore_mem>>) {add = true}
            %dma_wait3A_131 = arith.constant 0 : i32
            %dma_wait3A_132 = tpu.memref_slice %arg15[%add3A_65, %dma_wait3A_131] : memref<32x128xi32, #tpu.memory_space<vmem>> -> memref<1x128xi32, #tpu.memory_space<vmem>>
            %dma_wait3A_133 = tpu.memref_squeeze %dma_wait3A_132 : memref<1x128xi32, #tpu.memory_space<vmem>> -> memref<128xi32, #tpu.memory_space<vmem>>
            %dma_wait3A_134 = arith.constant 0 : i32
            %dma_wait3A_135 = arith.constant 0 : i32
            %dma_wait3A_136 = tpu.memref_slice %arg11[%dma_wait3A_134, %dma_wait3A_135] : memref<10008x128xf32, #tpu.memory_space<vmem_shared>> -> memref<10008x128xf32, #tpu.memory_space<vmem_shared>>
            tpu.wait_indirect_dma semaphore(%run_scoped3A : memref<!tpu.dma_semaphore, #tpu.memory_space<semaphore_mem>>) src(%arg13 : memref<128x128xf32, #tpu.memory_space<vmem>>) dst(%dma_wait3A_136 : memref<10008x128xf32, #tpu.memory_space<vmem_shared>>)
            tpu.yield
          }) : () -> ()
        }
        %scan3A_60 = arith.constant 16 : i32
      }
      %scan3A_32 = arith.constant 5 : i32
    } else {
    }
    %eq3A_12 = arith.constant 1 : i32
    %eq3A_13 = arith.cmpi eq, %arg0, %eq3A_12 : i32
    %convert_element_type3A_14 = arith.extui %eq3A_13 : i1 to i32
    %cond3A_15 = arith.constant 0 : i32
    %cond3A_16 = arith.cmpi ne, %convert_element_type3A_14, %cond3A_15 : i32
    scf.if %cond3A_16 {
      %barrier3A_27 = arith.constant 0 : index
      tpu.barrier barrier_id(%barrier3A_27)
      %scan3A = arith.constant 0 : i32
      %scan3A_28 = arith.constant 0 : i32
      %scan3A_29 = arith.constant 5 : i32
      %scan3A_30 = arith.addi %scan3A_28, %scan3A_29 : i32
      %scan3A_31 = arith.constant 1 : i32
      scf.for %scan3A_33 = %scan3A_28 to %scan3A_30 step %scan3A_31  : i32 {
        %mul3A_34 = arith.constant 32 : i32
        %mul3A_35 = arith.muli %scan3A_33, %mul3A_34 : i32
        %add3A = arith.addi %mul3A_6, %mul3A_35 : i32
        "tpu.region"() ({
          %run_scoped3A = tpu.sem_alloc : memref<!tpu.dma_semaphore, #tpu.memory_space<semaphore_mem>>
          %dma_start3A_61 = arith.constant 0 : i32
          %dma_start3A_62 = tpu.memref_slice %arg6[%add3A, %dma_start3A_61] : memref<2560x128xi32, #tpu.memory_space<hbm>> -> memref<32x128xi32, #tpu.memory_space<hbm>>
          %dma_start3A_63 = arith.constant 0 : i32
          %dma_start3A_64 = tpu.memref_slice %arg6[%add3A, %dma_start3A_63] : memref<2560x128xi32, #tpu.memory_space<hbm>> -> memref<32x128xi32, #tpu.memory_space<hbm>>
          tpu.enqueue_dma source(%dma_start3A_64 : memref<32x128xi32, #tpu.memory_space<hbm>>) target(%arg14 : memref<32x128xi32, #tpu.memory_space<vmem>>) target_semaphore(%run_scoped3A : memref<!tpu.dma_semaphore, #tpu.memory_space<semaphore_mem>>)
          %dma_wait3A = arith.constant 0 : i32
          %dma_wait3A_65 = tpu.memref_slice %arg6[%add3A, %dma_wait3A] : memref<2560x128xi32, #tpu.memory_space<hbm>> -> memref<32x128xi32, #tpu.memory_space<hbm>>
          %dma_wait3A_66 = arith.constant 0 : i32
          %dma_wait3A_67 = tpu.memref_slice %arg6[%add3A, %dma_wait3A_66] : memref<2560x128xi32, #tpu.memory_space<hbm>> -> memref<32x128xi32, #tpu.memory_space<hbm>>
          tpu.wait_dma2 semaphore(%run_scoped3A : memref<!tpu.dma_semaphore, #tpu.memory_space<semaphore_mem>>) src(%dma_wait3A_67 : memref<32x128xi32, #tpu.memory_space<hbm>>) dst(%arg14 : memref<32x128xi32, #tpu.memory_space<vmem>>)
          tpu.yield
        }) : () -> ()
        "tpu.region"() ({
          %run_scoped3A = tpu.sem_alloc : memref<!tpu.dma_semaphore, #tpu.memory_space<semaphore_mem>>
          %dma_start3A_61 = arith.constant 0 : i32
          %dma_start3A_62 = tpu.memref_slice %arg7[%add3A, %dma_start3A_61] : memref<2560x128xi32, #tpu.memory_space<hbm>> -> memref<32x128xi32, #tpu.memory_space<hbm>>
          %dma_start3A_63 = arith.constant 0 : i32
          %dma_start3A_64 = tpu.memref_slice %arg7[%add3A, %dma_start3A_63] : memref<2560x128xi32, #tpu.memory_space<hbm>> -> memref<32x128xi32, #tpu.memory_space<hbm>>
          tpu.enqueue_dma source(%dma_start3A_64 : memref<32x128xi32, #tpu.memory_space<hbm>>) target(%arg15 : memref<32x128xi32, #tpu.memory_space<vmem>>) target_semaphore(%run_scoped3A : memref<!tpu.dma_semaphore, #tpu.memory_space<semaphore_mem>>)
          %dma_wait3A = arith.constant 0 : i32
          %dma_wait3A_65 = tpu.memref_slice %arg7[%add3A, %dma_wait3A] : memref<2560x128xi32, #tpu.memory_space<hbm>> -> memref<32x128xi32, #tpu.memory_space<hbm>>
          %dma_wait3A_66 = arith.constant 0 : i32
          %dma_wait3A_67 = tpu.memref_slice %arg7[%add3A, %dma_wait3A_66] : memref<2560x128xi32, #tpu.memory_space<hbm>> -> memref<32x128xi32, #tpu.memory_space<hbm>>
          tpu.wait_dma2 semaphore(%run_scoped3A : memref<!tpu.dma_semaphore, #tpu.memory_space<semaphore_mem>>) src(%dma_wait3A_67 : memref<32x128xi32, #tpu.memory_space<hbm>>) dst(%arg15 : memref<32x128xi32, #tpu.memory_space<vmem>>)
          tpu.yield
        }) : () -> ()
        %dma_start3A = arith.constant 0 : i32
        %dma_start3A_36 = arith.constant 0 : i32
        %dma_start3A_37 = arith.constant 0 : i32
        %dma_start3A_38 = tpu.memref_slice %arg12[%dma_start3A_36, %dma_start3A_37] : memref<128x128xf32, #tpu.memory_space<vmem>> -> memref<64x128xf32, #tpu.memory_space<vmem>>
        %dma_start3A_39 = arith.constant 0 : i32
        %dma_start3A_40 = tpu.memref_slice %arg14[%dma_start3A, %dma_start3A_39] : memref<32x128xi32, #tpu.memory_space<vmem>> -> memref<1x64xi32, #tpu.memory_space<vmem>>
        %dma_start3A_41 = tpu.memref_squeeze %dma_start3A_40 : memref<1x64xi32, #tpu.memory_space<vmem>> -> memref<64xi32, #tpu.memory_space<vmem>>
        %dma_start3A_42 = arith.constant 0 : i32
        %dma_start3A_43 = arith.constant 0 : i32
        %dma_start3A_44 = tpu.memref_slice %arg3[%dma_start3A_42, %dma_start3A_43] : memref<10000x128xf32, #tpu.memory_space<hbm>> -> memref<10000x128xf32, #tpu.memory_space<hbm>>
        tpu.enqueue_indirect_dma source(%dma_start3A_44 : memref<10000x128xf32, #tpu.memory_space<hbm>>) target(%dma_start3A_38 : memref<64x128xf32, #tpu.memory_space<vmem>>) offsets(%dma_start3A_41 : memref<64xi32, #tpu.memory_space<vmem>>) semaphore(%arg16 : memref<!tpu.dma_semaphore, #tpu.memory_space<semaphore_mem>>)
        %dma_start3A_45 = arith.constant 0 : i32
        %dma_start3A_46 = arith.constant 64 : i32
        %dma_start3A_47 = arith.constant 0 : i32
        %dma_start3A_48 = tpu.memref_slice %arg12[%dma_start3A_46, %dma_start3A_47] : memref<128x128xf32, #tpu.memory_space<vmem>> -> memref<64x128xf32, #tpu.memory_space<vmem>>
        %dma_start3A_49 = arith.constant 64 : i32
        %dma_start3A_50 = tpu.memref_slice %arg14[%dma_start3A_45, %dma_start3A_49] : memref<32x128xi32, #tpu.memory_space<vmem>> -> memref<1x64xi32, #tpu.memory_space<vmem>>
        %dma_start3A_51 = tpu.memref_squeeze %dma_start3A_50 : memref<1x64xi32, #tpu.memory_space<vmem>> -> memref<64xi32, #tpu.memory_space<vmem>>
        %dma_start3A_52 = arith.constant 0 : i32
        %dma_start3A_53 = arith.constant 0 : i32
        %dma_start3A_54 = tpu.memref_slice %arg3[%dma_start3A_52, %dma_start3A_53] : memref<10000x128xf32, #tpu.memory_space<hbm>> -> memref<10000x128xf32, #tpu.memory_space<hbm>>
        tpu.enqueue_indirect_dma source(%dma_start3A_54 : memref<10000x128xf32, #tpu.memory_space<hbm>>) target(%dma_start3A_48 : memref<64x128xf32, #tpu.memory_space<vmem>>) offsets(%dma_start3A_51 : memref<64xi32, #tpu.memory_space<vmem>>) semaphore(%arg16 : memref<!tpu.dma_semaphore, #tpu.memory_space<semaphore_mem>>)
        %scan3A_55 = arith.constant 0 : i32
        %scan3A_56 = arith.constant 0 : i32
        %scan3A_57 = arith.constant 16 : i32
        %scan3A_58 = arith.addi %scan3A_56, %scan3A_57 : i32
        %scan3A_59 = arith.constant 1 : i32
        scf.for %scan3A_61 = %scan3A_56 to %scan3A_58 step %scan3A_59  : i32 {
          %mul3A_62 = arith.constant 2 : i32
          %mul3A_63 = arith.muli %mul3A_62, %scan3A_61 : i32
          %add3A_64 = arith.constant 1 : i32
          %add3A_65 = arith.addi %mul3A_63, %add3A_64 : i32
          %dma_start3A_66 = arith.constant 0 : i32
          %dma_start3A_67 = arith.constant 0 : i32
          %dma_start3A_68 = tpu.memref_slice %arg13[%dma_start3A_66, %dma_start3A_67] : memref<128x128xf32, #tpu.memory_space<vmem>> -> memref<64x128xf32, #tpu.memory_space<vmem>>
          %dma_start3A_69 = arith.constant 0 : i32
          %dma_start3A_70 = tpu.memref_slice %arg14[%add3A_65, %dma_start3A_69] : memref<32x128xi32, #tpu.memory_space<vmem>> -> memref<1x64xi32, #tpu.memory_space<vmem>>
          %dma_start3A_71 = tpu.memref_squeeze %dma_start3A_70 : memref<1x64xi32, #tpu.memory_space<vmem>> -> memref<64xi32, #tpu.memory_space<vmem>>
          %dma_start3A_72 = arith.constant 0 : i32
          %dma_start3A_73 = arith.constant 0 : i32
          %dma_start3A_74 = tpu.memref_slice %arg3[%dma_start3A_72, %dma_start3A_73] : memref<10000x128xf32, #tpu.memory_space<hbm>> -> memref<10000x128xf32, #tpu.memory_space<hbm>>
          tpu.enqueue_indirect_dma source(%dma_start3A_74 : memref<10000x128xf32, #tpu.memory_space<hbm>>) target(%dma_start3A_68 : memref<64x128xf32, #tpu.memory_space<vmem>>) offsets(%dma_start3A_71 : memref<64xi32, #tpu.memory_space<vmem>>) semaphore(%arg17 : memref<!tpu.dma_semaphore, #tpu.memory_space<semaphore_mem>>)
          %dma_start3A_75 = arith.constant 64 : i32
          %dma_start3A_76 = arith.constant 0 : i32
          %dma_start3A_77 = tpu.memref_slice %arg13[%dma_start3A_75, %dma_start3A_76] : memref<128x128xf32, #tpu.memory_space<vmem>> -> memref<64x128xf32, #tpu.memory_space<vmem>>
          %dma_start3A_78 = arith.constant 64 : i32
          %dma_start3A_79 = tpu.memref_slice %arg14[%add3A_65, %dma_start3A_78] : memref<32x128xi32, #tpu.memory_space<vmem>> -> memref<1x64xi32, #tpu.memory_space<vmem>>
          %dma_start3A_80 = tpu.memref_squeeze %dma_start3A_79 : memref<1x64xi32, #tpu.memory_space<vmem>> -> memref<64xi32, #tpu.memory_space<vmem>>
          %dma_start3A_81 = arith.constant 0 : i32
          %dma_start3A_82 = arith.constant 0 : i32
          %dma_start3A_83 = tpu.memref_slice %arg3[%dma_start3A_81, %dma_start3A_82] : memref<10000x128xf32, #tpu.memory_space<hbm>> -> memref<10000x128xf32, #tpu.memory_space<hbm>>
          tpu.enqueue_indirect_dma source(%dma_start3A_83 : memref<10000x128xf32, #tpu.memory_space<hbm>>) target(%dma_start3A_77 : memref<64x128xf32, #tpu.memory_space<vmem>>) offsets(%dma_start3A_80 : memref<64xi32, #tpu.memory_space<vmem>>) semaphore(%arg17 : memref<!tpu.dma_semaphore, #tpu.memory_space<semaphore_mem>>)
          %dma_wait3A = arith.constant 0 : i32
          %dma_wait3A_84 = arith.constant 0 : i32
          %dma_wait3A_85 = tpu.memref_slice %arg12[%dma_wait3A, %dma_wait3A_84] : memref<128x128xf32, #tpu.memory_space<vmem>> -> memref<64x128xf32, #tpu.memory_space<vmem>>
          %dma_wait3A_86 = arith.constant 0 : i32
          %dma_wait3A_87 = tpu.memref_slice %arg14[%mul3A_63, %dma_wait3A_86] : memref<32x128xi32, #tpu.memory_space<vmem>> -> memref<1x64xi32, #tpu.memory_space<vmem>>
          %dma_wait3A_88 = tpu.memref_squeeze %dma_wait3A_87 : memref<1x64xi32, #tpu.memory_space<vmem>> -> memref<64xi32, #tpu.memory_space<vmem>>
          %dma_wait3A_89 = arith.constant 0 : i32
          %dma_wait3A_90 = arith.constant 0 : i32
          %dma_wait3A_91 = tpu.memref_slice %arg3[%dma_wait3A_89, %dma_wait3A_90] : memref<10000x128xf32, #tpu.memory_space<hbm>> -> memref<10000x128xf32, #tpu.memory_space<hbm>>
          tpu.wait_indirect_dma semaphore(%arg16 : memref<!tpu.dma_semaphore, #tpu.memory_space<semaphore_mem>>) src(%dma_wait3A_91 : memref<10000x128xf32, #tpu.memory_space<hbm>>) dst(%dma_wait3A_85 : memref<64x128xf32, #tpu.memory_space<vmem>>)
          %dma_wait3A_92 = arith.constant 64 : i32
          %dma_wait3A_93 = arith.constant 0 : i32
          %dma_wait3A_94 = tpu.memref_slice %arg12[%dma_wait3A_92, %dma_wait3A_93] : memref<128x128xf32, #tpu.memory_space<vmem>> -> memref<64x128xf32, #tpu.memory_space<vmem>>
          %dma_wait3A_95 = arith.constant 64 : i32
          %dma_wait3A_96 = tpu.memref_slice %arg14[%mul3A_63, %dma_wait3A_95] : memref<32x128xi32, #tpu.memory_space<vmem>> -> memref<1x64xi32, #tpu.memory_space<vmem>>
          %dma_wait3A_97 = tpu.memref_squeeze %dma_wait3A_96 : memref<1x64xi32, #tpu.memory_space<vmem>> -> memref<64xi32, #tpu.memory_space<vmem>>
          %dma_wait3A_98 = arith.constant 0 : i32
          %dma_wait3A_99 = arith.constant 0 : i32
          %dma_wait3A_100 = tpu.memref_slice %arg3[%dma_wait3A_98, %dma_wait3A_99] : memref<10000x128xf32, #tpu.memory_space<hbm>> -> memref<10000x128xf32, #tpu.memory_space<hbm>>
          tpu.wait_indirect_dma semaphore(%arg16 : memref<!tpu.dma_semaphore, #tpu.memory_space<semaphore_mem>>) src(%dma_wait3A_100 : memref<10000x128xf32, #tpu.memory_space<hbm>>) dst(%dma_wait3A_94 : memref<64x128xf32, #tpu.memory_space<vmem>>)
          "tpu.region"() ({
            %run_scoped3A = tpu.sem_alloc : memref<!tpu.dma_semaphore, #tpu.memory_space<semaphore_mem>>
            %dma_start3A_125 = arith.constant 0 : i32
            %dma_start3A_126 = tpu.memref_slice %arg15[%mul3A_63, %dma_start3A_125] : memref<32x128xi32, #tpu.memory_space<vmem>> -> memref<1x128xi32, #tpu.memory_space<vmem>>
            %dma_start3A_127 = tpu.memref_squeeze %dma_start3A_126 : memref<1x128xi32, #tpu.memory_space<vmem>> -> memref<128xi32, #tpu.memory_space<vmem>>
            %dma_start3A_128 = arith.constant 0 : i32
            %dma_start3A_129 = arith.constant 0 : i32
            %dma_start3A_130 = tpu.memref_slice %arg11[%dma_start3A_128, %dma_start3A_129] : memref<10008x128xf32, #tpu.memory_space<vmem_shared>> -> memref<10008x128xf32, #tpu.memory_space<vmem_shared>>
            tpu.enqueue_indirect_dma source(%arg12 : memref<128x128xf32, #tpu.memory_space<vmem>>) target(%dma_start3A_130 : memref<10008x128xf32, #tpu.memory_space<vmem_shared>>) offsets(%dma_start3A_127 : memref<128xi32, #tpu.memory_space<vmem>>) semaphore(%run_scoped3A : memref<!tpu.dma_semaphore, #tpu.memory_space<semaphore_mem>>) {add = true}
            %dma_wait3A_131 = arith.constant 0 : i32
            %dma_wait3A_132 = tpu.memref_slice %arg15[%mul3A_63, %dma_wait3A_131] : memref<32x128xi32, #tpu.memory_space<vmem>> -> memref<1x128xi32, #tpu.memory_space<vmem>>
            %dma_wait3A_133 = tpu.memref_squeeze %dma_wait3A_132 : memref<1x128xi32, #tpu.memory_space<vmem>> -> memref<128xi32, #tpu.memory_space<vmem>>
            %dma_wait3A_134 = arith.constant 0 : i32
            %dma_wait3A_135 = arith.constant 0 : i32
            %dma_wait3A_136 = tpu.memref_slice %arg11[%dma_wait3A_134, %dma_wait3A_135] : memref<10008x128xf32, #tpu.memory_space<vmem_shared>> -> memref<10008x128xf32, #tpu.memory_space<vmem_shared>>
            tpu.wait_indirect_dma semaphore(%run_scoped3A : memref<!tpu.dma_semaphore, #tpu.memory_space<semaphore_mem>>) src(%arg12 : memref<128x128xf32, #tpu.memory_space<vmem>>) dst(%dma_wait3A_136 : memref<10008x128xf32, #tpu.memory_space<vmem_shared>>)
            tpu.yield
          }) : () -> ()
          %add3A_101 = arith.constant 2 : i32
          %add3A_102 = arith.addi %mul3A_63, %add3A_101 : i32
          %lt3A = arith.constant 32 : i32
          %lt3A_103 = arith.cmpi slt, %add3A_102, %lt3A : i32
          %convert_element_type3A_104 = arith.extui %lt3A_103 : i1 to i32
          %cond3A_105 = arith.constant 0 : i32
          %cond3A_106 = arith.cmpi ne, %convert_element_type3A_104, %cond3A_105 : i32
          scf.if %cond3A_106 {
            %add3A_125 = arith.constant 2 : i32
            %add3A_126 = arith.addi %mul3A_63, %add3A_125 : i32
            %dma_start3A_127 = arith.constant 0 : i32
            %dma_start3A_128 = arith.constant 0 : i32
            %dma_start3A_129 = tpu.memref_slice %arg12[%dma_start3A_127, %dma_start3A_128] : memref<128x128xf32, #tpu.memory_space<vmem>> -> memref<64x128xf32, #tpu.memory_space<vmem>>
            %dma_start3A_130 = arith.constant 0 : i32
            %dma_start3A_131 = tpu.memref_slice %arg14[%add3A_126, %dma_start3A_130] : memref<32x128xi32, #tpu.memory_space<vmem>> -> memref<1x64xi32, #tpu.memory_space<vmem>>
            %dma_start3A_132 = tpu.memref_squeeze %dma_start3A_131 : memref<1x64xi32, #tpu.memory_space<vmem>> -> memref<64xi32, #tpu.memory_space<vmem>>
            %dma_start3A_133 = arith.constant 0 : i32
            %dma_start3A_134 = arith.constant 0 : i32
            %dma_start3A_135 = tpu.memref_slice %arg3[%dma_start3A_133, %dma_start3A_134] : memref<10000x128xf32, #tpu.memory_space<hbm>> -> memref<10000x128xf32, #tpu.memory_space<hbm>>
            tpu.enqueue_indirect_dma source(%dma_start3A_135 : memref<10000x128xf32, #tpu.memory_space<hbm>>) target(%dma_start3A_129 : memref<64x128xf32, #tpu.memory_space<vmem>>) offsets(%dma_start3A_132 : memref<64xi32, #tpu.memory_space<vmem>>) semaphore(%arg16 : memref<!tpu.dma_semaphore, #tpu.memory_space<semaphore_mem>>)
            %dma_start3A_136 = arith.constant 64 : i32
            %dma_start3A_137 = arith.constant 0 : i32
            %dma_start3A_138 = tpu.memref_slice %arg12[%dma_start3A_136, %dma_start3A_137] : memref<128x128xf32, #tpu.memory_space<vmem>> -> memref<64x128xf32, #tpu.memory_space<vmem>>
            %dma_start3A_139 = arith.constant 64 : i32
            %dma_start3A_140 = tpu.memref_slice %arg14[%add3A_126, %dma_start3A_139] : memref<32x128xi32, #tpu.memory_space<vmem>> -> memref<1x64xi32, #tpu.memory_space<vmem>>
            %dma_start3A_141 = tpu.memref_squeeze %dma_start3A_140 : memref<1x64xi32, #tpu.memory_space<vmem>> -> memref<64xi32, #tpu.memory_space<vmem>>
            %dma_start3A_142 = arith.constant 0 : i32
            %dma_start3A_143 = arith.constant 0 : i32
            %dma_start3A_144 = tpu.memref_slice %arg3[%dma_start3A_142, %dma_start3A_143] : memref<10000x128xf32, #tpu.memory_space<hbm>> -> memref<10000x128xf32, #tpu.memory_space<hbm>>
            tpu.enqueue_indirect_dma source(%dma_start3A_144 : memref<10000x128xf32, #tpu.memory_space<hbm>>) target(%dma_start3A_138 : memref<64x128xf32, #tpu.memory_space<vmem>>) offsets(%dma_start3A_141 : memref<64xi32, #tpu.memory_space<vmem>>) semaphore(%arg16 : memref<!tpu.dma_semaphore, #tpu.memory_space<semaphore_mem>>)
          } else {
          }
          %dma_wait3A_107 = arith.constant 0 : i32
          %dma_wait3A_108 = arith.constant 0 : i32
          %dma_wait3A_109 = tpu.memref_slice %arg13[%dma_wait3A_107, %dma_wait3A_108] : memref<128x128xf32, #tpu.memory_space<vmem>> -> memref<64x128xf32, #tpu.memory_space<vmem>>
          %dma_wait3A_110 = arith.constant 0 : i32
          %dma_wait3A_111 = tpu.memref_slice %arg14[%add3A_65, %dma_wait3A_110] : memref<32x128xi32, #tpu.memory_space<vmem>> -> memref<1x64xi32, #tpu.memory_space<vmem>>
          %dma_wait3A_112 = tpu.memref_squeeze %dma_wait3A_111 : memref<1x64xi32, #tpu.memory_space<vmem>> -> memref<64xi32, #tpu.memory_space<vmem>>
          %dma_wait3A_113 = arith.constant 0 : i32
          %dma_wait3A_114 = arith.constant 0 : i32
          %dma_wait3A_115 = tpu.memref_slice %arg3[%dma_wait3A_113, %dma_wait3A_114] : memref<10000x128xf32, #tpu.memory_space<hbm>> -> memref<10000x128xf32, #tpu.memory_space<hbm>>
          tpu.wait_indirect_dma semaphore(%arg17 : memref<!tpu.dma_semaphore, #tpu.memory_space<semaphore_mem>>) src(%dma_wait3A_115 : memref<10000x128xf32, #tpu.memory_space<hbm>>) dst(%dma_wait3A_109 : memref<64x128xf32, #tpu.memory_space<vmem>>)
          %dma_wait3A_116 = arith.constant 64 : i32
          %dma_wait3A_117 = arith.constant 0 : i32
          %dma_wait3A_118 = tpu.memref_slice %arg13[%dma_wait3A_116, %dma_wait3A_117] : memref<128x128xf32, #tpu.memory_space<vmem>> -> memref<64x128xf32, #tpu.memory_space<vmem>>
          %dma_wait3A_119 = arith.constant 64 : i32
          %dma_wait3A_120 = tpu.memref_slice %arg14[%add3A_65, %dma_wait3A_119] : memref<32x128xi32, #tpu.memory_space<vmem>> -> memref<1x64xi32, #tpu.memory_space<vmem>>
          %dma_wait3A_121 = tpu.memref_squeeze %dma_wait3A_120 : memref<1x64xi32, #tpu.memory_space<vmem>> -> memref<64xi32, #tpu.memory_space<vmem>>
          %dma_wait3A_122 = arith.constant 0 : i32
          %dma_wait3A_123 = arith.constant 0 : i32
          %dma_wait3A_124 = tpu.memref_slice %arg3[%dma_wait3A_122, %dma_wait3A_123] : memref<10000x128xf32, #tpu.memory_space<hbm>> -> memref<10000x128xf32, #tpu.memory_space<hbm>>
          tpu.wait_indirect_dma semaphore(%arg17 : memref<!tpu.dma_semaphore, #tpu.memory_space<semaphore_mem>>) src(%dma_wait3A_124 : memref<10000x128xf32, #tpu.memory_space<hbm>>) dst(%dma_wait3A_118 : memref<64x128xf32, #tpu.memory_space<vmem>>)
          "tpu.region"() ({
            %run_scoped3A = tpu.sem_alloc : memref<!tpu.dma_semaphore, #tpu.memory_space<semaphore_mem>>
            %dma_start3A_125 = arith.constant 0 : i32
            %dma_start3A_126 = tpu.memref_slice %arg15[%add3A_65, %dma_start3A_125] : memref<32x128xi32, #tpu.memory_space<vmem>> -> memref<1x128xi32, #tpu.memory_space<vmem>>
            %dma_start3A_127 = tpu.memref_squeeze %dma_start3A_126 : memref<1x128xi32, #tpu.memory_space<vmem>> -> memref<128xi32, #tpu.memory_space<vmem>>
            %dma_start3A_128 = arith.constant 0 : i32
            %dma_start3A_129 = arith.constant 0 : i32
            %dma_start3A_130 = tpu.memref_slice %arg11[%dma_start3A_128, %dma_start3A_129] : memref<10008x128xf32, #tpu.memory_space<vmem_shared>> -> memref<10008x128xf32, #tpu.memory_space<vmem_shared>>
            tpu.enqueue_indirect_dma source(%arg13 : memref<128x128xf32, #tpu.memory_space<vmem>>) target(%dma_start3A_130 : memref<10008x128xf32, #tpu.memory_space<vmem_shared>>) offsets(%dma_start3A_127 : memref<128xi32, #tpu.memory_space<vmem>>) semaphore(%run_scoped3A : memref<!tpu.dma_semaphore, #tpu.memory_space<semaphore_mem>>) {add = true}
            %dma_wait3A_131 = arith.constant 0 : i32
            %dma_wait3A_132 = tpu.memref_slice %arg15[%add3A_65, %dma_wait3A_131] : memref<32x128xi32, #tpu.memory_space<vmem>> -> memref<1x128xi32, #tpu.memory_space<vmem>>
            %dma_wait3A_133 = tpu.memref_squeeze %dma_wait3A_132 : memref<1x128xi32, #tpu.memory_space<vmem>> -> memref<128xi32, #tpu.memory_space<vmem>>
            %dma_wait3A_134 = arith.constant 0 : i32
            %dma_wait3A_135 = arith.constant 0 : i32
            %dma_wait3A_136 = tpu.memref_slice %arg11[%dma_wait3A_134, %dma_wait3A_135] : memref<10008x128xf32, #tpu.memory_space<vmem_shared>> -> memref<10008x128xf32, #tpu.memory_space<vmem_shared>>
            tpu.wait_indirect_dma semaphore(%run_scoped3A : memref<!tpu.dma_semaphore, #tpu.memory_space<semaphore_mem>>) src(%arg13 : memref<128x128xf32, #tpu.memory_space<vmem>>) dst(%dma_wait3A_136 : memref<10008x128xf32, #tpu.memory_space<vmem_shared>>)
            tpu.yield
          }) : () -> ()
        }
        %scan3A_60 = arith.constant 16 : i32
      }
      %scan3A_32 = arith.constant 5 : i32
    } else {
    }
    %barrier3A = arith.constant 0 : index
    tpu.barrier barrier_id(%barrier3A)
    %eq3A_17 = arith.constant 0 : i32
    %eq3A_18 = arith.cmpi eq, %arg0, %eq3A_17 : i32
    %convert_element_type3A_19 = arith.extui %eq3A_18 : i1 to i32
    %cond3A_20 = arith.constant 0 : i32
    %cond3A_21 = arith.cmpi ne, %convert_element_type3A_19, %cond3A_20 : i32
    scf.if %cond3A_21 {
      %mul3A_27 = arith.constant 624 : i32
      %mul3A_28 = arith.muli %arg1, %mul3A_27 : i32
      %mul3A_29 = arith.constant 624 : i32
      %mul3A_30 = arith.muli %arg1, %mul3A_29 : i32
      "tpu.region"() ({
        %run_scoped3A = tpu.sem_alloc : memref<!tpu.dma_semaphore, #tpu.memory_space<semaphore_mem>>
        %dma_start3A = arith.constant 0 : i32
        %dma_start3A_36 = tpu.memref_slice %arg9[%mul3A_30, %dma_start3A] : memref<10000x128xf32, #tpu.memory_space<hbm>> -> memref<624x128xf32, #tpu.memory_space<hbm>>
        %dma_start3A_37 = arith.constant 0 : i32
        %dma_start3A_38 = tpu.memref_slice %arg11[%mul3A_28, %dma_start3A_37] : memref<10008x128xf32, #tpu.memory_space<vmem_shared>> -> memref<624x128xf32, #tpu.memory_space<vmem_shared>>
        tpu.enqueue_dma source(%dma_start3A_38 : memref<624x128xf32, #tpu.memory_space<vmem_shared>>) target(%dma_start3A_36 : memref<624x128xf32, #tpu.memory_space<hbm>>) target_semaphore(%run_scoped3A : memref<!tpu.dma_semaphore, #tpu.memory_space<semaphore_mem>>)
        %dma_wait3A = arith.constant 0 : i32
        %dma_wait3A_39 = tpu.memref_slice %arg9[%mul3A_30, %dma_wait3A] : memref<10000x128xf32, #tpu.memory_space<hbm>> -> memref<624x128xf32, #tpu.memory_space<hbm>>
        %dma_wait3A_40 = arith.constant 0 : i32
        %dma_wait3A_41 = tpu.memref_slice %arg11[%mul3A_28, %dma_wait3A_40] : memref<10008x128xf32, #tpu.memory_space<vmem_shared>> -> memref<624x128xf32, #tpu.memory_space<vmem_shared>>
        tpu.wait_dma2 semaphore(%run_scoped3A : memref<!tpu.dma_semaphore, #tpu.memory_space<semaphore_mem>>) src(%dma_wait3A_41 : memref<624x128xf32, #tpu.memory_space<vmem_shared>>) dst(%dma_wait3A_39 : memref<624x128xf32, #tpu.memory_space<hbm>>)
        tpu.yield
      }) : () -> ()
      %eq3A_31 = arith.constant 15 : i32
      %eq3A_32 = arith.cmpi eq, %arg1, %eq3A_31 : i32
      %convert_element_type3A_33 = arith.extui %eq3A_32 : i1 to i32
      %cond3A_34 = arith.constant 0 : i32
      %cond3A_35 = arith.cmpi ne, %convert_element_type3A_33, %cond3A_34 : i32
      scf.if %cond3A_35 {
        "tpu.region"() ({
          %run_scoped3A = tpu.sem_alloc : memref<!tpu.dma_semaphore, #tpu.memory_space<semaphore_mem>>
          %dma_start3A = arith.constant 9984 : i32
          %dma_start3A_36 = arith.constant 0 : i32
          %dma_start3A_37 = tpu.memref_slice %arg9[%dma_start3A, %dma_start3A_36] : memref<10000x128xf32, #tpu.memory_space<hbm>> -> memref<16x128xf32, #tpu.memory_space<hbm>>
          %dma_start3A_38 = arith.constant 9984 : i32
          %dma_start3A_39 = arith.constant 0 : i32
          %dma_start3A_40 = tpu.memref_slice %arg11[%dma_start3A_38, %dma_start3A_39] : memref<10008x128xf32, #tpu.memory_space<vmem_shared>> -> memref<16x128xf32, #tpu.memory_space<vmem_shared>>
          tpu.enqueue_dma source(%dma_start3A_40 : memref<16x128xf32, #tpu.memory_space<vmem_shared>>) target(%dma_start3A_37 : memref<16x128xf32, #tpu.memory_space<hbm>>) target_semaphore(%run_scoped3A : memref<!tpu.dma_semaphore, #tpu.memory_space<semaphore_mem>>)
          %dma_wait3A = arith.constant 9984 : i32
          %dma_wait3A_41 = arith.constant 0 : i32
          %dma_wait3A_42 = tpu.memref_slice %arg9[%dma_wait3A, %dma_wait3A_41] : memref<10000x128xf32, #tpu.memory_space<hbm>> -> memref<16x128xf32, #tpu.memory_space<hbm>>
          %dma_wait3A_43 = arith.constant 9984 : i32
          %dma_wait3A_44 = arith.constant 0 : i32
          %dma_wait3A_45 = tpu.memref_slice %arg11[%dma_wait3A_43, %dma_wait3A_44] : memref<10008x128xf32, #tpu.memory_space<vmem_shared>> -> memref<16x128xf32, #tpu.memory_space<vmem_shared>>
          tpu.wait_dma2 semaphore(%run_scoped3A : memref<!tpu.dma_semaphore, #tpu.memory_space<semaphore_mem>>) src(%dma_wait3A_45 : memref<16x128xf32, #tpu.memory_space<vmem_shared>>) dst(%dma_wait3A_42 : memref<16x128xf32, #tpu.memory_space<hbm>>)
          tpu.yield
        }) : () -> ()
      } else {
      }
    } else {
    }
    %eq3A_22 = arith.constant 1 : i32
    %eq3A_23 = arith.cmpi eq, %arg0, %eq3A_22 : i32
    %convert_element_type3A_24 = arith.extui %eq3A_23 : i1 to i32
    %cond3A_25 = arith.constant 0 : i32
    %cond3A_26 = arith.cmpi ne, %convert_element_type3A_24, %cond3A_25 : i32
    scf.if %cond3A_26 {
      %mul3A_27 = arith.constant 624 : i32
      %mul3A_28 = arith.muli %arg1, %mul3A_27 : i32
      %mul3A_29 = arith.constant 624 : i32
      %mul3A_30 = arith.muli %arg1, %mul3A_29 : i32
      "tpu.region"() ({
        %run_scoped3A = tpu.sem_alloc : memref<!tpu.dma_semaphore, #tpu.memory_space<semaphore_mem>>
        %dma_start3A = arith.constant 0 : i32
        %dma_start3A_36 = tpu.memref_slice %arg10[%mul3A_30, %dma_start3A] : memref<10000x128xf32, #tpu.memory_space<hbm>> -> memref<624x128xf32, #tpu.memory_space<hbm>>
        %dma_start3A_37 = arith.constant 0 : i32
        %dma_start3A_38 = tpu.memref_slice %arg11[%mul3A_28, %dma_start3A_37] : memref<10008x128xf32, #tpu.memory_space<vmem_shared>> -> memref<624x128xf32, #tpu.memory_space<vmem_shared>>
        tpu.enqueue_dma source(%dma_start3A_38 : memref<624x128xf32, #tpu.memory_space<vmem_shared>>) target(%dma_start3A_36 : memref<624x128xf32, #tpu.memory_space<hbm>>) target_semaphore(%run_scoped3A : memref<!tpu.dma_semaphore, #tpu.memory_space<semaphore_mem>>)
        %dma_wait3A = arith.constant 0 : i32
        %dma_wait3A_39 = tpu.memref_slice %arg10[%mul3A_30, %dma_wait3A] : memref<10000x128xf32, #tpu.memory_space<hbm>> -> memref<624x128xf32, #tpu.memory_space<hbm>>
        %dma_wait3A_40 = arith.constant 0 : i32
        %dma_wait3A_41 = tpu.memref_slice %arg11[%mul3A_28, %dma_wait3A_40] : memref<10008x128xf32, #tpu.memory_space<vmem_shared>> -> memref<624x128xf32, #tpu.memory_space<vmem_shared>>
        tpu.wait_dma2 semaphore(%run_scoped3A : memref<!tpu.dma_semaphore, #tpu.memory_space<semaphore_mem>>) src(%dma_wait3A_41 : memref<624x128xf32, #tpu.memory_space<vmem_shared>>) dst(%dma_wait3A_39 : memref<624x128xf32, #tpu.memory_space<hbm>>)
        tpu.yield
      }) : () -> ()
      %eq3A_31 = arith.constant 15 : i32
      %eq3A_32 = arith.cmpi eq, %arg1, %eq3A_31 : i32
      %convert_element_type3A_33 = arith.extui %eq3A_32 : i1 to i32
      %cond3A_34 = arith.constant 0 : i32
      %cond3A_35 = arith.cmpi ne, %convert_element_type3A_33, %cond3A_34 : i32
      scf.if %cond3A_35 {
        "tpu.region"() ({
          %run_scoped3A = tpu.sem_alloc : memref<!tpu.dma_semaphore, #tpu.memory_space<semaphore_mem>>
          %dma_start3A = arith.constant 9984 : i32
          %dma_start3A_36 = arith.constant 0 : i32
          %dma_start3A_37 = tpu.memref_slice %arg10[%dma_start3A, %dma_start3A_36] : memref<10000x128xf32, #tpu.memory_space<hbm>> -> memref<16x128xf32, #tpu.memory_space<hbm>>
          %dma_start3A_38 = arith.constant 9984 : i32
          %dma_start3A_39 = arith.constant 0 : i32
          %dma_start3A_40 = tpu.memref_slice %arg11[%dma_start3A_38, %dma_start3A_39] : memref<10008x128xf32, #tpu.memory_space<vmem_shared>> -> memref<16x128xf32, #tpu.memory_space<vmem_shared>>
          tpu.enqueue_dma source(%dma_start3A_40 : memref<16x128xf32, #tpu.memory_space<vmem_shared>>) target(%dma_start3A_37 : memref<16x128xf32, #tpu.memory_space<hbm>>) target_semaphore(%run_scoped3A : memref<!tpu.dma_semaphore, #tpu.memory_space<semaphore_mem>>)
          %dma_wait3A = arith.constant 9984 : i32
          %dma_wait3A_41 = arith.constant 0 : i32
          %dma_wait3A_42 = tpu.memref_slice %arg10[%dma_wait3A, %dma_wait3A_41] : memref<10000x128xf32, #tpu.memory_space<hbm>> -> memref<16x128xf32, #tpu.memory_space<hbm>>
          %dma_wait3A_43 = arith.constant 9984 : i32
          %dma_wait3A_44 = arith.constant 0 : i32
          %dma_wait3A_45 = tpu.memref_slice %arg11[%dma_wait3A_43, %dma_wait3A_44] : memref<10008x128xf32, #tpu.memory_space<vmem_shared>> -> memref<16x128xf32, #tpu.memory_space<vmem_shared>>
          tpu.wait_dma2 semaphore(%run_scoped3A : memref<!tpu.dma_semaphore, #tpu.memory_space<semaphore_mem>>) src(%dma_wait3A_45 : memref<16x128xf32, #tpu.memory_space<vmem_shared>>) dst(%dma_wait3A_42 : memref<16x128xf32, #tpu.memory_space<hbm>>)
          tpu.yield
        }) : () -> ()
      } else {
      }
    } else {
    }
    return
  }
}

#map = affine_map<(d0, d1) -> (0, 0)>
#map1 = affine_map<(d0, d1) -> (0)>
module attributes {stable_mosaic.version = 14 : i64} {
  func.func @_sc_pool_body(%arg0: i32, %arg1: i32, %arg2: memref<10000x128xf32, #tpu.memory_space<hbm>>, %arg3: memref<10000x128xf32, #tpu.memory_space<hbm>>, %arg4: memref<10000xi32, #tpu.memory_space<hbm>>, %arg5: memref<10000xi32, #tpu.memory_space<hbm>>, %arg6: memref<10000x128xf32, #tpu.memory_space<hbm>>, %arg7: memref<80x128xf32, #tpu.memory_space<hbm>>, %arg8: memref<1024x128xf32, #tpu.memory_space<hbm>>, %arg9: memref<1024x128xf32, #tpu.memory_space<hbm>>, %arg10: memref<1024x128xf32, #tpu.memory_space<hbm>>, %arg11: memref<1024x128xf32, #tpu.memory_space<hbm>>, %arg12: memref<1024x128xf32, #tpu.memory_space<vmem_shared>>, %arg13: memref<1024x128xf32, #tpu.memory_space<vmem_shared>>, %arg14: memref<80x128xf32, #tpu.memory_space<vmem>>, %arg15: memref<80x128xf32, #tpu.memory_space<vmem>>, %arg16: memref<80xi32, #tpu.memory_space<vmem>>) attributes {dimension_semantics = [#tpu.dimension_semantics<core_parallel>, #tpu.dimension_semantics<subcore_parallel>], iteration_bounds = array<i64: 2, 16>, scalar_prefetch = 0 : i64, scratch_operands = 5 : i64, tpu.core_type = #tpu.core_type<sc_vector_subcore>, window_params = [{transform_indices = #map}, {transform_indices = #map}, {transform_indices = #map1}, {transform_indices = #map1}, {transform_indices = #map}, {transform_indices = #map}, {transform_indices = #map}, {transform_indices = #map}, {transform_indices = #map}, {transform_indices = #map}]} {
    %mul3A = arith.constant 64 : i32
    %mul3A_0 = arith.muli %arg1, %mul3A : i32
    "tpu.region"() ({
      %run_scoped3A = tpu.sem_alloc : memref<!tpu.dma_semaphore, #tpu.memory_space<semaphore_mem>>
      %dma_start3A = arith.constant 0 : i32
      %dma_start3A_19 = tpu.memref_slice %arg12[%mul3A_0, %dma_start3A] : memref<1024x128xf32, #tpu.memory_space<vmem_shared>> -> memref<64x128xf32, #tpu.memory_space<vmem_shared>>
      %dma_start3A_20 = arith.constant 0 : i32
      %dma_start3A_21 = tpu.memref_slice %arg6[%mul3A_0, %dma_start3A_20] : memref<10000x128xf32, #tpu.memory_space<hbm>> -> memref<64x128xf32, #tpu.memory_space<hbm>>
      tpu.enqueue_dma source(%dma_start3A_21 : memref<64x128xf32, #tpu.memory_space<hbm>>) target(%dma_start3A_19 : memref<64x128xf32, #tpu.memory_space<vmem_shared>>) target_semaphore(%run_scoped3A : memref<!tpu.dma_semaphore, #tpu.memory_space<semaphore_mem>>)
      %dma_wait3A = arith.constant 0 : i32
      %dma_wait3A_22 = tpu.memref_slice %arg12[%mul3A_0, %dma_wait3A] : memref<1024x128xf32, #tpu.memory_space<vmem_shared>> -> memref<64x128xf32, #tpu.memory_space<vmem_shared>>
      %dma_wait3A_23 = arith.constant 0 : i32
      %dma_wait3A_24 = tpu.memref_slice %arg6[%mul3A_0, %dma_wait3A_23] : memref<10000x128xf32, #tpu.memory_space<hbm>> -> memref<64x128xf32, #tpu.memory_space<hbm>>
      tpu.wait_dma2 semaphore(%run_scoped3A : memref<!tpu.dma_semaphore, #tpu.memory_space<semaphore_mem>>) src(%dma_wait3A_24 : memref<64x128xf32, #tpu.memory_space<hbm>>) dst(%dma_wait3A_22 : memref<64x128xf32, #tpu.memory_space<vmem_shared>>)
      tpu.yield
    }) : () -> ()
    "tpu.region"() ({
      %run_scoped3A = tpu.sem_alloc : memref<!tpu.dma_semaphore, #tpu.memory_space<semaphore_mem>>
      %dma_start3A = arith.constant 0 : i32
      %dma_start3A_19 = tpu.memref_slice %arg13[%mul3A_0, %dma_start3A] : memref<1024x128xf32, #tpu.memory_space<vmem_shared>> -> memref<64x128xf32, #tpu.memory_space<vmem_shared>>
      %dma_start3A_20 = arith.constant 0 : i32
      %dma_start3A_21 = tpu.memref_slice %arg6[%mul3A_0, %dma_start3A_20] : memref<10000x128xf32, #tpu.memory_space<hbm>> -> memref<64x128xf32, #tpu.memory_space<hbm>>
      tpu.enqueue_dma source(%dma_start3A_21 : memref<64x128xf32, #tpu.memory_space<hbm>>) target(%dma_start3A_19 : memref<64x128xf32, #tpu.memory_space<vmem_shared>>) target_semaphore(%run_scoped3A : memref<!tpu.dma_semaphore, #tpu.memory_space<semaphore_mem>>)
      %dma_wait3A = arith.constant 0 : i32
      %dma_wait3A_22 = tpu.memref_slice %arg13[%mul3A_0, %dma_wait3A] : memref<1024x128xf32, #tpu.memory_space<vmem_shared>> -> memref<64x128xf32, #tpu.memory_space<vmem_shared>>
      %dma_wait3A_23 = arith.constant 0 : i32
      %dma_wait3A_24 = tpu.memref_slice %arg6[%mul3A_0, %dma_wait3A_23] : memref<10000x128xf32, #tpu.memory_space<hbm>> -> memref<64x128xf32, #tpu.memory_space<hbm>>
      tpu.wait_dma2 semaphore(%run_scoped3A : memref<!tpu.dma_semaphore, #tpu.memory_space<semaphore_mem>>) src(%dma_wait3A_24 : memref<64x128xf32, #tpu.memory_space<hbm>>) dst(%dma_wait3A_22 : memref<64x128xf32, #tpu.memory_space<vmem_shared>>)
      tpu.yield
    }) : () -> ()
    "tpu.region"() ({
      %run_scoped3A = tpu.sem_alloc : memref<!tpu.dma_semaphore, #tpu.memory_space<semaphore_mem>>
      tpu.enqueue_dma source(%arg7 : memref<80x128xf32, #tpu.memory_space<hbm>>) target(%arg15 : memref<80x128xf32, #tpu.memory_space<vmem>>) target_semaphore(%run_scoped3A : memref<!tpu.dma_semaphore, #tpu.memory_space<semaphore_mem>>)
      tpu.wait_dma2 semaphore(%run_scoped3A : memref<!tpu.dma_semaphore, #tpu.memory_space<semaphore_mem>>) src(%arg7 : memref<80x128xf32, #tpu.memory_space<hbm>>) dst(%arg15 : memref<80x128xf32, #tpu.memory_space<vmem>>)
      tpu.yield
    }) : () -> ()
    %barrier3A = arith.constant 0 : index
    tpu.barrier barrier_id(%barrier3A)
    %eq3A = arith.constant 0 : i32
    %eq3A_1 = arith.cmpi eq, %arg0, %eq3A : i32
    %convert_element_type3A = arith.extui %eq3A_1 : i1 to i32
    %cond3A = arith.constant 0 : i32
    %cond3A_2 = arith.cmpi ne, %convert_element_type3A, %cond3A : i32
    scf.if %cond3A_2 {
      %scan3A = arith.constant 0 : i32
      %scan3A_19 = arith.constant 0 : i32
      %scan3A_20 = arith.constant 8 : i32
      %scan3A_21 = arith.addi %scan3A_19, %scan3A_20 : i32
      %scan3A_22 = arith.constant 1 : i32
      scf.for %scan3A_24 = %scan3A_19 to %scan3A_21 step %scan3A_22  : i32 {
        %mul3A_25 = arith.constant 16 : i32
        %mul3A_26 = arith.muli %scan3A_24, %mul3A_25 : i32
        %add3A = arith.addi %arg1, %mul3A_26 : i32
        %lt3A = arith.constant 125 : i32
        %lt3A_27 = arith.cmpi slt, %add3A, %lt3A : i32
        %convert_element_type3A_28 = arith.extui %lt3A_27 : i1 to i32
        %cond3A_29 = arith.constant 0 : i32
        %cond3A_30 = arith.cmpi ne, %convert_element_type3A_28, %cond3A_29 : i32
        scf.if %cond3A_30 {
          %mul3A_31 = arith.constant 80 : i32
          %mul3A_32 = arith.muli %add3A, %mul3A_31 : i32
          "tpu.region"() ({
            %run_scoped3A = tpu.sem_alloc : memref<!tpu.dma_semaphore, #tpu.memory_space<semaphore_mem>>
            %dma_start3A = arith.constant 0 : i32
            %dma_start3A_33 = tpu.memref_slice %arg2[%mul3A_32, %dma_start3A] : memref<10000x128xf32, #tpu.memory_space<hbm>> -> memref<80x128xf32, #tpu.memory_space<hbm>>
            %dma_start3A_34 = arith.constant 0 : i32
            %dma_start3A_35 = tpu.memref_slice %arg2[%mul3A_32, %dma_start3A_34] : memref<10000x128xf32, #tpu.memory_space<hbm>> -> memref<80x128xf32, #tpu.memory_space<hbm>>
            tpu.enqueue_dma source(%dma_start3A_35 : memref<80x128xf32, #tpu.memory_space<hbm>>) target(%arg14 : memref<80x128xf32, #tpu.memory_space<vmem>>) target_semaphore(%run_scoped3A : memref<!tpu.dma_semaphore, #tpu.memory_space<semaphore_mem>>)
            %dma_wait3A = arith.constant 0 : i32
            %dma_wait3A_36 = tpu.memref_slice %arg2[%mul3A_32, %dma_wait3A] : memref<10000x128xf32, #tpu.memory_space<hbm>> -> memref<80x128xf32, #tpu.memory_space<hbm>>
            %dma_wait3A_37 = arith.constant 0 : i32
            %dma_wait3A_38 = tpu.memref_slice %arg2[%mul3A_32, %dma_wait3A_37] : memref<10000x128xf32, #tpu.memory_space<hbm>> -> memref<80x128xf32, #tpu.memory_space<hbm>>
            tpu.wait_dma2 semaphore(%run_scoped3A : memref<!tpu.dma_semaphore, #tpu.memory_space<semaphore_mem>>) src(%dma_wait3A_38 : memref<80x128xf32, #tpu.memory_space<hbm>>) dst(%arg14 : memref<80x128xf32, #tpu.memory_space<vmem>>)
            tpu.yield
          }) : () -> ()
          "tpu.region"() ({
            %run_scoped3A = tpu.sem_alloc : memref<!tpu.dma_semaphore, #tpu.memory_space<semaphore_mem>>
            %dma_start3A = tpu.memref_slice %arg4[%mul3A_32] : memref<10000xi32, #tpu.memory_space<hbm>> -> memref<80xi32, #tpu.memory_space<hbm>>
            %dma_start3A_33 = tpu.memref_slice %arg4[%mul3A_32] : memref<10000xi32, #tpu.memory_space<hbm>> -> memref<80xi32, #tpu.memory_space<hbm>>
            tpu.enqueue_dma source(%dma_start3A_33 : memref<80xi32, #tpu.memory_space<hbm>>) target(%arg16 : memref<80xi32, #tpu.memory_space<vmem>>) target_semaphore(%run_scoped3A : memref<!tpu.dma_semaphore, #tpu.memory_space<semaphore_mem>>)
            %dma_wait3A = tpu.memref_slice %arg4[%mul3A_32] : memref<10000xi32, #tpu.memory_space<hbm>> -> memref<80xi32, #tpu.memory_space<hbm>>
            %dma_wait3A_34 = tpu.memref_slice %arg4[%mul3A_32] : memref<10000xi32, #tpu.memory_space<hbm>> -> memref<80xi32, #tpu.memory_space<hbm>>
            tpu.wait_dma2 semaphore(%run_scoped3A : memref<!tpu.dma_semaphore, #tpu.memory_space<semaphore_mem>>) src(%dma_wait3A_34 : memref<80xi32, #tpu.memory_space<hbm>>) dst(%arg16 : memref<80xi32, #tpu.memory_space<vmem>>)
            tpu.yield
          }) : () -> ()
          "tpu.region"() ({
            %run_scoped3A = tpu.sem_alloc : memref<!tpu.dma_semaphore, #tpu.memory_space<semaphore_mem>>
            %dma_start3A = arith.constant 0 : i32
            %dma_start3A_33 = arith.constant 0 : i32
            %dma_start3A_34 = tpu.memref_slice %arg12[%dma_start3A, %dma_start3A_33] : memref<1024x128xf32, #tpu.memory_space<vmem_shared>> -> memref<1024x128xf32, #tpu.memory_space<vmem_shared>>
            tpu.enqueue_indirect_dma source(%arg14 : memref<80x128xf32, #tpu.memory_space<vmem>>) target(%dma_start3A_34 : memref<1024x128xf32, #tpu.memory_space<vmem_shared>>) offsets(%arg16 : memref<80xi32, #tpu.memory_space<vmem>>) semaphore(%run_scoped3A : memref<!tpu.dma_semaphore, #tpu.memory_space<semaphore_mem>>) {add = true}
            %dma_wait3A = arith.constant 0 : i32
            %dma_wait3A_35 = arith.constant 0 : i32
            %dma_wait3A_36 = tpu.memref_slice %arg12[%dma_wait3A, %dma_wait3A_35] : memref<1024x128xf32, #tpu.memory_space<vmem_shared>> -> memref<1024x128xf32, #tpu.memory_space<vmem_shared>>
            tpu.wait_indirect_dma semaphore(%run_scoped3A : memref<!tpu.dma_semaphore, #tpu.memory_space<semaphore_mem>>) src(%arg14 : memref<80x128xf32, #tpu.memory_space<vmem>>) dst(%dma_wait3A_36 : memref<1024x128xf32, #tpu.memory_space<vmem_shared>>)
            tpu.yield
          }) : () -> ()
          "tpu.region"() ({
            %run_scoped3A = tpu.sem_alloc : memref<!tpu.dma_semaphore, #tpu.memory_space<semaphore_mem>>
            %dma_start3A = arith.constant 0 : i32
            %dma_start3A_33 = arith.constant 0 : i32
            %dma_start3A_34 = tpu.memref_slice %arg13[%dma_start3A, %dma_start3A_33] : memref<1024x128xf32, #tpu.memory_space<vmem_shared>> -> memref<1024x128xf32, #tpu.memory_space<vmem_shared>>
            tpu.enqueue_indirect_dma source(%arg15 : memref<80x128xf32, #tpu.memory_space<vmem>>) target(%dma_start3A_34 : memref<1024x128xf32, #tpu.memory_space<vmem_shared>>) offsets(%arg16 : memref<80xi32, #tpu.memory_space<vmem>>) semaphore(%run_scoped3A : memref<!tpu.dma_semaphore, #tpu.memory_space<semaphore_mem>>) {add = true}
            %dma_wait3A = arith.constant 0 : i32
            %dma_wait3A_35 = arith.constant 0 : i32
            %dma_wait3A_36 = tpu.memref_slice %arg13[%dma_wait3A, %dma_wait3A_35] : memref<1024x128xf32, #tpu.memory_space<vmem_shared>> -> memref<1024x128xf32, #tpu.memory_space<vmem_shared>>
            tpu.wait_indirect_dma semaphore(%run_scoped3A : memref<!tpu.dma_semaphore, #tpu.memory_space<semaphore_mem>>) src(%arg15 : memref<80x128xf32, #tpu.memory_space<vmem>>) dst(%dma_wait3A_36 : memref<1024x128xf32, #tpu.memory_space<vmem_shared>>)
            tpu.yield
          }) : () -> ()
        } else {
        }
      }
      %scan3A_23 = arith.constant 8 : i32
    } else {
    }
    %eq3A_3 = arith.constant 1 : i32
    %eq3A_4 = arith.cmpi eq, %arg0, %eq3A_3 : i32
    %convert_element_type3A_5 = arith.extui %eq3A_4 : i1 to i32
    %cond3A_6 = arith.constant 0 : i32
    %cond3A_7 = arith.cmpi ne, %convert_element_type3A_5, %cond3A_6 : i32
    scf.if %cond3A_7 {
      %scan3A = arith.constant 0 : i32
      %scan3A_19 = arith.constant 0 : i32
      %scan3A_20 = arith.constant 8 : i32
      %scan3A_21 = arith.addi %scan3A_19, %scan3A_20 : i32
      %scan3A_22 = arith.constant 1 : i32
      scf.for %scan3A_24 = %scan3A_19 to %scan3A_21 step %scan3A_22  : i32 {
        %mul3A_25 = arith.constant 16 : i32
        %mul3A_26 = arith.muli %scan3A_24, %mul3A_25 : i32
        %add3A = arith.addi %arg1, %mul3A_26 : i32
        %lt3A = arith.constant 125 : i32
        %lt3A_27 = arith.cmpi slt, %add3A, %lt3A : i32
        %convert_element_type3A_28 = arith.extui %lt3A_27 : i1 to i32
        %cond3A_29 = arith.constant 0 : i32
        %cond3A_30 = arith.cmpi ne, %convert_element_type3A_28, %cond3A_29 : i32
        scf.if %cond3A_30 {
          %mul3A_31 = arith.constant 80 : i32
          %mul3A_32 = arith.muli %add3A, %mul3A_31 : i32
          "tpu.region"() ({
            %run_scoped3A = tpu.sem_alloc : memref<!tpu.dma_semaphore, #tpu.memory_space<semaphore_mem>>
            %dma_start3A = arith.constant 0 : i32
            %dma_start3A_33 = tpu.memref_slice %arg3[%mul3A_32, %dma_start3A] : memref<10000x128xf32, #tpu.memory_space<hbm>> -> memref<80x128xf32, #tpu.memory_space<hbm>>
            %dma_start3A_34 = arith.constant 0 : i32
            %dma_start3A_35 = tpu.memref_slice %arg3[%mul3A_32, %dma_start3A_34] : memref<10000x128xf32, #tpu.memory_space<hbm>> -> memref<80x128xf32, #tpu.memory_space<hbm>>
            tpu.enqueue_dma source(%dma_start3A_35 : memref<80x128xf32, #tpu.memory_space<hbm>>) target(%arg14 : memref<80x128xf32, #tpu.memory_space<vmem>>) target_semaphore(%run_scoped3A : memref<!tpu.dma_semaphore, #tpu.memory_space<semaphore_mem>>)
            %dma_wait3A = arith.constant 0 : i32
            %dma_wait3A_36 = tpu.memref_slice %arg3[%mul3A_32, %dma_wait3A] : memref<10000x128xf32, #tpu.memory_space<hbm>> -> memref<80x128xf32, #tpu.memory_space<hbm>>
            %dma_wait3A_37 = arith.constant 0 : i32
            %dma_wait3A_38 = tpu.memref_slice %arg3[%mul3A_32, %dma_wait3A_37] : memref<10000x128xf32, #tpu.memory_space<hbm>> -> memref<80x128xf32, #tpu.memory_space<hbm>>
            tpu.wait_dma2 semaphore(%run_scoped3A : memref<!tpu.dma_semaphore, #tpu.memory_space<semaphore_mem>>) src(%dma_wait3A_38 : memref<80x128xf32, #tpu.memory_space<hbm>>) dst(%arg14 : memref<80x128xf32, #tpu.memory_space<vmem>>)
            tpu.yield
          }) : () -> ()
          "tpu.region"() ({
            %run_scoped3A = tpu.sem_alloc : memref<!tpu.dma_semaphore, #tpu.memory_space<semaphore_mem>>
            %dma_start3A = tpu.memref_slice %arg5[%mul3A_32] : memref<10000xi32, #tpu.memory_space<hbm>> -> memref<80xi32, #tpu.memory_space<hbm>>
            %dma_start3A_33 = tpu.memref_slice %arg5[%mul3A_32] : memref<10000xi32, #tpu.memory_space<hbm>> -> memref<80xi32, #tpu.memory_space<hbm>>
            tpu.enqueue_dma source(%dma_start3A_33 : memref<80xi32, #tpu.memory_space<hbm>>) target(%arg16 : memref<80xi32, #tpu.memory_space<vmem>>) target_semaphore(%run_scoped3A : memref<!tpu.dma_semaphore, #tpu.memory_space<semaphore_mem>>)
            %dma_wait3A = tpu.memref_slice %arg5[%mul3A_32] : memref<10000xi32, #tpu.memory_space<hbm>> -> memref<80xi32, #tpu.memory_space<hbm>>
            %dma_wait3A_34 = tpu.memref_slice %arg5[%mul3A_32] : memref<10000xi32, #tpu.memory_space<hbm>> -> memref<80xi32, #tpu.memory_space<hbm>>
            tpu.wait_dma2 semaphore(%run_scoped3A : memref<!tpu.dma_semaphore, #tpu.memory_space<semaphore_mem>>) src(%dma_wait3A_34 : memref<80xi32, #tpu.memory_space<hbm>>) dst(%arg16 : memref<80xi32, #tpu.memory_space<vmem>>)
            tpu.yield
          }) : () -> ()
          "tpu.region"() ({
            %run_scoped3A = tpu.sem_alloc : memref<!tpu.dma_semaphore, #tpu.memory_space<semaphore_mem>>
            %dma_start3A = arith.constant 0 : i32
            %dma_start3A_33 = arith.constant 0 : i32
            %dma_start3A_34 = tpu.memref_slice %arg12[%dma_start3A, %dma_start3A_33] : memref<1024x128xf32, #tpu.memory_space<vmem_shared>> -> memref<1024x128xf32, #tpu.memory_space<vmem_shared>>
            tpu.enqueue_indirect_dma source(%arg14 : memref<80x128xf32, #tpu.memory_space<vmem>>) target(%dma_start3A_34 : memref<1024x128xf32, #tpu.memory_space<vmem_shared>>) offsets(%arg16 : memref<80xi32, #tpu.memory_space<vmem>>) semaphore(%run_scoped3A : memref<!tpu.dma_semaphore, #tpu.memory_space<semaphore_mem>>) {add = true}
            %dma_wait3A = arith.constant 0 : i32
            %dma_wait3A_35 = arith.constant 0 : i32
            %dma_wait3A_36 = tpu.memref_slice %arg12[%dma_wait3A, %dma_wait3A_35] : memref<1024x128xf32, #tpu.memory_space<vmem_shared>> -> memref<1024x128xf32, #tpu.memory_space<vmem_shared>>
            tpu.wait_indirect_dma semaphore(%run_scoped3A : memref<!tpu.dma_semaphore, #tpu.memory_space<semaphore_mem>>) src(%arg14 : memref<80x128xf32, #tpu.memory_space<vmem>>) dst(%dma_wait3A_36 : memref<1024x128xf32, #tpu.memory_space<vmem_shared>>)
            tpu.yield
          }) : () -> ()
          "tpu.region"() ({
            %run_scoped3A = tpu.sem_alloc : memref<!tpu.dma_semaphore, #tpu.memory_space<semaphore_mem>>
            %dma_start3A = arith.constant 0 : i32
            %dma_start3A_33 = arith.constant 0 : i32
            %dma_start3A_34 = tpu.memref_slice %arg13[%dma_start3A, %dma_start3A_33] : memref<1024x128xf32, #tpu.memory_space<vmem_shared>> -> memref<1024x128xf32, #tpu.memory_space<vmem_shared>>
            tpu.enqueue_indirect_dma source(%arg15 : memref<80x128xf32, #tpu.memory_space<vmem>>) target(%dma_start3A_34 : memref<1024x128xf32, #tpu.memory_space<vmem_shared>>) offsets(%arg16 : memref<80xi32, #tpu.memory_space<vmem>>) semaphore(%run_scoped3A : memref<!tpu.dma_semaphore, #tpu.memory_space<semaphore_mem>>) {add = true}
            %dma_wait3A = arith.constant 0 : i32
            %dma_wait3A_35 = arith.constant 0 : i32
            %dma_wait3A_36 = tpu.memref_slice %arg13[%dma_wait3A, %dma_wait3A_35] : memref<1024x128xf32, #tpu.memory_space<vmem_shared>> -> memref<1024x128xf32, #tpu.memory_space<vmem_shared>>
            tpu.wait_indirect_dma semaphore(%run_scoped3A : memref<!tpu.dma_semaphore, #tpu.memory_space<semaphore_mem>>) src(%arg15 : memref<80x128xf32, #tpu.memory_space<vmem>>) dst(%dma_wait3A_36 : memref<1024x128xf32, #tpu.memory_space<vmem_shared>>)
            tpu.yield
          }) : () -> ()
        } else {
        }
      }
      %scan3A_23 = arith.constant 8 : i32
    } else {
    }
    %barrier3A_8 = arith.constant 0 : index
    tpu.barrier barrier_id(%barrier3A_8)
    %eq3A_9 = arith.constant 0 : i32
    %eq3A_10 = arith.cmpi eq, %arg0, %eq3A_9 : i32
    %convert_element_type3A_11 = arith.extui %eq3A_10 : i1 to i32
    %cond3A_12 = arith.constant 0 : i32
    %cond3A_13 = arith.cmpi ne, %convert_element_type3A_11, %cond3A_12 : i32
    scf.if %cond3A_13 {
      "tpu.region"() ({
        %run_scoped3A = tpu.sem_alloc : memref<!tpu.dma_semaphore, #tpu.memory_space<semaphore_mem>>
        %dma_start3A = arith.constant 0 : i32
        %dma_start3A_19 = tpu.memref_slice %arg8[%mul3A_0, %dma_start3A] : memref<1024x128xf32, #tpu.memory_space<hbm>> -> memref<64x128xf32, #tpu.memory_space<hbm>>
        %dma_start3A_20 = arith.constant 0 : i32
        %dma_start3A_21 = tpu.memref_slice %arg12[%mul3A_0, %dma_start3A_20] : memref<1024x128xf32, #tpu.memory_space<vmem_shared>> -> memref<64x128xf32, #tpu.memory_space<vmem_shared>>
        tpu.enqueue_dma source(%dma_start3A_21 : memref<64x128xf32, #tpu.memory_space<vmem_shared>>) target(%dma_start3A_19 : memref<64x128xf32, #tpu.memory_space<hbm>>) target_semaphore(%run_scoped3A : memref<!tpu.dma_semaphore, #tpu.memory_space<semaphore_mem>>)
        %dma_wait3A = arith.constant 0 : i32
        %dma_wait3A_22 = tpu.memref_slice %arg8[%mul3A_0, %dma_wait3A] : memref<1024x128xf32, #tpu.memory_space<hbm>> -> memref<64x128xf32, #tpu.memory_space<hbm>>
        %dma_wait3A_23 = arith.constant 0 : i32
        %dma_wait3A_24 = tpu.memref_slice %arg12[%mul3A_0, %dma_wait3A_23] : memref<1024x128xf32, #tpu.memory_space<vmem_shared>> -> memref<64x128xf32, #tpu.memory_space<vmem_shared>>
        tpu.wait_dma2 semaphore(%run_scoped3A : memref<!tpu.dma_semaphore, #tpu.memory_space<semaphore_mem>>) src(%dma_wait3A_24 : memref<64x128xf32, #tpu.memory_space<vmem_shared>>) dst(%dma_wait3A_22 : memref<64x128xf32, #tpu.memory_space<hbm>>)
        tpu.yield
      }) : () -> ()
      "tpu.region"() ({
        %run_scoped3A = tpu.sem_alloc : memref<!tpu.dma_semaphore, #tpu.memory_space<semaphore_mem>>
        %dma_start3A = arith.constant 0 : i32
        %dma_start3A_19 = tpu.memref_slice %arg9[%mul3A_0, %dma_start3A] : memref<1024x128xf32, #tpu.memory_space<hbm>> -> memref<64x128xf32, #tpu.memory_space<hbm>>
        %dma_start3A_20 = arith.constant 0 : i32
        %dma_start3A_21 = tpu.memref_slice %arg13[%mul3A_0, %dma_start3A_20] : memref<1024x128xf32, #tpu.memory_space<vmem_shared>> -> memref<64x128xf32, #tpu.memory_space<vmem_shared>>
        tpu.enqueue_dma source(%dma_start3A_21 : memref<64x128xf32, #tpu.memory_space<vmem_shared>>) target(%dma_start3A_19 : memref<64x128xf32, #tpu.memory_space<hbm>>) target_semaphore(%run_scoped3A : memref<!tpu.dma_semaphore, #tpu.memory_space<semaphore_mem>>)
        %dma_wait3A = arith.constant 0 : i32
        %dma_wait3A_22 = tpu.memref_slice %arg9[%mul3A_0, %dma_wait3A] : memref<1024x128xf32, #tpu.memory_space<hbm>> -> memref<64x128xf32, #tpu.memory_space<hbm>>
        %dma_wait3A_23 = arith.constant 0 : i32
        %dma_wait3A_24 = tpu.memref_slice %arg13[%mul3A_0, %dma_wait3A_23] : memref<1024x128xf32, #tpu.memory_space<vmem_shared>> -> memref<64x128xf32, #tpu.memory_space<vmem_shared>>
        tpu.wait_dma2 semaphore(%run_scoped3A : memref<!tpu.dma_semaphore, #tpu.memory_space<semaphore_mem>>) src(%dma_wait3A_24 : memref<64x128xf32, #tpu.memory_space<vmem_shared>>) dst(%dma_wait3A_22 : memref<64x128xf32, #tpu.memory_space<hbm>>)
        tpu.yield
      }) : () -> ()
    } else {
    }
    %eq3A_14 = arith.constant 1 : i32
    %eq3A_15 = arith.cmpi eq, %arg0, %eq3A_14 : i32
    %convert_element_type3A_16 = arith.extui %eq3A_15 : i1 to i32
    %cond3A_17 = arith.constant 0 : i32
    %cond3A_18 = arith.cmpi ne, %convert_element_type3A_16, %cond3A_17 : i32
    scf.if %cond3A_18 {
      "tpu.region"() ({
        %run_scoped3A = tpu.sem_alloc : memref<!tpu.dma_semaphore, #tpu.memory_space<semaphore_mem>>
        %dma_start3A = arith.constant 0 : i32
        %dma_start3A_19 = tpu.memref_slice %arg10[%mul3A_0, %dma_start3A] : memref<1024x128xf32, #tpu.memory_space<hbm>> -> memref<64x128xf32, #tpu.memory_space<hbm>>
        %dma_start3A_20 = arith.constant 0 : i32
        %dma_start3A_21 = tpu.memref_slice %arg12[%mul3A_0, %dma_start3A_20] : memref<1024x128xf32, #tpu.memory_space<vmem_shared>> -> memref<64x128xf32, #tpu.memory_space<vmem_shared>>
        tpu.enqueue_dma source(%dma_start3A_21 : memref<64x128xf32, #tpu.memory_space<vmem_shared>>) target(%dma_start3A_19 : memref<64x128xf32, #tpu.memory_space<hbm>>) target_semaphore(%run_scoped3A : memref<!tpu.dma_semaphore, #tpu.memory_space<semaphore_mem>>)
        %dma_wait3A = arith.constant 0 : i32
        %dma_wait3A_22 = tpu.memref_slice %arg10[%mul3A_0, %dma_wait3A] : memref<1024x128xf32, #tpu.memory_space<hbm>> -> memref<64x128xf32, #tpu.memory_space<hbm>>
        %dma_wait3A_23 = arith.constant 0 : i32
        %dma_wait3A_24 = tpu.memref_slice %arg12[%mul3A_0, %dma_wait3A_23] : memref<1024x128xf32, #tpu.memory_space<vmem_shared>> -> memref<64x128xf32, #tpu.memory_space<vmem_shared>>
        tpu.wait_dma2 semaphore(%run_scoped3A : memref<!tpu.dma_semaphore, #tpu.memory_space<semaphore_mem>>) src(%dma_wait3A_24 : memref<64x128xf32, #tpu.memory_space<vmem_shared>>) dst(%dma_wait3A_22 : memref<64x128xf32, #tpu.memory_space<hbm>>)
        tpu.yield
      }) : () -> ()
      "tpu.region"() ({
        %run_scoped3A = tpu.sem_alloc : memref<!tpu.dma_semaphore, #tpu.memory_space<semaphore_mem>>
        %dma_start3A = arith.constant 0 : i32
        %dma_start3A_19 = tpu.memref_slice %arg11[%mul3A_0, %dma_start3A] : memref<1024x128xf32, #tpu.memory_space<hbm>> -> memref<64x128xf32, #tpu.memory_space<hbm>>
        %dma_start3A_20 = arith.constant 0 : i32
        %dma_start3A_21 = tpu.memref_slice %arg13[%mul3A_0, %dma_start3A_20] : memref<1024x128xf32, #tpu.memory_space<vmem_shared>> -> memref<64x128xf32, #tpu.memory_space<vmem_shared>>
        tpu.enqueue_dma source(%dma_start3A_21 : memref<64x128xf32, #tpu.memory_space<vmem_shared>>) target(%dma_start3A_19 : memref<64x128xf32, #tpu.memory_space<hbm>>) target_semaphore(%run_scoped3A : memref<!tpu.dma_semaphore, #tpu.memory_space<semaphore_mem>>)
        %dma_wait3A = arith.constant 0 : i32
        %dma_wait3A_22 = tpu.memref_slice %arg11[%mul3A_0, %dma_wait3A] : memref<1024x128xf32, #tpu.memory_space<hbm>> -> memref<64x128xf32, #tpu.memory_space<hbm>>
        %dma_wait3A_23 = arith.constant 0 : i32
        %dma_wait3A_24 = tpu.memref_slice %arg13[%mul3A_0, %dma_wait3A_23] : memref<1024x128xf32, #tpu.memory_space<vmem_shared>> -> memref<64x128xf32, #tpu.memory_space<vmem_shared>>
        tpu.wait_dma2 semaphore(%run_scoped3A : memref<!tpu.dma_semaphore, #tpu.memory_space<semaphore_mem>>) src(%dma_wait3A_24 : memref<64x128xf32, #tpu.memory_space<vmem_shared>>) dst(%dma_wait3A_22 : memref<64x128xf32, #tpu.memory_space<hbm>>)
        tpu.yield
      }) : () -> ()
    } else {
    }
    return
  }
}

module attributes {stable_mosaic.version = 14 : i64} {
  func.func @body(%arg0: i32, %arg1: memref<1000x128xf32, #tpu.memory_space<vmem>>, %arg2: memref<1000x1xf32, #tpu.memory_space<vmem>>, %arg3: memref<1000x128xf32, #tpu.memory_space<vmem>>, %arg4: memref<1000x1xf32, #tpu.memory_space<vmem>>, %arg5: memref<1000x128xf32, #tpu.memory_space<vmem>>, %arg6: memref<1000x128xf32, #tpu.memory_space<vmem>>) attributes {dimension_semantics = [#tpu.dimension_semantics<arbitrary>], iteration_bounds = array<i64: 10>, scalar_prefetch = 0 : i64, scratch_operands = 0 : i64, tpu.core_type = #tpu.core_type<tc>, window_params = [{transform_indices = @transform_0, window_bounds = array<i64: 1000, 128>}, {transform_indices = @transform_1, window_bounds = array<i64: 1000, 1>}, {transform_indices = @transform_2, window_bounds = array<i64: 1000, 128>}, {transform_indices = @transform_3, window_bounds = array<i64: 1000, 1>}, {transform_indices = @transform_4, window_bounds = array<i64: 1000, 128>}, {transform_indices = @transform_5, window_bounds = array<i64: 1000, 128>}]} {
    %get3A = arith.constant 0 : index
    %get3A_0 = arith.constant 0 : index
    %get3A_1 = vector.load %arg2[%get3A, %get3A_0] : memref<1000x1xf32, #tpu.memory_space<vmem>>, vector<1000x1xf32>
    %max3A = arith.constant 1.000000e+00 : f32
    %max3A_2 = vector.broadcast %max3A : f32 to vector<1000x1xf32>
    %max3A_3 = arith.maximumf %get3A_1, %max3A_2 : vector<1000x1xf32>
    %get3A_4 = arith.constant 0 : index
    %get3A_5 = arith.constant 0 : index
    %get3A_6 = vector.load %arg1[%get3A_4, %get3A_5] : memref<1000x128xf32, #tpu.memory_space<vmem>>, vector<1000x128xf32>
    %rsqrt3A = math.rsqrt %max3A_3 : vector<1000x1xf32>
    %mul3A = vector.broadcast %rsqrt3A : vector<1000x1xf32> to vector<1000x128xf32>
    %mul3A_7 = arith.mulf %get3A_6, %mul3A : vector<1000x128xf32>
    %swap3A = arith.constant 0 : index
    %swap3A_8 = arith.constant 0 : index
    %swap3A_9 = vector.load %arg5[%swap3A, %swap3A_8] : memref<1000x128xf32, #tpu.memory_space<vmem>>, vector<1000x128xf32>
    tpu.vector_store %arg5[%swap3A, %swap3A_8], %mul3A_7 {strides = array<i32>} : memref<1000x128xf32, #tpu.memory_space<vmem>>, vector<1000x128xf32>,
    %get3A_10 = arith.constant 0 : index
    %get3A_11 = arith.constant 0 : index
    %get3A_12 = vector.load %arg4[%get3A_10, %get3A_11] : memref<1000x1xf32, #tpu.memory_space<vmem>>, vector<1000x1xf32>
    %max3A_13 = arith.constant 1.000000e+00 : f32
    %max3A_14 = vector.broadcast %max3A_13 : f32 to vector<1000x1xf32>
    %max3A_15 = arith.maximumf %get3A_12, %max3A_14 : vector<1000x1xf32>
    %get3A_16 = arith.constant 0 : index
    %get3A_17 = arith.constant 0 : index
    %get3A_18 = vector.load %arg3[%get3A_16, %get3A_17] : memref<1000x128xf32, #tpu.memory_space<vmem>>, vector<1000x128xf32>
    %rsqrt3A_19 = math.rsqrt %max3A_15 : vector<1000x1xf32>
    %mul3A_20 = vector.broadcast %rsqrt3A_19 : vector<1000x1xf32> to vector<1000x128xf32>
    %mul3A_21 = arith.mulf %get3A_18, %mul3A_20 : vector<1000x128xf32>
    %swap3A_22 = arith.constant 0 : index
    %swap3A_23 = arith.constant 0 : index
    %swap3A_24 = vector.load %arg6[%swap3A_22, %swap3A_23] : memref<1000x128xf32, #tpu.memory_space<vmem>>, vector<1000x128xf32>
    tpu.vector_store %arg6[%swap3A_22, %swap3A_23], %mul3A_21 {strides = array<i32>} : memref<1000x128xf32, #tpu.memory_space<vmem>>, vector<1000x128xf32>,
    return
  }
  func.func @transform_0(%arg0: i32) -> (i32, i32) {
    %c0_i32 = arith.constant 0 : i32
    %c0_i32_0 = arith.constant 0 : i32
    return %arg0, %c0_i32 : i32, i32
  }
  func.func @transform_1(%arg0: i32) -> (i32, i32) {
    %c0_i32 = arith.constant 0 : i32
    %c0_i32_0 = arith.constant 0 : i32
    return %arg0, %c0_i32 : i32, i32
  }
  func.func @transform_2(%arg0: i32) -> (i32, i32) {
    %c0_i32 = arith.constant 0 : i32
    %c0_i32_0 = arith.constant 0 : i32
    return %arg0, %c0_i32 : i32, i32
  }
  func.func @transform_3(%arg0: i32) -> (i32, i32) {
    %c0_i32 = arith.constant 0 : i32
    %c0_i32_0 = arith.constant 0 : i32
    return %arg0, %c0_i32 : i32, i32
  }
  func.func @transform_4(%arg0: i32) -> (i32, i32) {
    %c0_i32 = arith.constant 0 : i32
    %c0_i32_0 = arith.constant 0 : i32
    return %arg0, %c0_i32 : i32, i32
  }
  func.func @transform_5(%arg0: i32) -> (i32, i32) {
    %c0_i32 = arith.constant 0 : i32
    %c0_i32_0 = arith.constant 0 : i32
    return %arg0, %c0_i32 : i32, i32
  }
}

module attributes {stable_mosaic.version = 14 : i64} {
  func.func @body(%arg0: i32, %arg1: memref<1000x128xf32, #tpu.memory_space<vmem>>, %arg2: memref<1000x1xf32, #tpu.memory_space<vmem>>, %arg3: memref<1000x1xf32, #tpu.memory_space<vmem>>, %arg4: memref<1000x128xf32, #tpu.memory_space<vmem>>, %arg5: memref<1000x1xf32, #tpu.memory_space<vmem>>, %arg6: memref<1000x1xf32, #tpu.memory_space<vmem>>, %arg7: memref<128x128xf32, #tpu.memory_space<vmem>>, %arg8: memref<1x128xf32, #tpu.memory_space<vmem>>, %arg9: memref<1000x128xf32, #tpu.memory_space<vmem>>, %arg10: memref<1000x128xf32, #tpu.memory_space<vmem>>) attributes {dimension_semantics = [#tpu.dimension_semantics<arbitrary>], iteration_bounds = array<i64: 10>, scalar_prefetch = 0 : i64, scratch_operands = 0 : i64, tpu.core_type = #tpu.core_type<tc>, window_params = [{transform_indices = @transform_0, window_bounds = array<i64: 1000, 128>}, {transform_indices = @transform_1, window_bounds = array<i64: 1000, 1>}, {transform_indices = @transform_2, window_bounds = array<i64: 1000, 1>}, {transform_indices = @transform_3, window_bounds = array<i64: 1000, 128>}, {transform_indices = @transform_4, window_bounds = array<i64: 1000, 1>}, {transform_indices = @transform_5, window_bounds = array<i64: 1000, 1>}, {pipeline_mode = #tpu.pipeline_mode<synchronous>, transform_indices = @transform_6, window_bounds = array<i64: 128, 128>}, {pipeline_mode = #tpu.pipeline_mode<synchronous>, transform_indices = @transform_7, window_bounds = array<i64: 1, 128>}, {transform_indices = @transform_8, window_bounds = array<i64: 1000, 128>}, {transform_indices = @transform_9, window_bounds = array<i64: 1000, 128>}]} {
    %get3A = arith.constant 0 : index
    %get3A_0 = arith.constant 0 : index
    %get3A_1 = vector.load %arg7[%get3A, %get3A_0] : memref<128x128xf32, #tpu.memory_space<vmem>>, vector<128x128xf32>
    %get3A_2 = arith.constant 0 : index
    %get3A_3 = arith.constant 0 : index
    %get3A_4 = vector.load %arg8[%get3A_2, %get3A_3] : memref<1x128xf32, #tpu.memory_space<vmem>>, vector<1x128xf32>
    %get3A_5 = arith.constant 0 : index
    %get3A_6 = arith.constant 0 : index
    %get3A_7 = vector.load %arg2[%get3A_5, %get3A_6] : memref<1000x1xf32, #tpu.memory_space<vmem>>, vector<1000x1xf32>
    %max3A = arith.constant 1.000000e+00 : f32
    %max3A_8 = vector.broadcast %max3A : f32 to vector<1000x1xf32>
    %max3A_9 = arith.maximumf %get3A_7, %max3A_8 : vector<1000x1xf32>
    %rsqrt3A = math.rsqrt %max3A_9 : vector<1000x1xf32>
    %get3A_10 = arith.constant 0 : index
    %get3A_11 = arith.constant 0 : index
    %get3A_12 = vector.load %arg1[%get3A_10, %get3A_11] : memref<1000x128xf32, #tpu.memory_space<vmem>>, vector<1000x128xf32>
    %mul3A = vector.broadcast %rsqrt3A : vector<1000x1xf32> to vector<1000x128xf32>
    %mul3A_13 = arith.mulf %get3A_12, %mul3A : vector<1000x128xf32>
    %dot_general3A = arith.constant dense<0.000000e+00> : vector<1000x128xf32>
    %dot_general3A_14 = tpu.matmul %mul3A_13, %get3A_1, %dot_general3A {dimension_numbers = #tpu.dot_dimension_numbers<[1], [0], [0], [1], [0, 0, 1, 1], [], []>, transpose_lhs_hint = false} : vector<1000x128xf32>, vector<128x128xf32>, vector<1000x128xf32> -> vector<1000x128xf32>
    %add3A = vector.broadcast %get3A_4 : vector<1x128xf32> to vector<1000x128xf32>
    %add3A_15 = arith.addf %dot_general3A_14, %add3A : vector<1000x128xf32>
    %max3A_16 = arith.constant 0.000000e+00 : f32
    %max3A_17 = vector.broadcast %max3A_16 : f32 to vector<1000x128xf32>
    %max3A_18 = arith.maximumf %add3A_15, %max3A_17 : vector<1000x128xf32>
    %get3A_19 = arith.constant 0 : index
    %get3A_20 = arith.constant 0 : index
    %get3A_21 = vector.load %arg3[%get3A_19, %get3A_20] : memref<1000x1xf32, #tpu.memory_space<vmem>>, vector<1000x1xf32>
    %max3A_22 = arith.constant 1.000000e+00 : f32
    %max3A_23 = vector.broadcast %max3A_22 : f32 to vector<1000x1xf32>
    %max3A_24 = arith.maximumf %get3A_21, %max3A_23 : vector<1000x1xf32>
    %rsqrt3A_25 = math.rsqrt %max3A_24 : vector<1000x1xf32>
    %mul3A_26 = vector.broadcast %rsqrt3A_25 : vector<1000x1xf32> to vector<1000x128xf32>
    %mul3A_27 = arith.mulf %max3A_18, %mul3A_26 : vector<1000x128xf32>
    %swap3A = arith.constant 0 : index
    %swap3A_28 = arith.constant 0 : index
    %swap3A_29 = vector.load %arg9[%swap3A, %swap3A_28] : memref<1000x128xf32, #tpu.memory_space<vmem>>, vector<1000x128xf32>
    tpu.vector_store %arg9[%swap3A, %swap3A_28], %mul3A_27 {strides = array<i32>} : memref<1000x128xf32, #tpu.memory_space<vmem>>, vector<1000x128xf32>,
    %get3A_30 = arith.constant 0 : index
    %get3A_31 = arith.constant 0 : index
    %get3A_32 = vector.load %arg5[%get3A_30, %get3A_31] : memref<1000x1xf32, #tpu.memory_space<vmem>>, vector<1000x1xf32>
    %max3A_33 = arith.constant 1.000000e+00 : f32
    %max3A_34 = vector.broadcast %max3A_33 : f32 to vector<1000x1xf32>
    %max3A_35 = arith.maximumf %get3A_32, %max3A_34 : vector<1000x1xf32>
    %rsqrt3A_36 = math.rsqrt %max3A_35 : vector<1000x1xf32>
    %get3A_37 = arith.constant 0 : index
    %get3A_38 = arith.constant 0 : index
    %get3A_39 = vector.load %arg4[%get3A_37, %get3A_38] : memref<1000x128xf32, #tpu.memory_space<vmem>>, vector<1000x128xf32>
    %mul3A_40 = vector.broadcast %rsqrt3A_36 : vector<1000x1xf32> to vector<1000x128xf32>
    %mul3A_41 = arith.mulf %get3A_39, %mul3A_40 : vector<1000x128xf32>
    %dot_general3A_42 = arith.constant dense<0.000000e+00> : vector<1000x128xf32>
    %dot_general3A_43 = tpu.matmul %mul3A_41, %get3A_1, %dot_general3A_42 {dimension_numbers = #tpu.dot_dimension_numbers<[1], [0], [0], [1], [0, 0, 1, 1], [], []>, transpose_lhs_hint = false} : vector<1000x128xf32>, vector<128x128xf32>, vector<1000x128xf32> -> vector<1000x128xf32>
    %add3A_44 = vector.broadcast %get3A_4 : vector<1x128xf32> to vector<1000x128xf32>
    %add3A_45 = arith.addf %dot_general3A_43, %add3A_44 : vector<1000x128xf32>
    %max3A_46 = arith.constant 0.000000e+00 : f32
    %max3A_47 = vector.broadcast %max3A_46 : f32 to vector<1000x128xf32>
    %max3A_48 = arith.maximumf %add3A_45, %max3A_47 : vector<1000x128xf32>
    %get3A_49 = arith.constant 0 : index
    %get3A_50 = arith.constant 0 : index
    %get3A_51 = vector.load %arg6[%get3A_49, %get3A_50] : memref<1000x1xf32, #tpu.memory_space<vmem>>, vector<1000x1xf32>
    %max3A_52 = arith.constant 1.000000e+00 : f32
    %max3A_53 = vector.broadcast %max3A_52 : f32 to vector<1000x1xf32>
    %max3A_54 = arith.maximumf %get3A_51, %max3A_53 : vector<1000x1xf32>
    %rsqrt3A_55 = math.rsqrt %max3A_54 : vector<1000x1xf32>
    %mul3A_56 = vector.broadcast %rsqrt3A_55 : vector<1000x1xf32> to vector<1000x128xf32>
    %mul3A_57 = arith.mulf %max3A_48, %mul3A_56 : vector<1000x128xf32>
    %swap3A_58 = arith.constant 0 : index
    %swap3A_59 = arith.constant 0 : index
    %swap3A_60 = vector.load %arg10[%swap3A_58, %swap3A_59] : memref<1000x128xf32, #tpu.memory_space<vmem>>, vector<1000x128xf32>
    tpu.vector_store %arg10[%swap3A_58, %swap3A_59], %mul3A_57 {strides = array<i32>} : memref<1000x128xf32, #tpu.memory_space<vmem>>, vector<1000x128xf32>,
    return
  }
  func.func @transform_0(%arg0: i32) -> (i32, i32) {
    %c0_i32 = arith.constant 0 : i32
    %c0_i32_0 = arith.constant 0 : i32
    return %arg0, %c0_i32 : i32, i32
  }
  func.func @transform_1(%arg0: i32) -> (i32, i32) {
    %c0_i32 = arith.constant 0 : i32
    %c0_i32_0 = arith.constant 0 : i32
    return %arg0, %c0_i32 : i32, i32
  }
  func.func @transform_2(%arg0: i32) -> (i32, i32) {
    %c0_i32 = arith.constant 0 : i32
    %c0_i32_0 = arith.constant 0 : i32
    return %arg0, %c0_i32 : i32, i32
  }
  func.func @transform_3(%arg0: i32) -> (i32, i32) {
    %c0_i32 = arith.constant 0 : i32
    %c0_i32_0 = arith.constant 0 : i32
    return %arg0, %c0_i32 : i32, i32
  }
  func.func @transform_4(%arg0: i32) -> (i32, i32) {
    %c0_i32 = arith.constant 0 : i32
    %c0_i32_0 = arith.constant 0 : i32
    return %arg0, %c0_i32 : i32, i32
  }
  func.func @transform_5(%arg0: i32) -> (i32, i32) {
    %c0_i32 = arith.constant 0 : i32
    %c0_i32_0 = arith.constant 0 : i32
    return %arg0, %c0_i32 : i32, i32
  }
  func.func @transform_6(%arg0: i32) -> (i32, i32) {
    %c0_i32 = arith.constant 0 : i32
    %c0_i32_0 = arith.constant 0 : i32
    %c0_i32_1 = arith.constant 0 : i32
    return %c0_i32, %c0_i32_0 : i32, i32
  }
  func.func @transform_7(%arg0: i32) -> (i32, i32) {
    %c0_i32 = arith.constant 0 : i32
    %c0_i32_0 = arith.constant 0 : i32
    %c0_i32_1 = arith.constant 0 : i32
    return %c0_i32, %c0_i32_0 : i32, i32
  }
  func.func @transform_8(%arg0: i32) -> (i32, i32) {
    %c0_i32 = arith.constant 0 : i32
    %c0_i32_0 = arith.constant 0 : i32
    return %arg0, %c0_i32 : i32, i32
  }
  func.func @transform_9(%arg0: i32) -> (i32, i32) {
    %c0_i32 = arith.constant 0 : i32
    %c0_i32_0 = arith.constant 0 : i32
    return %arg0, %c0_i32 : i32, i32
  }
}

module attributes {stable_mosaic.version = 14 : i64} {
  func.func @body(%arg0: i32, %arg1: memref<1000x128xf32, #tpu.memory_space<vmem>>, %arg2: memref<1000x1xf32, #tpu.memory_space<vmem>>, %arg3: memref<1000x1xf32, #tpu.memory_space<vmem>>, %arg4: memref<1000x128xf32, #tpu.memory_space<vmem>>, %arg5: memref<1000x1xf32, #tpu.memory_space<vmem>>, %arg6: memref<1000x1xf32, #tpu.memory_space<vmem>>, %arg7: memref<128x128xf32, #tpu.memory_space<vmem>>, %arg8: memref<1x128xf32, #tpu.memory_space<vmem>>, %arg9: memref<1000x128xf32, #tpu.memory_space<vmem>>, %arg10: memref<1000x128xf32, #tpu.memory_space<vmem>>) attributes {dimension_semantics = [#tpu.dimension_semantics<arbitrary>], iteration_bounds = array<i64: 10>, scalar_prefetch = 0 : i64, scratch_operands = 0 : i64, tpu.core_type = #tpu.core_type<tc>, window_params = [{transform_indices = @transform_0, window_bounds = array<i64: 1000, 128>}, {transform_indices = @transform_1, window_bounds = array<i64: 1000, 1>}, {transform_indices = @transform_2, window_bounds = array<i64: 1000, 1>}, {transform_indices = @transform_3, window_bounds = array<i64: 1000, 128>}, {transform_indices = @transform_4, window_bounds = array<i64: 1000, 1>}, {transform_indices = @transform_5, window_bounds = array<i64: 1000, 1>}, {pipeline_mode = #tpu.pipeline_mode<synchronous>, transform_indices = @transform_6, window_bounds = array<i64: 128, 128>}, {pipeline_mode = #tpu.pipeline_mode<synchronous>, transform_indices = @transform_7, window_bounds = array<i64: 1, 128>}, {transform_indices = @transform_8, window_bounds = array<i64: 1000, 128>}, {transform_indices = @transform_9, window_bounds = array<i64: 1000, 128>}]} {
    %get3A = arith.constant 0 : index
    %get3A_0 = arith.constant 0 : index
    %get3A_1 = vector.load %arg7[%get3A, %get3A_0] : memref<128x128xf32, #tpu.memory_space<vmem>>, vector<128x128xf32>
    %get3A_2 = arith.constant 0 : index
    %get3A_3 = arith.constant 0 : index
    %get3A_4 = vector.load %arg8[%get3A_2, %get3A_3] : memref<1x128xf32, #tpu.memory_space<vmem>>, vector<1x128xf32>
    %get3A_5 = arith.constant 0 : index
    %get3A_6 = arith.constant 0 : index
    %get3A_7 = vector.load %arg2[%get3A_5, %get3A_6] : memref<1000x1xf32, #tpu.memory_space<vmem>>, vector<1000x1xf32>
    %max3A = arith.constant 1.000000e+00 : f32
    %max3A_8 = vector.broadcast %max3A : f32 to vector<1000x1xf32>
    %max3A_9 = arith.maximumf %get3A_7, %max3A_8 : vector<1000x1xf32>
    %rsqrt3A = math.rsqrt %max3A_9 : vector<1000x1xf32>
    %get3A_10 = arith.constant 0 : index
    %get3A_11 = arith.constant 0 : index
    %get3A_12 = vector.load %arg1[%get3A_10, %get3A_11] : memref<1000x128xf32, #tpu.memory_space<vmem>>, vector<1000x128xf32>
    %mul3A = vector.broadcast %rsqrt3A : vector<1000x1xf32> to vector<1000x128xf32>
    %mul3A_13 = arith.mulf %get3A_12, %mul3A : vector<1000x128xf32>
    %dot_general3A = arith.constant dense<0.000000e+00> : vector<1000x128xf32>
    %dot_general3A_14 = tpu.matmul %mul3A_13, %get3A_1, %dot_general3A {dimension_numbers = #tpu.dot_dimension_numbers<[1], [0], [0], [1], [0, 0, 1, 1], [], []>, transpose_lhs_hint = false} : vector<1000x128xf32>, vector<128x128xf32>, vector<1000x128xf32> -> vector<1000x128xf32>
    %add3A = vector.broadcast %get3A_4 : vector<1x128xf32> to vector<1000x128xf32>
    %add3A_15 = arith.addf %dot_general3A_14, %add3A : vector<1000x128xf32>
    %max3A_16 = arith.constant 0.000000e+00 : f32
    %max3A_17 = vector.broadcast %max3A_16 : f32 to vector<1000x128xf32>
    %max3A_18 = arith.maximumf %add3A_15, %max3A_17 : vector<1000x128xf32>
    %swap3A = arith.constant 0 : index
    %swap3A_19 = arith.constant 0 : index
    %swap3A_20 = vector.load %arg9[%swap3A, %swap3A_19] : memref<1000x128xf32, #tpu.memory_space<vmem>>, vector<1000x128xf32>
    tpu.vector_store %arg9[%swap3A, %swap3A_19], %max3A_18 {strides = array<i32>} : memref<1000x128xf32, #tpu.memory_space<vmem>>, vector<1000x128xf32>,
    %get3A_21 = arith.constant 0 : index
    %get3A_22 = arith.constant 0 : index
    %get3A_23 = vector.load %arg5[%get3A_21, %get3A_22] : memref<1000x1xf32, #tpu.memory_space<vmem>>, vector<1000x1xf32>
    %max3A_24 = arith.constant 1.000000e+00 : f32
    %max3A_25 = vector.broadcast %max3A_24 : f32 to vector<1000x1xf32>
    %max3A_26 = arith.maximumf %get3A_23, %max3A_25 : vector<1000x1xf32>
    %rsqrt3A_27 = math.rsqrt %max3A_26 : vector<1000x1xf32>
    %get3A_28 = arith.constant 0 : index
    %get3A_29 = arith.constant 0 : index
    %get3A_30 = vector.load %arg4[%get3A_28, %get3A_29] : memref<1000x128xf32, #tpu.memory_space<vmem>>, vector<1000x128xf32>
    %mul3A_31 = vector.broadcast %rsqrt3A_27 : vector<1000x1xf32> to vector<1000x128xf32>
    %mul3A_32 = arith.mulf %get3A_30, %mul3A_31 : vector<1000x128xf32>
    %dot_general3A_33 = arith.constant dense<0.000000e+00> : vector<1000x128xf32>
    %dot_general3A_34 = tpu.matmul %mul3A_32, %get3A_1, %dot_general3A_33 {dimension_numbers = #tpu.dot_dimension_numbers<[1], [0], [0], [1], [0, 0, 1, 1], [], []>, transpose_lhs_hint = false} : vector<1000x128xf32>, vector<128x128xf32>, vector<1000x128xf32> -> vector<1000x128xf32>
    %add3A_35 = vector.broadcast %get3A_4 : vector<1x128xf32> to vector<1000x128xf32>
    %add3A_36 = arith.addf %dot_general3A_34, %add3A_35 : vector<1000x128xf32>
    %max3A_37 = arith.constant 0.000000e+00 : f32
    %max3A_38 = vector.broadcast %max3A_37 : f32 to vector<1000x128xf32>
    %max3A_39 = arith.maximumf %add3A_36, %max3A_38 : vector<1000x128xf32>
    %swap3A_40 = arith.constant 0 : index
    %swap3A_41 = arith.constant 0 : index
    %swap3A_42 = vector.load %arg10[%swap3A_40, %swap3A_41] : memref<1000x128xf32, #tpu.memory_space<vmem>>, vector<1000x128xf32>
    tpu.vector_store %arg10[%swap3A_40, %swap3A_41], %max3A_39 {strides = array<i32>} : memref<1000x128xf32, #tpu.memory_space<vmem>>, vector<1000x128xf32>,
    return
  }
  func.func @transform_0(%arg0: i32) -> (i32, i32) {
    %c0_i32 = arith.constant 0 : i32
    %c0_i32_0 = arith.constant 0 : i32
    return %arg0, %c0_i32 : i32, i32
  }
  func.func @transform_1(%arg0: i32) -> (i32, i32) {
    %c0_i32 = arith.constant 0 : i32
    %c0_i32_0 = arith.constant 0 : i32
    return %arg0, %c0_i32 : i32, i32
  }
  func.func @transform_2(%arg0: i32) -> (i32, i32) {
    %c0_i32 = arith.constant 0 : i32
    %c0_i32_0 = arith.constant 0 : i32
    return %arg0, %c0_i32 : i32, i32
  }
  func.func @transform_3(%arg0: i32) -> (i32, i32) {
    %c0_i32 = arith.constant 0 : i32
    %c0_i32_0 = arith.constant 0 : i32
    return %arg0, %c0_i32 : i32, i32
  }
  func.func @transform_4(%arg0: i32) -> (i32, i32) {
    %c0_i32 = arith.constant 0 : i32
    %c0_i32_0 = arith.constant 0 : i32
    return %arg0, %c0_i32 : i32, i32
  }
  func.func @transform_5(%arg0: i32) -> (i32, i32) {
    %c0_i32 = arith.constant 0 : i32
    %c0_i32_0 = arith.constant 0 : i32
    return %arg0, %c0_i32 : i32, i32
  }
  func.func @transform_6(%arg0: i32) -> (i32, i32) {
    %c0_i32 = arith.constant 0 : i32
    %c0_i32_0 = arith.constant 0 : i32
    %c0_i32_1 = arith.constant 0 : i32
    return %c0_i32, %c0_i32_0 : i32, i32
  }
  func.func @transform_7(%arg0: i32) -> (i32, i32) {
    %c0_i32 = arith.constant 0 : i32
    %c0_i32_0 = arith.constant 0 : i32
    %c0_i32_1 = arith.constant 0 : i32
    return %c0_i32, %c0_i32_0 : i32, i32
  }
  func.func @transform_8(%arg0: i32) -> (i32, i32) {
    %c0_i32 = arith.constant 0 : i32
    %c0_i32_0 = arith.constant 0 : i32
    return %arg0, %c0_i32 : i32, i32
  }
  func.func @transform_9(%arg0: i32) -> (i32, i32) {
    %c0_i32 = arith.constant 0 : i32
    %c0_i32_0 = arith.constant 0 : i32
    return %arg0, %c0_i32 : i32, i32
  }
}

module attributes {stable_mosaic.version = 14 : i64} {
  func.func @body(%arg0: i32, %arg1: memref<128x128xf32, #tpu.memory_space<vmem>>, %arg2: memref<128x128xf32, #tpu.memory_space<vmem>>, %arg3: memref<128x128xf32, #tpu.memory_space<vmem>>, %arg4: memref<128x128xf32, #tpu.memory_space<vmem>>, %arg5: memref<128x8xf32, #tpu.memory_space<vmem>>, %arg6: memref<128x128xf32, #tpu.memory_space<vmem>>, %arg7: memref<1x128xf32, #tpu.memory_space<vmem>>, %arg8: memref<1x32xf32, #tpu.memory_space<vmem>>, %arg9: memref<1x32xf32, #tpu.memory_space<vmem>>, %arg10: memref<128x4096xf32, #tpu.memory_space<vmem>>, %arg11: memref<128x128xf32, #tpu.memory_space<vmem>>, %arg12: memref<1x128xf32, #tpu.memory_space<vmem>>, %arg13: memref<128x128xf32, #tpu.memory_space<vmem>>, %arg14: memref<128x128xf32, #tpu.memory_space<vmem>>, %arg15: memref<128x128xf32, #tpu.memory_space<vmem>>, %arg16: memref<1x128xf32, #tpu.memory_space<vmem>>, %arg17: memref<1x128xf32, #tpu.memory_space<vmem>>, %arg18: memref<1x128xf32, #tpu.memory_space<vmem>>, %arg19: memref<128x128xf32, #tpu.memory_space<vmem>>, %arg20: memref<128x128xf32, #tpu.memory_space<vmem>>, %arg21: memref<128x128xf32, #tpu.memory_space<vmem>>, %arg22: memref<1x128xf32, #tpu.memory_space<vmem>>, %arg23: memref<1x128xf32, #tpu.memory_space<vmem>>, %arg24: memref<1x128xf32, #tpu.memory_space<vmem>>, %arg25: memref<128x128xf32, #tpu.memory_space<vmem>>, %arg26: memref<128x128xf32, #tpu.memory_space<vmem>>, %arg27: memref<1x128xf32, #tpu.memory_space<vmem>>, %arg28: memref<128x128xf32, #tpu.memory_space<vmem>>, %arg29: memref<1x128xf32, #tpu.memory_space<vmem>>, %arg30: memref<128x128xf32, #tpu.memory_space<vmem>>, %arg31: memref<1x128xf32, #tpu.memory_space<vmem>>, %arg32: memref<128x128xf32, #tpu.memory_space<vmem>>) attributes {dimension_semantics = [#tpu.dimension_semantics<arbitrary>], iteration_bounds = array<i64: 8>, scalar_prefetch = 0 : i64, scratch_operands = 0 : i64, tpu.core_type = #tpu.core_type<tc>, window_params = [{transform_indices = @transform_0, window_bounds = array<i64: 128, 128>}, {transform_indices = @transform_1, window_bounds = array<i64: 128, 128>}, {transform_indices = @transform_2, window_bounds = array<i64: 128, 128>}, {transform_indices = @transform_3, window_bounds = array<i64: 128, 128>}, {transform_indices = @transform_4, window_bounds = array<i64: 128, 8>}, {pipeline_mode = #tpu.pipeline_mode<synchronous>, transform_indices = @transform_5, window_bounds = array<i64: 128, 128>}, {pipeline_mode = #tpu.pipeline_mode<synchronous>, transform_indices = @transform_6, window_bounds = array<i64: 1, 128>}, {pipeline_mode = #tpu.pipeline_mode<synchronous>, transform_indices = @transform_7, window_bounds = array<i64: 1, 32>}, {pipeline_mode = #tpu.pipeline_mode<synchronous>, transform_indices = @transform_8, window_bounds = array<i64: 1, 32>}, {pipeline_mode = #tpu.pipeline_mode<synchronous>, transform_indices = @transform_9, window_bounds = array<i64: 128, 4096>}, {pipeline_mode = #tpu.pipeline_mode<synchronous>, transform_indices = @transform_10, window_bounds = array<i64: 128, 128>}, {pipeline_mode = #tpu.pipeline_mode<synchronous>, transform_indices = @transform_11, window_bounds = array<i64: 1, 128>}, {pipeline_mode = #tpu.pipeline_mode<synchronous>, transform_indices = @transform_12, window_bounds = array<i64: 128, 128>}, {pipeline_mode = #tpu.pipeline_mode<synchronous>, transform_indices = @transform_13, window_bounds = array<i64: 128, 128>}, {pipeline_mode = #tpu.pipeline_mode<synchronous>, transform_indices = @transform_14, window_bounds = array<i64: 128, 128>}, {pipeline_mode = #tpu.pipeline_mode<synchronous>, transform_indices = @transform_15, window_bounds = array<i64: 1, 128>}, {pipeline_mode = #tpu.pipeline_mode<synchronous>, transform_indices = @transform_16, window_bounds = array<i64: 1, 128>}, {pipeline_mode = #tpu.pipeline_mode<synchronous>, transform_indices = @transform_17, window_bounds = array<i64: 1, 128>}, {pipeline_mode = #tpu.pipeline_mode<synchronous>, transform_indices = @transform_18, window_bounds = array<i64: 128, 128>}, {pipeline_mode = #tpu.pipeline_mode<synchronous>, transform_indices = @transform_19, window_bounds = array<i64: 128, 128>}, {pipeline_mode = #tpu.pipeline_mode<synchronous>, transform_indices = @transform_20, window_bounds = array<i64: 128, 128>}, {pipeline_mode = #tpu.pipeline_mode<synchronous>, transform_indices = @transform_21, window_bounds = array<i64: 1, 128>}, {pipeline_mode = #tpu.pipeline_mode<synchronous>, transform_indices = @transform_22, window_bounds = array<i64: 1, 128>}, {pipeline_mode = #tpu.pipeline_mode<synchronous>, transform_indices = @transform_23, window_bounds = array<i64: 1, 128>}, {pipeline_mode = #tpu.pipeline_mode<synchronous>, transform_indices = @transform_24, window_bounds = array<i64: 128, 128>}, {pipeline_mode = #tpu.pipeline_mode<synchronous>, transform_indices = @transform_25, window_bounds = array<i64: 128, 128>}, {pipeline_mode = #tpu.pipeline_mode<synchronous>, transform_indices = @transform_26, window_bounds = array<i64: 1, 128>}, {pipeline_mode = #tpu.pipeline_mode<synchronous>, transform_indices = @transform_27, window_bounds = array<i64: 128, 128>}, {pipeline_mode = #tpu.pipeline_mode<synchronous>, transform_indices = @transform_28, window_bounds = array<i64: 1, 128>}, {pipeline_mode = #tpu.pipeline_mode<synchronous>, transform_indices = @transform_29, window_bounds = array<i64: 128, 128>}, {pipeline_mode = #tpu.pipeline_mode<synchronous>, transform_indices = @transform_30, window_bounds = array<i64: 1, 128>}, {transform_indices = @transform_31, window_bounds = array<i64: 128, 128>}]} {
    %get3A = arith.constant 0 : index
    %get3A_0 = arith.constant 0 : index
    %get3A_1 = vector.load %arg5[%get3A, %get3A_0] : memref<128x8xf32, #tpu.memory_space<vmem>>, vector<128x8xf32>
    %slice3A = vector.extract_strided_slice %get3A_1 {offsets = [0, 0], sizes = [128, 1], strides = [1, 1]} : vector<128x8xf32> to vector<128x1xf32>
    %slice3A_2 = vector.extract_strided_slice %get3A_1 {offsets = [0, 1], sizes = [128, 1], strides = [1, 1]} : vector<128x8xf32> to vector<128x1xf32>
    %slice3A_3 = vector.extract_strided_slice %get3A_1 {offsets = [0, 2], sizes = [128, 1], strides = [1, 1]} : vector<128x8xf32> to vector<128x1xf32>
    %slice3A_4 = vector.extract_strided_slice %get3A_1 {offsets = [0, 3], sizes = [128, 1], strides = [1, 1]} : vector<128x8xf32> to vector<128x1xf32>
    %get3A_5 = arith.constant 0 : index
    %get3A_6 = arith.constant 0 : index
    %get3A_7 = vector.load %arg1[%get3A_5, %get3A_6] : memref<128x128xf32, #tpu.memory_space<vmem>>, vector<128x128xf32>
    %get3A_8 = arith.constant 0 : index
    %get3A_9 = arith.constant 0 : index
    %get3A_10 = vector.load %arg2[%get3A_8, %get3A_9] : memref<128x128xf32, #tpu.memory_space<vmem>>, vector<128x128xf32>
    %slice3A_11 = vector.extract_strided_slice %get3A_10 {offsets = [0, 0], sizes = [128, 1], strides = [1, 1]} : vector<128x128xf32> to vector<128x1xf32>
    %max3A = arith.constant 1.000000e+00 : f32
    %max3A_12 = vector.broadcast %max3A : f32 to vector<128x1xf32>
    %max3A_13 = arith.maximumf %slice3A_11, %max3A_12 : vector<128x1xf32>
    %div3A = vector.broadcast %max3A_13 : vector<128x1xf32> to vector<128x128xf32>
    %div3A_14 = arith.divf %get3A_7, %div3A : vector<128x128xf32>
    %mul3A = vector.broadcast %slice3A : vector<128x1xf32> to vector<128x128xf32>
    %mul3A_15 = arith.mulf %mul3A, %div3A_14 : vector<128x128xf32>
    %sub3A = arith.constant 1.000000e+00 : f32
    %sub3A_16 = vector.broadcast %sub3A : f32 to vector<128x1xf32>
    %sub3A_17 = arith.subf %sub3A_16, %slice3A : vector<128x1xf32>
    %get3A_18 = arith.constant 0 : index
    %get3A_19 = arith.constant 0 : index
    %get3A_20 = vector.load %arg3[%get3A_18, %get3A_19] : memref<128x128xf32, #tpu.memory_space<vmem>>, vector<128x128xf32>
    %get3A_21 = arith.constant 0 : index
    %get3A_22 = arith.constant 0 : index
    %get3A_23 = vector.load %arg4[%get3A_21, %get3A_22] : memref<128x128xf32, #tpu.memory_space<vmem>>, vector<128x128xf32>
    %slice3A_24 = vector.extract_strided_slice %get3A_23 {offsets = [0, 0], sizes = [128, 1], strides = [1, 1]} : vector<128x128xf32> to vector<128x1xf32>
    %max3A_25 = arith.constant 1.000000e+00 : f32
    %max3A_26 = vector.broadcast %max3A_25 : f32 to vector<128x1xf32>
    %max3A_27 = arith.maximumf %slice3A_24, %max3A_26 : vector<128x1xf32>
    %div3A_28 = vector.broadcast %max3A_27 : vector<128x1xf32> to vector<128x128xf32>
    %div3A_29 = arith.divf %get3A_20, %div3A_28 : vector<128x128xf32>
    %mul3A_30 = vector.broadcast %sub3A_17 : vector<128x1xf32> to vector<128x128xf32>
    %mul3A_31 = arith.mulf %mul3A_30, %div3A_29 : vector<128x128xf32>
    %get3A_32 = arith.constant 0 : index
    %get3A_33 = arith.constant 0 : index
    %get3A_34 = vector.load %arg6[%get3A_32, %get3A_33] : memref<128x128xf32, #tpu.memory_space<vmem>>, vector<128x128xf32>
    %get3A_35 = arith.constant 0 : index
    %get3A_36 = arith.constant 0 : index
    %get3A_37 = vector.load %arg7[%get3A_35, %get3A_36] : memref<1x128xf32, #tpu.memory_space<vmem>>, vector<1x128xf32>
    %dot_general3A = arith.constant dense<0.000000e+00> : vector<128x128xf32>
    %dot_general3A_38 = tpu.matmul %mul3A_15, %get3A_34, %dot_general3A {dimension_numbers = #tpu.dot_dimension_numbers<[1], [0], [0], [1], [0, 0, 1, 1], [], []>, transpose_lhs_hint = false} : vector<128x128xf32>, vector<128x128xf32>, vector<128x128xf32> -> vector<128x128xf32>
    %add3A = vector.broadcast %get3A_37 : vector<1x128xf32> to vector<128x128xf32>
    %add3A_39 = arith.addf %dot_general3A_38, %add3A : vector<128x128xf32>
    %max3A_40 = arith.constant 0.000000e+00 : f32
    %max3A_41 = vector.broadcast %max3A_40 : f32 to vector<128x128xf32>
    %max3A_42 = arith.maximumf %add3A_39, %max3A_41 : vector<128x128xf32>
    %dot_general3A_43 = arith.constant dense<0.000000e+00> : vector<128x128xf32>
    %dot_general3A_44 = tpu.matmul %mul3A_31, %get3A_34, %dot_general3A_43 {dimension_numbers = #tpu.dot_dimension_numbers<[1], [0], [0], [1], [0, 0, 1, 1], [], []>, transpose_lhs_hint = false} : vector<128x128xf32>, vector<128x128xf32>, vector<128x128xf32> -> vector<128x128xf32>
    %add3A_45 = vector.broadcast %get3A_37 : vector<1x128xf32> to vector<128x128xf32>
    %add3A_46 = arith.addf %dot_general3A_44, %add3A_45 : vector<128x128xf32>
    %max3A_47 = arith.constant 0.000000e+00 : f32
    %max3A_48 = vector.broadcast %max3A_47 : f32 to vector<128x128xf32>
    %max3A_49 = arith.maximumf %add3A_46, %max3A_48 : vector<128x128xf32>
    %get3A_50 = arith.constant 0 : index
    %get3A_51 = arith.constant 0 : index
    %get3A_52 = vector.load %arg10[%get3A_50, %get3A_51] : memref<128x4096xf32, #tpu.memory_space<vmem>>, vector<128x4096xf32>
    %dot_general3A_53 = arith.constant dense<0.000000e+00> : vector<128x4096xf32>
    %dot_general3A_54 = tpu.matmul %max3A_42, %get3A_52, %dot_general3A_53 {dimension_numbers = #tpu.dot_dimension_numbers<[1], [0], [0], [1], [0, 0, 1, 1], [], []>, precision = #tpu.contract_precision<fp32>, transpose_lhs_hint = false} : vector<128x128xf32>, vector<128x4096xf32>, vector<128x4096xf32> -> vector<128x4096xf32>
    %dot_general3A_55 = arith.constant dense<0.000000e+00> : vector<128x4096xf32>
    %dot_general3A_56 = tpu.matmul %max3A_49, %get3A_52, %dot_general3A_55 {dimension_numbers = #tpu.dot_dimension_numbers<[1], [0], [0], [1], [0, 0, 1, 1], [], []>, precision = #tpu.contract_precision<fp32>, transpose_lhs_hint = false} : vector<128x128xf32>, vector<128x4096xf32>, vector<128x4096xf32> -> vector<128x4096xf32>
    %get3A_57 = arith.constant 0 : index
    %get3A_58 = arith.constant 0 : index
    %get3A_59 = vector.load %arg8[%get3A_57, %get3A_58] : memref<1x32xf32, #tpu.memory_space<vmem>>, vector<1x32xf32>
    %get3A_60 = arith.constant 0 : index
    %get3A_61 = arith.constant 0 : index
    %get3A_62 = vector.load %arg9[%get3A_60, %get3A_61] : memref<1x32xf32, #tpu.memory_space<vmem>>, vector<1x32xf32>
    %mul3A_63 = vector.broadcast %slice3A_2 : vector<128x1xf32> to vector<128x32xf32>
    %mul3A_64 = vector.broadcast %get3A_59 : vector<1x32xf32> to vector<128x32xf32>
    %mul3A_65 = arith.mulf %mul3A_63, %mul3A_64 : vector<128x32xf32>
    %add3A_66 = vector.broadcast %get3A_62 : vector<1x32xf32> to vector<128x32xf32>
    %add3A_67 = arith.addf %mul3A_65, %add3A_66 : vector<128x32xf32>
    %max3A_68 = arith.constant 0.000000e+00 : f32
    %max3A_69 = vector.broadcast %max3A_68 : f32 to vector<128x32xf32>
    %max3A_70 = arith.maximumf %add3A_67, %max3A_69 : vector<128x32xf32>
    %mul3A_71 = vector.broadcast %slice3A_3 : vector<128x1xf32> to vector<128x32xf32>
    %mul3A_72 = vector.broadcast %get3A_59 : vector<1x32xf32> to vector<128x32xf32>
    %mul3A_73 = arith.mulf %mul3A_71, %mul3A_72 : vector<128x32xf32>
    %add3A_74 = vector.broadcast %get3A_62 : vector<1x32xf32> to vector<128x32xf32>
    %add3A_75 = arith.addf %mul3A_73, %add3A_74 : vector<128x32xf32>
    %max3A_76 = arith.constant 0.000000e+00 : f32
    %max3A_77 = vector.broadcast %max3A_76 : f32 to vector<128x32xf32>
    %max3A_78 = arith.maximumf %add3A_75, %max3A_77 : vector<128x32xf32>
    %mul3A_79 = vector.broadcast %slice3A_4 : vector<128x1xf32> to vector<128x32xf32>
    %mul3A_80 = vector.broadcast %get3A_59 : vector<1x32xf32> to vector<128x32xf32>
    %mul3A_81 = arith.mulf %mul3A_79, %mul3A_80 : vector<128x32xf32>
    %add3A_82 = vector.broadcast %get3A_62 : vector<1x32xf32> to vector<128x32xf32>
    %add3A_83 = arith.addf %mul3A_81, %add3A_82 : vector<128x32xf32>
    %max3A_84 = arith.constant 0.000000e+00 : f32
    %max3A_85 = vector.broadcast %max3A_84 : f32 to vector<128x32xf32>
    %max3A_86 = arith.maximumf %add3A_83, %max3A_85 : vector<128x32xf32>
    %get3A_87 = arith.constant 0 : index
    %get3A_88 = arith.constant 0 : index
    %get3A_89 = vector.load %arg11[%get3A_87, %get3A_88] : memref<128x128xf32, #tpu.memory_space<vmem>>, vector<128x128xf32>
    %dot_general3A_90 = arith.constant dense<0.000000e+00> : vector<128x128xf32>
    %dot_general3A_91 = tpu.matmul %max3A_42, %get3A_89, %dot_general3A_90 {dimension_numbers = #tpu.dot_dimension_numbers<[1], [0], [0], [1], [0, 0, 1, 1], [], []>, precision = #tpu.contract_precision<fp32>, transpose_lhs_hint = false} : vector<128x128xf32>, vector<128x128xf32>, vector<128x128xf32> -> vector<128x128xf32>
    %dot_general3A_92 = arith.constant dense<0.000000e+00> : vector<128x128xf32>
    %dot_general3A_93 = tpu.matmul %max3A_49, %get3A_89, %dot_general3A_92 {dimension_numbers = #tpu.dot_dimension_numbers<[1], [0], [0], [1], [0, 0, 1, 1], [], []>, precision = #tpu.contract_precision<fp32>, transpose_lhs_hint = false} : vector<128x128xf32>, vector<128x128xf32>, vector<128x128xf32> -> vector<128x128xf32>
    %get3A_94 = arith.constant 0 : index
    %get3A_95 = arith.constant 0 : index
    %get3A_96 = vector.load %arg12[%get3A_94, %get3A_95] : memref<1x128xf32, #tpu.memory_space<vmem>>, vector<1x128xf32>
    %slice3A_97 = vector.extract_strided_slice %max3A_70 {offsets = [0, 0], sizes = [128, 1], strides = [1, 1]} : vector<128x32xf32> to vector<128x1xf32>
    %slice3A_98 = vector.extract_strided_slice %dot_general3A_56 {offsets = [0, 0], sizes = [128, 128], strides = [1, 1]} : vector<128x4096xf32> to vector<128x128xf32>
    %mul3A_99 = vector.broadcast %slice3A_97 : vector<128x1xf32> to vector<128x128xf32>
    %mul3A_100 = arith.mulf %mul3A_99, %slice3A_98 : vector<128x128xf32>
    %slice3A_101 = vector.extract_strided_slice %max3A_70 {offsets = [0, 1], sizes = [128, 1], strides = [1, 1]} : vector<128x32xf32> to vector<128x1xf32>
    %slice3A_102 = vector.extract_strided_slice %dot_general3A_56 {offsets = [0, 128], sizes = [128, 128], strides = [1, 1]} : vector<128x4096xf32> to vector<128x128xf32>
    %mul3A_103 = vector.broadcast %slice3A_101 : vector<128x1xf32> to vector<128x128xf32>
    %mul3A_104 = arith.mulf %mul3A_103, %slice3A_102 : vector<128x128xf32>
    %add3A_105 = arith.addf %mul3A_100, %mul3A_104 : vector<128x128xf32>
    %slice3A_106 = vector.extract_strided_slice %max3A_70 {offsets = [0, 2], sizes = [128, 1], strides = [1, 1]} : vector<128x32xf32> to vector<128x1xf32>
    %slice3A_107 = vector.extract_strided_slice %dot_general3A_56 {offsets = [0, 256], sizes = [128, 128], strides = [1, 1]} : vector<128x4096xf32> to vector<128x128xf32>
    %mul3A_108 = vector.broadcast %slice3A_106 : vector<128x1xf32> to vector<128x128xf32>
    %mul3A_109 = arith.mulf %mul3A_108, %slice3A_107 : vector<128x128xf32>
    %add3A_110 = arith.addf %add3A_105, %mul3A_109 : vector<128x128xf32>
    %slice3A_111 = vector.extract_strided_slice %max3A_70 {offsets = [0, 3], sizes = [128, 1], strides = [1, 1]} : vector<128x32xf32> to vector<128x1xf32>
    %slice3A_112 = vector.extract_strided_slice %dot_general3A_56 {offsets = [0, 384], sizes = [128, 128], strides = [1, 1]} : vector<128x4096xf32> to vector<128x128xf32>
    %mul3A_113 = vector.broadcast %slice3A_111 : vector<128x1xf32> to vector<128x128xf32>
    %mul3A_114 = arith.mulf %mul3A_113, %slice3A_112 : vector<128x128xf32>
    %add3A_115 = arith.addf %add3A_110, %mul3A_114 : vector<128x128xf32>
    %slice3A_116 = vector.extract_strided_slice %max3A_70 {offsets = [0, 4], sizes = [128, 1], strides = [1, 1]} : vector<128x32xf32> to vector<128x1xf32>
    %slice3A_117 = vector.extract_strided_slice %dot_general3A_56 {offsets = [0, 512], sizes = [128, 128], strides = [1, 1]} : vector<128x4096xf32> to vector<128x128xf32>
    %mul3A_118 = vector.broadcast %slice3A_116 : vector<128x1xf32> to vector<128x128xf32>
    %mul3A_119 = arith.mulf %mul3A_118, %slice3A_117 : vector<128x128xf32>
    %add3A_120 = arith.addf %add3A_115, %mul3A_119 : vector<128x128xf32>
    %slice3A_121 = vector.extract_strided_slice %max3A_70 {offsets = [0, 5], sizes = [128, 1], strides = [1, 1]} : vector<128x32xf32> to vector<128x1xf32>
    %slice3A_122 = vector.extract_strided_slice %dot_general3A_56 {offsets = [0, 640], sizes = [128, 128], strides = [1, 1]} : vector<128x4096xf32> to vector<128x128xf32>
    %mul3A_123 = vector.broadcast %slice3A_121 : vector<128x1xf32> to vector<128x128xf32>
    %mul3A_124 = arith.mulf %mul3A_123, %slice3A_122 : vector<128x128xf32>
    %add3A_125 = arith.addf %add3A_120, %mul3A_124 : vector<128x128xf32>
    %slice3A_126 = vector.extract_strided_slice %max3A_70 {offsets = [0, 6], sizes = [128, 1], strides = [1, 1]} : vector<128x32xf32> to vector<128x1xf32>
    %slice3A_127 = vector.extract_strided_slice %dot_general3A_56 {offsets = [0, 768], sizes = [128, 128], strides = [1, 1]} : vector<128x4096xf32> to vector<128x128xf32>
    %mul3A_128 = vector.broadcast %slice3A_126 : vector<128x1xf32> to vector<128x128xf32>
    %mul3A_129 = arith.mulf %mul3A_128, %slice3A_127 : vector<128x128xf32>
    %add3A_130 = arith.addf %add3A_125, %mul3A_129 : vector<128x128xf32>
    %slice3A_131 = vector.extract_strided_slice %max3A_70 {offsets = [0, 7], sizes = [128, 1], strides = [1, 1]} : vector<128x32xf32> to vector<128x1xf32>
    %slice3A_132 = vector.extract_strided_slice %dot_general3A_56 {offsets = [0, 896], sizes = [128, 128], strides = [1, 1]} : vector<128x4096xf32> to vector<128x128xf32>
    %mul3A_133 = vector.broadcast %slice3A_131 : vector<128x1xf32> to vector<128x128xf32>
    %mul3A_134 = arith.mulf %mul3A_133, %slice3A_132 : vector<128x128xf32>
    %add3A_135 = arith.addf %add3A_130, %mul3A_134 : vector<128x128xf32>
    %slice3A_136 = vector.extract_strided_slice %max3A_70 {offsets = [0, 8], sizes = [128, 1], strides = [1, 1]} : vector<128x32xf32> to vector<128x1xf32>
    %slice3A_137 = vector.extract_strided_slice %dot_general3A_56 {offsets = [0, 1024], sizes = [128, 128], strides = [1, 1]} : vector<128x4096xf32> to vector<128x128xf32>
    %mul3A_138 = vector.broadcast %slice3A_136 : vector<128x1xf32> to vector<128x128xf32>
    %mul3A_139 = arith.mulf %mul3A_138, %slice3A_137 : vector<128x128xf32>
    %add3A_140 = arith.addf %add3A_135, %mul3A_139 : vector<128x128xf32>
    %slice3A_141 = vector.extract_strided_slice %max3A_70 {offsets = [0, 9], sizes = [128, 1], strides = [1, 1]} : vector<128x32xf32> to vector<128x1xf32>
    %slice3A_142 = vector.extract_strided_slice %dot_general3A_56 {offsets = [0, 1152], sizes = [128, 128], strides = [1, 1]} : vector<128x4096xf32> to vector<128x128xf32>
    %mul3A_143 = vector.broadcast %slice3A_141 : vector<128x1xf32> to vector<128x128xf32>
    %mul3A_144 = arith.mulf %mul3A_143, %slice3A_142 : vector<128x128xf32>
    %add3A_145 = arith.addf %add3A_140, %mul3A_144 : vector<128x128xf32>
    %slice3A_146 = vector.extract_strided_slice %max3A_70 {offsets = [0, 10], sizes = [128, 1], strides = [1, 1]} : vector<128x32xf32> to vector<128x1xf32>
    %slice3A_147 = vector.extract_strided_slice %dot_general3A_56 {offsets = [0, 1280], sizes = [128, 128], strides = [1, 1]} : vector<128x4096xf32> to vector<128x128xf32>
    %mul3A_148 = vector.broadcast %slice3A_146 : vector<128x1xf32> to vector<128x128xf32>
    %mul3A_149 = arith.mulf %mul3A_148, %slice3A_147 : vector<128x128xf32>
    %add3A_150 = arith.addf %add3A_145, %mul3A_149 : vector<128x128xf32>
    %slice3A_151 = vector.extract_strided_slice %max3A_70 {offsets = [0, 11], sizes = [128, 1], strides = [1, 1]} : vector<128x32xf32> to vector<128x1xf32>
    %slice3A_152 = vector.extract_strided_slice %dot_general3A_56 {offsets = [0, 1408], sizes = [128, 128], strides = [1, 1]} : vector<128x4096xf32> to vector<128x128xf32>
    %mul3A_153 = vector.broadcast %slice3A_151 : vector<128x1xf32> to vector<128x128xf32>
    %mul3A_154 = arith.mulf %mul3A_153, %slice3A_152 : vector<128x128xf32>
    %add3A_155 = arith.addf %add3A_150, %mul3A_154 : vector<128x128xf32>
    %slice3A_156 = vector.extract_strided_slice %max3A_70 {offsets = [0, 12], sizes = [128, 1], strides = [1, 1]} : vector<128x32xf32> to vector<128x1xf32>
    %slice3A_157 = vector.extract_strided_slice %dot_general3A_56 {offsets = [0, 1536], sizes = [128, 128], strides = [1, 1]} : vector<128x4096xf32> to vector<128x128xf32>
    %mul3A_158 = vector.broadcast %slice3A_156 : vector<128x1xf32> to vector<128x128xf32>
    %mul3A_159 = arith.mulf %mul3A_158, %slice3A_157 : vector<128x128xf32>
    %add3A_160 = arith.addf %add3A_155, %mul3A_159 : vector<128x128xf32>
    %slice3A_161 = vector.extract_strided_slice %max3A_70 {offsets = [0, 13], sizes = [128, 1], strides = [1, 1]} : vector<128x32xf32> to vector<128x1xf32>
    %slice3A_162 = vector.extract_strided_slice %dot_general3A_56 {offsets = [0, 1664], sizes = [128, 128], strides = [1, 1]} : vector<128x4096xf32> to vector<128x128xf32>
    %mul3A_163 = vector.broadcast %slice3A_161 : vector<128x1xf32> to vector<128x128xf32>
    %mul3A_164 = arith.mulf %mul3A_163, %slice3A_162 : vector<128x128xf32>
    %add3A_165 = arith.addf %add3A_160, %mul3A_164 : vector<128x128xf32>
    %slice3A_166 = vector.extract_strided_slice %max3A_70 {offsets = [0, 14], sizes = [128, 1], strides = [1, 1]} : vector<128x32xf32> to vector<128x1xf32>
    %slice3A_167 = vector.extract_strided_slice %dot_general3A_56 {offsets = [0, 1792], sizes = [128, 128], strides = [1, 1]} : vector<128x4096xf32> to vector<128x128xf32>
    %mul3A_168 = vector.broadcast %slice3A_166 : vector<128x1xf32> to vector<128x128xf32>
    %mul3A_169 = arith.mulf %mul3A_168, %slice3A_167 : vector<128x128xf32>
    %add3A_170 = arith.addf %add3A_165, %mul3A_169 : vector<128x128xf32>
    %slice3A_171 = vector.extract_strided_slice %max3A_70 {offsets = [0, 15], sizes = [128, 1], strides = [1, 1]} : vector<128x32xf32> to vector<128x1xf32>
    %slice3A_172 = vector.extract_strided_slice %dot_general3A_56 {offsets = [0, 1920], sizes = [128, 128], strides = [1, 1]} : vector<128x4096xf32> to vector<128x128xf32>
    %mul3A_173 = vector.broadcast %slice3A_171 : vector<128x1xf32> to vector<128x128xf32>
    %mul3A_174 = arith.mulf %mul3A_173, %slice3A_172 : vector<128x128xf32>
    %add3A_175 = arith.addf %add3A_170, %mul3A_174 : vector<128x128xf32>
    %slice3A_176 = vector.extract_strided_slice %max3A_70 {offsets = [0, 16], sizes = [128, 1], strides = [1, 1]} : vector<128x32xf32> to vector<128x1xf32>
    %slice3A_177 = vector.extract_strided_slice %dot_general3A_56 {offsets = [0, 2048], sizes = [128, 128], strides = [1, 1]} : vector<128x4096xf32> to vector<128x128xf32>
    %mul3A_178 = vector.broadcast %slice3A_176 : vector<128x1xf32> to vector<128x128xf32>
    %mul3A_179 = arith.mulf %mul3A_178, %slice3A_177 : vector<128x128xf32>
    %add3A_180 = arith.addf %add3A_175, %mul3A_179 : vector<128x128xf32>
    %slice3A_181 = vector.extract_strided_slice %max3A_70 {offsets = [0, 17], sizes = [128, 1], strides = [1, 1]} : vector<128x32xf32> to vector<128x1xf32>
    %slice3A_182 = vector.extract_strided_slice %dot_general3A_56 {offsets = [0, 2176], sizes = [128, 128], strides = [1, 1]} : vector<128x4096xf32> to vector<128x128xf32>
    %mul3A_183 = vector.broadcast %slice3A_181 : vector<128x1xf32> to vector<128x128xf32>
    %mul3A_184 = arith.mulf %mul3A_183, %slice3A_182 : vector<128x128xf32>
    %add3A_185 = arith.addf %add3A_180, %mul3A_184 : vector<128x128xf32>
    %slice3A_186 = vector.extract_strided_slice %max3A_70 {offsets = [0, 18], sizes = [128, 1], strides = [1, 1]} : vector<128x32xf32> to vector<128x1xf32>
    %slice3A_187 = vector.extract_strided_slice %dot_general3A_56 {offsets = [0, 2304], sizes = [128, 128], strides = [1, 1]} : vector<128x4096xf32> to vector<128x128xf32>
    %mul3A_188 = vector.broadcast %slice3A_186 : vector<128x1xf32> to vector<128x128xf32>
    %mul3A_189 = arith.mulf %mul3A_188, %slice3A_187 : vector<128x128xf32>
    %add3A_190 = arith.addf %add3A_185, %mul3A_189 : vector<128x128xf32>
    %slice3A_191 = vector.extract_strided_slice %max3A_70 {offsets = [0, 19], sizes = [128, 1], strides = [1, 1]} : vector<128x32xf32> to vector<128x1xf32>
    %slice3A_192 = vector.extract_strided_slice %dot_general3A_56 {offsets = [0, 2432], sizes = [128, 128], strides = [1, 1]} : vector<128x4096xf32> to vector<128x128xf32>
    %mul3A_193 = vector.broadcast %slice3A_191 : vector<128x1xf32> to vector<128x128xf32>
    %mul3A_194 = arith.mulf %mul3A_193, %slice3A_192 : vector<128x128xf32>
    %add3A_195 = arith.addf %add3A_190, %mul3A_194 : vector<128x128xf32>
    %slice3A_196 = vector.extract_strided_slice %max3A_70 {offsets = [0, 20], sizes = [128, 1], strides = [1, 1]} : vector<128x32xf32> to vector<128x1xf32>
    %slice3A_197 = vector.extract_strided_slice %dot_general3A_56 {offsets = [0, 2560], sizes = [128, 128], strides = [1, 1]} : vector<128x4096xf32> to vector<128x128xf32>
    %mul3A_198 = vector.broadcast %slice3A_196 : vector<128x1xf32> to vector<128x128xf32>
    %mul3A_199 = arith.mulf %mul3A_198, %slice3A_197 : vector<128x128xf32>
    %add3A_200 = arith.addf %add3A_195, %mul3A_199 : vector<128x128xf32>
    %slice3A_201 = vector.extract_strided_slice %max3A_70 {offsets = [0, 21], sizes = [128, 1], strides = [1, 1]} : vector<128x32xf32> to vector<128x1xf32>
    %slice3A_202 = vector.extract_strided_slice %dot_general3A_56 {offsets = [0, 2688], sizes = [128, 128], strides = [1, 1]} : vector<128x4096xf32> to vector<128x128xf32>
    %mul3A_203 = vector.broadcast %slice3A_201 : vector<128x1xf32> to vector<128x128xf32>
    %mul3A_204 = arith.mulf %mul3A_203, %slice3A_202 : vector<128x128xf32>
    %add3A_205 = arith.addf %add3A_200, %mul3A_204 : vector<128x128xf32>
    %slice3A_206 = vector.extract_strided_slice %max3A_70 {offsets = [0, 22], sizes = [128, 1], strides = [1, 1]} : vector<128x32xf32> to vector<128x1xf32>
    %slice3A_207 = vector.extract_strided_slice %dot_general3A_56 {offsets = [0, 2816], sizes = [128, 128], strides = [1, 1]} : vector<128x4096xf32> to vector<128x128xf32>
    %mul3A_208 = vector.broadcast %slice3A_206 : vector<128x1xf32> to vector<128x128xf32>
    %mul3A_209 = arith.mulf %mul3A_208, %slice3A_207 : vector<128x128xf32>
    %add3A_210 = arith.addf %add3A_205, %mul3A_209 : vector<128x128xf32>
    %slice3A_211 = vector.extract_strided_slice %max3A_70 {offsets = [0, 23], sizes = [128, 1], strides = [1, 1]} : vector<128x32xf32> to vector<128x1xf32>
    %slice3A_212 = vector.extract_strided_slice %dot_general3A_56 {offsets = [0, 2944], sizes = [128, 128], strides = [1, 1]} : vector<128x4096xf32> to vector<128x128xf32>
    %mul3A_213 = vector.broadcast %slice3A_211 : vector<128x1xf32> to vector<128x128xf32>
    %mul3A_214 = arith.mulf %mul3A_213, %slice3A_212 : vector<128x128xf32>
    %add3A_215 = arith.addf %add3A_210, %mul3A_214 : vector<128x128xf32>
    %slice3A_216 = vector.extract_strided_slice %max3A_70 {offsets = [0, 24], sizes = [128, 1], strides = [1, 1]} : vector<128x32xf32> to vector<128x1xf32>
    %slice3A_217 = vector.extract_strided_slice %dot_general3A_56 {offsets = [0, 3072], sizes = [128, 128], strides = [1, 1]} : vector<128x4096xf32> to vector<128x128xf32>
    %mul3A_218 = vector.broadcast %slice3A_216 : vector<128x1xf32> to vector<128x128xf32>
    %mul3A_219 = arith.mulf %mul3A_218, %slice3A_217 : vector<128x128xf32>
    %add3A_220 = arith.addf %add3A_215, %mul3A_219 : vector<128x128xf32>
    %slice3A_221 = vector.extract_strided_slice %max3A_70 {offsets = [0, 25], sizes = [128, 1], strides = [1, 1]} : vector<128x32xf32> to vector<128x1xf32>
    %slice3A_222 = vector.extract_strided_slice %dot_general3A_56 {offsets = [0, 3200], sizes = [128, 128], strides = [1, 1]} : vector<128x4096xf32> to vector<128x128xf32>
    %mul3A_223 = vector.broadcast %slice3A_221 : vector<128x1xf32> to vector<128x128xf32>
    %mul3A_224 = arith.mulf %mul3A_223, %slice3A_222 : vector<128x128xf32>
    %add3A_225 = arith.addf %add3A_220, %mul3A_224 : vector<128x128xf32>
    %slice3A_226 = vector.extract_strided_slice %max3A_70 {offsets = [0, 26], sizes = [128, 1], strides = [1, 1]} : vector<128x32xf32> to vector<128x1xf32>
    %slice3A_227 = vector.extract_strided_slice %dot_general3A_56 {offsets = [0, 3328], sizes = [128, 128], strides = [1, 1]} : vector<128x4096xf32> to vector<128x128xf32>
    %mul3A_228 = vector.broadcast %slice3A_226 : vector<128x1xf32> to vector<128x128xf32>
    %mul3A_229 = arith.mulf %mul3A_228, %slice3A_227 : vector<128x128xf32>
    %add3A_230 = arith.addf %add3A_225, %mul3A_229 : vector<128x128xf32>
    %slice3A_231 = vector.extract_strided_slice %max3A_70 {offsets = [0, 27], sizes = [128, 1], strides = [1, 1]} : vector<128x32xf32> to vector<128x1xf32>
    %slice3A_232 = vector.extract_strided_slice %dot_general3A_56 {offsets = [0, 3456], sizes = [128, 128], strides = [1, 1]} : vector<128x4096xf32> to vector<128x128xf32>
    %mul3A_233 = vector.broadcast %slice3A_231 : vector<128x1xf32> to vector<128x128xf32>
    %mul3A_234 = arith.mulf %mul3A_233, %slice3A_232 : vector<128x128xf32>
    %add3A_235 = arith.addf %add3A_230, %mul3A_234 : vector<128x128xf32>
    %slice3A_236 = vector.extract_strided_slice %max3A_70 {offsets = [0, 28], sizes = [128, 1], strides = [1, 1]} : vector<128x32xf32> to vector<128x1xf32>
    %slice3A_237 = vector.extract_strided_slice %dot_general3A_56 {offsets = [0, 3584], sizes = [128, 128], strides = [1, 1]} : vector<128x4096xf32> to vector<128x128xf32>
    %mul3A_238 = vector.broadcast %slice3A_236 : vector<128x1xf32> to vector<128x128xf32>
    %mul3A_239 = arith.mulf %mul3A_238, %slice3A_237 : vector<128x128xf32>
    %add3A_240 = arith.addf %add3A_235, %mul3A_239 : vector<128x128xf32>
    %slice3A_241 = vector.extract_strided_slice %max3A_70 {offsets = [0, 29], sizes = [128, 1], strides = [1, 1]} : vector<128x32xf32> to vector<128x1xf32>
    %slice3A_242 = vector.extract_strided_slice %dot_general3A_56 {offsets = [0, 3712], sizes = [128, 128], strides = [1, 1]} : vector<128x4096xf32> to vector<128x128xf32>
    %mul3A_243 = vector.broadcast %slice3A_241 : vector<128x1xf32> to vector<128x128xf32>
    %mul3A_244 = arith.mulf %mul3A_243, %slice3A_242 : vector<128x128xf32>
    %add3A_245 = arith.addf %add3A_240, %mul3A_244 : vector<128x128xf32>
    %slice3A_246 = vector.extract_strided_slice %max3A_70 {offsets = [0, 30], sizes = [128, 1], strides = [1, 1]} : vector<128x32xf32> to vector<128x1xf32>
    %slice3A_247 = vector.extract_strided_slice %dot_general3A_56 {offsets = [0, 3840], sizes = [128, 128], strides = [1, 1]} : vector<128x4096xf32> to vector<128x128xf32>
    %mul3A_248 = vector.broadcast %slice3A_246 : vector<128x1xf32> to vector<128x128xf32>
    %mul3A_249 = arith.mulf %mul3A_248, %slice3A_247 : vector<128x128xf32>
    %add3A_250 = arith.addf %add3A_245, %mul3A_249 : vector<128x128xf32>
    %slice3A_251 = vector.extract_strided_slice %max3A_70 {offsets = [0, 31], sizes = [128, 1], strides = [1, 1]} : vector<128x32xf32> to vector<128x1xf32>
    %slice3A_252 = vector.extract_strided_slice %dot_general3A_56 {offsets = [0, 3968], sizes = [128, 128], strides = [1, 1]} : vector<128x4096xf32> to vector<128x128xf32>
    %mul3A_253 = vector.broadcast %slice3A_251 : vector<128x1xf32> to vector<128x128xf32>
    %mul3A_254 = arith.mulf %mul3A_253, %slice3A_252 : vector<128x128xf32>
    %add3A_255 = arith.addf %add3A_250, %mul3A_254 : vector<128x128xf32>
    %add3A_256 = arith.addf %add3A_255, %dot_general3A_93 : vector<128x128xf32>
    %slice3A_257 = vector.extract_strided_slice %max3A_78 {offsets = [0, 0], sizes = [128, 1], strides = [1, 1]} : vector<128x32xf32> to vector<128x1xf32>
    %slice3A_258 = vector.extract_strided_slice %dot_general3A_54 {offsets = [0, 0], sizes = [128, 128], strides = [1, 1]} : vector<128x4096xf32> to vector<128x128xf32>
    %mul3A_259 = vector.broadcast %slice3A_257 : vector<128x1xf32> to vector<128x128xf32>
    %mul3A_260 = arith.mulf %mul3A_259, %slice3A_258 : vector<128x128xf32>
    %slice3A_261 = vector.extract_strided_slice %max3A_78 {offsets = [0, 1], sizes = [128, 1], strides = [1, 1]} : vector<128x32xf32> to vector<128x1xf32>
    %slice3A_262 = vector.extract_strided_slice %dot_general3A_54 {offsets = [0, 128], sizes = [128, 128], strides = [1, 1]} : vector<128x4096xf32> to vector<128x128xf32>
    %mul3A_263 = vector.broadcast %slice3A_261 : vector<128x1xf32> to vector<128x128xf32>
    %mul3A_264 = arith.mulf %mul3A_263, %slice3A_262 : vector<128x128xf32>
    %add3A_265 = arith.addf %mul3A_260, %mul3A_264 : vector<128x128xf32>
    %slice3A_266 = vector.extract_strided_slice %max3A_78 {offsets = [0, 2], sizes = [128, 1], strides = [1, 1]} : vector<128x32xf32> to vector<128x1xf32>
    %slice3A_267 = vector.extract_strided_slice %dot_general3A_54 {offsets = [0, 256], sizes = [128, 128], strides = [1, 1]} : vector<128x4096xf32> to vector<128x128xf32>
    %mul3A_268 = vector.broadcast %slice3A_266 : vector<128x1xf32> to vector<128x128xf32>
    %mul3A_269 = arith.mulf %mul3A_268, %slice3A_267 : vector<128x128xf32>
    %add3A_270 = arith.addf %add3A_265, %mul3A_269 : vector<128x128xf32>
    %slice3A_271 = vector.extract_strided_slice %max3A_78 {offsets = [0, 3], sizes = [128, 1], strides = [1, 1]} : vector<128x32xf32> to vector<128x1xf32>
    %slice3A_272 = vector.extract_strided_slice %dot_general3A_54 {offsets = [0, 384], sizes = [128, 128], strides = [1, 1]} : vector<128x4096xf32> to vector<128x128xf32>
    %mul3A_273 = vector.broadcast %slice3A_271 : vector<128x1xf32> to vector<128x128xf32>
    %mul3A_274 = arith.mulf %mul3A_273, %slice3A_272 : vector<128x128xf32>
    %add3A_275 = arith.addf %add3A_270, %mul3A_274 : vector<128x128xf32>
    %slice3A_276 = vector.extract_strided_slice %max3A_78 {offsets = [0, 4], sizes = [128, 1], strides = [1, 1]} : vector<128x32xf32> to vector<128x1xf32>
    %slice3A_277 = vector.extract_strided_slice %dot_general3A_54 {offsets = [0, 512], sizes = [128, 128], strides = [1, 1]} : vector<128x4096xf32> to vector<128x128xf32>
    %mul3A_278 = vector.broadcast %slice3A_276 : vector<128x1xf32> to vector<128x128xf32>
    %mul3A_279 = arith.mulf %mul3A_278, %slice3A_277 : vector<128x128xf32>
    %add3A_280 = arith.addf %add3A_275, %mul3A_279 : vector<128x128xf32>
    %slice3A_281 = vector.extract_strided_slice %max3A_78 {offsets = [0, 5], sizes = [128, 1], strides = [1, 1]} : vector<128x32xf32> to vector<128x1xf32>
    %slice3A_282 = vector.extract_strided_slice %dot_general3A_54 {offsets = [0, 640], sizes = [128, 128], strides = [1, 1]} : vector<128x4096xf32> to vector<128x128xf32>
    %mul3A_283 = vector.broadcast %slice3A_281 : vector<128x1xf32> to vector<128x128xf32>
    %mul3A_284 = arith.mulf %mul3A_283, %slice3A_282 : vector<128x128xf32>
    %add3A_285 = arith.addf %add3A_280, %mul3A_284 : vector<128x128xf32>
    %slice3A_286 = vector.extract_strided_slice %max3A_78 {offsets = [0, 6], sizes = [128, 1], strides = [1, 1]} : vector<128x32xf32> to vector<128x1xf32>
    %slice3A_287 = vector.extract_strided_slice %dot_general3A_54 {offsets = [0, 768], sizes = [128, 128], strides = [1, 1]} : vector<128x4096xf32> to vector<128x128xf32>
    %mul3A_288 = vector.broadcast %slice3A_286 : vector<128x1xf32> to vector<128x128xf32>
    %mul3A_289 = arith.mulf %mul3A_288, %slice3A_287 : vector<128x128xf32>
    %add3A_290 = arith.addf %add3A_285, %mul3A_289 : vector<128x128xf32>
    %slice3A_291 = vector.extract_strided_slice %max3A_78 {offsets = [0, 7], sizes = [128, 1], strides = [1, 1]} : vector<128x32xf32> to vector<128x1xf32>
    %slice3A_292 = vector.extract_strided_slice %dot_general3A_54 {offsets = [0, 896], sizes = [128, 128], strides = [1, 1]} : vector<128x4096xf32> to vector<128x128xf32>
    %mul3A_293 = vector.broadcast %slice3A_291 : vector<128x1xf32> to vector<128x128xf32>
    %mul3A_294 = arith.mulf %mul3A_293, %slice3A_292 : vector<128x128xf32>
    %add3A_295 = arith.addf %add3A_290, %mul3A_294 : vector<128x128xf32>
    %slice3A_296 = vector.extract_strided_slice %max3A_78 {offsets = [0, 8], sizes = [128, 1], strides = [1, 1]} : vector<128x32xf32> to vector<128x1xf32>
    %slice3A_297 = vector.extract_strided_slice %dot_general3A_54 {offsets = [0, 1024], sizes = [128, 128], strides = [1, 1]} : vector<128x4096xf32> to vector<128x128xf32>
    %mul3A_298 = vector.broadcast %slice3A_296 : vector<128x1xf32> to vector<128x128xf32>
    %mul3A_299 = arith.mulf %mul3A_298, %slice3A_297 : vector<128x128xf32>
    %add3A_300 = arith.addf %add3A_295, %mul3A_299 : vector<128x128xf32>
    %slice3A_301 = vector.extract_strided_slice %max3A_78 {offsets = [0, 9], sizes = [128, 1], strides = [1, 1]} : vector<128x32xf32> to vector<128x1xf32>
    %slice3A_302 = vector.extract_strided_slice %dot_general3A_54 {offsets = [0, 1152], sizes = [128, 128], strides = [1, 1]} : vector<128x4096xf32> to vector<128x128xf32>
    %mul3A_303 = vector.broadcast %slice3A_301 : vector<128x1xf32> to vector<128x128xf32>
    %mul3A_304 = arith.mulf %mul3A_303, %slice3A_302 : vector<128x128xf32>
    %add3A_305 = arith.addf %add3A_300, %mul3A_304 : vector<128x128xf32>
    %slice3A_306 = vector.extract_strided_slice %max3A_78 {offsets = [0, 10], sizes = [128, 1], strides = [1, 1]} : vector<128x32xf32> to vector<128x1xf32>
    %slice3A_307 = vector.extract_strided_slice %dot_general3A_54 {offsets = [0, 1280], sizes = [128, 128], strides = [1, 1]} : vector<128x4096xf32> to vector<128x128xf32>
    %mul3A_308 = vector.broadcast %slice3A_306 : vector<128x1xf32> to vector<128x128xf32>
    %mul3A_309 = arith.mulf %mul3A_308, %slice3A_307 : vector<128x128xf32>
    %add3A_310 = arith.addf %add3A_305, %mul3A_309 : vector<128x128xf32>
    %slice3A_311 = vector.extract_strided_slice %max3A_78 {offsets = [0, 11], sizes = [128, 1], strides = [1, 1]} : vector<128x32xf32> to vector<128x1xf32>
    %slice3A_312 = vector.extract_strided_slice %dot_general3A_54 {offsets = [0, 1408], sizes = [128, 128], strides = [1, 1]} : vector<128x4096xf32> to vector<128x128xf32>
    %mul3A_313 = vector.broadcast %slice3A_311 : vector<128x1xf32> to vector<128x128xf32>
    %mul3A_314 = arith.mulf %mul3A_313, %slice3A_312 : vector<128x128xf32>
    %add3A_315 = arith.addf %add3A_310, %mul3A_314 : vector<128x128xf32>
    %slice3A_316 = vector.extract_strided_slice %max3A_78 {offsets = [0, 12], sizes = [128, 1], strides = [1, 1]} : vector<128x32xf32> to vector<128x1xf32>
    %slice3A_317 = vector.extract_strided_slice %dot_general3A_54 {offsets = [0, 1536], sizes = [128, 128], strides = [1, 1]} : vector<128x4096xf32> to vector<128x128xf32>
    %mul3A_318 = vector.broadcast %slice3A_316 : vector<128x1xf32> to vector<128x128xf32>
    %mul3A_319 = arith.mulf %mul3A_318, %slice3A_317 : vector<128x128xf32>
    %add3A_320 = arith.addf %add3A_315, %mul3A_319 : vector<128x128xf32>
    %slice3A_321 = vector.extract_strided_slice %max3A_78 {offsets = [0, 13], sizes = [128, 1], strides = [1, 1]} : vector<128x32xf32> to vector<128x1xf32>
    %slice3A_322 = vector.extract_strided_slice %dot_general3A_54 {offsets = [0, 1664], sizes = [128, 128], strides = [1, 1]} : vector<128x4096xf32> to vector<128x128xf32>
    %mul3A_323 = vector.broadcast %slice3A_321 : vector<128x1xf32> to vector<128x128xf32>
    %mul3A_324 = arith.mulf %mul3A_323, %slice3A_322 : vector<128x128xf32>
    %add3A_325 = arith.addf %add3A_320, %mul3A_324 : vector<128x128xf32>
    %slice3A_326 = vector.extract_strided_slice %max3A_78 {offsets = [0, 14], sizes = [128, 1], strides = [1, 1]} : vector<128x32xf32> to vector<128x1xf32>
    %slice3A_327 = vector.extract_strided_slice %dot_general3A_54 {offsets = [0, 1792], sizes = [128, 128], strides = [1, 1]} : vector<128x4096xf32> to vector<128x128xf32>
    %mul3A_328 = vector.broadcast %slice3A_326 : vector<128x1xf32> to vector<128x128xf32>
    %mul3A_329 = arith.mulf %mul3A_328, %slice3A_327 : vector<128x128xf32>
    %add3A_330 = arith.addf %add3A_325, %mul3A_329 : vector<128x128xf32>
    %slice3A_331 = vector.extract_strided_slice %max3A_78 {offsets = [0, 15], sizes = [128, 1], strides = [1, 1]} : vector<128x32xf32> to vector<128x1xf32>
    %slice3A_332 = vector.extract_strided_slice %dot_general3A_54 {offsets = [0, 1920], sizes = [128, 128], strides = [1, 1]} : vector<128x4096xf32> to vector<128x128xf32>
    %mul3A_333 = vector.broadcast %slice3A_331 : vector<128x1xf32> to vector<128x128xf32>
    %mul3A_334 = arith.mulf %mul3A_333, %slice3A_332 : vector<128x128xf32>
    %add3A_335 = arith.addf %add3A_330, %mul3A_334 : vector<128x128xf32>
    %slice3A_336 = vector.extract_strided_slice %max3A_78 {offsets = [0, 16], sizes = [128, 1], strides = [1, 1]} : vector<128x32xf32> to vector<128x1xf32>
    %slice3A_337 = vector.extract_strided_slice %dot_general3A_54 {offsets = [0, 2048], sizes = [128, 128], strides = [1, 1]} : vector<128x4096xf32> to vector<128x128xf32>
    %mul3A_338 = vector.broadcast %slice3A_336 : vector<128x1xf32> to vector<128x128xf32>
    %mul3A_339 = arith.mulf %mul3A_338, %slice3A_337 : vector<128x128xf32>
    %add3A_340 = arith.addf %add3A_335, %mul3A_339 : vector<128x128xf32>
    %slice3A_341 = vector.extract_strided_slice %max3A_78 {offsets = [0, 17], sizes = [128, 1], strides = [1, 1]} : vector<128x32xf32> to vector<128x1xf32>
    %slice3A_342 = vector.extract_strided_slice %dot_general3A_54 {offsets = [0, 2176], sizes = [128, 128], strides = [1, 1]} : vector<128x4096xf32> to vector<128x128xf32>
    %mul3A_343 = vector.broadcast %slice3A_341 : vector<128x1xf32> to vector<128x128xf32>
    %mul3A_344 = arith.mulf %mul3A_343, %slice3A_342 : vector<128x128xf32>
    %add3A_345 = arith.addf %add3A_340, %mul3A_344 : vector<128x128xf32>
    %slice3A_346 = vector.extract_strided_slice %max3A_78 {offsets = [0, 18], sizes = [128, 1], strides = [1, 1]} : vector<128x32xf32> to vector<128x1xf32>
    %slice3A_347 = vector.extract_strided_slice %dot_general3A_54 {offsets = [0, 2304], sizes = [128, 128], strides = [1, 1]} : vector<128x4096xf32> to vector<128x128xf32>
    %mul3A_348 = vector.broadcast %slice3A_346 : vector<128x1xf32> to vector<128x128xf32>
    %mul3A_349 = arith.mulf %mul3A_348, %slice3A_347 : vector<128x128xf32>
    %add3A_350 = arith.addf %add3A_345, %mul3A_349 : vector<128x128xf32>
    %slice3A_351 = vector.extract_strided_slice %max3A_78 {offsets = [0, 19], sizes = [128, 1], strides = [1, 1]} : vector<128x32xf32> to vector<128x1xf32>
    %slice3A_352 = vector.extract_strided_slice %dot_general3A_54 {offsets = [0, 2432], sizes = [128, 128], strides = [1, 1]} : vector<128x4096xf32> to vector<128x128xf32>
    %mul3A_353 = vector.broadcast %slice3A_351 : vector<128x1xf32> to vector<128x128xf32>
    %mul3A_354 = arith.mulf %mul3A_353, %slice3A_352 : vector<128x128xf32>
    %add3A_355 = arith.addf %add3A_350, %mul3A_354 : vector<128x128xf32>
    %slice3A_356 = vector.extract_strided_slice %max3A_78 {offsets = [0, 20], sizes = [128, 1], strides = [1, 1]} : vector<128x32xf32> to vector<128x1xf32>
    %slice3A_357 = vector.extract_strided_slice %dot_general3A_54 {offsets = [0, 2560], sizes = [128, 128], strides = [1, 1]} : vector<128x4096xf32> to vector<128x128xf32>
    %mul3A_358 = vector.broadcast %slice3A_356 : vector<128x1xf32> to vector<128x128xf32>
    %mul3A_359 = arith.mulf %mul3A_358, %slice3A_357 : vector<128x128xf32>
    %add3A_360 = arith.addf %add3A_355, %mul3A_359 : vector<128x128xf32>
    %slice3A_361 = vector.extract_strided_slice %max3A_78 {offsets = [0, 21], sizes = [128, 1], strides = [1, 1]} : vector<128x32xf32> to vector<128x1xf32>
    %slice3A_362 = vector.extract_strided_slice %dot_general3A_54 {offsets = [0, 2688], sizes = [128, 128], strides = [1, 1]} : vector<128x4096xf32> to vector<128x128xf32>
    %mul3A_363 = vector.broadcast %slice3A_361 : vector<128x1xf32> to vector<128x128xf32>
    %mul3A_364 = arith.mulf %mul3A_363, %slice3A_362 : vector<128x128xf32>
    %add3A_365 = arith.addf %add3A_360, %mul3A_364 : vector<128x128xf32>
    %slice3A_366 = vector.extract_strided_slice %max3A_78 {offsets = [0, 22], sizes = [128, 1], strides = [1, 1]} : vector<128x32xf32> to vector<128x1xf32>
    %slice3A_367 = vector.extract_strided_slice %dot_general3A_54 {offsets = [0, 2816], sizes = [128, 128], strides = [1, 1]} : vector<128x4096xf32> to vector<128x128xf32>
    %mul3A_368 = vector.broadcast %slice3A_366 : vector<128x1xf32> to vector<128x128xf32>
    %mul3A_369 = arith.mulf %mul3A_368, %slice3A_367 : vector<128x128xf32>
    %add3A_370 = arith.addf %add3A_365, %mul3A_369 : vector<128x128xf32>
    %slice3A_371 = vector.extract_strided_slice %max3A_78 {offsets = [0, 23], sizes = [128, 1], strides = [1, 1]} : vector<128x32xf32> to vector<128x1xf32>
    %slice3A_372 = vector.extract_strided_slice %dot_general3A_54 {offsets = [0, 2944], sizes = [128, 128], strides = [1, 1]} : vector<128x4096xf32> to vector<128x128xf32>
    %mul3A_373 = vector.broadcast %slice3A_371 : vector<128x1xf32> to vector<128x128xf32>
    %mul3A_374 = arith.mulf %mul3A_373, %slice3A_372 : vector<128x128xf32>
    %add3A_375 = arith.addf %add3A_370, %mul3A_374 : vector<128x128xf32>
    %slice3A_376 = vector.extract_strided_slice %max3A_78 {offsets = [0, 24], sizes = [128, 1], strides = [1, 1]} : vector<128x32xf32> to vector<128x1xf32>
    %slice3A_377 = vector.extract_strided_slice %dot_general3A_54 {offsets = [0, 3072], sizes = [128, 128], strides = [1, 1]} : vector<128x4096xf32> to vector<128x128xf32>
    %mul3A_378 = vector.broadcast %slice3A_376 : vector<128x1xf32> to vector<128x128xf32>
    %mul3A_379 = arith.mulf %mul3A_378, %slice3A_377 : vector<128x128xf32>
    %add3A_380 = arith.addf %add3A_375, %mul3A_379 : vector<128x128xf32>
    %slice3A_381 = vector.extract_strided_slice %max3A_78 {offsets = [0, 25], sizes = [128, 1], strides = [1, 1]} : vector<128x32xf32> to vector<128x1xf32>
    %slice3A_382 = vector.extract_strided_slice %dot_general3A_54 {offsets = [0, 3200], sizes = [128, 128], strides = [1, 1]} : vector<128x4096xf32> to vector<128x128xf32>
    %mul3A_383 = vector.broadcast %slice3A_381 : vector<128x1xf32> to vector<128x128xf32>
    %mul3A_384 = arith.mulf %mul3A_383, %slice3A_382 : vector<128x128xf32>
    %add3A_385 = arith.addf %add3A_380, %mul3A_384 : vector<128x128xf32>
    %slice3A_386 = vector.extract_strided_slice %max3A_78 {offsets = [0, 26], sizes = [128, 1], strides = [1, 1]} : vector<128x32xf32> to vector<128x1xf32>
    %slice3A_387 = vector.extract_strided_slice %dot_general3A_54 {offsets = [0, 3328], sizes = [128, 128], strides = [1, 1]} : vector<128x4096xf32> to vector<128x128xf32>
    %mul3A_388 = vector.broadcast %slice3A_386 : vector<128x1xf32> to vector<128x128xf32>
    %mul3A_389 = arith.mulf %mul3A_388, %slice3A_387 : vector<128x128xf32>
    %add3A_390 = arith.addf %add3A_385, %mul3A_389 : vector<128x128xf32>
    %slice3A_391 = vector.extract_strided_slice %max3A_78 {offsets = [0, 27], sizes = [128, 1], strides = [1, 1]} : vector<128x32xf32> to vector<128x1xf32>
    %slice3A_392 = vector.extract_strided_slice %dot_general3A_54 {offsets = [0, 3456], sizes = [128, 128], strides = [1, 1]} : vector<128x4096xf32> to vector<128x128xf32>
    %mul3A_393 = vector.broadcast %slice3A_391 : vector<128x1xf32> to vector<128x128xf32>
    %mul3A_394 = arith.mulf %mul3A_393, %slice3A_392 : vector<128x128xf32>
    %add3A_395 = arith.addf %add3A_390, %mul3A_394 : vector<128x128xf32>
    %slice3A_396 = vector.extract_strided_slice %max3A_78 {offsets = [0, 28], sizes = [128, 1], strides = [1, 1]} : vector<128x32xf32> to vector<128x1xf32>
    %slice3A_397 = vector.extract_strided_slice %dot_general3A_54 {offsets = [0, 3584], sizes = [128, 128], strides = [1, 1]} : vector<128x4096xf32> to vector<128x128xf32>
    %mul3A_398 = vector.broadcast %slice3A_396 : vector<128x1xf32> to vector<128x128xf32>
    %mul3A_399 = arith.mulf %mul3A_398, %slice3A_397 : vector<128x128xf32>
    %add3A_400 = arith.addf %add3A_395, %mul3A_399 : vector<128x128xf32>
    %slice3A_401 = vector.extract_strided_slice %max3A_78 {offsets = [0, 29], sizes = [128, 1], strides = [1, 1]} : vector<128x32xf32> to vector<128x1xf32>
    %slice3A_402 = vector.extract_strided_slice %dot_general3A_54 {offsets = [0, 3712], sizes = [128, 128], strides = [1, 1]} : vector<128x4096xf32> to vector<128x128xf32>
    %mul3A_403 = vector.broadcast %slice3A_401 : vector<128x1xf32> to vector<128x128xf32>
    %mul3A_404 = arith.mulf %mul3A_403, %slice3A_402 : vector<128x128xf32>
    %add3A_405 = arith.addf %add3A_400, %mul3A_404 : vector<128x128xf32>
    %slice3A_406 = vector.extract_strided_slice %max3A_78 {offsets = [0, 30], sizes = [128, 1], strides = [1, 1]} : vector<128x32xf32> to vector<128x1xf32>
    %slice3A_407 = vector.extract_strided_slice %dot_general3A_54 {offsets = [0, 3840], sizes = [128, 128], strides = [1, 1]} : vector<128x4096xf32> to vector<128x128xf32>
    %mul3A_408 = vector.broadcast %slice3A_406 : vector<128x1xf32> to vector<128x128xf32>
    %mul3A_409 = arith.mulf %mul3A_408, %slice3A_407 : vector<128x128xf32>
    %add3A_410 = arith.addf %add3A_405, %mul3A_409 : vector<128x128xf32>
    %slice3A_411 = vector.extract_strided_slice %max3A_78 {offsets = [0, 31], sizes = [128, 1], strides = [1, 1]} : vector<128x32xf32> to vector<128x1xf32>
    %slice3A_412 = vector.extract_strided_slice %dot_general3A_54 {offsets = [0, 3968], sizes = [128, 128], strides = [1, 1]} : vector<128x4096xf32> to vector<128x128xf32>
    %mul3A_413 = vector.broadcast %slice3A_411 : vector<128x1xf32> to vector<128x128xf32>
    %mul3A_414 = arith.mulf %mul3A_413, %slice3A_412 : vector<128x128xf32>
    %add3A_415 = arith.addf %add3A_410, %mul3A_414 : vector<128x128xf32>
    %add3A_416 = arith.addf %add3A_256, %add3A_415 : vector<128x128xf32>
    %add3A_417 = arith.addf %add3A_416, %dot_general3A_91 : vector<128x128xf32>
    %add3A_418 = vector.broadcast %get3A_96 : vector<1x128xf32> to vector<128x128xf32>
    %add3A_419 = arith.addf %add3A_417, %add3A_418 : vector<128x128xf32>
    %slice3A_420 = vector.extract_strided_slice %max3A_70 {offsets = [0, 0], sizes = [128, 1], strides = [1, 1]} : vector<128x32xf32> to vector<128x1xf32>
    %slice3A_421 = vector.extract_strided_slice %dot_general3A_54 {offsets = [0, 0], sizes = [128, 128], strides = [1, 1]} : vector<128x4096xf32> to vector<128x128xf32>
    %mul3A_422 = vector.broadcast %slice3A_420 : vector<128x1xf32> to vector<128x128xf32>
    %mul3A_423 = arith.mulf %mul3A_422, %slice3A_421 : vector<128x128xf32>
    %slice3A_424 = vector.extract_strided_slice %max3A_70 {offsets = [0, 1], sizes = [128, 1], strides = [1, 1]} : vector<128x32xf32> to vector<128x1xf32>
    %slice3A_425 = vector.extract_strided_slice %dot_general3A_54 {offsets = [0, 128], sizes = [128, 128], strides = [1, 1]} : vector<128x4096xf32> to vector<128x128xf32>
    %mul3A_426 = vector.broadcast %slice3A_424 : vector<128x1xf32> to vector<128x128xf32>
    %mul3A_427 = arith.mulf %mul3A_426, %slice3A_425 : vector<128x128xf32>
    %add3A_428 = arith.addf %mul3A_423, %mul3A_427 : vector<128x128xf32>
    %slice3A_429 = vector.extract_strided_slice %max3A_70 {offsets = [0, 2], sizes = [128, 1], strides = [1, 1]} : vector<128x32xf32> to vector<128x1xf32>
    %slice3A_430 = vector.extract_strided_slice %dot_general3A_54 {offsets = [0, 256], sizes = [128, 128], strides = [1, 1]} : vector<128x4096xf32> to vector<128x128xf32>
    %mul3A_431 = vector.broadcast %slice3A_429 : vector<128x1xf32> to vector<128x128xf32>
    %mul3A_432 = arith.mulf %mul3A_431, %slice3A_430 : vector<128x128xf32>
    %add3A_433 = arith.addf %add3A_428, %mul3A_432 : vector<128x128xf32>
    %slice3A_434 = vector.extract_strided_slice %max3A_70 {offsets = [0, 3], sizes = [128, 1], strides = [1, 1]} : vector<128x32xf32> to vector<128x1xf32>
    %slice3A_435 = vector.extract_strided_slice %dot_general3A_54 {offsets = [0, 384], sizes = [128, 128], strides = [1, 1]} : vector<128x4096xf32> to vector<128x128xf32>
    %mul3A_436 = vector.broadcast %slice3A_434 : vector<128x1xf32> to vector<128x128xf32>
    %mul3A_437 = arith.mulf %mul3A_436, %slice3A_435 : vector<128x128xf32>
    %add3A_438 = arith.addf %add3A_433, %mul3A_437 : vector<128x128xf32>
    %slice3A_439 = vector.extract_strided_slice %max3A_70 {offsets = [0, 4], sizes = [128, 1], strides = [1, 1]} : vector<128x32xf32> to vector<128x1xf32>
    %slice3A_440 = vector.extract_strided_slice %dot_general3A_54 {offsets = [0, 512], sizes = [128, 128], strides = [1, 1]} : vector<128x4096xf32> to vector<128x128xf32>
    %mul3A_441 = vector.broadcast %slice3A_439 : vector<128x1xf32> to vector<128x128xf32>
    %mul3A_442 = arith.mulf %mul3A_441, %slice3A_440 : vector<128x128xf32>
    %add3A_443 = arith.addf %add3A_438, %mul3A_442 : vector<128x128xf32>
    %slice3A_444 = vector.extract_strided_slice %max3A_70 {offsets = [0, 5], sizes = [128, 1], strides = [1, 1]} : vector<128x32xf32> to vector<128x1xf32>
    %slice3A_445 = vector.extract_strided_slice %dot_general3A_54 {offsets = [0, 640], sizes = [128, 128], strides = [1, 1]} : vector<128x4096xf32> to vector<128x128xf32>
    %mul3A_446 = vector.broadcast %slice3A_444 : vector<128x1xf32> to vector<128x128xf32>
    %mul3A_447 = arith.mulf %mul3A_446, %slice3A_445 : vector<128x128xf32>
    %add3A_448 = arith.addf %add3A_443, %mul3A_447 : vector<128x128xf32>
    %slice3A_449 = vector.extract_strided_slice %max3A_70 {offsets = [0, 6], sizes = [128, 1], strides = [1, 1]} : vector<128x32xf32> to vector<128x1xf32>
    %slice3A_450 = vector.extract_strided_slice %dot_general3A_54 {offsets = [0, 768], sizes = [128, 128], strides = [1, 1]} : vector<128x4096xf32> to vector<128x128xf32>
    %mul3A_451 = vector.broadcast %slice3A_449 : vector<128x1xf32> to vector<128x128xf32>
    %mul3A_452 = arith.mulf %mul3A_451, %slice3A_450 : vector<128x128xf32>
    %add3A_453 = arith.addf %add3A_448, %mul3A_452 : vector<128x128xf32>
    %slice3A_454 = vector.extract_strided_slice %max3A_70 {offsets = [0, 7], sizes = [128, 1], strides = [1, 1]} : vector<128x32xf32> to vector<128x1xf32>
    %slice3A_455 = vector.extract_strided_slice %dot_general3A_54 {offsets = [0, 896], sizes = [128, 128], strides = [1, 1]} : vector<128x4096xf32> to vector<128x128xf32>
    %mul3A_456 = vector.broadcast %slice3A_454 : vector<128x1xf32> to vector<128x128xf32>
    %mul3A_457 = arith.mulf %mul3A_456, %slice3A_455 : vector<128x128xf32>
    %add3A_458 = arith.addf %add3A_453, %mul3A_457 : vector<128x128xf32>
    %slice3A_459 = vector.extract_strided_slice %max3A_70 {offsets = [0, 8], sizes = [128, 1], strides = [1, 1]} : vector<128x32xf32> to vector<128x1xf32>
    %slice3A_460 = vector.extract_strided_slice %dot_general3A_54 {offsets = [0, 1024], sizes = [128, 128], strides = [1, 1]} : vector<128x4096xf32> to vector<128x128xf32>
    %mul3A_461 = vector.broadcast %slice3A_459 : vector<128x1xf32> to vector<128x128xf32>
    %mul3A_462 = arith.mulf %mul3A_461, %slice3A_460 : vector<128x128xf32>
    %add3A_463 = arith.addf %add3A_458, %mul3A_462 : vector<128x128xf32>
    %slice3A_464 = vector.extract_strided_slice %max3A_70 {offsets = [0, 9], sizes = [128, 1], strides = [1, 1]} : vector<128x32xf32> to vector<128x1xf32>
    %slice3A_465 = vector.extract_strided_slice %dot_general3A_54 {offsets = [0, 1152], sizes = [128, 128], strides = [1, 1]} : vector<128x4096xf32> to vector<128x128xf32>
    %mul3A_466 = vector.broadcast %slice3A_464 : vector<128x1xf32> to vector<128x128xf32>
    %mul3A_467 = arith.mulf %mul3A_466, %slice3A_465 : vector<128x128xf32>
    %add3A_468 = arith.addf %add3A_463, %mul3A_467 : vector<128x128xf32>
    %slice3A_469 = vector.extract_strided_slice %max3A_70 {offsets = [0, 10], sizes = [128, 1], strides = [1, 1]} : vector<128x32xf32> to vector<128x1xf32>
    %slice3A_470 = vector.extract_strided_slice %dot_general3A_54 {offsets = [0, 1280], sizes = [128, 128], strides = [1, 1]} : vector<128x4096xf32> to vector<128x128xf32>
    %mul3A_471 = vector.broadcast %slice3A_469 : vector<128x1xf32> to vector<128x128xf32>
    %mul3A_472 = arith.mulf %mul3A_471, %slice3A_470 : vector<128x128xf32>
    %add3A_473 = arith.addf %add3A_468, %mul3A_472 : vector<128x128xf32>
    %slice3A_474 = vector.extract_strided_slice %max3A_70 {offsets = [0, 11], sizes = [128, 1], strides = [1, 1]} : vector<128x32xf32> to vector<128x1xf32>
    %slice3A_475 = vector.extract_strided_slice %dot_general3A_54 {offsets = [0, 1408], sizes = [128, 128], strides = [1, 1]} : vector<128x4096xf32> to vector<128x128xf32>
    %mul3A_476 = vector.broadcast %slice3A_474 : vector<128x1xf32> to vector<128x128xf32>
    %mul3A_477 = arith.mulf %mul3A_476, %slice3A_475 : vector<128x128xf32>
    %add3A_478 = arith.addf %add3A_473, %mul3A_477 : vector<128x128xf32>
    %slice3A_479 = vector.extract_strided_slice %max3A_70 {offsets = [0, 12], sizes = [128, 1], strides = [1, 1]} : vector<128x32xf32> to vector<128x1xf32>
    %slice3A_480 = vector.extract_strided_slice %dot_general3A_54 {offsets = [0, 1536], sizes = [128, 128], strides = [1, 1]} : vector<128x4096xf32> to vector<128x128xf32>
    %mul3A_481 = vector.broadcast %slice3A_479 : vector<128x1xf32> to vector<128x128xf32>
    %mul3A_482 = arith.mulf %mul3A_481, %slice3A_480 : vector<128x128xf32>
    %add3A_483 = arith.addf %add3A_478, %mul3A_482 : vector<128x128xf32>
    %slice3A_484 = vector.extract_strided_slice %max3A_70 {offsets = [0, 13], sizes = [128, 1], strides = [1, 1]} : vector<128x32xf32> to vector<128x1xf32>
    %slice3A_485 = vector.extract_strided_slice %dot_general3A_54 {offsets = [0, 1664], sizes = [128, 128], strides = [1, 1]} : vector<128x4096xf32> to vector<128x128xf32>
    %mul3A_486 = vector.broadcast %slice3A_484 : vector<128x1xf32> to vector<128x128xf32>
    %mul3A_487 = arith.mulf %mul3A_486, %slice3A_485 : vector<128x128xf32>
    %add3A_488 = arith.addf %add3A_483, %mul3A_487 : vector<128x128xf32>
    %slice3A_489 = vector.extract_strided_slice %max3A_70 {offsets = [0, 14], sizes = [128, 1], strides = [1, 1]} : vector<128x32xf32> to vector<128x1xf32>
    %slice3A_490 = vector.extract_strided_slice %dot_general3A_54 {offsets = [0, 1792], sizes = [128, 128], strides = [1, 1]} : vector<128x4096xf32> to vector<128x128xf32>
    %mul3A_491 = vector.broadcast %slice3A_489 : vector<128x1xf32> to vector<128x128xf32>
    %mul3A_492 = arith.mulf %mul3A_491, %slice3A_490 : vector<128x128xf32>
    %add3A_493 = arith.addf %add3A_488, %mul3A_492 : vector<128x128xf32>
    %slice3A_494 = vector.extract_strided_slice %max3A_70 {offsets = [0, 15], sizes = [128, 1], strides = [1, 1]} : vector<128x32xf32> to vector<128x1xf32>
    %slice3A_495 = vector.extract_strided_slice %dot_general3A_54 {offsets = [0, 1920], sizes = [128, 128], strides = [1, 1]} : vector<128x4096xf32> to vector<128x128xf32>
    %mul3A_496 = vector.broadcast %slice3A_494 : vector<128x1xf32> to vector<128x128xf32>
    %mul3A_497 = arith.mulf %mul3A_496, %slice3A_495 : vector<128x128xf32>
    %add3A_498 = arith.addf %add3A_493, %mul3A_497 : vector<128x128xf32>
    %slice3A_499 = vector.extract_strided_slice %max3A_70 {offsets = [0, 16], sizes = [128, 1], strides = [1, 1]} : vector<128x32xf32> to vector<128x1xf32>
    %slice3A_500 = vector.extract_strided_slice %dot_general3A_54 {offsets = [0, 2048], sizes = [128, 128], strides = [1, 1]} : vector<128x4096xf32> to vector<128x128xf32>
    %mul3A_501 = vector.broadcast %slice3A_499 : vector<128x1xf32> to vector<128x128xf32>
    %mul3A_502 = arith.mulf %mul3A_501, %slice3A_500 : vector<128x128xf32>
    %add3A_503 = arith.addf %add3A_498, %mul3A_502 : vector<128x128xf32>
    %slice3A_504 = vector.extract_strided_slice %max3A_70 {offsets = [0, 17], sizes = [128, 1], strides = [1, 1]} : vector<128x32xf32> to vector<128x1xf32>
    %slice3A_505 = vector.extract_strided_slice %dot_general3A_54 {offsets = [0, 2176], sizes = [128, 128], strides = [1, 1]} : vector<128x4096xf32> to vector<128x128xf32>
    %mul3A_506 = vector.broadcast %slice3A_504 : vector<128x1xf32> to vector<128x128xf32>
    %mul3A_507 = arith.mulf %mul3A_506, %slice3A_505 : vector<128x128xf32>
    %add3A_508 = arith.addf %add3A_503, %mul3A_507 : vector<128x128xf32>
    %slice3A_509 = vector.extract_strided_slice %max3A_70 {offsets = [0, 18], sizes = [128, 1], strides = [1, 1]} : vector<128x32xf32> to vector<128x1xf32>
    %slice3A_510 = vector.extract_strided_slice %dot_general3A_54 {offsets = [0, 2304], sizes = [128, 128], strides = [1, 1]} : vector<128x4096xf32> to vector<128x128xf32>
    %mul3A_511 = vector.broadcast %slice3A_509 : vector<128x1xf32> to vector<128x128xf32>
    %mul3A_512 = arith.mulf %mul3A_511, %slice3A_510 : vector<128x128xf32>
    %add3A_513 = arith.addf %add3A_508, %mul3A_512 : vector<128x128xf32>
    %slice3A_514 = vector.extract_strided_slice %max3A_70 {offsets = [0, 19], sizes = [128, 1], strides = [1, 1]} : vector<128x32xf32> to vector<128x1xf32>
    %slice3A_515 = vector.extract_strided_slice %dot_general3A_54 {offsets = [0, 2432], sizes = [128, 128], strides = [1, 1]} : vector<128x4096xf32> to vector<128x128xf32>
    %mul3A_516 = vector.broadcast %slice3A_514 : vector<128x1xf32> to vector<128x128xf32>
    %mul3A_517 = arith.mulf %mul3A_516, %slice3A_515 : vector<128x128xf32>
    %add3A_518 = arith.addf %add3A_513, %mul3A_517 : vector<128x128xf32>
    %slice3A_519 = vector.extract_strided_slice %max3A_70 {offsets = [0, 20], sizes = [128, 1], strides = [1, 1]} : vector<128x32xf32> to vector<128x1xf32>
    %slice3A_520 = vector.extract_strided_slice %dot_general3A_54 {offsets = [0, 2560], sizes = [128, 128], strides = [1, 1]} : vector<128x4096xf32> to vector<128x128xf32>
    %mul3A_521 = vector.broadcast %slice3A_519 : vector<128x1xf32> to vector<128x128xf32>
    %mul3A_522 = arith.mulf %mul3A_521, %slice3A_520 : vector<128x128xf32>
    %add3A_523 = arith.addf %add3A_518, %mul3A_522 : vector<128x128xf32>
    %slice3A_524 = vector.extract_strided_slice %max3A_70 {offsets = [0, 21], sizes = [128, 1], strides = [1, 1]} : vector<128x32xf32> to vector<128x1xf32>
    %slice3A_525 = vector.extract_strided_slice %dot_general3A_54 {offsets = [0, 2688], sizes = [128, 128], strides = [1, 1]} : vector<128x4096xf32> to vector<128x128xf32>
    %mul3A_526 = vector.broadcast %slice3A_524 : vector<128x1xf32> to vector<128x128xf32>
    %mul3A_527 = arith.mulf %mul3A_526, %slice3A_525 : vector<128x128xf32>
    %add3A_528 = arith.addf %add3A_523, %mul3A_527 : vector<128x128xf32>
    %slice3A_529 = vector.extract_strided_slice %max3A_70 {offsets = [0, 22], sizes = [128, 1], strides = [1, 1]} : vector<128x32xf32> to vector<128x1xf32>
    %slice3A_530 = vector.extract_strided_slice %dot_general3A_54 {offsets = [0, 2816], sizes = [128, 128], strides = [1, 1]} : vector<128x4096xf32> to vector<128x128xf32>
    %mul3A_531 = vector.broadcast %slice3A_529 : vector<128x1xf32> to vector<128x128xf32>
    %mul3A_532 = arith.mulf %mul3A_531, %slice3A_530 : vector<128x128xf32>
    %add3A_533 = arith.addf %add3A_528, %mul3A_532 : vector<128x128xf32>
    %slice3A_534 = vector.extract_strided_slice %max3A_70 {offsets = [0, 23], sizes = [128, 1], strides = [1, 1]} : vector<128x32xf32> to vector<128x1xf32>
    %slice3A_535 = vector.extract_strided_slice %dot_general3A_54 {offsets = [0, 2944], sizes = [128, 128], strides = [1, 1]} : vector<128x4096xf32> to vector<128x128xf32>
    %mul3A_536 = vector.broadcast %slice3A_534 : vector<128x1xf32> to vector<128x128xf32>
    %mul3A_537 = arith.mulf %mul3A_536, %slice3A_535 : vector<128x128xf32>
    %add3A_538 = arith.addf %add3A_533, %mul3A_537 : vector<128x128xf32>
    %slice3A_539 = vector.extract_strided_slice %max3A_70 {offsets = [0, 24], sizes = [128, 1], strides = [1, 1]} : vector<128x32xf32> to vector<128x1xf32>
    %slice3A_540 = vector.extract_strided_slice %dot_general3A_54 {offsets = [0, 3072], sizes = [128, 128], strides = [1, 1]} : vector<128x4096xf32> to vector<128x128xf32>
    %mul3A_541 = vector.broadcast %slice3A_539 : vector<128x1xf32> to vector<128x128xf32>
    %mul3A_542 = arith.mulf %mul3A_541, %slice3A_540 : vector<128x128xf32>
    %add3A_543 = arith.addf %add3A_538, %mul3A_542 : vector<128x128xf32>
    %slice3A_544 = vector.extract_strided_slice %max3A_70 {offsets = [0, 25], sizes = [128, 1], strides = [1, 1]} : vector<128x32xf32> to vector<128x1xf32>
    %slice3A_545 = vector.extract_strided_slice %dot_general3A_54 {offsets = [0, 3200], sizes = [128, 128], strides = [1, 1]} : vector<128x4096xf32> to vector<128x128xf32>
    %mul3A_546 = vector.broadcast %slice3A_544 : vector<128x1xf32> to vector<128x128xf32>
    %mul3A_547 = arith.mulf %mul3A_546, %slice3A_545 : vector<128x128xf32>
    %add3A_548 = arith.addf %add3A_543, %mul3A_547 : vector<128x128xf32>
    %slice3A_549 = vector.extract_strided_slice %max3A_70 {offsets = [0, 26], sizes = [128, 1], strides = [1, 1]} : vector<128x32xf32> to vector<128x1xf32>
    %slice3A_550 = vector.extract_strided_slice %dot_general3A_54 {offsets = [0, 3328], sizes = [128, 128], strides = [1, 1]} : vector<128x4096xf32> to vector<128x128xf32>
    %mul3A_551 = vector.broadcast %slice3A_549 : vector<128x1xf32> to vector<128x128xf32>
    %mul3A_552 = arith.mulf %mul3A_551, %slice3A_550 : vector<128x128xf32>
    %add3A_553 = arith.addf %add3A_548, %mul3A_552 : vector<128x128xf32>
    %slice3A_554 = vector.extract_strided_slice %max3A_70 {offsets = [0, 27], sizes = [128, 1], strides = [1, 1]} : vector<128x32xf32> to vector<128x1xf32>
    %slice3A_555 = vector.extract_strided_slice %dot_general3A_54 {offsets = [0, 3456], sizes = [128, 128], strides = [1, 1]} : vector<128x4096xf32> to vector<128x128xf32>
    %mul3A_556 = vector.broadcast %slice3A_554 : vector<128x1xf32> to vector<128x128xf32>
    %mul3A_557 = arith.mulf %mul3A_556, %slice3A_555 : vector<128x128xf32>
    %add3A_558 = arith.addf %add3A_553, %mul3A_557 : vector<128x128xf32>
    %slice3A_559 = vector.extract_strided_slice %max3A_70 {offsets = [0, 28], sizes = [128, 1], strides = [1, 1]} : vector<128x32xf32> to vector<128x1xf32>
    %slice3A_560 = vector.extract_strided_slice %dot_general3A_54 {offsets = [0, 3584], sizes = [128, 128], strides = [1, 1]} : vector<128x4096xf32> to vector<128x128xf32>
    %mul3A_561 = vector.broadcast %slice3A_559 : vector<128x1xf32> to vector<128x128xf32>
    %mul3A_562 = arith.mulf %mul3A_561, %slice3A_560 : vector<128x128xf32>
    %add3A_563 = arith.addf %add3A_558, %mul3A_562 : vector<128x128xf32>
    %slice3A_564 = vector.extract_strided_slice %max3A_70 {offsets = [0, 29], sizes = [128, 1], strides = [1, 1]} : vector<128x32xf32> to vector<128x1xf32>
    %slice3A_565 = vector.extract_strided_slice %dot_general3A_54 {offsets = [0, 3712], sizes = [128, 128], strides = [1, 1]} : vector<128x4096xf32> to vector<128x128xf32>
    %mul3A_566 = vector.broadcast %slice3A_564 : vector<128x1xf32> to vector<128x128xf32>
    %mul3A_567 = arith.mulf %mul3A_566, %slice3A_565 : vector<128x128xf32>
    %add3A_568 = arith.addf %add3A_563, %mul3A_567 : vector<128x128xf32>
    %slice3A_569 = vector.extract_strided_slice %max3A_70 {offsets = [0, 30], sizes = [128, 1], strides = [1, 1]} : vector<128x32xf32> to vector<128x1xf32>
    %slice3A_570 = vector.extract_strided_slice %dot_general3A_54 {offsets = [0, 3840], sizes = [128, 128], strides = [1, 1]} : vector<128x4096xf32> to vector<128x128xf32>
    %mul3A_571 = vector.broadcast %slice3A_569 : vector<128x1xf32> to vector<128x128xf32>
    %mul3A_572 = arith.mulf %mul3A_571, %slice3A_570 : vector<128x128xf32>
    %add3A_573 = arith.addf %add3A_568, %mul3A_572 : vector<128x128xf32>
    %slice3A_574 = vector.extract_strided_slice %max3A_70 {offsets = [0, 31], sizes = [128, 1], strides = [1, 1]} : vector<128x32xf32> to vector<128x1xf32>
    %slice3A_575 = vector.extract_strided_slice %dot_general3A_54 {offsets = [0, 3968], sizes = [128, 128], strides = [1, 1]} : vector<128x4096xf32> to vector<128x128xf32>
    %mul3A_576 = vector.broadcast %slice3A_574 : vector<128x1xf32> to vector<128x128xf32>
    %mul3A_577 = arith.mulf %mul3A_576, %slice3A_575 : vector<128x128xf32>
    %add3A_578 = arith.addf %add3A_573, %mul3A_577 : vector<128x128xf32>
    %add3A_579 = arith.addf %add3A_578, %dot_general3A_91 : vector<128x128xf32>
    %slice3A_580 = vector.extract_strided_slice %max3A_86 {offsets = [0, 0], sizes = [128, 1], strides = [1, 1]} : vector<128x32xf32> to vector<128x1xf32>
    %slice3A_581 = vector.extract_strided_slice %dot_general3A_56 {offsets = [0, 0], sizes = [128, 128], strides = [1, 1]} : vector<128x4096xf32> to vector<128x128xf32>
    %mul3A_582 = vector.broadcast %slice3A_580 : vector<128x1xf32> to vector<128x128xf32>
    %mul3A_583 = arith.mulf %mul3A_582, %slice3A_581 : vector<128x128xf32>
    %slice3A_584 = vector.extract_strided_slice %max3A_86 {offsets = [0, 1], sizes = [128, 1], strides = [1, 1]} : vector<128x32xf32> to vector<128x1xf32>
    %slice3A_585 = vector.extract_strided_slice %dot_general3A_56 {offsets = [0, 128], sizes = [128, 128], strides = [1, 1]} : vector<128x4096xf32> to vector<128x128xf32>
    %mul3A_586 = vector.broadcast %slice3A_584 : vector<128x1xf32> to vector<128x128xf32>
    %mul3A_587 = arith.mulf %mul3A_586, %slice3A_585 : vector<128x128xf32>
    %add3A_588 = arith.addf %mul3A_583, %mul3A_587 : vector<128x128xf32>
    %slice3A_589 = vector.extract_strided_slice %max3A_86 {offsets = [0, 2], sizes = [128, 1], strides = [1, 1]} : vector<128x32xf32> to vector<128x1xf32>
    %slice3A_590 = vector.extract_strided_slice %dot_general3A_56 {offsets = [0, 256], sizes = [128, 128], strides = [1, 1]} : vector<128x4096xf32> to vector<128x128xf32>
    %mul3A_591 = vector.broadcast %slice3A_589 : vector<128x1xf32> to vector<128x128xf32>
    %mul3A_592 = arith.mulf %mul3A_591, %slice3A_590 : vector<128x128xf32>
    %add3A_593 = arith.addf %add3A_588, %mul3A_592 : vector<128x128xf32>
    %slice3A_594 = vector.extract_strided_slice %max3A_86 {offsets = [0, 3], sizes = [128, 1], strides = [1, 1]} : vector<128x32xf32> to vector<128x1xf32>
    %slice3A_595 = vector.extract_strided_slice %dot_general3A_56 {offsets = [0, 384], sizes = [128, 128], strides = [1, 1]} : vector<128x4096xf32> to vector<128x128xf32>
    %mul3A_596 = vector.broadcast %slice3A_594 : vector<128x1xf32> to vector<128x128xf32>
    %mul3A_597 = arith.mulf %mul3A_596, %slice3A_595 : vector<128x128xf32>
    %add3A_598 = arith.addf %add3A_593, %mul3A_597 : vector<128x128xf32>
    %slice3A_599 = vector.extract_strided_slice %max3A_86 {offsets = [0, 4], sizes = [128, 1], strides = [1, 1]} : vector<128x32xf32> to vector<128x1xf32>
    %slice3A_600 = vector.extract_strided_slice %dot_general3A_56 {offsets = [0, 512], sizes = [128, 128], strides = [1, 1]} : vector<128x4096xf32> to vector<128x128xf32>
    %mul3A_601 = vector.broadcast %slice3A_599 : vector<128x1xf32> to vector<128x128xf32>
    %mul3A_602 = arith.mulf %mul3A_601, %slice3A_600 : vector<128x128xf32>
    %add3A_603 = arith.addf %add3A_598, %mul3A_602 : vector<128x128xf32>
    %slice3A_604 = vector.extract_strided_slice %max3A_86 {offsets = [0, 5], sizes = [128, 1], strides = [1, 1]} : vector<128x32xf32> to vector<128x1xf32>
    %slice3A_605 = vector.extract_strided_slice %dot_general3A_56 {offsets = [0, 640], sizes = [128, 128], strides = [1, 1]} : vector<128x4096xf32> to vector<128x128xf32>
    %mul3A_606 = vector.broadcast %slice3A_604 : vector<128x1xf32> to vector<128x128xf32>
    %mul3A_607 = arith.mulf %mul3A_606, %slice3A_605 : vector<128x128xf32>
    %add3A_608 = arith.addf %add3A_603, %mul3A_607 : vector<128x128xf32>
    %slice3A_609 = vector.extract_strided_slice %max3A_86 {offsets = [0, 6], sizes = [128, 1], strides = [1, 1]} : vector<128x32xf32> to vector<128x1xf32>
    %slice3A_610 = vector.extract_strided_slice %dot_general3A_56 {offsets = [0, 768], sizes = [128, 128], strides = [1, 1]} : vector<128x4096xf32> to vector<128x128xf32>
    %mul3A_611 = vector.broadcast %slice3A_609 : vector<128x1xf32> to vector<128x128xf32>
    %mul3A_612 = arith.mulf %mul3A_611, %slice3A_610 : vector<128x128xf32>
    %add3A_613 = arith.addf %add3A_608, %mul3A_612 : vector<128x128xf32>
    %slice3A_614 = vector.extract_strided_slice %max3A_86 {offsets = [0, 7], sizes = [128, 1], strides = [1, 1]} : vector<128x32xf32> to vector<128x1xf32>
    %slice3A_615 = vector.extract_strided_slice %dot_general3A_56 {offsets = [0, 896], sizes = [128, 128], strides = [1, 1]} : vector<128x4096xf32> to vector<128x128xf32>
    %mul3A_616 = vector.broadcast %slice3A_614 : vector<128x1xf32> to vector<128x128xf32>
    %mul3A_617 = arith.mulf %mul3A_616, %slice3A_615 : vector<128x128xf32>
    %add3A_618 = arith.addf %add3A_613, %mul3A_617 : vector<128x128xf32>
    %slice3A_619 = vector.extract_strided_slice %max3A_86 {offsets = [0, 8], sizes = [128, 1], strides = [1, 1]} : vector<128x32xf32> to vector<128x1xf32>
    %slice3A_620 = vector.extract_strided_slice %dot_general3A_56 {offsets = [0, 1024], sizes = [128, 128], strides = [1, 1]} : vector<128x4096xf32> to vector<128x128xf32>
    %mul3A_621 = vector.broadcast %slice3A_619 : vector<128x1xf32> to vector<128x128xf32>
    %mul3A_622 = arith.mulf %mul3A_621, %slice3A_620 : vector<128x128xf32>
    %add3A_623 = arith.addf %add3A_618, %mul3A_622 : vector<128x128xf32>
    %slice3A_624 = vector.extract_strided_slice %max3A_86 {offsets = [0, 9], sizes = [128, 1], strides = [1, 1]} : vector<128x32xf32> to vector<128x1xf32>
    %slice3A_625 = vector.extract_strided_slice %dot_general3A_56 {offsets = [0, 1152], sizes = [128, 128], strides = [1, 1]} : vector<128x4096xf32> to vector<128x128xf32>
    %mul3A_626 = vector.broadcast %slice3A_624 : vector<128x1xf32> to vector<128x128xf32>
    %mul3A_627 = arith.mulf %mul3A_626, %slice3A_625 : vector<128x128xf32>
    %add3A_628 = arith.addf %add3A_623, %mul3A_627 : vector<128x128xf32>
    %slice3A_629 = vector.extract_strided_slice %max3A_86 {offsets = [0, 10], sizes = [128, 1], strides = [1, 1]} : vector<128x32xf32> to vector<128x1xf32>
    %slice3A_630 = vector.extract_strided_slice %dot_general3A_56 {offsets = [0, 1280], sizes = [128, 128], strides = [1, 1]} : vector<128x4096xf32> to vector<128x128xf32>
    %mul3A_631 = vector.broadcast %slice3A_629 : vector<128x1xf32> to vector<128x128xf32>
    %mul3A_632 = arith.mulf %mul3A_631, %slice3A_630 : vector<128x128xf32>
    %add3A_633 = arith.addf %add3A_628, %mul3A_632 : vector<128x128xf32>
    %slice3A_634 = vector.extract_strided_slice %max3A_86 {offsets = [0, 11], sizes = [128, 1], strides = [1, 1]} : vector<128x32xf32> to vector<128x1xf32>
    %slice3A_635 = vector.extract_strided_slice %dot_general3A_56 {offsets = [0, 1408], sizes = [128, 128], strides = [1, 1]} : vector<128x4096xf32> to vector<128x128xf32>
    %mul3A_636 = vector.broadcast %slice3A_634 : vector<128x1xf32> to vector<128x128xf32>
    %mul3A_637 = arith.mulf %mul3A_636, %slice3A_635 : vector<128x128xf32>
    %add3A_638 = arith.addf %add3A_633, %mul3A_637 : vector<128x128xf32>
    %slice3A_639 = vector.extract_strided_slice %max3A_86 {offsets = [0, 12], sizes = [128, 1], strides = [1, 1]} : vector<128x32xf32> to vector<128x1xf32>
    %slice3A_640 = vector.extract_strided_slice %dot_general3A_56 {offsets = [0, 1536], sizes = [128, 128], strides = [1, 1]} : vector<128x4096xf32> to vector<128x128xf32>
    %mul3A_641 = vector.broadcast %slice3A_639 : vector<128x1xf32> to vector<128x128xf32>
    %mul3A_642 = arith.mulf %mul3A_641, %slice3A_640 : vector<128x128xf32>
    %add3A_643 = arith.addf %add3A_638, %mul3A_642 : vector<128x128xf32>
    %slice3A_644 = vector.extract_strided_slice %max3A_86 {offsets = [0, 13], sizes = [128, 1], strides = [1, 1]} : vector<128x32xf32> to vector<128x1xf32>
    %slice3A_645 = vector.extract_strided_slice %dot_general3A_56 {offsets = [0, 1664], sizes = [128, 128], strides = [1, 1]} : vector<128x4096xf32> to vector<128x128xf32>
    %mul3A_646 = vector.broadcast %slice3A_644 : vector<128x1xf32> to vector<128x128xf32>
    %mul3A_647 = arith.mulf %mul3A_646, %slice3A_645 : vector<128x128xf32>
    %add3A_648 = arith.addf %add3A_643, %mul3A_647 : vector<128x128xf32>
    %slice3A_649 = vector.extract_strided_slice %max3A_86 {offsets = [0, 14], sizes = [128, 1], strides = [1, 1]} : vector<128x32xf32> to vector<128x1xf32>
    %slice3A_650 = vector.extract_strided_slice %dot_general3A_56 {offsets = [0, 1792], sizes = [128, 128], strides = [1, 1]} : vector<128x4096xf32> to vector<128x128xf32>
    %mul3A_651 = vector.broadcast %slice3A_649 : vector<128x1xf32> to vector<128x128xf32>
    %mul3A_652 = arith.mulf %mul3A_651, %slice3A_650 : vector<128x128xf32>
    %add3A_653 = arith.addf %add3A_648, %mul3A_652 : vector<128x128xf32>
    %slice3A_654 = vector.extract_strided_slice %max3A_86 {offsets = [0, 15], sizes = [128, 1], strides = [1, 1]} : vector<128x32xf32> to vector<128x1xf32>
    %slice3A_655 = vector.extract_strided_slice %dot_general3A_56 {offsets = [0, 1920], sizes = [128, 128], strides = [1, 1]} : vector<128x4096xf32> to vector<128x128xf32>
    %mul3A_656 = vector.broadcast %slice3A_654 : vector<128x1xf32> to vector<128x128xf32>
    %mul3A_657 = arith.mulf %mul3A_656, %slice3A_655 : vector<128x128xf32>
    %add3A_658 = arith.addf %add3A_653, %mul3A_657 : vector<128x128xf32>
    %slice3A_659 = vector.extract_strided_slice %max3A_86 {offsets = [0, 16], sizes = [128, 1], strides = [1, 1]} : vector<128x32xf32> to vector<128x1xf32>
    %slice3A_660 = vector.extract_strided_slice %dot_general3A_56 {offsets = [0, 2048], sizes = [128, 128], strides = [1, 1]} : vector<128x4096xf32> to vector<128x128xf32>
    %mul3A_661 = vector.broadcast %slice3A_659 : vector<128x1xf32> to vector<128x128xf32>
    %mul3A_662 = arith.mulf %mul3A_661, %slice3A_660 : vector<128x128xf32>
    %add3A_663 = arith.addf %add3A_658, %mul3A_662 : vector<128x128xf32>
    %slice3A_664 = vector.extract_strided_slice %max3A_86 {offsets = [0, 17], sizes = [128, 1], strides = [1, 1]} : vector<128x32xf32> to vector<128x1xf32>
    %slice3A_665 = vector.extract_strided_slice %dot_general3A_56 {offsets = [0, 2176], sizes = [128, 128], strides = [1, 1]} : vector<128x4096xf32> to vector<128x128xf32>
    %mul3A_666 = vector.broadcast %slice3A_664 : vector<128x1xf32> to vector<128x128xf32>
    %mul3A_667 = arith.mulf %mul3A_666, %slice3A_665 : vector<128x128xf32>
    %add3A_668 = arith.addf %add3A_663, %mul3A_667 : vector<128x128xf32>
    %slice3A_669 = vector.extract_strided_slice %max3A_86 {offsets = [0, 18], sizes = [128, 1], strides = [1, 1]} : vector<128x32xf32> to vector<128x1xf32>
    %slice3A_670 = vector.extract_strided_slice %dot_general3A_56 {offsets = [0, 2304], sizes = [128, 128], strides = [1, 1]} : vector<128x4096xf32> to vector<128x128xf32>
    %mul3A_671 = vector.broadcast %slice3A_669 : vector<128x1xf32> to vector<128x128xf32>
    %mul3A_672 = arith.mulf %mul3A_671, %slice3A_670 : vector<128x128xf32>
    %add3A_673 = arith.addf %add3A_668, %mul3A_672 : vector<128x128xf32>
    %slice3A_674 = vector.extract_strided_slice %max3A_86 {offsets = [0, 19], sizes = [128, 1], strides = [1, 1]} : vector<128x32xf32> to vector<128x1xf32>
    %slice3A_675 = vector.extract_strided_slice %dot_general3A_56 {offsets = [0, 2432], sizes = [128, 128], strides = [1, 1]} : vector<128x4096xf32> to vector<128x128xf32>
    %mul3A_676 = vector.broadcast %slice3A_674 : vector<128x1xf32> to vector<128x128xf32>
    %mul3A_677 = arith.mulf %mul3A_676, %slice3A_675 : vector<128x128xf32>
    %add3A_678 = arith.addf %add3A_673, %mul3A_677 : vector<128x128xf32>
    %slice3A_679 = vector.extract_strided_slice %max3A_86 {offsets = [0, 20], sizes = [128, 1], strides = [1, 1]} : vector<128x32xf32> to vector<128x1xf32>
    %slice3A_680 = vector.extract_strided_slice %dot_general3A_56 {offsets = [0, 2560], sizes = [128, 128], strides = [1, 1]} : vector<128x4096xf32> to vector<128x128xf32>
    %mul3A_681 = vector.broadcast %slice3A_679 : vector<128x1xf32> to vector<128x128xf32>
    %mul3A_682 = arith.mulf %mul3A_681, %slice3A_680 : vector<128x128xf32>
    %add3A_683 = arith.addf %add3A_678, %mul3A_682 : vector<128x128xf32>
    %slice3A_684 = vector.extract_strided_slice %max3A_86 {offsets = [0, 21], sizes = [128, 1], strides = [1, 1]} : vector<128x32xf32> to vector<128x1xf32>
    %slice3A_685 = vector.extract_strided_slice %dot_general3A_56 {offsets = [0, 2688], sizes = [128, 128], strides = [1, 1]} : vector<128x4096xf32> to vector<128x128xf32>
    %mul3A_686 = vector.broadcast %slice3A_684 : vector<128x1xf32> to vector<128x128xf32>
    %mul3A_687 = arith.mulf %mul3A_686, %slice3A_685 : vector<128x128xf32>
    %add3A_688 = arith.addf %add3A_683, %mul3A_687 : vector<128x128xf32>
    %slice3A_689 = vector.extract_strided_slice %max3A_86 {offsets = [0, 22], sizes = [128, 1], strides = [1, 1]} : vector<128x32xf32> to vector<128x1xf32>
    %slice3A_690 = vector.extract_strided_slice %dot_general3A_56 {offsets = [0, 2816], sizes = [128, 128], strides = [1, 1]} : vector<128x4096xf32> to vector<128x128xf32>
    %mul3A_691 = vector.broadcast %slice3A_689 : vector<128x1xf32> to vector<128x128xf32>
    %mul3A_692 = arith.mulf %mul3A_691, %slice3A_690 : vector<128x128xf32>
    %add3A_693 = arith.addf %add3A_688, %mul3A_692 : vector<128x128xf32>
    %slice3A_694 = vector.extract_strided_slice %max3A_86 {offsets = [0, 23], sizes = [128, 1], strides = [1, 1]} : vector<128x32xf32> to vector<128x1xf32>
    %slice3A_695 = vector.extract_strided_slice %dot_general3A_56 {offsets = [0, 2944], sizes = [128, 128], strides = [1, 1]} : vector<128x4096xf32> to vector<128x128xf32>
    %mul3A_696 = vector.broadcast %slice3A_694 : vector<128x1xf32> to vector<128x128xf32>
    %mul3A_697 = arith.mulf %mul3A_696, %slice3A_695 : vector<128x128xf32>
    %add3A_698 = arith.addf %add3A_693, %mul3A_697 : vector<128x128xf32>
    %slice3A_699 = vector.extract_strided_slice %max3A_86 {offsets = [0, 24], sizes = [128, 1], strides = [1, 1]} : vector<128x32xf32> to vector<128x1xf32>
    %slice3A_700 = vector.extract_strided_slice %dot_general3A_56 {offsets = [0, 3072], sizes = [128, 128], strides = [1, 1]} : vector<128x4096xf32> to vector<128x128xf32>
    %mul3A_701 = vector.broadcast %slice3A_699 : vector<128x1xf32> to vector<128x128xf32>
    %mul3A_702 = arith.mulf %mul3A_701, %slice3A_700 : vector<128x128xf32>
    %add3A_703 = arith.addf %add3A_698, %mul3A_702 : vector<128x128xf32>
    %slice3A_704 = vector.extract_strided_slice %max3A_86 {offsets = [0, 25], sizes = [128, 1], strides = [1, 1]} : vector<128x32xf32> to vector<128x1xf32>
    %slice3A_705 = vector.extract_strided_slice %dot_general3A_56 {offsets = [0, 3200], sizes = [128, 128], strides = [1, 1]} : vector<128x4096xf32> to vector<128x128xf32>
    %mul3A_706 = vector.broadcast %slice3A_704 : vector<128x1xf32> to vector<128x128xf32>
    %mul3A_707 = arith.mulf %mul3A_706, %slice3A_705 : vector<128x128xf32>
    %add3A_708 = arith.addf %add3A_703, %mul3A_707 : vector<128x128xf32>
    %slice3A_709 = vector.extract_strided_slice %max3A_86 {offsets = [0, 26], sizes = [128, 1], strides = [1, 1]} : vector<128x32xf32> to vector<128x1xf32>
    %slice3A_710 = vector.extract_strided_slice %dot_general3A_56 {offsets = [0, 3328], sizes = [128, 128], strides = [1, 1]} : vector<128x4096xf32> to vector<128x128xf32>
    %mul3A_711 = vector.broadcast %slice3A_709 : vector<128x1xf32> to vector<128x128xf32>
    %mul3A_712 = arith.mulf %mul3A_711, %slice3A_710 : vector<128x128xf32>
    %add3A_713 = arith.addf %add3A_708, %mul3A_712 : vector<128x128xf32>
    %slice3A_714 = vector.extract_strided_slice %max3A_86 {offsets = [0, 27], sizes = [128, 1], strides = [1, 1]} : vector<128x32xf32> to vector<128x1xf32>
    %slice3A_715 = vector.extract_strided_slice %dot_general3A_56 {offsets = [0, 3456], sizes = [128, 128], strides = [1, 1]} : vector<128x4096xf32> to vector<128x128xf32>
    %mul3A_716 = vector.broadcast %slice3A_714 : vector<128x1xf32> to vector<128x128xf32>
    %mul3A_717 = arith.mulf %mul3A_716, %slice3A_715 : vector<128x128xf32>
    %add3A_718 = arith.addf %add3A_713, %mul3A_717 : vector<128x128xf32>
    %slice3A_719 = vector.extract_strided_slice %max3A_86 {offsets = [0, 28], sizes = [128, 1], strides = [1, 1]} : vector<128x32xf32> to vector<128x1xf32>
    %slice3A_720 = vector.extract_strided_slice %dot_general3A_56 {offsets = [0, 3584], sizes = [128, 128], strides = [1, 1]} : vector<128x4096xf32> to vector<128x128xf32>
    %mul3A_721 = vector.broadcast %slice3A_719 : vector<128x1xf32> to vector<128x128xf32>
    %mul3A_722 = arith.mulf %mul3A_721, %slice3A_720 : vector<128x128xf32>
    %add3A_723 = arith.addf %add3A_718, %mul3A_722 : vector<128x128xf32>
    %slice3A_724 = vector.extract_strided_slice %max3A_86 {offsets = [0, 29], sizes = [128, 1], strides = [1, 1]} : vector<128x32xf32> to vector<128x1xf32>
    %slice3A_725 = vector.extract_strided_slice %dot_general3A_56 {offsets = [0, 3712], sizes = [128, 128], strides = [1, 1]} : vector<128x4096xf32> to vector<128x128xf32>
    %mul3A_726 = vector.broadcast %slice3A_724 : vector<128x1xf32> to vector<128x128xf32>
    %mul3A_727 = arith.mulf %mul3A_726, %slice3A_725 : vector<128x128xf32>
    %add3A_728 = arith.addf %add3A_723, %mul3A_727 : vector<128x128xf32>
    %slice3A_729 = vector.extract_strided_slice %max3A_86 {offsets = [0, 30], sizes = [128, 1], strides = [1, 1]} : vector<128x32xf32> to vector<128x1xf32>
    %slice3A_730 = vector.extract_strided_slice %dot_general3A_56 {offsets = [0, 3840], sizes = [128, 128], strides = [1, 1]} : vector<128x4096xf32> to vector<128x128xf32>
    %mul3A_731 = vector.broadcast %slice3A_729 : vector<128x1xf32> to vector<128x128xf32>
    %mul3A_732 = arith.mulf %mul3A_731, %slice3A_730 : vector<128x128xf32>
    %add3A_733 = arith.addf %add3A_728, %mul3A_732 : vector<128x128xf32>
    %slice3A_734 = vector.extract_strided_slice %max3A_86 {offsets = [0, 31], sizes = [128, 1], strides = [1, 1]} : vector<128x32xf32> to vector<128x1xf32>
    %slice3A_735 = vector.extract_strided_slice %dot_general3A_56 {offsets = [0, 3968], sizes = [128, 128], strides = [1, 1]} : vector<128x4096xf32> to vector<128x128xf32>
    %mul3A_736 = vector.broadcast %slice3A_734 : vector<128x1xf32> to vector<128x128xf32>
    %mul3A_737 = arith.mulf %mul3A_736, %slice3A_735 : vector<128x128xf32>
    %add3A_738 = arith.addf %add3A_733, %mul3A_737 : vector<128x128xf32>
    %add3A_739 = arith.addf %add3A_579, %add3A_738 : vector<128x128xf32>
    %add3A_740 = arith.addf %add3A_739, %dot_general3A_93 : vector<128x128xf32>
    %add3A_741 = vector.broadcast %get3A_96 : vector<1x128xf32> to vector<128x128xf32>
    %add3A_742 = arith.addf %add3A_740, %add3A_741 : vector<128x128xf32>
    %max3A_743 = arith.constant 0.000000e+00 : f32
    %max3A_744 = vector.broadcast %max3A_743 : f32 to vector<128x128xf32>
    %max3A_745 = arith.maximumf %add3A_419, %max3A_744 : vector<128x128xf32>
    %max3A_746 = arith.constant 0.000000e+00 : f32
    %max3A_747 = vector.broadcast %max3A_746 : f32 to vector<128x128xf32>
    %max3A_748 = arith.maximumf %add3A_742, %max3A_747 : vector<128x128xf32>
    %get3A_749 = arith.constant 0 : index
    %get3A_750 = arith.constant 0 : index
    %get3A_751 = vector.load %arg13[%get3A_749, %get3A_750] : memref<128x128xf32, #tpu.memory_space<vmem>>, vector<128x128xf32>
    %get3A_752 = arith.constant 0 : index
    %get3A_753 = arith.constant 0 : index
    %get3A_754 = vector.load %arg14[%get3A_752, %get3A_753] : memref<128x128xf32, #tpu.memory_space<vmem>>, vector<128x128xf32>
    %get3A_755 = arith.constant 0 : index
    %get3A_756 = arith.constant 0 : index
    %get3A_757 = vector.load %arg15[%get3A_755, %get3A_756] : memref<128x128xf32, #tpu.memory_space<vmem>>, vector<128x128xf32>
    %get3A_758 = arith.constant 0 : index
    %get3A_759 = arith.constant 0 : index
    %get3A_760 = vector.load %arg19[%get3A_758, %get3A_759] : memref<128x128xf32, #tpu.memory_space<vmem>>, vector<128x128xf32>
    %get3A_761 = arith.constant 0 : index
    %get3A_762 = arith.constant 0 : index
    %get3A_763 = vector.load %arg20[%get3A_761, %get3A_762] : memref<128x128xf32, #tpu.memory_space<vmem>>, vector<128x128xf32>
    %get3A_764 = arith.constant 0 : index
    %get3A_765 = arith.constant 0 : index
    %get3A_766 = vector.load %arg21[%get3A_764, %get3A_765] : memref<128x128xf32, #tpu.memory_space<vmem>>, vector<128x128xf32>
    %get3A_767 = arith.constant 0 : index
    %get3A_768 = arith.constant 0 : index
    %get3A_769 = vector.load %arg16[%get3A_767, %get3A_768] : memref<1x128xf32, #tpu.memory_space<vmem>>, vector<1x128xf32>
    %get3A_770 = arith.constant 0 : index
    %get3A_771 = arith.constant 0 : index
    %get3A_772 = vector.load %arg17[%get3A_770, %get3A_771] : memref<1x128xf32, #tpu.memory_space<vmem>>, vector<1x128xf32>
    %get3A_773 = arith.constant 0 : index
    %get3A_774 = arith.constant 0 : index
    %get3A_775 = vector.load %arg18[%get3A_773, %get3A_774] : memref<1x128xf32, #tpu.memory_space<vmem>>, vector<1x128xf32>
    %get3A_776 = arith.constant 0 : index
    %get3A_777 = arith.constant 0 : index
    %get3A_778 = vector.load %arg22[%get3A_776, %get3A_777] : memref<1x128xf32, #tpu.memory_space<vmem>>, vector<1x128xf32>
    %get3A_779 = arith.constant 0 : index
    %get3A_780 = arith.constant 0 : index
    %get3A_781 = vector.load %arg23[%get3A_779, %get3A_780] : memref<1x128xf32, #tpu.memory_space<vmem>>, vector<1x128xf32>
    %get3A_782 = arith.constant 0 : index
    %get3A_783 = arith.constant 0 : index
    %get3A_784 = vector.load %arg24[%get3A_782, %get3A_783] : memref<1x128xf32, #tpu.memory_space<vmem>>, vector<1x128xf32>
    %dot_general3A_785 = arith.constant dense<0.000000e+00> : vector<128x128xf32>
    %dot_general3A_786 = tpu.matmul %max3A_745, %get3A_751, %dot_general3A_785 {dimension_numbers = #tpu.dot_dimension_numbers<[1], [0], [0], [1], [0, 0, 1, 1], [], []>, transpose_lhs_hint = false} : vector<128x128xf32>, vector<128x128xf32>, vector<128x128xf32> -> vector<128x128xf32>
    %add3A_787 = vector.broadcast %get3A_769 : vector<1x128xf32> to vector<128x128xf32>
    %add3A_788 = arith.addf %dot_general3A_786, %add3A_787 : vector<128x128xf32>
    %dot_general3A_789 = arith.constant dense<0.000000e+00> : vector<128x128xf32>
    %dot_general3A_790 = tpu.matmul %max3A_745, %get3A_754, %dot_general3A_789 {dimension_numbers = #tpu.dot_dimension_numbers<[1], [0], [0], [1], [0, 0, 1, 1], [], []>, transpose_lhs_hint = false} : vector<128x128xf32>, vector<128x128xf32>, vector<128x128xf32> -> vector<128x128xf32>
    %add3A_791 = vector.broadcast %get3A_772 : vector<1x128xf32> to vector<128x128xf32>
    %add3A_792 = arith.addf %dot_general3A_790, %add3A_791 : vector<128x128xf32>
    %dot_general3A_793 = arith.constant dense<0.000000e+00> : vector<128x128xf32>
    %dot_general3A_794 = tpu.matmul %max3A_745, %get3A_757, %dot_general3A_793 {dimension_numbers = #tpu.dot_dimension_numbers<[1], [0], [0], [1], [0, 0, 1, 1], [], []>, transpose_lhs_hint = false} : vector<128x128xf32>, vector<128x128xf32>, vector<128x128xf32> -> vector<128x128xf32>
    %add3A_795 = vector.broadcast %get3A_775 : vector<1x128xf32> to vector<128x128xf32>
    %add3A_796 = arith.addf %dot_general3A_794, %add3A_795 : vector<128x128xf32>
    %dot_general3A_797 = arith.constant dense<0.000000e+00> : vector<128x128xf32>
    %dot_general3A_798 = tpu.matmul %max3A_42, %get3A_760, %dot_general3A_797 {dimension_numbers = #tpu.dot_dimension_numbers<[1], [0], [0], [1], [0, 0, 1, 1], [], []>, transpose_lhs_hint = false} : vector<128x128xf32>, vector<128x128xf32>, vector<128x128xf32> -> vector<128x128xf32>
    %add3A_799 = vector.broadcast %get3A_778 : vector<1x128xf32> to vector<128x128xf32>
    %add3A_800 = arith.addf %dot_general3A_798, %add3A_799 : vector<128x128xf32>
    %dot_general3A_801 = arith.constant dense<0.000000e+00> : vector<128x128xf32>
    %dot_general3A_802 = tpu.matmul %max3A_42, %get3A_763, %dot_general3A_801 {dimension_numbers = #tpu.dot_dimension_numbers<[1], [0], [0], [1], [0, 0, 1, 1], [], []>, transpose_lhs_hint = false} : vector<128x128xf32>, vector<128x128xf32>, vector<128x128xf32> -> vector<128x128xf32>
    %add3A_803 = vector.broadcast %get3A_781 : vector<1x128xf32> to vector<128x128xf32>
    %add3A_804 = arith.addf %dot_general3A_802, %add3A_803 : vector<128x128xf32>
    %dot_general3A_805 = arith.constant dense<0.000000e+00> : vector<128x128xf32>
    %dot_general3A_806 = tpu.matmul %max3A_42, %get3A_766, %dot_general3A_805 {dimension_numbers = #tpu.dot_dimension_numbers<[1], [0], [0], [1], [0, 0, 1, 1], [], []>, transpose_lhs_hint = false} : vector<128x128xf32>, vector<128x128xf32>, vector<128x128xf32> -> vector<128x128xf32>
    %add3A_807 = vector.broadcast %get3A_784 : vector<1x128xf32> to vector<128x128xf32>
    %add3A_808 = arith.addf %dot_general3A_806, %add3A_807 : vector<128x128xf32>
    %add3A_809 = arith.addf %add3A_788, %add3A_800 : vector<128x128xf32>
    %logistic3A = arith.negf %add3A_809 : vector<128x128xf32>
    %logistic3A_810 = math.exp %logistic3A : vector<128x128xf32>
    %logistic3A_811 = arith.constant 1.000000e+00 : f32
    %logistic3A_812 = vector.broadcast %logistic3A_811 : f32 to vector<128x128xf32>
    %logistic3A_813 = arith.addf %logistic3A_812, %logistic3A_810 : vector<128x128xf32>
    %logistic3A_814 = arith.divf %logistic3A_812, %logistic3A_813 : vector<128x128xf32>
    %add3A_815 = arith.addf %add3A_792, %add3A_804 : vector<128x128xf32>
    %logistic3A_816 = arith.negf %add3A_815 : vector<128x128xf32>
    %logistic3A_817 = math.exp %logistic3A_816 : vector<128x128xf32>
    %logistic3A_818 = arith.constant 1.000000e+00 : f32
    %logistic3A_819 = vector.broadcast %logistic3A_818 : f32 to vector<128x128xf32>
    %logistic3A_820 = arith.addf %logistic3A_819, %logistic3A_817 : vector<128x128xf32>
    %logistic3A_821 = arith.divf %logistic3A_819, %logistic3A_820 : vector<128x128xf32>
    %mul3A_822 = arith.mulf %logistic3A_814, %add3A_808 : vector<128x128xf32>
    %add3A_823 = arith.addf %add3A_796, %mul3A_822 : vector<128x128xf32>
    %tanh3A = math.tanh %add3A_823 : vector<128x128xf32>
    %sub3A_824 = arith.constant 1.000000e+00 : f32
    %sub3A_825 = vector.broadcast %sub3A_824 : f32 to vector<128x128xf32>
    %sub3A_826 = arith.subf %sub3A_825, %logistic3A_821 : vector<128x128xf32>
    %mul3A_827 = arith.mulf %sub3A_826, %tanh3A : vector<128x128xf32>
    %mul3A_828 = arith.mulf %logistic3A_821, %max3A_42 : vector<128x128xf32>
    %add3A_829 = arith.addf %mul3A_827, %mul3A_828 : vector<128x128xf32>
    %dot_general3A_830 = arith.constant dense<0.000000e+00> : vector<128x128xf32>
    %dot_general3A_831 = tpu.matmul %max3A_748, %get3A_751, %dot_general3A_830 {dimension_numbers = #tpu.dot_dimension_numbers<[1], [0], [0], [1], [0, 0, 1, 1], [], []>, transpose_lhs_hint = false} : vector<128x128xf32>, vector<128x128xf32>, vector<128x128xf32> -> vector<128x128xf32>
    %add3A_832 = vector.broadcast %get3A_769 : vector<1x128xf32> to vector<128x128xf32>
    %add3A_833 = arith.addf %dot_general3A_831, %add3A_832 : vector<128x128xf32>
    %dot_general3A_834 = arith.constant dense<0.000000e+00> : vector<128x128xf32>
    %dot_general3A_835 = tpu.matmul %max3A_748, %get3A_754, %dot_general3A_834 {dimension_numbers = #tpu.dot_dimension_numbers<[1], [0], [0], [1], [0, 0, 1, 1], [], []>, transpose_lhs_hint = false} : vector<128x128xf32>, vector<128x128xf32>, vector<128x128xf32> -> vector<128x128xf32>
    %add3A_836 = vector.broadcast %get3A_772 : vector<1x128xf32> to vector<128x128xf32>
    %add3A_837 = arith.addf %dot_general3A_835, %add3A_836 : vector<128x128xf32>
    %dot_general3A_838 = arith.constant dense<0.000000e+00> : vector<128x128xf32>
    %dot_general3A_839 = tpu.matmul %max3A_748, %get3A_757, %dot_general3A_838 {dimension_numbers = #tpu.dot_dimension_numbers<[1], [0], [0], [1], [0, 0, 1, 1], [], []>, transpose_lhs_hint = false} : vector<128x128xf32>, vector<128x128xf32>, vector<128x128xf32> -> vector<128x128xf32>
    %add3A_840 = vector.broadcast %get3A_775 : vector<1x128xf32> to vector<128x128xf32>
    %add3A_841 = arith.addf %dot_general3A_839, %add3A_840 : vector<128x128xf32>
    %dot_general3A_842 = arith.constant dense<0.000000e+00> : vector<128x128xf32>
    %dot_general3A_843 = tpu.matmul %max3A_49, %get3A_760, %dot_general3A_842 {dimension_numbers = #tpu.dot_dimension_numbers<[1], [0], [0], [1], [0, 0, 1, 1], [], []>, transpose_lhs_hint = false} : vector<128x128xf32>, vector<128x128xf32>, vector<128x128xf32> -> vector<128x128xf32>
    %add3A_844 = vector.broadcast %get3A_778 : vector<1x128xf32> to vector<128x128xf32>
    %add3A_845 = arith.addf %dot_general3A_843, %add3A_844 : vector<128x128xf32>
    %dot_general3A_846 = arith.constant dense<0.000000e+00> : vector<128x128xf32>
    %dot_general3A_847 = tpu.matmul %max3A_49, %get3A_763, %dot_general3A_846 {dimension_numbers = #tpu.dot_dimension_numbers<[1], [0], [0], [1], [0, 0, 1, 1], [], []>, transpose_lhs_hint = false} : vector<128x128xf32>, vector<128x128xf32>, vector<128x128xf32> -> vector<128x128xf32>
    %add3A_848 = vector.broadcast %get3A_781 : vector<1x128xf32> to vector<128x128xf32>
    %add3A_849 = arith.addf %dot_general3A_847, %add3A_848 : vector<128x128xf32>
    %dot_general3A_850 = arith.constant dense<0.000000e+00> : vector<128x128xf32>
    %dot_general3A_851 = tpu.matmul %max3A_49, %get3A_766, %dot_general3A_850 {dimension_numbers = #tpu.dot_dimension_numbers<[1], [0], [0], [1], [0, 0, 1, 1], [], []>, transpose_lhs_hint = false} : vector<128x128xf32>, vector<128x128xf32>, vector<128x128xf32> -> vector<128x128xf32>
    %add3A_852 = vector.broadcast %get3A_784 : vector<1x128xf32> to vector<128x128xf32>
    %add3A_853 = arith.addf %dot_general3A_851, %add3A_852 : vector<128x128xf32>
    %add3A_854 = arith.addf %add3A_833, %add3A_845 : vector<128x128xf32>
    %logistic3A_855 = arith.negf %add3A_854 : vector<128x128xf32>
    %logistic3A_856 = math.exp %logistic3A_855 : vector<128x128xf32>
    %logistic3A_857 = arith.constant 1.000000e+00 : f32
    %logistic3A_858 = vector.broadcast %logistic3A_857 : f32 to vector<128x128xf32>
    %logistic3A_859 = arith.addf %logistic3A_858, %logistic3A_856 : vector<128x128xf32>
    %logistic3A_860 = arith.divf %logistic3A_858, %logistic3A_859 : vector<128x128xf32>
    %add3A_861 = arith.addf %add3A_837, %add3A_849 : vector<128x128xf32>
    %logistic3A_862 = arith.negf %add3A_861 : vector<128x128xf32>
    %logistic3A_863 = math.exp %logistic3A_862 : vector<128x128xf32>
    %logistic3A_864 = arith.constant 1.000000e+00 : f32
    %logistic3A_865 = vector.broadcast %logistic3A_864 : f32 to vector<128x128xf32>
    %logistic3A_866 = arith.addf %logistic3A_865, %logistic3A_863 : vector<128x128xf32>
    %logistic3A_867 = arith.divf %logistic3A_865, %logistic3A_866 : vector<128x128xf32>
    %mul3A_868 = arith.mulf %logistic3A_860, %add3A_853 : vector<128x128xf32>
    %add3A_869 = arith.addf %add3A_841, %mul3A_868 : vector<128x128xf32>
    %tanh3A_870 = math.tanh %add3A_869 : vector<128x128xf32>
    %sub3A_871 = arith.constant 1.000000e+00 : f32
    %sub3A_872 = vector.broadcast %sub3A_871 : f32 to vector<128x128xf32>
    %sub3A_873 = arith.subf %sub3A_872, %logistic3A_867 : vector<128x128xf32>
    %mul3A_874 = arith.mulf %sub3A_873, %tanh3A_870 : vector<128x128xf32>
    %mul3A_875 = arith.mulf %logistic3A_867, %max3A_49 : vector<128x128xf32>
    %add3A_876 = arith.addf %mul3A_874, %mul3A_875 : vector<128x128xf32>
    %get3A_877 = arith.constant 0 : index
    %get3A_878 = arith.constant 0 : index
    %get3A_879 = vector.load %arg25[%get3A_877, %get3A_878] : memref<128x128xf32, #tpu.memory_space<vmem>>, vector<128x128xf32>
    %dot_general3A_880 = arith.constant dense<0.000000e+00> : vector<128x128xf32>
    %dot_general3A_881 = tpu.matmul %add3A_829, %get3A_879, %dot_general3A_880 {dimension_numbers = #tpu.dot_dimension_numbers<[1], [0], [0], [1], [0, 0, 1, 1], [], []>, transpose_lhs_hint = false} : vector<128x128xf32>, vector<128x128xf32>, vector<128x128xf32> -> vector<128x128xf32>
    %get3A_882 = arith.constant 0 : index
    %get3A_883 = arith.constant 0 : index
    %get3A_884 = vector.load %arg26[%get3A_882, %get3A_883] : memref<128x128xf32, #tpu.memory_space<vmem>>, vector<128x128xf32>
    %dot_general3A_885 = arith.constant dense<0.000000e+00> : vector<128x128xf32>
    %dot_general3A_886 = tpu.matmul %add3A_876, %get3A_884, %dot_general3A_885 {dimension_numbers = #tpu.dot_dimension_numbers<[1], [0], [0], [1], [0, 0, 1, 1], [], []>, transpose_lhs_hint = false} : vector<128x128xf32>, vector<128x128xf32>, vector<128x128xf32> -> vector<128x128xf32>
    %add3A_887 = arith.addf %dot_general3A_881, %dot_general3A_886 : vector<128x128xf32>
    %get3A_888 = arith.constant 0 : index
    %get3A_889 = arith.constant 0 : index
    %get3A_890 = vector.load %arg27[%get3A_888, %get3A_889] : memref<1x128xf32, #tpu.memory_space<vmem>>, vector<1x128xf32>
    %add3A_891 = vector.broadcast %get3A_890 : vector<1x128xf32> to vector<128x128xf32>
    %add3A_892 = arith.addf %add3A_887, %add3A_891 : vector<128x128xf32>
    %max3A_893 = arith.constant 0.000000e+00 : f32
    %max3A_894 = vector.broadcast %max3A_893 : f32 to vector<128x128xf32>
    %max3A_895 = arith.maximumf %add3A_892, %max3A_894 : vector<128x128xf32>
    %get3A_896 = arith.constant 0 : index
    %get3A_897 = arith.constant 0 : index
    %get3A_898 = vector.load %arg28[%get3A_896, %get3A_897] : memref<128x128xf32, #tpu.memory_space<vmem>>, vector<128x128xf32>
    %dot_general3A_899 = arith.constant dense<0.000000e+00> : vector<128x128xf32>
    %dot_general3A_900 = tpu.matmul %max3A_895, %get3A_898, %dot_general3A_899 {dimension_numbers = #tpu.dot_dimension_numbers<[1], [0], [0], [1], [0, 0, 1, 1], [], []>, transpose_lhs_hint = false} : vector<128x128xf32>, vector<128x128xf32>, vector<128x128xf32> -> vector<128x128xf32>
    %get3A_901 = arith.constant 0 : index
    %get3A_902 = arith.constant 0 : index
    %get3A_903 = vector.load %arg29[%get3A_901, %get3A_902] : memref<1x128xf32, #tpu.memory_space<vmem>>, vector<1x128xf32>
    %add3A_904 = vector.broadcast %get3A_903 : vector<1x128xf32> to vector<128x128xf32>
    %add3A_905 = arith.addf %dot_general3A_900, %add3A_904 : vector<128x128xf32>
    %max3A_906 = arith.constant 0.000000e+00 : f32
    %max3A_907 = vector.broadcast %max3A_906 : f32 to vector<128x128xf32>
    %max3A_908 = arith.maximumf %add3A_905, %max3A_907 : vector<128x128xf32>
    %get3A_909 = arith.constant 0 : index
    %get3A_910 = arith.constant 0 : index
    %get3A_911 = vector.load %arg30[%get3A_909, %get3A_910] : memref<128x128xf32, #tpu.memory_space<vmem>>, vector<128x128xf32>
    %dot_general3A_912 = arith.constant dense<0.000000e+00> : vector<128x128xf32>
    %dot_general3A_913 = tpu.matmul %max3A_908, %get3A_911, %dot_general3A_912 {dimension_numbers = #tpu.dot_dimension_numbers<[1], [0], [0], [1], [0, 0, 1, 1], [], []>, transpose_lhs_hint = false} : vector<128x128xf32>, vector<128x128xf32>, vector<128x128xf32> -> vector<128x128xf32>
    %get3A_914 = arith.constant 0 : index
    %get3A_915 = arith.constant 0 : index
    %get3A_916 = vector.load %arg31[%get3A_914, %get3A_915] : memref<1x128xf32, #tpu.memory_space<vmem>>, vector<1x128xf32>
    %add3A_917 = vector.broadcast %get3A_916 : vector<1x128xf32> to vector<128x128xf32>
    %add3A_918 = arith.addf %dot_general3A_913, %add3A_917 : vector<128x128xf32>
    %swap3A = arith.constant 0 : index
    %swap3A_919 = arith.constant 0 : index
    %swap3A_920 = vector.load %arg32[%swap3A, %swap3A_919] : memref<128x128xf32, #tpu.memory_space<vmem>>, vector<128x128xf32>
    tpu.vector_store %arg32[%swap3A, %swap3A_919], %add3A_918 {strides = array<i32>} : memref<128x128xf32, #tpu.memory_space<vmem>>, vector<128x128xf32>,
    return
  }
  func.func @transform_0(%arg0: i32) -> (i32, i32) {
    %c0_i32 = arith.constant 0 : i32
    %c0_i32_0 = arith.constant 0 : i32
    return %arg0, %c0_i32 : i32, i32
  }
  func.func @transform_1(%arg0: i32) -> (i32, i32) {
    %c0_i32 = arith.constant 0 : i32
    %c0_i32_0 = arith.constant 0 : i32
    return %arg0, %c0_i32 : i32, i32
  }
  func.func @transform_2(%arg0: i32) -> (i32, i32) {
    %c0_i32 = arith.constant 0 : i32
    %c0_i32_0 = arith.constant 0 : i32
    return %arg0, %c0_i32 : i32, i32
  }
  func.func @transform_3(%arg0: i32) -> (i32, i32) {
    %c0_i32 = arith.constant 0 : i32
    %c0_i32_0 = arith.constant 0 : i32
    return %arg0, %c0_i32 : i32, i32
  }
  func.func @transform_4(%arg0: i32) -> (i32, i32) {
    %c0_i32 = arith.constant 0 : i32
    %c0_i32_0 = arith.constant 0 : i32
    return %arg0, %c0_i32 : i32, i32
  }
  func.func @transform_5(%arg0: i32) -> (i32, i32) {
    %c0_i32 = arith.constant 0 : i32
    %c0_i32_0 = arith.constant 0 : i32
    %c0_i32_1 = arith.constant 0 : i32
    return %c0_i32, %c0_i32_0 : i32, i32
  }
  func.func @transform_6(%arg0: i32) -> (i32, i32) {
    %c0_i32 = arith.constant 0 : i32
    %c0_i32_0 = arith.constant 0 : i32
    %c0_i32_1 = arith.constant 0 : i32
    return %c0_i32, %c0_i32_0 : i32, i32
  }
  func.func @transform_7(%arg0: i32) -> (i32, i32) {
    %c0_i32 = arith.constant 0 : i32
    %c0_i32_0 = arith.constant 0 : i32
    %c0_i32_1 = arith.constant 0 : i32
    return %c0_i32, %c0_i32_0 : i32, i32
  }
  func.func @transform_8(%arg0: i32) -> (i32, i32) {
    %c0_i32 = arith.constant 0 : i32
    %c0_i32_0 = arith.constant 0 : i32
    %c0_i32_1 = arith.constant 0 : i32
    return %c0_i32, %c0_i32_0 : i32, i32
  }
  func.func @transform_9(%arg0: i32) -> (i32, i32) {
    %c0_i32 = arith.constant 0 : i32
    %c0_i32_0 = arith.constant 0 : i32
    %c0_i32_1 = arith.constant 0 : i32
    return %c0_i32, %c0_i32_0 : i32, i32
  }
  func.func @transform_10(%arg0: i32) -> (i32, i32) {
    %c0_i32 = arith.constant 0 : i32
    %c0_i32_0 = arith.constant 0 : i32
    %c0_i32_1 = arith.constant 0 : i32
    return %c0_i32, %c0_i32_0 : i32, i32
  }
  func.func @transform_11(%arg0: i32) -> (i32, i32) {
    %c0_i32 = arith.constant 0 : i32
    %c0_i32_0 = arith.constant 0 : i32
    %c0_i32_1 = arith.constant 0 : i32
    return %c0_i32, %c0_i32_0 : i32, i32
  }
  func.func @transform_12(%arg0: i32) -> (i32, i32) {
    %c0_i32 = arith.constant 0 : i32
    %c0_i32_0 = arith.constant 0 : i32
    %c0_i32_1 = arith.constant 0 : i32
    return %c0_i32, %c0_i32_0 : i32, i32
  }
  func.func @transform_13(%arg0: i32) -> (i32, i32) {
    %c0_i32 = arith.constant 0 : i32
    %c0_i32_0 = arith.constant 0 : i32
    %c0_i32_1 = arith.constant 0 : i32
    return %c0_i32, %c0_i32_0 : i32, i32
  }
  func.func @transform_14(%arg0: i32) -> (i32, i32) {
    %c0_i32 = arith.constant 0 : i32
    %c0_i32_0 = arith.constant 0 : i32
    %c0_i32_1 = arith.constant 0 : i32
    return %c0_i32, %c0_i32_0 : i32, i32
  }
  func.func @transform_15(%arg0: i32) -> (i32, i32) {
    %c0_i32 = arith.constant 0 : i32
    %c0_i32_0 = arith.constant 0 : i32
    %c0_i32_1 = arith.constant 0 : i32
    return %c0_i32, %c0_i32_0 : i32, i32
  }
  func.func @transform_16(%arg0: i32) -> (i32, i32) {
    %c0_i32 = arith.constant 0 : i32
    %c0_i32_0 = arith.constant 0 : i32
    %c0_i32_1 = arith.constant 0 : i32
    return %c0_i32, %c0_i32_0 : i32, i32
  }
  func.func @transform_17(%arg0: i32) -> (i32, i32) {
    %c0_i32 = arith.constant 0 : i32
    %c0_i32_0 = arith.constant 0 : i32
    %c0_i32_1 = arith.constant 0 : i32
    return %c0_i32, %c0_i32_0 : i32, i32
  }
  func.func @transform_18(%arg0: i32) -> (i32, i32) {
    %c0_i32 = arith.constant 0 : i32
    %c0_i32_0 = arith.constant 0 : i32
    %c0_i32_1 = arith.constant 0 : i32
    return %c0_i32, %c0_i32_0 : i32, i32
  }
  func.func @transform_19(%arg0: i32) -> (i32, i32) {
    %c0_i32 = arith.constant 0 : i32
    %c0_i32_0 = arith.constant 0 : i32
    %c0_i32_1 = arith.constant 0 : i32
    return %c0_i32, %c0_i32_0 : i32, i32
  }
  func.func @transform_20(%arg0: i32) -> (i32, i32) {
    %c0_i32 = arith.constant 0 : i32
    %c0_i32_0 = arith.constant 0 : i32
    %c0_i32_1 = arith.constant 0 : i32
    return %c0_i32, %c0_i32_0 : i32, i32
  }
  func.func @transform_21(%arg0: i32) -> (i32, i32) {
    %c0_i32 = arith.constant 0 : i32
    %c0_i32_0 = arith.constant 0 : i32
    %c0_i32_1 = arith.constant 0 : i32
    return %c0_i32, %c0_i32_0 : i32, i32
  }
  func.func @transform_22(%arg0: i32) -> (i32, i32) {
    %c0_i32 = arith.constant 0 : i32
    %c0_i32_0 = arith.constant 0 : i32
    %c0_i32_1 = arith.constant 0 : i32
    return %c0_i32, %c0_i32_0 : i32, i32
  }
  func.func @transform_23(%arg0: i32) -> (i32, i32) {
    %c0_i32 = arith.constant 0 : i32
    %c0_i32_0 = arith.constant 0 : i32
    %c0_i32_1 = arith.constant 0 : i32
    return %c0_i32, %c0_i32_0 : i32, i32
  }
  func.func @transform_24(%arg0: i32) -> (i32, i32) {
    %c0_i32 = arith.constant 0 : i32
    %c0_i32_0 = arith.constant 0 : i32
    %c0_i32_1 = arith.constant 0 : i32
    return %c0_i32, %c0_i32_0 : i32, i32
  }
  func.func @transform_25(%arg0: i32) -> (i32, i32) {
    %c0_i32 = arith.constant 0 : i32
    %c0_i32_0 = arith.constant 0 : i32
    %c0_i32_1 = arith.constant 0 : i32
    return %c0_i32, %c0_i32_0 : i32, i32
  }
  func.func @transform_26(%arg0: i32) -> (i32, i32) {
    %c0_i32 = arith.constant 0 : i32
    %c0_i32_0 = arith.constant 0 : i32
    %c0_i32_1 = arith.constant 0 : i32
    return %c0_i32, %c0_i32_0 : i32, i32
  }
  func.func @transform_27(%arg0: i32) -> (i32, i32) {
    %c0_i32 = arith.constant 0 : i32
    %c0_i32_0 = arith.constant 0 : i32
    %c0_i32_1 = arith.constant 0 : i32
    return %c0_i32, %c0_i32_0 : i32, i32
  }
  func.func @transform_28(%arg0: i32) -> (i32, i32) {
    %c0_i32 = arith.constant 0 : i32
    %c0_i32_0 = arith.constant 0 : i32
    %c0_i32_1 = arith.constant 0 : i32
    return %c0_i32, %c0_i32_0 : i32, i32
  }
  func.func @transform_29(%arg0: i32) -> (i32, i32) {
    %c0_i32 = arith.constant 0 : i32
    %c0_i32_0 = arith.constant 0 : i32
    %c0_i32_1 = arith.constant 0 : i32
    return %c0_i32, %c0_i32_0 : i32, i32
  }
  func.func @transform_30(%arg0: i32) -> (i32, i32) {
    %c0_i32 = arith.constant 0 : i32
    %c0_i32_0 = arith.constant 0 : i32
    %c0_i32_1 = arith.constant 0 : i32
    return %c0_i32, %c0_i32_0 : i32, i32
  }
  func.func @transform_31(%arg0: i32) -> (i32, i32) {
    %c0_i32 = arith.constant 0 : i32
    %c0_i32_0 = arith.constant 0 : i32
    return %arg0, %c0_i32 : i32, i32
  }
}

</mosaic_0001>

<sc_bundles>
// kernel: kernel.10.cloned.1.call-start
scs
__scs_entry_jumppad:
0x0: {  	(pc) =	sbr.rel $0x88, $3  }
0x1: {  	(tag) =	ssettag $0x0;
	lr =	simm.s32 $0x1  }
0x2: {  	[smem:$0x3F82] =	sst lr;
	_ =	strace $0xD0000000  }
0x3: {  	_ = 	snop  }
0x4: {  	_ = 	snop  }
0x5: {  	_ = 	snop  }
0x6: {  	_ = 	snop  }
0x7: {  	_ = 	snop  }
__scs_overlays_trampoline_lowered:
0x8: {  	[smem:$0x3F91] =	sst s0  }
0x9: {  	[smem:$0x3F92] =	sst s1  }
0xa: {  	[smem:$0x3F93] =	sst s2  }
0xb: {  	[smem:$0x3F94] =	sst s3  }
0xc: {  	[smem:$0x3F95] =	sst s4  }
0xd: {  	[smem:$0x3F96] =	sst s5  }
0xe: {  	[smem:$0x3F97] =	sst s6  }
0xf: {  	[smem:$0x3F98] =	sst s7  }
0x10: {  	[smem:$0x3F99] =	sst s8  }
0x11: {  	[smem:$0x3F9A] =	sst s9;
	s0 =	simm.s32 @!p0 $0x0  }
0x12: {  	s1 =	sld [smem:$0x3F80];
	s0 =	simm.s32 @p0 $0x1  }
0x13: {  	[smem:$0x3F9B] =	sst s0;
	s0 =	simm.s32 @!p1 $0x0  }
0x14: {  	s2 =	sld [smem:$0x3F7F];
	s0 =	simm.s32 @p1 $0x1  }
0x15: {  	[smem:$0x3F9C] =	sst s0;
	s0 =	simm.s32 @!p2 $0x0  }
0x16: {  	s3 =	sld [smem:$0x3FDB];
	s0 =	simm.s32 @p2 $0x1  }
0x17: {  	s4 =	simm.s32 $0x1BF5;
	[smem:$0x3F9E] =	sst s0  }
0x18: {  	s0 =	sld [smem:$0x3F81];
	_ =	swait.ge [sflag:s4], $0x0  }
0x19: {  	s7 =	sld [smem:$0x3F82]  }
0x1a: {  	s8 =	sadd.s32 $0xFFFFE003, lr  }
0x1b: {  	s9 =	sadd.s32 $0xFFFFFEF7, lr;
	s5 =	simm.s32 $0xFFFFFFFF;
	p2 =	slt.u32 s8, $0xFFFFF086  }
0x1c: {  	p1 =	slt.u32 s9, $0xF7A;
	s5 =	simm.s32 @!p2 $0x0  }
0x1d: {  	s5 =	simm.s32 @p1 $0x1;
	p0 =	seq.s32 s7, s2  }
0x1e: {  	s7 =	smul.u32 @!p0 $0xF7A, s2;
	p2 =	seq.s32 @!p0 s5, $0x0  }
0x1f: {  	s9 =	smul.u32 $0xF7A, s1;
	s8 =	simm.s32 @!p0 $0x1BF5;
	p2 =	por !p2, p0  }
0x20: {  	[sflag:s8] =	ssyncset.s32 @!p0 $0xFFFFF086;
	s6 =	sadd.s32 @!p0 s3, s7;
	s7 =	simm.s32 @!p0 $0x108  }
0x21: {  	s3 =	sadd.s32 s3, s9;
	s6 =	sadd.s32 @!p0 $0x88, s6;
	s7 =	simm.s32 @p2 $0x1082  }
0x22: {  	[simem:s7], [sflag:s8] =	dma.local @!p0 [hbm:s6], $0xF7A  }
0x23: {  	s9 =	sor.u32 $0xD0000000, s2;
	s6 =	simm.s32 $0x108;
	_ =	swait.ge @!p0 [sflag:s8], $0x0  }
0x24: {  	s3 =	sadd.s32 $0x88, s3;
	s6 =	simm.s32 @!p1 $0x1082;
	[sflag:s4] =	ssyncset.s32 $0xFFFFF086  }
0x25: {  	[simem:s6], [sflag:s4] =	dma.local [hbm:s3], $0xF7A  }
0x26: {  	[smem:$0x3F82] =	sst s1;
	(tag) =	ssettag s2;
	_ =	strace s9  }
0x27: {  	s1 =	sld [smem:$0x3F92]  }
0x28: {  	s2 =	sld [smem:$0x3F93]  }
0x29: {  	s4 =	sld [smem:$0x3F95]  }
0x2a: {  	p0 =	seq.s32 s5, $0x0;
	s5 =	sld [smem:$0x3F96]  }
0x2b: {  	s6 =	sld [smem:$0x3F97]  }
0x2c: {  	s7 =	sld [smem:$0x3F98]  }
0x2d: {  	s3 =	simm.s32 $0x108;
	s8 =	sld [smem:$0x3F99]  }
0x2e: {  	s3 =	simm.s32 @!p0 $0x1082;
	s9 =	sld [smem:$0x3F9A]  }
0x2f: {  	lr =	sadd.s32 s0, s3;
	s0 =	sld [smem:$0x3F91]  }
0x30: {  	s3 =	sld [smem:$0x3F94]  }
0x31: {  	[smem:$0x3F9D] =	sst s10  }
0x32: {  	s10 =	sld [smem:$0x3F9B];
	_ =	sdelay $0x3  }
0x33: {  	p0 =	seq.s32 s10, $0x1;
	s10 =	sld [smem:$0x3F9D];
	_ =	sdelay $0x3  }
0x34: {  	[smem:$0x3F9D] =	sst s10  }
0x35: {  	s10 =	sld [smem:$0x3F9C];
	_ =	sdelay $0x3  }
0x36: {  	p1 =	seq.s32 s10, $0x1;
	s10 =	sld [smem:$0x3F9D];
	_ =	sdelay $0x3  }
0x37: {  	[smem:$0x3F9D] =	sst s10  }
0x38: {  	s10 =	sld [smem:$0x3F9E]  }
0x39: {  	_ = 	snop;
	(pc) =	sbr.ind lr, $3  }
0x3a: {  	_ = 	snop  }
0x3b: {  	_ = 	snop  }
0x3c: {  	p2 =	seq.s32 s10, $0x1;
	s10 =	sld [smem:$0x3F9D]  }
0x3d: {  	_ =	shalt  }
0x3e: {  	_ =	shalt  }
0x3f: {  	_ =	shalt  }
0x40: {  	_ =	shalt  }
0x41: {  	_ =	shalt  }
0x42: {  	_ =	shalt  }
0x43: {  	_ =	shalt  }
0x44: {  	_ =	shalt  }
0x45: {  	_ =	shalt  }
0x46: {  	_ =	shalt  }
0x47: {  	_ =	shalt  }
0x48: {  	_ =	shalt  }
0x49: {  	_ =	shalt  }
0x4a: {  	_ =	shalt  }
0x4b: {  	_ =	shalt  }
0x4c: {  	_ =	shalt  }
0x4d: {  	_ =	shalt  }
0x4e: {  	_ =	shalt  }
0x4f: {  	_ =	shalt  }
0x50: {  	_ =	shalt  }
0x51: {  	_ =	shalt  }
0x52: {  	_ =	shalt  }
0x53: {  	_ =	shalt  }
0x54: {  	_ =	shalt  }
0x55: {  	_ =	shalt  }
0x56: {  	_ =	shalt  }
0x57: {  	_ =	shalt  }
0x58: {  	_ =	shalt  }
0x59: {  	_ =	shalt  }
0x5a: {  	_ =	shalt  }
0x5b: {  	_ =	shalt  }
0x5c: {  	_ =	shalt  }
0x5d: {  	_ =	shalt  }
0x5e: {  	_ =	shalt  }
0x5f: {  	_ =	shalt  }
0x60: {  	_ =	shalt  }
0x61: {  	_ =	shalt  }
0x62: {  	_ =	shalt  }
0x63: {  	_ =	shalt  }
0x64: {  	_ =	shalt  }
0x65: {  	_ =	shalt  }
0x66: {  	_ =	shalt  }
0x67: {  	_ =	shalt  }
0x68: {  	_ =	shalt  }
0x69: {  	_ =	shalt  }
0x6a: {  	_ =	shalt  }
0x6b: {  	_ =	shalt  }
0x6c: {  	_ =	shalt  }
0x6d: {  	_ =	shalt  }
0x6e: {  	_ =	shalt  }
0x6f: {  	_ =	shalt  }
0x70: {  	_ =	shalt  }
0x71: {  	_ =	shalt  }
0x72: {  	_ =	shalt  }
0x73: {  	_ =	shalt  }
0x74: {  	_ =	shalt  }
0x75: {  	_ =	shalt  }
0x76: {  	_ =	shalt  }
0x77: {  	_ =	shalt  }
0x78: {  	_ =	shalt  }
0x79: {  	_ =	shalt  }
0x7a: {  	_ =	shalt  }
0x7b: {  	_ =	shalt  }
0x7c: {  	_ =	shalt  }
0x7d: {  	_ =	shalt  }
0x7e: {  	_ =	shalt  }
0x7f: {  	_ =	shalt  }
0x80: {  	_ =	shalt  }
0x81: {  	_ =	shalt  }
0x82: {  	_ =	shalt  }
0x83: {  	_ =	shalt  }
0x84: {  	_ =	shalt  }
0x85: {  	_ =	shalt  }
0x86: {  	_ =	shalt  }
0x87: {  	_ =	shalt  }
.Lfunc_end0:
.L_simem_size_0:
called_computation_lowered:
.L_overlay_start_0:
0x88: {  	s2 =	sld [smem:$0x3FD9]  }
0x89: {  	s3 =	sld [smem:$0x3FFE];
	_ =	sdelay $0x1  }
0x8a: {  	s1 =	srdreg.scid  }
0x8b: {  	s0 =	sand.u32 $0x1, s1  }
0x8c: {  	s17 =	sshll.u32 s0, $0xA;
	s2 =	sadd.s32 s3, s2  }
0x8d: {  	s2 =	sadd.s32 s2, s17  }
0x8e: {  	[smem:$0x3FA9] =	sst s2  }
0x8f: {  	_ = 	snop  }
0x90: {  	s2 =	sld [smem:$0x3FD0];
	(tm) =	ssettm $0x1  }
0x91: {  	s18 =	sld [smem:$0x3FFB];
	_ =	sdelay $0x3  }
0x92: {  	_ =	strace s18  }
0x93: {  	s3 =	sld [smem:$0x3FFC];
	_ =	sdelay $0x3  }
0x94: {  	_ =	strace s3  }
0x95: {  	s3 =	sld [smem:$0x3FFD];
	_ =	sdelay $0x3  }
0x96: {  	_ =	strace s3  }
0x97: {  	_ =	strace $0x8FFFFFFF  }
0x98: {  	s19 =	sld [smem:$0x3FDB];
	_ =	sdelay $0x1  }
0x99: {  	s4 =	simm.s32 $_scs_section_size  }
0x9a: {  	s5 =	simm.s32 $_size__tile_overlayer_lowered;
	s6 =	simm.s32 $_tile_overlayer_lowered  }
0x9b: {  	s22 =	simm.s32 $0x1BFF;
	s21 =	sshll.u32 s6, $0x1;
	s3 =	sadd.s32 s4, s19  }
0x9c: {  	s7 =	simm.s32 $0x0;
	s20 =	sshll.u32 s5, $0x1;
	s5 =	sadd.s32 s21, s3  }
0x9d: {  	[timem:s7], [sflag:s22] =	dma.local [hbm:s5], s20  }
0x9e: {  	_ =	swait.ge [sflag:s22], s20  }
0x9f: {  	s4 =	ssub.s32 $0x0, s20;
	[sflag:s22] =	ssyncset.done $0x0  }
0xa0: {  	[sflag:s22] =	ssyncadd.s32 s4;
	_ =	sdelay $0x1  }
0xa1: {  	s23 =	simm.s32 $0x1B8B  }
0xa2: {  	_ =	swait.ge [sflag:s23], $0x1  }
0xa3: {  	[sflag:s23] =	ssyncset.done $0x0  }
0xa4: {  	s25 =	simm.s32 $0x1B8E;
	s24 =	sld [smem:$0x3FFE];
	[sflag:s23] =	ssyncadd.s32 $0xFFFFFFFF  }
0xa5: {  	s26 =	simm.s32 $execute0_lowered;
	[smem:$0x3FD2] =	sst s25  }
0xa6: {  	s5 =	sshll.u32 s26, $0x1;
	_ =	strace $0x80000046;
	[dreg:$0x1] =	wrdreg $0xFFFFFFFF  }
0xa7: {  	s28 =	simm.s32 $_size_execute0_lowered;
	s3 =	sadd.s32 s3, s5;
	[dreg:$0x0] =	wrdreg $0x0  }
0xa8: {  	s5 =	sshll.u32 s28, $0x1;
	[dreg:$0x2] =	wrdreg s3  }
0xa9: {  	[dreg:$0x3] =	wrdreg s5  }
0xaa: {  	[dreg:$0x4] =	wrdreg $0xC0  }
0xab: {  	_ =	task [dreg:s7], $0x5FFFF  }
0xac: {  	[dreg:$0x1] =	wrdreg $0xFFFFFFFF  }
0xad: {  	[dreg:$0x0] =	wrdreg $0x60  }
0xae: {  	[dreg:$0x2] =	wrdreg s24  }
0xaf: {  	[dreg:$0x3] =	wrdreg s2  }
0xb0: {  	[dreg:$0x4] =	wrdreg $0x0  }
0xb1: {  	[dreg:$0x5] =	wrdreg $0x9  }
0xb2: {  	_ =	task.clear_ibuf [dreg:s7], $0x6FFFF;
	_ =	strace $0x90000046  }
0xb3: {  	s29 =	simm.s32 $0x9;
	_ =	strace $0x80000048  }
0xb4: {  	_ =	swait.ge [sflag:s29], $0x1  }
0xb5: {  	[sflag:s29] =	ssyncadd.s32 $0xFFFFFFFF  }
0xb6: {  	_ =	strace $0x90000048  }
0xb7: {  	_ =	sfence  }
0xb8: {  	s30 =	sld [smem:$0x0];
	_ =	sdelay $0x2  }
0xb9: {  	s31 =	sshll.u32 s1, $0xD;
	s1 =	sshrl.u32 s1, $0x2  }
0xba: {  	s3 =	sand.u32 $0x4000, s31;
	s1 =	sadd.s32 s1, s30  }
0xbb: {  	s0 =	sor.u32 s3, s0;
	s1 =	sshll.u32 s1, $0x11  }
0xbc: {  	s0 =	sor.u32 s1, s0  }
0xbd: {  	s0 =	sadd.s32 $0x8F2B, s0  }
0xbe: {  	[sflag:s0] =	ssyncadd.remote.s32 $0x1  }
0xbf: {  	_ =	sfence.sel $0xFFFF  }
0xc0: {  	[dreg:$0x0] =	wrdreg $0xFFFFFFFF;
	(pc) =	sbr.abs _section_cstart, $3  }
0xc1: {  	[dreg:$0x1] =	wrdreg $0xFFFFFFFF  }
0xc2: {  	_ =	task.clear_ibuf [dreg:s7], $0x2FFFF;
	_ =	strace $0x9FFFFFFF  }
0xc3: {  	(tm) =	ssettm $0x7FFFFFFF  }
tec
execute0_lowered:
.L_overlay_start_1:
0x0: {  	(tag) =	ssettag $0x1  }
0x1: {  	s0 =	rddreg [dreg:$0x0]  }
0x2: {  	s2 =	rddreg [dreg:$0x2];
	s3 =	simm.s32 $0x0;
	s16 =	stileid.u32  }
0x3: {  	s4 =	srdreg.scid;
	s22 =	simm.s32 $0x278;
	s28 =	simm.s32 $0x1  }
0x4: {  	s29 =	simm.s32 $0x2;
	s30 =	simm.s32 $0x1778;
	s31 =	simm.s32 $0x578  }
0x5: {  	[smem:$0x7FF] =	sst s3;
	s5 =	sadd.s32 $0x24600, s0;
	s6 =	sadd.s32 $0x38600, s0  }
0x6: {  	s7 =	sadd.s32 $0x6600, s0;
	s1 =	smul.u32 $0x270, s16;
	s8 =	sadd.s32 $0x1A600, s0  }
0x7: {  	s9 =	sadd.s32 $0x42600, s0;
	s4 =	sand.u32 $0x1, s4;
	s10 =	sadd.s32 $0x43800, s0  }
0x8: {  	s11 =	sadd.s32 $0x43E00, s0;
	s14 =	smul.u32 $0x5000, s16;
	s24 =	sadd.s32 $0x430E0, s0  }
0x9: {  	s19 =	sadd.s32 $0x436E0, s0;
	p1 =	sne.s32 s16, $0xF;
	p2 =	seq.s32 s16, $0xF  }
0xa: {  	_ =	strace $0x80000047;
	s12 =	ssub.s32 $0x2, s4;
	p0 =	seq.s32 s4, $0x1  }
0xb: {  	[dreg:$0x5] =	wrdreg s24;
	s15 =	sshrl.u32 s1, $0x3;
	s13 =	sshrl.u32 s12, $0x1  }
0xc: {  	s24 =	simm.s32 $0x2F8;
	s18 =	sadd.s32 s15, s0;
	s21 =	ssub.s32 s12, s13  }
.Ltmp0:
0xd: {  	s12 =	sadd.s32 s1, s2;
	s13 =	sadd.s32 $0x2700, s2;
	(pc) =	sbr.rel .LBB2_1-.Ltmp0, $4  }
0xe: {  	s25 =	sadd.s32 s10, s15;
	s20 =	sadd.s32 s11, s15;
	s0 =	simm.s32 $0x0  }
0xf: {  	s23 =	sadd.s32 $0x42C00, s18;
	[dreg:$0x6] =	wrdreg s25;
	s26 =	sadd.s32 $0x43200, s18  }
0x10: {  	s21 =	smax.u32 s21, $0x1;
	s25 =	simm.s32 $0x7F8;
	[dreg:$0x4] =	wrdreg s23  }
0x11: {  	[dreg:$0x7] =	wrdreg s26;
	s23 =	simm.s32 $0x3;
	s26 =	simm.s32 $0x80  }
.LBB2_20:
0x12: {  	[tilespmem:s31], [sflag:$0x3] =	stream.linear.gather [spmem:s13], $0x10, $0x38;
	[tilespmem:$0x17F8] =	vst v63  }
0x13: {  	_ =	swait.ge [sflag:s23], $0x10  }
0x14: {  	[sflag:s23] =	ssyncset.done $0x0  }
0x15: {  	s1 =	sadd.s32 $0x4E0, s1;
	[sflag:s23] =	ssyncadd.s32 $0xFFFFFFF0  }
0x16: {  	[hbm4b:s1+s3] =	stream.linear.scatter [tilespmem:s31], [sflag:$0x3], $0x10, $0x38;
	[tilespmem:$0x17F8] =	vst v63  }
0x17: {  	_ =	swait.ge [sflag:s23], $0x10  }
0x18: {  	[sflag:s23] =	ssyncset.done $0x0  }
0x19: {  	[sflag:s23] =	ssyncadd.s32 $0xFFFFFFF0  }
.LBB2_21:
0x1a: {  	s0 =	sadd.s32 $0x1, s0  }
0x1b: {  	p3 =	sne.s32 s0, s21  }
.Ltmp1:
0x1c: {  	_ = 	snop;
	(pc) =	sbr.rel @!p3 .LBB2_22-.Ltmp1, $1  }
0x1d: {  	_ =	sdelay $0x3  }
.LBB2_1:
0x1e: {  	s1 =	rddreg [dreg:$0x1]  }
0x1f: {  	[tilespmem:s22], [sflag:$0x3] =	stream.linear.gather [hbm4b:s1+s3], $0x80, $0x38;
	[tilespmem:$0x17F8] =	vst v63  }
0x20: {  	_ =	swait.ge [sflag:s23], $0x80  }
0x21: {  	[sflag:s23] =	ssyncset.done $0x0  }
0x22: {  	[sflag:s23] =	ssyncadd.s32 $0xFFFFFF80  }
0x23: {  	[tilespmem:s24], [sflag:$0x3] =	stream.linear.gather [hbm4b:s9+s3], $0x270, $0x38;
	[tilespmem:$0x17F8] =	vst v63  }
0x24: {  	_ =	swait.ge [sflag:s23], $0x270  }
0x25: {  	[sflag:s23] =	ssyncset.done $0x0  }
.Ltmp2:
0x26: {  	[sflag:s23] =	ssyncadd.s32 $0xFFFFFD90;
	(pc) =	sbr.rel @!p0 .LBB2_2-.Ltmp2, $4  }
0x27: {  	[spmem:s12] =	stream.linear.scatter [tilespmem:s24], [sflag:$0x3], $0x270, $0x38;
	[tilespmem:$0x17F8] =	vst v63  }
0x28: {  	_ =	swait.ge [sflag:s23], $0x270  }
0x29: {  	[sflag:s23] =	ssyncset.done $0x0  }
0x2a: {  	[sflag:s23] =	ssyncadd.s32 $0xFFFFFD90  }
0x2b: {  	s1 =	simm.s32 @!p1 $0x2F8  }
0x2c: {  	[spmem:s13] =	stream.linear.scatter @!p1 [tilespmem:s1], [sflag:$0x3], $0x10, $0x38;
	[tilespmem:$0x17F8] =	vst v63  }
0x2d: {  	s1 =	simm.s32 @!p1 $0x3  }
0x2e: {  	_ =	swait.ge @!p1 [sflag:s1], $0x10  }
0x2f: {  	[sflag:s1] =	ssyncset.done @!p1 $0x0  }
0x30: {  	[sflag:s1] =	ssyncadd.s32 @!p1 $0xFFFFFFF0  }
0x31: {  	s4 =	simm.s32 $0x0;
	[bflag:$0x0] =	sbarrier.arrive $0xFFFF  }
.LBB2_12:
0x32: {  	s1 =	sshll.u32 s4, $0xC  }
0x33: {  	s1 =	sadd.s32 s14, s1  }
0x34: {  	s1 =	sshrl.u32 s1, $0x3  }
0x35: {  	s1 =	sadd.s32 s7, s1  }
0x36: {  	[tilespmem:s25], [sflag:$0x3] =	stream.linear.gather [hbm4b:s1+s3], $0x1000, $0x38;
	[tilespmem:$0x17F8] =	vst v63  }
0x37: {  	_ =	swait.ge [sflag:s23], $0x1000  }
0x38: {  	[sflag:s23] =	ssyncset.done $0x0  }
0x39: {  	[sflag:s23] =	ssyncadd.s32 $0xFFFFF000  }
0x3a: {  	[spmem:s2] =	stream.indirect.scatter.add.f32 [tilespmem:s22], [sflag:$0x1], $0x1, s25, s26, $0xb8;
	[tilespmem:$0x17F8] =	vst v63  }
0x3b: {  	s17 =	simm.s32 $0x878  }
0x3c: {  	[spmem:s2] =	stream.indirect.scatter.add.f32 [tilespmem:s22], [sflag:$0x2], $0x1, s17, s26, $0xb8;
	[tilespmem:$0x17F8] =	vst v63  }
0x3d: {  	_ =	swait.ge [sflag:s28], $0x80  }
0x3e: {  	[sflag:s28] =	ssyncset.done $0x0  }
0x3f: {  	s18 =	simm.s32 $0x8F8;
	[sflag:s28] =	ssyncadd.s32 $0xFFFFFF80  }
0x40: {  	[spmem:s2] =	stream.indirect.scatter.add.f32 [tilespmem:s22], [sflag:$0x1], $0x1, s18, s26, $0xb8;
	[tilespmem:$0x17F8] =	vst v63  }
0x41: {  	_ =	swait.ge [sflag:s29], $0x80  }
0x42: {  	s15 =	simm.s32 $0xFFFFCC00;
	s1 =	simm.s32 $0xFFFFF200;
	[sflag:s29] =	ssyncset.done $0x0  }
.LBB2_13:
0x43: {  	s16 =	sadd.s32 $0x1778, s1  }
0x44: {  	[sflag:s29] =	ssyncadd.s32 $0xFFFFFF80;
	s17 =	smov.u32 s15;
	s18 =	sadd.s32 $0x400, s15  }
0x45: {  	[spmem:s2] =	stream.indirect.scatter.add.f32 [tilespmem:s22], [sflag:$0x2], $0x1, s16, s26, $0xb8;
	[tilespmem:$0x17F8] =	vst v63  }
0x46: {  	p3 =	sne.s32 s15, $0xFFFFFC00;
	_ =	swait.ge [sflag:s28], $0x80  }
.Ltmp3:
0x47: {  	[sflag:s28] =	ssyncset.done $0x0;
	(pc) =	sbr.rel @p3 .LBB2_13-.Ltmp3, $4  }
0x48: {  	s1 =	sadd.s32 $0x17F8, s1;
	[sflag:s28] =	ssyncadd.s32 $0xFFFFFF80  }
0x49: {  	[spmem:s2] =	stream.indirect.scatter.add.f32 [tilespmem:s22], [sflag:$0x1], $0x1, s1, s26, $0xb8;
	[tilespmem:$0x17F8] =	vst v63  }
0x4a: {  	_ =	swait.ge [sflag:s29], $0x80  }
0x4b: {  	s15 =	smov.u32 s18;
	s1 =	sshra.s32 s17, $0x2;
	[sflag:s29] =	ssyncset.done $0x0  }
0x4c: {  	s15 =	sadd.s32 $0x1778, s1;
	[sflag:s29] =	ssyncadd.s32 $0xFFFFFF80  }
0x4d: {  	[spmem:s2] =	stream.indirect.scatter.add.f32 [tilespmem:s22], [sflag:$0x2], $0x1, s15, s26, $0xb8;
	[tilespmem:$0x17F8] =	vst v63  }
0x4e: {  	_ =	swait.ge [sflag:s28], $0x80  }
0x4f: {  	[sflag:s28] =	ssyncset.done $0x0  }
0x50: {  	s18 =	sadd.s32 $0x17F8, s1;
	[sflag:s28] =	ssyncadd.s32 $0xFFFFFF80  }
0x51: {  	[spmem:s2] =	stream.indirect.scatter.add.f32 [tilespmem:s22], [sflag:$0x1], $0x1, s18, s26, $0xb8;
	[tilespmem:$0x17F8] =	vst v63  }
0x52: {  	_ =	swait.ge [sflag:s29], $0x80  }
0x53: {  	[sflag:s29] =	ssyncset.done $0x0  }
0x54: {  	s4 =	sadd.s32 $0x1, s4;
	[sflag:s29] =	ssyncadd.s32 $0xFFFFFF80  }
0x55: {  	[spmem:s2] =	stream.indirect.scatter.add.f32 [tilespmem:s22], [sflag:$0x2], $0x1, s30, s26, $0xb8;
	[tilespmem:$0x17F8] =	vst v63  }
0x56: {  	p3 =	sne.s32 s4, $0x5;
	_ =	swait.ge [sflag:s28], $0x80  }
.Ltmp4:
0x57: {  	[sflag:s28] =	ssyncset.done $0x0;
	(pc) =	sbr.rel @p3 .LBB2_12-.Ltmp4, $4  }
0x58: {  	[sflag:s28] =	ssyncadd.s32 $0xFFFFFF80  }
0x59: {  	_ =	swait.ge [sflag:s29], $0x80  }
0x5a: {  	[sflag:s29] =	ssyncset.done $0x0  }
0x5b: {  	[sflag:s29] =	ssyncadd.s32 $0xFFFFFF80  }
0x5c: {  	[bflag:$0x0] =	sbarrier.arrive $0xFFFF  }
0x5d: {  	[tilespmem:s31], [sflag:$0x3] =	stream.linear.gather [spmem:s12], $0x270, $0x38;
	[tilespmem:$0x17F8] =	vst v63  }
0x5e: {  	_ =	swait.ge [sflag:s23], $0x270  }
0x5f: {  	[sflag:s23] =	ssyncset.done $0x0  }
0x60: {  	s1 =	rddreg [dreg:$0x7];
	[sflag:s23] =	ssyncadd.s32 $0xFFFFFD90  }
0x61: {  	[hbm4b:s1+s3] =	stream.linear.scatter [tilespmem:s31], [sflag:$0x3], $0x270, $0x38;
	[tilespmem:$0x17F8] =	vst v63  }
0x62: {  	_ =	swait.ge [sflag:s23], $0x270  }
0x63: {  	[sflag:s23] =	ssyncset.done $0x0  }
0x64: {  	s1 =	simm.s32 @p1 $0x2F8;
	[sflag:s23] =	ssyncadd.s32 $0xFFFFFD90  }
0x65: {  	[spmem:s12] =	stream.linear.scatter @p1 [tilespmem:s1], [sflag:$0x3], $0x270, $0x38;
	[tilespmem:$0x17F8] =	vst v63  }
0x66: {  	s1 =	simm.s32 @p1 $0x3  }
0x67: {  	_ =	swait.ge @p1 [sflag:s1], $0x270  }
0x68: {  	[sflag:s1] =	ssyncset.done @p1 $0x0  }
0x69: {  	s4 =	simm.s32 @!p1 $0x3;
	[sflag:s1] =	ssyncadd.s32 @p1 $0xFFFFFD90;
	s1 =	simm.s32 @!p1 $0x578  }
0x6a: {  	[tilespmem:s1], [sflag:$0x3] =	stream.linear.gather @!p1 [spmem:s13], $0x10, $0x38;
	[tilespmem:$0x17F8] =	vst v63  }
0x6b: {  	_ =	swait.ge @!p1 [sflag:s4], $0x10  }
0x6c: {  	[sflag:s4] =	ssyncset.done @!p1 $0x0  }
0x6d: {  	s15 =	simm.s32 @!p1 $0x0;
	[sflag:s4] =	ssyncadd.s32 @!p1 $0xFFFFFFF0  }
0x6e: {  	[hbm4b:s19+s15] =	stream.linear.scatter @!p1 [tilespmem:s1], [sflag:$0x3], $0x10, $0x38;
	[tilespmem:$0x17F8] =	vst v63  }
0x6f: {  	_ =	swait.ge @!p1 [sflag:s4], $0x10  }
0x70: {  	[sflag:s4] =	ssyncset.done @!p1 $0x0  }
0x71: {  	s1 =	simm.s32 @!p1 $0x2F8;
	[sflag:s4] =	ssyncadd.s32 @!p1 $0xFFFFFFF0  }
0x72: {  	[spmem:s12] =	stream.linear.scatter @!p1 [tilespmem:s1], [sflag:$0x3], $0x270, $0x38;
	[tilespmem:$0x17F8] =	vst v63  }
0x73: {  	_ =	swait.ge @!p1 [sflag:s4], $0x270  }
0x74: {  	[sflag:s4] =	ssyncset.done @!p1 $0x0  }
0x75: {  	[sflag:s4] =	ssyncadd.s32 @!p1 $0xFFFFFD90  }
0x76: {  	[spmem:s13] =	stream.linear.scatter @!p1 [tilespmem:s1], [sflag:$0x3], $0x10, $0x38;
	[tilespmem:$0x17F8] =	vst v63  }
0x77: {  	_ =	swait.ge @!p1 [sflag:s4], $0x10  }
0x78: {  	[sflag:s4] =	ssyncset.done @!p1 $0x0  }
0x79: {  	[sflag:s4] =	ssyncadd.s32 @!p1 $0xFFFFFFF0  }
0x7a: {  	s4 =	simm.s32 $0x0;
	[bflag:$0x0] =	sbarrier.arrive $0xFFFF  }
.LBB2_16:
0x7b: {  	s1 =	sshll.u32 s4, $0xC  }
0x7c: {  	s1 =	sadd.s32 s14, s1  }
0x7d: {  	s1 =	sshrl.u32 s1, $0x3  }
0x7e: {  	s1 =	sadd.s32 s8, s1  }
0x7f: {  	[tilespmem:s25], [sflag:$0x3] =	stream.linear.gather [hbm4b:s1+s3], $0x1000, $0x38;
	[tilespmem:$0x17F8] =	vst v63  }
0x80: {  	_ =	swait.ge [sflag:s23], $0x1000  }
0x81: {  	[sflag:s23] =	ssyncset.done $0x0  }
0x82: {  	[sflag:s23] =	ssyncadd.s32 $0xFFFFF000  }
0x83: {  	[spmem:s2] =	stream.indirect.scatter.add.f32 [tilespmem:s22], [sflag:$0x1], $0x1, s25, s26, $0xb8;
	[tilespmem:$0x17F8] =	vst v63  }
0x84: {  	s17 =	simm.s32 $0x878  }
0x85: {  	[spmem:s2] =	stream.indirect.scatter.add.f32 [tilespmem:s22], [sflag:$0x2], $0x1, s17, s26, $0xb8;
	[tilespmem:$0x17F8] =	vst v63  }
0x86: {  	_ =	swait.ge [sflag:s28], $0x80  }
0x87: {  	[sflag:s28] =	ssyncset.done $0x0  }
0x88: {  	s18 =	simm.s32 $0x8F8;
	[sflag:s28] =	ssyncadd.s32 $0xFFFFFF80  }
0x89: {  	[spmem:s2] =	stream.indirect.scatter.add.f32 [tilespmem:s22], [sflag:$0x1], $0x1, s18, s26, $0xb8;
	[tilespmem:$0x17F8] =	vst v63  }
0x8a: {  	_ =	swait.ge [sflag:s29], $0x80  }
0x8b: {  	s15 =	simm.s32 $0xFFFFCC00;
	s1 =	simm.s32 $0xFFFFF200;
	[sflag:s29] =	ssyncset.done $0x0  }
.LBB2_17:
0x8c: {  	s16 =	sadd.s32 $0x1778, s1  }
0x8d: {  	[sflag:s29] =	ssyncadd.s32 $0xFFFFFF80;
	s17 =	smov.u32 s15;
	s18 =	sadd.s32 $0x400, s15  }
0x8e: {  	[spmem:s2] =	stream.indirect.scatter.add.f32 [tilespmem:s22], [sflag:$0x2], $0x1, s16, s26, $0xb8;
	[tilespmem:$0x17F8] =	vst v63  }
0x8f: {  	p3 =	sne.s32 s15, $0xFFFFFC00;
	_ =	swait.ge [sflag:s28], $0x80  }
.Ltmp5:
0x90: {  	[sflag:s28] =	ssyncset.done $0x0;
	(pc) =	sbr.rel @p3 .LBB2_17-.Ltmp5, $4  }
0x91: {  	s1 =	sadd.s32 $0x17F8, s1;
	[sflag:s28] =	ssyncadd.s32 $0xFFFFFF80  }
0x92: {  	[spmem:s2] =	stream.indirect.scatter.add.f32 [tilespmem:s22], [sflag:$0x1], $0x1, s1, s26, $0xb8;
	[tilespmem:$0x17F8] =	vst v63  }
0x93: {  	_ =	swait.ge [sflag:s29], $0x80  }
0x94: {  	s15 =	smov.u32 s18;
	s1 =	sshra.s32 s17, $0x2;
	[sflag:s29] =	ssyncset.done $0x0  }
0x95: {  	s15 =	sadd.s32 $0x1778, s1;
	[sflag:s29] =	ssyncadd.s32 $0xFFFFFF80  }
0x96: {  	[spmem:s2] =	stream.indirect.scatter.add.f32 [tilespmem:s22], [sflag:$0x2], $0x1, s15, s26, $0xb8;
	[tilespmem:$0x17F8] =	vst v63  }
0x97: {  	_ =	swait.ge [sflag:s28], $0x80  }
0x98: {  	[sflag:s28] =	ssyncset.done $0x0  }
0x99: {  	s18 =	sadd.s32 $0x17F8, s1;
	[sflag:s28] =	ssyncadd.s32 $0xFFFFFF80  }
0x9a: {  	[spmem:s2] =	stream.indirect.scatter.add.f32 [tilespmem:s22], [sflag:$0x1], $0x1, s18, s26, $0xb8;
	[tilespmem:$0x17F8] =	vst v63  }
0x9b: {  	_ =	swait.ge [sflag:s29], $0x80  }
0x9c: {  	[sflag:s29] =	ssyncset.done $0x0  }
0x9d: {  	s4 =	sadd.s32 $0x1, s4;
	[sflag:s29] =	ssyncadd.s32 $0xFFFFFF80  }
0x9e: {  	[spmem:s2] =	stream.indirect.scatter.add.f32 [tilespmem:s22], [sflag:$0x2], $0x1, s30, s26, $0xb8;
	[tilespmem:$0x17F8] =	vst v63  }
0x9f: {  	p3 =	sne.s32 s4, $0x5;
	_ =	swait.ge [sflag:s28], $0x80  }
.Ltmp6:
0xa0: {  	[sflag:s28] =	ssyncset.done $0x0;
	(pc) =	sbr.rel @p3 .LBB2_16-.Ltmp6, $4  }
0xa1: {  	[sflag:s28] =	ssyncadd.s32 $0xFFFFFF80  }
0xa2: {  	_ =	swait.ge [sflag:s29], $0x80  }
0xa3: {  	[sflag:s29] =	ssyncset.done $0x0  }
0xa4: {  	[sflag:s29] =	ssyncadd.s32 $0xFFFFFF80  }
0xa5: {  	[bflag:$0x0] =	sbarrier.arrive $0xFFFF  }
0xa6: {  	[tilespmem:s31], [sflag:$0x3] =	stream.linear.gather [spmem:s12], $0x270, $0x38;
	[tilespmem:$0x17F8] =	vst v63  }
0xa7: {  	_ =	swait.ge [sflag:s23], $0x270  }
0xa8: {  	[sflag:s23] =	ssyncset.done $0x0  }
0xa9: {  	[sflag:s23] =	ssyncadd.s32 $0xFFFFFD90  }
0xaa: {  	[hbm4b:s20+s3] =	stream.linear.scatter [tilespmem:s31], [sflag:$0x3], $0x270, $0x38;
	[tilespmem:$0x17F8] =	vst v63  }
.Ltmp7:
0xab: {  	_ = 	snop;
	(pc) =	sbr.rel @p1 .LBB2_21-.Ltmp7, $4  }
.Ltmp8:
0xac: {  	_ = 	snop;
	(pc) =	sbr.rel @!p1 .LBB2_20-.Ltmp8, $4  }
0xad: {  	_ =	swait.ge [sflag:s23], $0x270  }
0xae: {  	[sflag:s23] =	ssyncset.done $0x0  }
0xaf: {  	s1 =	smov.u32 s11;
	[sflag:s23] =	ssyncadd.s32 $0xFFFFFD90  }
0xb0: {  	_ = 	snop  }
.LBB2_2:
0xb1: {  	s1 =	simm.s32 @!p1 $0x2F8  }
0xb2: {  	[spmem:s13] =	stream.linear.scatter @!p1 [tilespmem:s1], [sflag:$0x3], $0x10, $0x38;
	[tilespmem:$0x17F8] =	vst v63  }
0xb3: {  	s1 =	simm.s32 @!p1 $0x3  }
0xb4: {  	_ =	swait.ge @!p1 [sflag:s1], $0x10  }
0xb5: {  	[sflag:s1] =	ssyncset.done @!p1 $0x0  }
0xb6: {  	[sflag:s1] =	ssyncadd.s32 @!p1 $0xFFFFFFF0  }
0xb7: {  	s4 =	simm.s32 $0x0;
	[bflag:$0x0] =	sbarrier.arrive $0xFFFF  }
.LBB2_3:
0xb8: {  	s1 =	sshll.u32 s4, $0xC  }
0xb9: {  	s1 =	sadd.s32 s14, s1  }
0xba: {  	s1 =	sshrl.u32 s1, $0x3  }
0xbb: {  	s1 =	sadd.s32 s5, s1  }
0xbc: {  	[tilespmem:s25], [sflag:$0x3] =	stream.linear.gather [hbm4b:s1+s3], $0x1000, $0x38;
	[tilespmem:$0x17F8] =	vst v63  }
0xbd: {  	_ =	swait.ge [sflag:s23], $0x1000  }
0xbe: {  	[sflag:s23] =	ssyncset.done $0x0  }
0xbf: {  	[sflag:s23] =	ssyncadd.s32 $0xFFFFF000  }
0xc0: {  	[spmem:s2] =	stream.indirect.scatter.add.f32 [tilespmem:s22], [sflag:$0x1], $0x1, s25, s26, $0xb8;
	[tilespmem:$0x17F8] =	vst v63  }
0xc1: {  	s17 =	simm.s32 $0x878  }
0xc2: {  	[spmem:s2] =	stream.indirect.scatter.add.f32 [tilespmem:s22], [sflag:$0x2], $0x1, s17, s26, $0xb8;
	[tilespmem:$0x17F8] =	vst v63  }
0xc3: {  	_ =	swait.ge [sflag:s28], $0x80  }
0xc4: {  	[sflag:s28] =	ssyncset.done $0x0  }
0xc5: {  	s18 =	simm.s32 $0x8F8;
	[sflag:s28] =	ssyncadd.s32 $0xFFFFFF80  }
0xc6: {  	[spmem:s2] =	stream.indirect.scatter.add.f32 [tilespmem:s22], [sflag:$0x1], $0x1, s18, s26, $0xb8;
	[tilespmem:$0x17F8] =	vst v63  }
0xc7: {  	_ =	swait.ge [sflag:s29], $0x80  }
0xc8: {  	s15 =	simm.s32 $0xFFFFCC00;
	s1 =	simm.s32 $0xFFFFF200;
	[sflag:s29] =	ssyncset.done $0x0  }
.LBB2_4:
0xc9: {  	s16 =	sadd.s32 $0x1778, s1  }
0xca: {  	[sflag:s29] =	ssyncadd.s32 $0xFFFFFF80;
	s17 =	smov.u32 s15;
	s18 =	sadd.s32 $0x400, s15  }
0xcb: {  	[spmem:s2] =	stream.indirect.scatter.add.f32 [tilespmem:s22], [sflag:$0x2], $0x1, s16, s26, $0xb8;
	[tilespmem:$0x17F8] =	vst v63  }
0xcc: {  	p3 =	sne.s32 s15, $0xFFFFFC00;
	_ =	swait.ge [sflag:s28], $0x80  }
.Ltmp9:
0xcd: {  	[sflag:s28] =	ssyncset.done $0x0;
	(pc) =	sbr.rel @p3 .LBB2_4-.Ltmp9, $4  }
0xce: {  	s1 =	sadd.s32 $0x17F8, s1;
	[sflag:s28] =	ssyncadd.s32 $0xFFFFFF80  }
0xcf: {  	[spmem:s2] =	stream.indirect.scatter.add.f32 [tilespmem:s22], [sflag:$0x1], $0x1, s1, s26, $0xb8;
	[tilespmem:$0x17F8] =	vst v63  }
0xd0: {  	_ =	swait.ge [sflag:s29], $0x80  }
0xd1: {  	s15 =	smov.u32 s18;
	s1 =	sshra.s32 s17, $0x2;
	[sflag:s29] =	ssyncset.done $0x0  }
0xd2: {  	s15 =	sadd.s32 $0x1778, s1;
	[sflag:s29] =	ssyncadd.s32 $0xFFFFFF80  }
0xd3: {  	[spmem:s2] =	stream.indirect.scatter.add.f32 [tilespmem:s22], [sflag:$0x2], $0x1, s15, s26, $0xb8;
	[tilespmem:$0x17F8] =	vst v63  }
0xd4: {  	_ =	swait.ge [sflag:s28], $0x80  }
0xd5: {  	[sflag:s28] =	ssyncset.done $0x0  }
0xd6: {  	s18 =	sadd.s32 $0x17F8, s1;
	[sflag:s28] =	ssyncadd.s32 $0xFFFFFF80  }
0xd7: {  	[spmem:s2] =	stream.indirect.scatter.add.f32 [tilespmem:s22], [sflag:$0x1], $0x1, s18, s26, $0xb8;
	[tilespmem:$0x17F8] =	vst v63  }
0xd8: {  	_ =	swait.ge [sflag:s29], $0x80  }
0xd9: {  	[sflag:s29] =	ssyncset.done $0x0  }
0xda: {  	s4 =	sadd.s32 $0x1, s4;
	[sflag:s29] =	ssyncadd.s32 $0xFFFFFF80  }
0xdb: {  	[spmem:s2] =	stream.indirect.scatter.add.f32 [tilespmem:s22], [sflag:$0x2], $0x1, s30, s26, $0xb8;
	[tilespmem:$0x17F8] =	vst v63  }
0xdc: {  	p3 =	sne.s32 s4, $0x5;
	_ =	swait.ge [sflag:s28], $0x80  }
.Ltmp10:
0xdd: {  	[sflag:s28] =	ssyncset.done $0x0;
	(pc) =	sbr.rel @p3 .LBB2_3-.Ltmp10, $4  }
0xde: {  	[sflag:s28] =	ssyncadd.s32 $0xFFFFFF80  }
0xdf: {  	_ =	swait.ge [sflag:s29], $0x80  }
0xe0: {  	[sflag:s29] =	ssyncset.done $0x0  }
0xe1: {  	[sflag:s29] =	ssyncadd.s32 $0xFFFFFF80  }
0xe2: {  	[bflag:$0x0] =	sbarrier.arrive $0xFFFF  }
0xe3: {  	[tilespmem:s31], [sflag:$0x3] =	stream.linear.gather [spmem:s12], $0x270, $0x38;
	[tilespmem:$0x17F8] =	vst v63  }
0xe4: {  	_ =	swait.ge [sflag:s23], $0x270  }
0xe5: {  	[sflag:s23] =	ssyncset.done $0x0  }
0xe6: {  	s1 =	rddreg [dreg:$0x4];
	[sflag:s23] =	ssyncadd.s32 $0xFFFFFD90  }
0xe7: {  	[hbm4b:s1+s3] =	stream.linear.scatter [tilespmem:s31], [sflag:$0x3], $0x270, $0x38;
	[tilespmem:$0x17F8] =	vst v63  }
0xe8: {  	_ =	swait.ge [sflag:s23], $0x270  }
0xe9: {  	[sflag:s23] =	ssyncset.done $0x0  }
0xea: {  	s1 =	simm.s32 @p1 $0x2F8;
	[sflag:s23] =	ssyncadd.s32 $0xFFFFFD90  }
0xeb: {  	[spmem:s12] =	stream.linear.scatter @p1 [tilespmem:s1], [sflag:$0x3], $0x270, $0x38;
	[tilespmem:$0x17F8] =	vst v63  }
0xec: {  	s1 =	simm.s32 @p1 $0x3  }
0xed: {  	_ =	swait.ge @p1 [sflag:s1], $0x270  }
0xee: {  	[sflag:s1] =	ssyncset.done @p1 $0x0  }
0xef: {  	s4 =	simm.s32 @!p1 $0x3;
	[sflag:s1] =	ssyncadd.s32 @p1 $0xFFFFFD90;
	s1 =	simm.s32 @!p1 $0x578  }
0xf0: {  	[tilespmem:s1], [sflag:$0x3] =	stream.linear.gather @!p1 [spmem:s13], $0x10, $0x38;
	[tilespmem:$0x17F8] =	vst v63  }
0xf1: {  	_ =	swait.ge @!p1 [sflag:s4], $0x10  }
0xf2: {  	[sflag:s4] =	ssyncset.done @!p1 $0x0  }
0xf3: {  	s15 =	simm.s32 @!p1 $0x0;
	s16 =	rddreg [dreg:$0x5];
	[sflag:s4] =	ssyncadd.s32 @!p1 $0xFFFFFFF0  }
0xf4: {  	[hbm4b:s16+s15] =	stream.linear.scatter @!p1 [tilespmem:s1], [sflag:$0x3], $0x10, $0x38;
	[tilespmem:$0x17F8] =	vst v63  }
0xf5: {  	_ =	swait.ge @!p1 [sflag:s4], $0x10  }
0xf6: {  	[sflag:s4] =	ssyncset.done @!p1 $0x0  }
0xf7: {  	s1 =	simm.s32 @!p1 $0x2F8;
	[sflag:s4] =	ssyncadd.s32 @!p1 $0xFFFFFFF0  }
0xf8: {  	[spmem:s12] =	stream.linear.scatter @!p1 [tilespmem:s1], [sflag:$0x3], $0x270, $0x38;
	[tilespmem:$0x17F8] =	vst v63  }
0xf9: {  	_ =	swait.ge @!p1 [sflag:s4], $0x270  }
0xfa: {  	[sflag:s4] =	ssyncset.done @!p1 $0x0  }
0xfb: {  	[sflag:s4] =	ssyncadd.s32 @!p1 $0xFFFFFD90  }
0xfc: {  	[spmem:s13] =	stream.linear.scatter @!p1 [tilespmem:s1], [sflag:$0x3], $0x10, $0x38;
	[tilespmem:$0x17F8] =	vst v63  }
0xfd: {  	_ =	swait.ge @!p1 [sflag:s4], $0x10  }
0xfe: {  	[sflag:s4] =	ssyncset.done @!p1 $0x0  }
0xff: {  	[sflag:s4] =	ssyncadd.s32 @!p1 $0xFFFFFFF0  }
0x100: {  	s4 =	simm.s32 $0x0;
	[bflag:$0x0] =	sbarrier.arrive $0xFFFF  }
.LBB2_7:
0x101: {  	s1 =	sshll.u32 s4, $0xC  }
0x102: {  	s1 =	sadd.s32 s14, s1  }
0x103: {  	s1 =	sshrl.u32 s1, $0x3  }
0x104: {  	s1 =	sadd.s32 s6, s1  }
0x105: {  	[tilespmem:s25], [sflag:$0x3] =	stream.linear.gather [hbm4b:s1+s3], $0x1000, $0x38;
	[tilespmem:$0x17F8] =	vst v63  }
0x106: {  	_ =	swait.ge [sflag:s23], $0x1000  }
0x107: {  	[sflag:s23] =	ssyncset.done $0x0  }
0x108: {  	[sflag:s23] =	ssyncadd.s32 $0xFFFFF000  }
0x109: {  	[spmem:s2] =	stream.indirect.scatter.add.f32 [tilespmem:s22], [sflag:$0x1], $0x1, s25, s26, $0xb8;
	[tilespmem:$0x17F8] =	vst v63  }
0x10a: {  	s17 =	simm.s32 $0x878  }
0x10b: {  	[spmem:s2] =	stream.indirect.scatter.add.f32 [tilespmem:s22], [sflag:$0x2], $0x1, s17, s26, $0xb8;
	[tilespmem:$0x17F8] =	vst v63  }
0x10c: {  	_ =	swait.ge [sflag:s28], $0x80  }
0x10d: {  	[sflag:s28] =	ssyncset.done $0x0  }
0x10e: {  	s18 =	simm.s32 $0x8F8;
	[sflag:s28] =	ssyncadd.s32 $0xFFFFFF80  }
0x10f: {  	[spmem:s2] =	stream.indirect.scatter.add.f32 [tilespmem:s22], [sflag:$0x1], $0x1, s18, s26, $0xb8;
	[tilespmem:$0x17F8] =	vst v63  }
0x110: {  	_ =	swait.ge [sflag:s29], $0x80  }
0x111: {  	s15 =	simm.s32 $0xFFFFCC00;
	s1 =	simm.s32 $0xFFFFF200;
	[sflag:s29] =	ssyncset.done $0x0  }
.LBB2_8:
0x112: {  	s16 =	sadd.s32 $0x1778, s1  }
0x113: {  	[sflag:s29] =	ssyncadd.s32 $0xFFFFFF80;
	s17 =	smov.u32 s15;
	s18 =	sadd.s32 $0x400, s15  }
0x114: {  	[spmem:s2] =	stream.indirect.scatter.add.f32 [tilespmem:s22], [sflag:$0x2], $0x1, s16, s26, $0xb8;
	[tilespmem:$0x17F8] =	vst v63  }
0x115: {  	p3 =	sne.s32 s15, $0xFFFFFC00;
	_ =	swait.ge [sflag:s28], $0x80  }
.Ltmp11:
0x116: {  	[sflag:s28] =	ssyncset.done $0x0;
	(pc) =	sbr.rel @p3 .LBB2_8-.Ltmp11, $4  }
0x117: {  	s1 =	sadd.s32 $0x17F8, s1;
	[sflag:s28] =	ssyncadd.s32 $0xFFFFFF80  }
0x118: {  	[spmem:s2] =	stream.indirect.scatter.add.f32 [tilespmem:s22], [sflag:$0x1], $0x1, s1, s26, $0xb8;
	[tilespmem:$0x17F8] =	vst v63  }
0x119: {  	_ =	swait.ge [sflag:s29], $0x80  }
0x11a: {  	s15 =	smov.u32 s18;
	s1 =	sshra.s32 s17, $0x2;
	[sflag:s29] =	ssyncset.done $0x0  }
0x11b: {  	s15 =	sadd.s32 $0x1778, s1;
	[sflag:s29] =	ssyncadd.s32 $0xFFFFFF80  }
0x11c: {  	[spmem:s2] =	stream.indirect.scatter.add.f32 [tilespmem:s22], [sflag:$0x2], $0x1, s15, s26, $0xb8;
	[tilespmem:$0x17F8] =	vst v63  }
0x11d: {  	_ =	swait.ge [sflag:s28], $0x80  }
0x11e: {  	[sflag:s28] =	ssyncset.done $0x0  }
0x11f: {  	s18 =	sadd.s32 $0x17F8, s1;
	[sflag:s28] =	ssyncadd.s32 $0xFFFFFF80  }
0x120: {  	[spmem:s2] =	stream.indirect.scatter.add.f32 [tilespmem:s22], [sflag:$0x1], $0x1, s18, s26, $0xb8;
	[tilespmem:$0x17F8] =	vst v63  }
0x121: {  	_ =	swait.ge [sflag:s29], $0x80  }
0x122: {  	[sflag:s29] =	ssyncset.done $0x0  }
0x123: {  	s4 =	sadd.s32 $0x1, s4;
	[sflag:s29] =	ssyncadd.s32 $0xFFFFFF80  }
0x124: {  	[spmem:s2] =	stream.indirect.scatter.add.f32 [tilespmem:s22], [sflag:$0x2], $0x1, s30, s26, $0xb8;
	[tilespmem:$0x17F8] =	vst v63  }
0x125: {  	p3 =	sne.s32 s4, $0x5;
	_ =	swait.ge [sflag:s28], $0x80  }
.Ltmp12:
0x126: {  	[sflag:s28] =	ssyncset.done $0x0;
	(pc) =	sbr.rel @p3 .LBB2_7-.Ltmp12, $4  }
0x127: {  	[sflag:s28] =	ssyncadd.s32 $0xFFFFFF80  }
0x128: {  	_ =	swait.ge [sflag:s29], $0x80  }
0x129: {  	[sflag:s29] =	ssyncset.done $0x0  }
0x12a: {  	[sflag:s29] =	ssyncadd.s32 $0xFFFFFF80  }
0x12b: {  	[bflag:$0x0] =	sbarrier.arrive $0xFFFF  }
0x12c: {  	[tilespmem:s31], [sflag:$0x3] =	stream.linear.gather [spmem:s12], $0x270, $0x38;
	[tilespmem:$0x17F8] =	vst v63  }
0x12d: {  	_ =	swait.ge [sflag:s23], $0x270  }
0x12e: {  	[sflag:s23] =	ssyncset.done $0x0  }
0x12f: {  	s1 =	rddreg [dreg:$0x6];
	[sflag:s23] =	ssyncadd.s32 $0xFFFFFD90  }
0x130: {  	[hbm4b:s1+s3] =	stream.linear.scatter [tilespmem:s31], [sflag:$0x3], $0x270, $0x38;
	[tilespmem:$0x17F8] =	vst v63  }
.Ltmp13:
0x131: {  	_ = 	snop;
	(pc) =	sbr.rel @p2 .LBB2_20-.Ltmp13, $4  }
.Ltmp14:
0x132: {  	_ = 	snop;
	(pc) =	sbr.rel @!p2 .LBB2_21-.Ltmp14, $4  }
0x133: {  	_ =	swait.ge [sflag:s23], $0x270  }
0x134: {  	[sflag:s23] =	ssyncset.done $0x0  }
0x135: {  	s1 =	smov.u32 s10;
	[sflag:s23] =	ssyncadd.s32 $0xFFFFFD90  }
0x136: {  	_ = 	snop  }
.LBB2_22:
0x137: {  	_ =	sfence.sel $0x180000  }
0x138: {  	[bflag:$0x0] =	sbarrier.arrive $0xFFFF  }
0x139: {  	_ =	strace $0x90000047  }
0x13a: {  	s0 =	stileid.u32;
	[bflag:$0x2] =	sbarrier.arrive $0xFFFF  }
0x13b: {  	p0 =	sne.s32 s0, $0x0;
	s0 =	rddreg [dreg:$0x3]  }
0x13c: {  	s0 =	sadd.s32 @!p0 $0x100000, s0  }
0x13d: {  	[sflag:s0] =	ssyncadd.tile.s32 @!p0 $0x1;
	_ =	shalt  }
.Lfunc_end2:
_tile_overlayer_lowered:
.L_overlay_start_2:
0x13e: {  	(tag) =	ssettag $0x2  }
0x13f: {  	s0 =	rddreg [dreg:$0x0];
	s2 =	stileid.u32  }
0x140: {  	s1 =	rddreg [dreg:$0x1];
	p0 =	sne.s32 s2, $0x0  }
0x141: {  	s3 =	rddreg [dreg:$0x2];
	[bflag:$0x3] =	sbarrier.arrive $0xFFFF;
	s2 =	simm.s32 @!p0 $0x1C03  }
0x142: {  	[timem:s3], [sflag:s2] =	dma.local @!p0 [hbm:s0], s1  }
0x143: {  	s0 =	simm.s32 @!p0 $0x3  }
0x144: {  	_ =	swait.ge @!p0 [sflag:s0], s1  }
0x145: {  	s1 =	ssub.s32 @!p0 $0x0, s1;
	[sflag:s0] =	ssyncset.done @!p0 $0x0  }
0x146: {  	[sflag:s0] =	ssyncadd.s32 @!p0 s1  }
0x147: {  	[bflag:$0x3] =	sbarrier.arrive $0xFFFF  }
0x148: {  	_ =	shalt  }

// kernel: kernel.13.cloned.1.call-start
scs
__scs_entry_jumppad:
0x0: {  	(pc) =	sbr.rel $0x88, $3  }
0x1: {  	(tag) =	ssettag $0x0;
	lr =	simm.s32 $0x1  }
0x2: {  	[smem:$0x3F82] =	sst lr;
	_ =	strace $0xD0000000  }
0x3: {  	_ = 	snop  }
0x4: {  	_ = 	snop  }
0x5: {  	_ = 	snop  }
0x6: {  	_ = 	snop  }
0x7: {  	_ = 	snop  }
__scs_overlays_trampoline_lowered:
0x8: {  	[smem:$0x3F91] =	sst s0  }
0x9: {  	[smem:$0x3F92] =	sst s1  }
0xa: {  	[smem:$0x3F93] =	sst s2  }
0xb: {  	[smem:$0x3F94] =	sst s3  }
0xc: {  	[smem:$0x3F95] =	sst s4  }
0xd: {  	[smem:$0x3F96] =	sst s5  }
0xe: {  	[smem:$0x3F97] =	sst s6  }
0xf: {  	[smem:$0x3F98] =	sst s7  }
0x10: {  	[smem:$0x3F99] =	sst s8  }
0x11: {  	[smem:$0x3F9A] =	sst s9;
	s0 =	simm.s32 @!p0 $0x0  }
0x12: {  	s1 =	sld [smem:$0x3F80];
	s0 =	simm.s32 @p0 $0x1  }
0x13: {  	[smem:$0x3F9B] =	sst s0;
	s0 =	simm.s32 @!p1 $0x0  }
0x14: {  	s2 =	sld [smem:$0x3F7F];
	s0 =	simm.s32 @p1 $0x1  }
0x15: {  	[smem:$0x3F9C] =	sst s0;
	s0 =	simm.s32 @!p2 $0x0  }
0x16: {  	s3 =	sld [smem:$0x3FDB];
	s0 =	simm.s32 @p2 $0x1  }
0x17: {  	s4 =	simm.s32 $0x1BF5;
	[smem:$0x3F9E] =	sst s0  }
0x18: {  	s0 =	sld [smem:$0x3F81];
	_ =	swait.ge [sflag:s4], $0x0  }
0x19: {  	s7 =	sld [smem:$0x3F82]  }
0x1a: {  	s8 =	sadd.s32 $0xFFFFE003, lr  }
0x1b: {  	s9 =	sadd.s32 $0xFFFFFEF7, lr;
	s5 =	simm.s32 $0xFFFFFFFF;
	p2 =	slt.u32 s8, $0xFFFFF086  }
0x1c: {  	p1 =	slt.u32 s9, $0xF7A;
	s5 =	simm.s32 @!p2 $0x0  }
0x1d: {  	s5 =	simm.s32 @p1 $0x1;
	p0 =	seq.s32 s7, s2  }
0x1e: {  	s7 =	smul.u32 @!p0 $0xF7A, s2;
	p2 =	seq.s32 @!p0 s5, $0x0  }
0x1f: {  	s9 =	smul.u32 $0xF7A, s1;
	s8 =	simm.s32 @!p0 $0x1BF5;
	p2 =	por !p2, p0  }
0x20: {  	[sflag:s8] =	ssyncset.s32 @!p0 $0xFFFFF086;
	s6 =	sadd.s32 @!p0 s3, s7;
	s7 =	simm.s32 @!p0 $0x108  }
0x21: {  	s3 =	sadd.s32 s3, s9;
	s6 =	sadd.s32 @!p0 $0x88, s6;
	s7 =	simm.s32 @p2 $0x1082  }
0x22: {  	[simem:s7], [sflag:s8] =	dma.local @!p0 [hbm:s6], $0xF7A  }
0x23: {  	s9 =	sor.u32 $0xD0000000, s2;
	s6 =	simm.s32 $0x108;
	_ =	swait.ge @!p0 [sflag:s8], $0x0  }
0x24: {  	s3 =	sadd.s32 $0x88, s3;
	s6 =	simm.s32 @!p1 $0x1082;
	[sflag:s4] =	ssyncset.s32 $0xFFFFF086  }
0x25: {  	[simem:s6], [sflag:s4] =	dma.local [hbm:s3], $0xF7A  }
0x26: {  	[smem:$0x3F82] =	sst s1;
	(tag) =	ssettag s2;
	_ =	strace s9  }
0x27: {  	s1 =	sld [smem:$0x3F92]  }
0x28: {  	s2 =	sld [smem:$0x3F93]  }
0x29: {  	s4 =	sld [smem:$0x3F95]  }
0x2a: {  	p0 =	seq.s32 s5, $0x0;
	s5 =	sld [smem:$0x3F96]  }
0x2b: {  	s6 =	sld [smem:$0x3F97]  }
0x2c: {  	s7 =	sld [smem:$0x3F98]  }
0x2d: {  	s3 =	simm.s32 $0x108;
	s8 =	sld [smem:$0x3F99]  }
0x2e: {  	s3 =	simm.s32 @!p0 $0x1082;
	s9 =	sld [smem:$0x3F9A]  }
0x2f: {  	lr =	sadd.s32 s0, s3;
	s0 =	sld [smem:$0x3F91]  }
0x30: {  	s3 =	sld [smem:$0x3F94]  }
0x31: {  	[smem:$0x3F9D] =	sst s10  }
0x32: {  	s10 =	sld [smem:$0x3F9B];
	_ =	sdelay $0x3  }
0x33: {  	p0 =	seq.s32 s10, $0x1;
	s10 =	sld [smem:$0x3F9D];
	_ =	sdelay $0x3  }
0x34: {  	[smem:$0x3F9D] =	sst s10  }
0x35: {  	s10 =	sld [smem:$0x3F9C];
	_ =	sdelay $0x3  }
0x36: {  	p1 =	seq.s32 s10, $0x1;
	s10 =	sld [smem:$0x3F9D];
	_ =	sdelay $0x3  }
0x37: {  	[smem:$0x3F9D] =	sst s10  }
0x38: {  	s10 =	sld [smem:$0x3F9E]  }
0x39: {  	_ = 	snop;
	(pc) =	sbr.ind lr, $3  }
0x3a: {  	_ = 	snop  }
0x3b: {  	_ = 	snop  }
0x3c: {  	p2 =	seq.s32 s10, $0x1;
	s10 =	sld [smem:$0x3F9D]  }
0x3d: {  	_ =	shalt  }
0x3e: {  	_ =	shalt  }
0x3f: {  	_ =	shalt  }
0x40: {  	_ =	shalt  }
0x41: {  	_ =	shalt  }
0x42: {  	_ =	shalt  }
0x43: {  	_ =	shalt  }
0x44: {  	_ =	shalt  }
0x45: {  	_ =	shalt  }
0x46: {  	_ =	shalt  }
0x47: {  	_ =	shalt  }
0x48: {  	_ =	shalt  }
0x49: {  	_ =	shalt  }
0x4a: {  	_ =	shalt  }
0x4b: {  	_ =	shalt  }
0x4c: {  	_ =	shalt  }
0x4d: {  	_ =	shalt  }
0x4e: {  	_ =	shalt  }
0x4f: {  	_ =	shalt  }
0x50: {  	_ =	shalt  }
0x51: {  	_ =	shalt  }
0x52: {  	_ =	shalt  }
0x53: {  	_ =	shalt  }
0x54: {  	_ =	shalt  }
0x55: {  	_ =	shalt  }
0x56: {  	_ =	shalt  }
0x57: {  	_ =	shalt  }
0x58: {  	_ =	shalt  }
0x59: {  	_ =	shalt  }
0x5a: {  	_ =	shalt  }
0x5b: {  	_ =	shalt  }
0x5c: {  	_ =	shalt  }
0x5d: {  	_ =	shalt  }
0x5e: {  	_ =	shalt  }
0x5f: {  	_ =	shalt  }
0x60: {  	_ =	shalt  }
0x61: {  	_ =	shalt  }
0x62: {  	_ =	shalt  }
0x63: {  	_ =	shalt  }
0x64: {  	_ =	shalt  }
0x65: {  	_ =	shalt  }
0x66: {  	_ =	shalt  }
0x67: {  	_ =	shalt  }
0x68: {  	_ =	shalt  }
0x69: {  	_ =	shalt  }
0x6a: {  	_ =	shalt  }
0x6b: {  	_ =	shalt  }
0x6c: {  	_ =	shalt  }
0x6d: {  	_ =	shalt  }
0x6e: {  	_ =	shalt  }
0x6f: {  	_ =	shalt  }
0x70: {  	_ =	shalt  }
0x71: {  	_ =	shalt  }
0x72: {  	_ =	shalt  }
0x73: {  	_ =	shalt  }
0x74: {  	_ =	shalt  }
0x75: {  	_ =	shalt  }
0x76: {  	_ =	shalt  }
0x77: {  	_ =	shalt  }
0x78: {  	_ =	shalt  }
0x79: {  	_ =	shalt  }
0x7a: {  	_ =	shalt  }
0x7b: {  	_ =	shalt  }
0x7c: {  	_ =	shalt  }
0x7d: {  	_ =	shalt  }
0x7e: {  	_ =	shalt  }
0x7f: {  	_ =	shalt  }
0x80: {  	_ =	shalt  }
0x81: {  	_ =	shalt  }
0x82: {  	_ =	shalt  }
0x83: {  	_ =	shalt  }
0x84: {  	_ =	shalt  }
0x85: {  	_ =	shalt  }
0x86: {  	_ =	shalt  }
0x87: {  	_ =	shalt  }
.Lfunc_end0:
.L_simem_size_0:
called_computation.1_lowered:
.L_overlay_start_0:
0x88: {  	s2 =	sld [smem:$0x3FD9]  }
0x89: {  	s3 =	sld [smem:$0x3FFE];
	_ =	sdelay $0x1  }
0x8a: {  	s1 =	srdreg.scid  }
0x8b: {  	s0 =	sand.u32 $0x1, s1  }
0x8c: {  	s16 =	sshll.u32 s0, $0xA;
	s2 =	sadd.s32 s3, s2  }
0x8d: {  	s2 =	sadd.s32 s2, s16  }
0x8e: {  	[smem:$0x3FA9] =	sst s2  }
0x8f: {  	_ = 	snop  }
0x90: {  	(tm) =	ssettm $0x1  }
0x91: {  	s17 =	sld [smem:$0x3FFB];
	_ =	sdelay $0x3  }
0x92: {  	_ =	strace s17  }
0x93: {  	s2 =	sld [smem:$0x3FFC];
	_ =	sdelay $0x3  }
0x94: {  	_ =	strace s2  }
0x95: {  	s2 =	sld [smem:$0x3FFD];
	_ =	sdelay $0x3  }
0x96: {  	_ =	strace s2  }
0x97: {  	_ =	strace $0x8FFFFFFF  }
0x98: {  	s18 =	sld [smem:$0x3FDB];
	_ =	sdelay $0x1  }
0x99: {  	s19 =	simm.s32 $_scs_section_size  }
0x9a: {  	s4 =	simm.s32 $_size__tile_overlayer_lowered;
	s5 =	simm.s32 $_tile_overlayer_lowered  }
0x9b: {  	s22 =	simm.s32 $0x1BFF;
	s21 =	sshll.u32 s5, $0x1;
	s2 =	sadd.s32 s19, s18  }
0x9c: {  	s6 =	simm.s32 $0x0;
	s20 =	sshll.u32 s4, $0x1;
	s4 =	sadd.s32 s21, s2  }
0x9d: {  	[timem:s6], [sflag:s22] =	dma.local [hbm:s4], s20  }
0x9e: {  	_ =	swait.ge [sflag:s22], s20  }
0x9f: {  	s3 =	ssub.s32 $0x0, s20;
	[sflag:s22] =	ssyncset.done $0x0  }
0xa0: {  	[sflag:s22] =	ssyncadd.s32 s3;
	_ =	sdelay $0x1  }
0xa1: {  	s23 =	simm.s32 $0x1B8B  }
0xa2: {  	_ =	swait.ge [sflag:s23], $0x1  }
0xa3: {  	[sflag:s23] =	ssyncset.done $0x0  }
0xa4: {  	s25 =	simm.s32 $0x1B8E;
	s24 =	sld [smem:$0x3FFE];
	[sflag:s23] =	ssyncadd.s32 $0xFFFFFFFF  }
0xa5: {  	s26 =	simm.s32 $execute0_lowered;
	[smem:$0x3FD2] =	sst s25  }
0xa6: {  	s4 =	sshll.u32 s26, $0x1;
	_ =	strace $0x80000049;
	[dreg:$0x1] =	wrdreg $0xFFFFFFFF  }
0xa7: {  	s28 =	simm.s32 $_size_execute0_lowered;
	s2 =	sadd.s32 s2, s4;
	[dreg:$0x0] =	wrdreg $0x0  }
0xa8: {  	s4 =	sshll.u32 s28, $0x1;
	[dreg:$0x2] =	wrdreg s2  }
0xa9: {  	[dreg:$0x3] =	wrdreg s4  }
0xaa: {  	[dreg:$0x4] =	wrdreg $0xC0  }
0xab: {  	_ =	task [dreg:s6], $0x5FFFF  }
0xac: {  	[dreg:$0x1] =	wrdreg $0xFFFFFFFF  }
0xad: {  	[dreg:$0x0] =	wrdreg $0x60  }
0xae: {  	[dreg:$0x2] =	wrdreg s24  }
0xaf: {  	[dreg:$0x3] =	wrdreg $0x0  }
0xb0: {  	[dreg:$0x4] =	wrdreg $0x9  }
0xb1: {  	_ =	task.clear_ibuf [dreg:s6], $0x5FFFF;
	_ =	strace $0x90000049  }
0xb2: {  	s29 =	simm.s32 $0x9;
	_ =	strace $0x8000004B  }
0xb3: {  	_ =	swait.ge [sflag:s29], $0x1  }
0xb4: {  	[sflag:s29] =	ssyncadd.s32 $0xFFFFFFFF  }
0xb5: {  	_ =	strace $0x9000004B  }
0xb6: {  	_ =	sfence  }
0xb7: {  	s30 =	sld [smem:$0x0];
	_ =	sdelay $0x2  }
0xb8: {  	s31 =	sshll.u32 s1, $0xD;
	s1 =	sshrl.u32 s1, $0x2  }
0xb9: {  	s3 =	sand.u32 $0x4000, s31;
	s1 =	sadd.s32 s1, s30  }
0xba: {  	s0 =	sor.u32 s3, s0;
	s1 =	sshll.u32 s1, $0x11  }
0xbb: {  	s0 =	sor.u32 s1, s0  }
0xbc: {  	s0 =	sadd.s32 $0x8F2B, s0  }
0xbd: {  	[sflag:s0] =	ssyncadd.remote.s32 $0x1  }
0xbe: {  	_ =	sfence.sel $0xFFFF  }
0xbf: {  	[dreg:$0x0] =	wrdreg $0xFFFFFFFF;
	(pc) =	sbr.abs _section_cstart, $3  }
0xc0: {  	[dreg:$0x1] =	wrdreg $0xFFFFFFFF  }
0xc1: {  	_ =	task.clear_ibuf [dreg:s6], $0x2FFFF;
	_ =	strace $0x9FFFFFFF  }
0xc2: {  	(tm) =	ssettm $0x7FFFFFFF  }
0xc3: {  	_ =	shalt  }
tec
execute0_lowered:
.L_overlay_start_1:
0x0: {  	(tag) =	ssettag $0x1  }
0x1: {  	s0 =	rddreg [dreg:$0x0]  }
0x2: {  	s1 =	rddreg [dreg:$0x1];
	s2 =	simm.s32 $0x0  }
0x3: {  	s17 =	stileid.u32;
	s10 =	srdreg.scid;
	s21 =	simm.s32 $0x3  }
0x4: {  	s28 =	simm.s32 $0x1B900;
	s29 =	simm.s32 $0x158C0;
	s30 =	simm.s32 $0x178C0  }
0x5: {  	s31 =	simm.s32 $0x198C0;
	[smem:$0x7FF] =	sst s2;
	s4 =	sadd.s32 $0xB9A00, s0  }
0x6: {  	s5 =	sadd.s32 $0x92800, s0;
	s6 =	sadd.s32 $0x2E600, s0;
	s7 =	sadd.s32 $0x38600, s0  }
0x7: {  	s3 =	smul.u32 $0x2700, s17;
	s8 =	sadd.s32 $0x10600, s0;
	s9 =	sadd.s32 $0x1A600, s0  }
0x8: {  	s10 =	sand.u32 $0x1, s10;
	s13 =	smul.u32 $0x4E000, s17;
	s18 =	sadd.s32 $0x107E00, s0  }
0x9: {  	s19 =	sadd.s32 $0x12F000, s0;
	s23 =	sshll.u32 s17, $0x6;
	s16 =	smul.u32 $0x5000, s17  }
0xa: {  	p0 =	sne.s32 s17, $0xF;
	p2 =	seq.s32 s17, $0xF;
	s17 =	simm.s32 $0x2  }
0xb: {  	_ =	strace $0x8000004A;
	s12 =	ssub.s32 $0x2, s10;
	[dreg:$0x4] =	wrdreg s19  }
0xc: {  	s20 =	sor.u32 $0x1C03, s23;
	[dreg:$0x3] =	wrdreg s18;
	p1 =	sne.s32 s10, $0x0  }
0xd: {  	s23 =	simm.s32 $0x1B8C0;
	s10 =	simm.s32 $0x1C880;
	s11 =	sadd.s32 s3, s0  }
0xe: {  	s14 =	sshrl.u32 s12, $0x1;
	s13 =	sshrl.u32 s13, $0x2;
	s0 =	sadd.s32 $0x107C00, s0  }
0xf: {  	s24 =	sadd.s32 s19, s3;
	s25 =	sadd.s32 s18, s3;
	[dreg:$0x6] =	wrdreg s20  }
0x10: {  	s3 =	simm.s32 $0x80;
	s18 =	simm.s32 $0x1C840;
	[dreg:$0x8] =	wrdreg s0  }
0x11: {  	s12 =	ssub.s32 s12, s14;
	s15 =	sadd.s32 s13, s1;
	[dreg:$0x9] =	wrdreg s24  }
0x12: {  	s11 =	sadd.s32 $0xE0C00, s11;
	[dreg:$0xa] =	wrdreg s25;
	s24 =	simm.s32 $0x1C8C0  }
.Ltmp0:
0x13: {  	[dreg:$0x5] =	wrdreg s11;
	s26 =	smax.u32 s12, $0x1;
	(pc) =	sbr.rel .LBB2_1-.Ltmp0, $4  }
0x14: {  	s25 =	simm.s32 $0x40;
	s11 =	sadd.s32 $0x138000, s1;
	[dreg:$0xb] =	wrdreg s26  }
0x15: {  	s14 =	simm.s32 $0x1D840;
	s15 =	sshrl.u32 s15, $0x3;
	[dreg:$0x7] =	wrdreg s11  }
0x16: {  	s0 =	sshrl.u32 @!p0 s11, $0x3;
	s26 =	simm.s32 $0x138C0;
	[dreg:$0xc] =	wrdreg s15  }
0x17: {  	s11 =	simm.s32 $0x1D7C0;
	[dreg:$0xd] =	wrdreg s0;
	s0 =	simm.s32 $0x1  }
.LBB2_10:
0x18: {  	s13 =	rddreg [dreg:$0x7]  }
0x19: {  	s12 =	sadd.s32 $0x27000, s12;
	s13 =	sshrl.u32 s13, $0x3  }
0x1a: {  	[hbm:s12], [sflag:s20] =	dma.local [spmem:s13], $0x100  }
0x1b: {  	_ =	swait.ge [sflag:s21], $0x100  }
0x1c: {  	[sflag:s21] =	ssyncset.done $0x0  }
0x1d: {  	[sflag:s21] =	ssyncadd.s32 $0xFFFFFF00  }
.LBB2_11:
0x1e: {  	s2 =	sadd.s32 $0x1, s2;
	s12 =	rddreg [dreg:$0xb]  }
0x1f: {  	p3 =	sne.s32 s2, s12  }
.Ltmp1:
0x20: {  	_ = 	snop;
	(pc) =	sbr.rel @!p3 .LBB2_12-.Ltmp1, $1  }
0x21: {  	_ =	sdelay $0x3  }
.LBB2_1:
0x22: {  	s12 =	rddreg [dreg:$0x5]  }
0x23: {  	[spmem:s15], [sflag:s20] =	dma.local [hbm:s12], $0x2700  }
0x24: {  	_ =	swait.ge [sflag:s21], $0x2700  }
0x25: {  	[sflag:s21] =	ssyncset.done $0x0;
	s12 =	rddreg [dreg:$0x8]  }
0x26: {  	s13 =	rddreg [dreg:$0xd];
	[sflag:s21] =	ssyncadd.s32 $0xFFFFD900  }
0x27: {  	[spmem:s13], [sflag:s20] =	dma.local @!p0 [hbm:s12], $0x100  }
0x28: {  	s12 =	simm.s32 @!p0 $0x3  }
.Ltmp2:
0x29: {  	_ =	swait.ge @!p0 [sflag:s12], $0x100;
	(pc) =	sbr.rel @p1 .LBB2_6-.Ltmp2, $4  }
0x2a: {  	[sflag:s12] =	ssyncset.done @!p0 $0x0  }
0x2b: {  	[sflag:s12] =	ssyncadd.s32 @!p0 $0xFFFFFF00  }
0x2c: {  	[bflag:$0x0] =	sbarrier.arrive $0xFFFF  }
0x2d: {  	s15 =	simm.s32 $0x0;
	s12 =	simm.s32 $0x0  }
.LBB2_2:
0x2e: {  	s15 =	sshll.u32 s12, $0xC  }
0x2f: {  	s15 =	sadd.s32 s16, s15  }
0x30: {  	s15 =	sshrl.u32 s15, $0x3  }
0x31: {  	s22 =	simm.s32 $0x0;
	s19 =	sadd.s32 s6, s15  }
0x32: {  	[tilespmem:s23], [sflag:$0x3] =	stream.linear.gather [hbm4b:s19+s22], $0x1000, $0x38;
	[tilespmem:$0x1D8C0] =	vst v63  }
0x33: {  	_ =	swait.ge [sflag:s21], $0x1000  }
0x34: {  	[sflag:s21] =	ssyncset.done $0x0  }
0x35: {  	s15 =	sadd.s32 s7, s15;
	[sflag:s21] =	ssyncadd.s32 $0xFFFFF000  }
0x36: {  	[tilespmem:s24], [sflag:$0x3] =	stream.linear.gather [hbm4b:s15+s22], $0x1000, $0x38;
	[tilespmem:$0x1D8C0] =	vst v63  }
0x37: {  	_ =	swait.ge [sflag:s21], $0x1000  }
0x38: {  	[sflag:s21] =	ssyncset.done $0x0  }
0x39: {  	[sflag:s21] =	ssyncadd.s32 $0xFFFFF000  }
0x3a: {  	[tilespmem:s26], [sflag:$0x1] =	stream.indirect.gather [hbm4b:s4+s25], $0x80, s23, s25, $0xb8;
	[tilespmem:$0x1D8C0] =	vst v63  }
0x3b: {  	_ = 	snop  }
0x3c: {  	[tilespmem:s29], [sflag:$0x1] =	stream.indirect.gather [hbm4b:s4+s25], $0x80, s28, s25, $0xb8;
	[tilespmem:$0x1D8C0] =	vst v63  }
0x3d: {  	s20 =	simm.s32 $0x1B940  }
0x3e: {  	[tilespmem:s30], [sflag:$0x2] =	stream.indirect.gather [hbm4b:s4+s25], $0x80, s20, s25, $0xb8;
	[tilespmem:$0x1D8C0] =	vst v63  }
0x3f: {  	s22 =	simm.s32 $0x1B980  }
0x40: {  	[tilespmem:s31], [sflag:$0x2] =	stream.indirect.gather [hbm4b:s4+s25], $0x80, s22, s25, $0xb8;
	[tilespmem:$0x1D8C0] =	vst v63  }
0x41: {  	_ =	swait.ge [sflag:s0], $0x2000  }
0x42: {  	[sflag:s0] =	ssyncset.done $0x0  }
0x43: {  	[sflag:s0] =	ssyncadd.s32 $0xFFFFE000  }
0x44: {  	_ =	swait.ge [sflag:s0], $0x2000  }
0x45: {  	[sflag:s0] =	ssyncset.done $0x0  }
0x46: {  	s13 =	simm.s32 $0x1C8C0;
	[sflag:s0] =	ssyncadd.s32 $0xFFFFE000  }
0x47: {  	[spmem:s1] =	stream.indirect.scatter.add.f32 [tilespmem:s26], [sflag:$0x3], $0x80, s13, s3, $0xb8;
	[tilespmem:$0x1D8C0] =	vst v63  }
0x48: {  	_ =	swait.ge [sflag:s21], $0x4000  }
0x49: {  	[sflag:s21] =	ssyncset.done $0x0  }
0x4a: {  	s19 =	simm.s32 $0x1B9C0;
	[sflag:s21] =	ssyncadd.s32 $0xFFFFC000  }
0x4b: {  	[tilespmem:s26], [sflag:$0x1] =	stream.indirect.gather [hbm4b:s4+s25], $0x80, s19, s25, $0xb8;
	[tilespmem:$0x1D8C0] =	vst v63  }
0x4c: {  	s20 =	simm.s32 $0x1BA00  }
0x4d: {  	[tilespmem:s29], [sflag:$0x1] =	stream.indirect.gather [hbm4b:s4+s25], $0x80, s20, s25, $0xb8;
	[tilespmem:$0x1D8C0] =	vst v63  }
0x4e: {  	_ =	swait.ge [sflag:s17], $0x2000  }
0x4f: {  	[sflag:s17] =	ssyncset.done $0x0  }
0x50: {  	[sflag:s17] =	ssyncadd.s32 $0xFFFFE000  }
0x51: {  	_ =	swait.ge [sflag:s17], $0x2000  }
0x52: {  	[sflag:s17] =	ssyncset.done $0x0  }
0x53: {  	s22 =	simm.s32 $0x1C940;
	[sflag:s17] =	ssyncadd.s32 $0xFFFFE000  }
0x54: {  	[spmem:s1] =	stream.indirect.scatter.add.f32 [tilespmem:s30], [sflag:$0x3], $0x80, s22, s3, $0xb8;
	[tilespmem:$0x1D8C0] =	vst v63  }
0x55: {  	_ =	swait.ge [sflag:s21], $0x4000  }
0x56: {  	s15 =	simm.s32 $0x100;
	s19 =	simm.s32 $0x800;
	[sflag:s21] =	ssyncset.done $0x0  }
.LBB2_3:
0x57: {  	s22 =	sadd.s32 $0x1B940, s15  }
0x58: {  	[sflag:s21] =	ssyncadd.s32 $0xFFFFC000;
	s20 =	smov.u32 s19;
	s13 =	sadd.s32 $0x400, s19  }
0x59: {  	[tilespmem:s30], [sflag:$0x2] =	stream.indirect.gather [hbm4b:s4+s25], $0x80, s22, s25, $0xb8;
	[tilespmem:$0x1D8C0] =	vst v63  }
0x5a: {  	p3 =	sne.s32 s19, $0x3800;
	s19 =	sadd.s32 $0x1B980, s15  }
0x5b: {  	[tilespmem:s31], [sflag:$0x2] =	stream.indirect.gather [hbm4b:s4+s25], $0x80, s19, s25, $0xb8;
	[tilespmem:$0x1D8C0] =	vst v63  }
0x5c: {  	_ =	swait.ge [sflag:s0], $0x2000  }
0x5d: {  	[sflag:s0] =	ssyncset.done $0x0  }
0x5e: {  	[sflag:s0] =	ssyncadd.s32 $0xFFFFE000  }
0x5f: {  	_ =	swait.ge [sflag:s0], $0x2000  }
0x60: {  	[sflag:s0] =	ssyncset.done $0x0  }
0x61: {  	s19 =	sadd.s32 $0x1C8C0, s15;
	[sflag:s0] =	ssyncadd.s32 $0xFFFFE000  }
0x62: {  	[spmem:s1] =	stream.indirect.scatter.add.f32 [tilespmem:s26], [sflag:$0x3], $0x80, s19, s3, $0xb8;
	[tilespmem:$0x1D8C0] =	vst v63  }
0x63: {  	_ =	swait.ge [sflag:s21], $0x4000  }
0x64: {  	[sflag:s21] =	ssyncset.done $0x0  }
0x65: {  	s19 =	sadd.s32 $0x1B9C0, s15;
	[sflag:s21] =	ssyncadd.s32 $0xFFFFC000  }
0x66: {  	[tilespmem:s26], [sflag:$0x1] =	stream.indirect.gather [hbm4b:s4+s25], $0x80, s19, s25, $0xb8;
	[tilespmem:$0x1D8C0] =	vst v63  }
0x67: {  	s19 =	sadd.s32 $0x1BA00, s15  }
0x68: {  	[tilespmem:s29], [sflag:$0x1] =	stream.indirect.gather [hbm4b:s4+s25], $0x80, s19, s25, $0xb8;
	[tilespmem:$0x1D8C0] =	vst v63  }
0x69: {  	_ =	swait.ge [sflag:s17], $0x2000  }
0x6a: {  	[sflag:s17] =	ssyncset.done $0x0  }
0x6b: {  	[sflag:s17] =	ssyncadd.s32 $0xFFFFE000  }
0x6c: {  	_ =	swait.ge [sflag:s17], $0x2000  }
.Ltmp3:
0x6d: {  	[sflag:s17] =	ssyncset.done $0x0;
	(pc) =	sbr.rel @p3 .LBB2_3-.Ltmp3, $4  }
0x6e: {  	s15 =	sadd.s32 $0x1C940, s15;
	[sflag:s17] =	ssyncadd.s32 $0xFFFFE000  }
0x6f: {  	[spmem:s1] =	stream.indirect.scatter.add.f32 [tilespmem:s30], [sflag:$0x3], $0x80, s15, s3, $0xb8;
	[tilespmem:$0x1D8C0] =	vst v63  }
0x70: {  	_ =	swait.ge [sflag:s21], $0x4000  }
0x71: {  	s19 =	smov.u32 s13;
	s15 =	sshra.s32 s20, $0x2;
	[sflag:s21] =	ssyncset.done $0x0  }
0x72: {  	s13 =	sadd.s32 $0x1B940, s15;
	[sflag:s21] =	ssyncadd.s32 $0xFFFFC000  }
0x73: {  	[tilespmem:s30], [sflag:$0x2] =	stream.indirect.gather [hbm4b:s4+s25], $0x80, s13, s25, $0xb8;
	[tilespmem:$0x1D8C0] =	vst v63  }
0x74: {  	s20 =	sadd.s32 $0x1B980, s15  }
0x75: {  	[tilespmem:s31], [sflag:$0x2] =	stream.indirect.gather [hbm4b:s4+s25], $0x80, s20, s25, $0xb8;
	[tilespmem:$0x1D8C0] =	vst v63  }
0x76: {  	_ =	swait.ge [sflag:s0], $0x2000  }
0x77: {  	[sflag:s0] =	ssyncset.done $0x0  }
0x78: {  	[sflag:s0] =	ssyncadd.s32 $0xFFFFE000  }
0x79: {  	_ =	swait.ge [sflag:s0], $0x2000  }
0x7a: {  	[sflag:s0] =	ssyncset.done $0x0  }
0x7b: {  	s22 =	sadd.s32 $0x1C8C0, s15;
	[sflag:s0] =	ssyncadd.s32 $0xFFFFE000  }
0x7c: {  	[spmem:s1] =	stream.indirect.scatter.add.f32 [tilespmem:s26], [sflag:$0x3], $0x80, s22, s3, $0xb8;
	[tilespmem:$0x1D8C0] =	vst v63  }
0x7d: {  	_ =	swait.ge [sflag:s21], $0x4000  }
0x7e: {  	[sflag:s21] =	ssyncset.done $0x0  }
0x7f: {  	s19 =	sadd.s32 $0x1B9C0, s15;
	[sflag:s21] =	ssyncadd.s32 $0xFFFFC000  }
0x80: {  	[tilespmem:s26], [sflag:$0x1] =	stream.indirect.gather [hbm4b:s4+s25], $0x80, s19, s25, $0xb8;
	[tilespmem:$0x1D8C0] =	vst v63  }
0x81: {  	s20 =	sadd.s32 $0x1BA00, s15  }
0x82: {  	[tilespmem:s29], [sflag:$0x1] =	stream.indirect.gather [hbm4b:s4+s25], $0x80, s20, s25, $0xb8;
	[tilespmem:$0x1D8C0] =	vst v63  }
0x83: {  	_ =	swait.ge [sflag:s17], $0x2000  }
0x84: {  	[sflag:s17] =	ssyncset.done $0x0  }
0x85: {  	[sflag:s17] =	ssyncadd.s32 $0xFFFFE000  }
0x86: {  	_ =	swait.ge [sflag:s17], $0x2000  }
0x87: {  	[sflag:s17] =	ssyncset.done $0x0  }
0x88: {  	s22 =	sadd.s32 $0x1C940, s15;
	[sflag:s17] =	ssyncadd.s32 $0xFFFFE000  }
0x89: {  	[spmem:s1] =	stream.indirect.scatter.add.f32 [tilespmem:s30], [sflag:$0x3], $0x80, s22, s3, $0xb8;
	[tilespmem:$0x1D8C0] =	vst v63  }
0x8a: {  	_ =	swait.ge [sflag:s21], $0x4000  }
0x8b: {  	[sflag:s21] =	ssyncset.done $0x0  }
0x8c: {  	[sflag:s21] =	ssyncadd.s32 $0xFFFFC000  }
0x8d: {  	[tilespmem:s30], [sflag:$0x2] =	stream.indirect.gather [hbm4b:s4+s25], $0x80, s18, s25, $0xb8;
	[tilespmem:$0x1D8C0] =	vst v63  }
0x8e: {  	_ = 	snop  }
0x8f: {  	[tilespmem:s31], [sflag:$0x2] =	stream.indirect.gather [hbm4b:s4+s25], $0x80, s10, s25, $0xb8;
	[tilespmem:$0x1D8C0] =	vst v63  }
0x90: {  	_ =	swait.ge [sflag:s0], $0x2000  }
0x91: {  	[sflag:s0] =	ssyncset.done $0x0  }
0x92: {  	[sflag:s0] =	ssyncadd.s32 $0xFFFFE000  }
0x93: {  	_ =	swait.ge [sflag:s0], $0x2000  }
0x94: {  	[sflag:s0] =	ssyncset.done $0x0  }
0x95: {  	[sflag:s0] =	ssyncadd.s32 $0xFFFFE000  }
0x96: {  	[spmem:s1] =	stream.indirect.scatter.add.f32 [tilespmem:s26], [sflag:$0x3], $0x80, s11, s3, $0xb8;
	[tilespmem:$0x1D8C0] =	vst v63  }
0x97: {  	_ =	swait.ge [sflag:s21], $0x4000  }
0x98: {  	[sflag:s21] =	ssyncset.done $0x0  }
0x99: {  	[sflag:s21] =	ssyncadd.s32 $0xFFFFC000  }
0x9a: {  	_ =	swait.ge [sflag:s17], $0x2000  }
0x9b: {  	[sflag:s17] =	ssyncset.done $0x0  }
0x9c: {  	[sflag:s17] =	ssyncadd.s32 $0xFFFFE000  }
0x9d: {  	s12 =	sadd.s32 $0x1, s12;
	_ =	swait.ge [sflag:s17], $0x2000  }
0x9e: {  	p3 =	sne.s32 s12, $0x5;
	[sflag:s17] =	ssyncset.done $0x0  }
.Ltmp4:
0x9f: {  	[sflag:s17] =	ssyncadd.s32 $0xFFFFE000;
	(pc) =	sbr.rel @p3 .LBB2_2-.Ltmp4, $4  }
0xa0: {  	[spmem:s1] =	stream.indirect.scatter.add.f32 [tilespmem:s30], [sflag:$0x3], $0x80, s14, s3, $0xb8;
	[tilespmem:$0x1D8C0] =	vst v63  }
0xa1: {  	_ =	swait.ge [sflag:s21], $0x4000  }
0xa2: {  	[sflag:s21] =	ssyncset.done $0x0  }
0xa3: {  	[sflag:s21] =	ssyncadd.s32 $0xFFFFC000  }
0xa4: {  	[bflag:$0x0] =	sbarrier.arrive $0xFFFF  }
0xa5: {  	s20 =	rddreg [dreg:$0x6]  }
0xa6: {  	s12 =	rddreg [dreg:$0xa]  }
0xa7: {  	s15 =	rddreg [dreg:$0xc]  }
0xa8: {  	[hbm:s12], [sflag:s20] =	dma.local [spmem:s15], $0x2700  }
.Ltmp5:
0xa9: {  	_ = 	snop;
	(pc) =	sbr.rel @p2 .LBB2_10-.Ltmp5, $4  }
.Ltmp6:
0xaa: {  	_ = 	snop;
	(pc) =	sbr.rel @!p2 .LBB2_11-.Ltmp6, $4  }
0xab: {  	_ =	swait.ge [sflag:s21], $0x2700  }
0xac: {  	[sflag:s21] =	ssyncset.done $0x0  }
0xad: {  	s12 =	rddreg [dreg:$0x3];
	[sflag:s21] =	ssyncadd.s32 $0xFFFFD900  }
0xae: {  	_ = 	snop  }
.LBB2_6:
0xaf: {  	s12 =	sshll.u32 s15, $0xC  }
0xb0: {  	s12 =	sadd.s32 s16, s12  }
0xb1: {  	s12 =	sshrl.u32 s12, $0x3  }
0xb2: {  	s19 =	simm.s32 $0x0;
	s13 =	sadd.s32 s8, s12  }
0xb3: {  	[tilespmem:s23], [sflag:$0x3] =	stream.linear.gather [hbm4b:s13+s19], $0x1000, $0x38;
	[tilespmem:$0x1D8C0] =	vst v63  }
0xb4: {  	_ =	swait.ge [sflag:s21], $0x1000  }
0xb5: {  	[sflag:s21] =	ssyncset.done $0x0  }
0xb6: {  	s12 =	sadd.s32 s9, s12;
	[sflag:s21] =	ssyncadd.s32 $0xFFFFF000  }
0xb7: {  	[tilespmem:s24], [sflag:$0x3] =	stream.linear.gather [hbm4b:s12+s19], $0x1000, $0x38;
	[tilespmem:$0x1D8C0] =	vst v63  }
0xb8: {  	_ =	swait.ge [sflag:s21], $0x1000  }
0xb9: {  	[sflag:s21] =	ssyncset.done $0x0  }
0xba: {  	[sflag:s21] =	ssyncadd.s32 $0xFFFFF000  }
0xbb: {  	[tilespmem:s26], [sflag:$0x1] =	stream.indirect.gather [hbm4b:s5+s25], $0x80, s23, s25, $0xb8;
	[tilespmem:$0x1D8C0] =	vst v63  }
0xbc: {  	_ = 	snop  }
0xbd: {  	[tilespmem:s29], [sflag:$0x1] =	stream.indirect.gather [hbm4b:s5+s25], $0x80, s28, s25, $0xb8;
	[tilespmem:$0x1D8C0] =	vst v63  }
0xbe: {  	s20 =	simm.s32 $0x1B940  }
0xbf: {  	[tilespmem:s30], [sflag:$0x2] =	stream.indirect.gather [hbm4b:s5+s25], $0x80, s20, s25, $0xb8;
	[tilespmem:$0x1D8C0] =	vst v63  }
0xc0: {  	s22 =	simm.s32 $0x1B980  }
0xc1: {  	[tilespmem:s31], [sflag:$0x2] =	stream.indirect.gather [hbm4b:s5+s25], $0x80, s22, s25, $0xb8;
	[tilespmem:$0x1D8C0] =	vst v63  }
0xc2: {  	_ =	swait.ge [sflag:s0], $0x2000  }
0xc3: {  	[sflag:s0] =	ssyncset.done $0x0  }
0xc4: {  	[sflag:s0] =	ssyncadd.s32 $0xFFFFE000  }
0xc5: {  	_ =	swait.ge [sflag:s0], $0x2000  }
0xc6: {  	[sflag:s0] =	ssyncset.done $0x0  }
0xc7: {  	s13 =	simm.s32 $0x1C8C0;
	[sflag:s0] =	ssyncadd.s32 $0xFFFFE000  }
0xc8: {  	[spmem:s1] =	stream.indirect.scatter.add.f32 [tilespmem:s26], [sflag:$0x3], $0x80, s13, s3, $0xb8;
	[tilespmem:$0x1D8C0] =	vst v63  }
0xc9: {  	_ =	swait.ge [sflag:s21], $0x4000  }
0xca: {  	[sflag:s21] =	ssyncset.done $0x0  }
0xcb: {  	s19 =	simm.s32 $0x1B9C0;
	[sflag:s21] =	ssyncadd.s32 $0xFFFFC000  }
0xcc: {  	[tilespmem:s26], [sflag:$0x1] =	stream.indirect.gather [hbm4b:s5+s25], $0x80, s19, s25, $0xb8;
	[tilespmem:$0x1D8C0] =	vst v63  }
0xcd: {  	s20 =	simm.s32 $0x1BA00  }
0xce: {  	[tilespmem:s29], [sflag:$0x1] =	stream.indirect.gather [hbm4b:s5+s25], $0x80, s20, s25, $0xb8;
	[tilespmem:$0x1D8C0] =	vst v63  }
0xcf: {  	_ =	swait.ge [sflag:s17], $0x2000  }
0xd0: {  	[sflag:s17] =	ssyncset.done $0x0  }
0xd1: {  	[sflag:s17] =	ssyncadd.s32 $0xFFFFE000  }
0xd2: {  	_ =	swait.ge [sflag:s17], $0x2000  }
0xd3: {  	[sflag:s17] =	ssyncset.done $0x0  }
0xd4: {  	s22 =	simm.s32 $0x1C940;
	[sflag:s17] =	ssyncadd.s32 $0xFFFFE000  }
0xd5: {  	[spmem:s1] =	stream.indirect.scatter.add.f32 [tilespmem:s30], [sflag:$0x3], $0x80, s22, s3, $0xb8;
	[tilespmem:$0x1D8C0] =	vst v63  }
0xd6: {  	_ =	swait.ge [sflag:s21], $0x4000  }
0xd7: {  	s12 =	simm.s32 $0x100;
	s19 =	simm.s32 $0x800;
	[sflag:s21] =	ssyncset.done $0x0  }
.LBB2_7:
0xd8: {  	s13 =	sadd.s32 $0x1B940, s12  }
0xd9: {  	[sflag:s21] =	ssyncadd.s32 $0xFFFFC000;
	s20 =	smov.u32 s19;
	s22 =	sadd.s32 $0x400, s19  }
0xda: {  	[tilespmem:s30], [sflag:$0x2] =	stream.indirect.gather [hbm4b:s5+s25], $0x80, s13, s25, $0xb8;
	[tilespmem:$0x1D8C0] =	vst v63  }
0xdb: {  	p3 =	sne.s32 s19, $0x3800;
	s13 =	sadd.s32 $0x1B980, s12  }
0xdc: {  	[tilespmem:s31], [sflag:$0x2] =	stream.indirect.gather [hbm4b:s5+s25], $0x80, s13, s25, $0xb8;
	[tilespmem:$0x1D8C0] =	vst v63  }
0xdd: {  	_ =	swait.ge [sflag:s0], $0x2000  }
0xde: {  	[sflag:s0] =	ssyncset.done $0x0  }
0xdf: {  	[sflag:s0] =	ssyncadd.s32 $0xFFFFE000  }
0xe0: {  	_ =	swait.ge [sflag:s0], $0x2000  }
0xe1: {  	[sflag:s0] =	ssyncset.done $0x0  }
0xe2: {  	s13 =	sadd.s32 $0x1C8C0, s12;
	[sflag:s0] =	ssyncadd.s32 $0xFFFFE000  }
0xe3: {  	[spmem:s1] =	stream.indirect.scatter.add.f32 [tilespmem:s26], [sflag:$0x3], $0x80, s13, s3, $0xb8;
	[tilespmem:$0x1D8C0] =	vst v63  }
0xe4: {  	_ =	swait.ge [sflag:s21], $0x4000  }
0xe5: {  	[sflag:s21] =	ssyncset.done $0x0  }
0xe6: {  	s13 =	sadd.s32 $0x1B9C0, s12;
	[sflag:s21] =	ssyncadd.s32 $0xFFFFC000  }
0xe7: {  	[tilespmem:s26], [sflag:$0x1] =	stream.indirect.gather [hbm4b:s5+s25], $0x80, s13, s25, $0xb8;
	[tilespmem:$0x1D8C0] =	vst v63  }
0xe8: {  	s13 =	sadd.s32 $0x1BA00, s12  }
0xe9: {  	[tilespmem:s29], [sflag:$0x1] =	stream.indirect.gather [hbm4b:s5+s25], $0x80, s13, s25, $0xb8;
	[tilespmem:$0x1D8C0] =	vst v63  }
0xea: {  	_ =	swait.ge [sflag:s17], $0x2000  }
0xeb: {  	[sflag:s17] =	ssyncset.done $0x0  }
0xec: {  	[sflag:s17] =	ssyncadd.s32 $0xFFFFE000  }
0xed: {  	_ =	swait.ge [sflag:s17], $0x2000  }
.Ltmp7:
0xee: {  	[sflag:s17] =	ssyncset.done $0x0;
	(pc) =	sbr.rel @p3 .LBB2_7-.Ltmp7, $4  }
0xef: {  	s12 =	sadd.s32 $0x1C940, s12;
	[sflag:s17] =	ssyncadd.s32 $0xFFFFE000  }
0xf0: {  	[spmem:s1] =	stream.indirect.scatter.add.f32 [tilespmem:s30], [sflag:$0x3], $0x80, s12, s3, $0xb8;
	[tilespmem:$0x1D8C0] =	vst v63  }
0xf1: {  	_ =	swait.ge [sflag:s21], $0x4000  }
0xf2: {  	s19 =	smov.u32 s22;
	s12 =	sshra.s32 s20, $0x2;
	[sflag:s21] =	ssyncset.done $0x0  }
0xf3: {  	s13 =	sadd.s32 $0x1B940, s12;
	[sflag:s21] =	ssyncadd.s32 $0xFFFFC000  }
0xf4: {  	[tilespmem:s30], [sflag:$0x2] =	stream.indirect.gather [hbm4b:s5+s25], $0x80, s13, s25, $0xb8;
	[tilespmem:$0x1D8C0] =	vst v63  }
0xf5: {  	s20 =	sadd.s32 $0x1B980, s12  }
0xf6: {  	[tilespmem:s31], [sflag:$0x2] =	stream.indirect.gather [hbm4b:s5+s25], $0x80, s20, s25, $0xb8;
	[tilespmem:$0x1D8C0] =	vst v63  }
0xf7: {  	_ =	swait.ge [sflag:s0], $0x2000  }
0xf8: {  	[sflag:s0] =	ssyncset.done $0x0  }
0xf9: {  	[sflag:s0] =	ssyncadd.s32 $0xFFFFE000  }
0xfa: {  	_ =	swait.ge [sflag:s0], $0x2000  }
0xfb: {  	[sflag:s0] =	ssyncset.done $0x0  }
0xfc: {  	s22 =	sadd.s32 $0x1C8C0, s12;
	[sflag:s0] =	ssyncadd.s32 $0xFFFFE000  }
0xfd: {  	[spmem:s1] =	stream.indirect.scatter.add.f32 [tilespmem:s26], [sflag:$0x3], $0x80, s22, s3, $0xb8;
	[tilespmem:$0x1D8C0] =	vst v63  }
0xfe: {  	_ =	swait.ge [sflag:s21], $0x4000  }
0xff: {  	[sflag:s21] =	ssyncset.done $0x0  }
0x100: {  	s19 =	sadd.s32 $0x1B9C0, s12;
	[sflag:s21] =	ssyncadd.s32 $0xFFFFC000  }
0x101: {  	[tilespmem:s26], [sflag:$0x1] =	stream.indirect.gather [hbm4b:s5+s25], $0x80, s19, s25, $0xb8;
	[tilespmem:$0x1D8C0] =	vst v63  }
0x102: {  	s20 =	sadd.s32 $0x1BA00, s12  }
0x103: {  	[tilespmem:s29], [sflag:$0x1] =	stream.indirect.gather [hbm4b:s5+s25], $0x80, s20, s25, $0xb8;
	[tilespmem:$0x1D8C0] =	vst v63  }
0x104: {  	_ =	swait.ge [sflag:s17], $0x2000  }
0x105: {  	[sflag:s17] =	ssyncset.done $0x0  }
0x106: {  	[sflag:s17] =	ssyncadd.s32 $0xFFFFE000  }
0x107: {  	_ =	swait.ge [sflag:s17], $0x2000  }
0x108: {  	[sflag:s17] =	ssyncset.done $0x0  }
0x109: {  	s22 =	sadd.s32 $0x1C940, s12;
	[sflag:s17] =	ssyncadd.s32 $0xFFFFE000  }
0x10a: {  	[spmem:s1] =	stream.indirect.scatter.add.f32 [tilespmem:s30], [sflag:$0x3], $0x80, s22, s3, $0xb8;
	[tilespmem:$0x1D8C0] =	vst v63  }
0x10b: {  	_ =	swait.ge [sflag:s21], $0x4000  }
0x10c: {  	[sflag:s21] =	ssyncset.done $0x0  }
0x10d: {  	[sflag:s21] =	ssyncadd.s32 $0xFFFFC000  }
0x10e: {  	[tilespmem:s30], [sflag:$0x2] =	stream.indirect.gather [hbm4b:s5+s25], $0x80, s18, s25, $0xb8;
	[tilespmem:$0x1D8C0] =	vst v63  }
0x10f: {  	_ = 	snop  }
0x110: {  	[tilespmem:s31], [sflag:$0x2] =	stream.indirect.gather [hbm4b:s5+s25], $0x80, s10, s25, $0xb8;
	[tilespmem:$0x1D8C0] =	vst v63  }
0x111: {  	_ =	swait.ge [sflag:s0], $0x2000  }
0x112: {  	[sflag:s0] =	ssyncset.done $0x0  }
0x113: {  	[sflag:s0] =	ssyncadd.s32 $0xFFFFE000  }
0x114: {  	_ =	swait.ge [sflag:s0], $0x2000  }
0x115: {  	[sflag:s0] =	ssyncset.done $0x0  }
0x116: {  	[sflag:s0] =	ssyncadd.s32 $0xFFFFE000  }
0x117: {  	[spmem:s1] =	stream.indirect.scatter.add.f32 [tilespmem:s26], [sflag:$0x3], $0x80, s11, s3, $0xb8;
	[tilespmem:$0x1D8C0] =	vst v63  }
0x118: {  	_ =	swait.ge [sflag:s21], $0x4000  }
0x119: {  	[sflag:s21] =	ssyncset.done $0x0  }
0x11a: {  	[sflag:s21] =	ssyncadd.s32 $0xFFFFC000  }
0x11b: {  	_ =	swait.ge [sflag:s17], $0x2000  }
0x11c: {  	[sflag:s17] =	ssyncset.done $0x0  }
0x11d: {  	[sflag:s17] =	ssyncadd.s32 $0xFFFFE000  }
0x11e: {  	s15 =	sadd.s32 $0x1, s15;
	_ =	swait.ge [sflag:s17], $0x2000  }
0x11f: {  	p3 =	sne.s32 s15, $0x5;
	[sflag:s17] =	ssyncset.done $0x0  }
.Ltmp8:
0x120: {  	[sflag:s17] =	ssyncadd.s32 $0xFFFFE000;
	(pc) =	sbr.rel @p3 .LBB2_6-.Ltmp8, $4  }
0x121: {  	[spmem:s1] =	stream.indirect.scatter.add.f32 [tilespmem:s30], [sflag:$0x3], $0x80, s14, s3, $0xb8;
	[tilespmem:$0x1D8C0] =	vst v63  }
0x122: {  	_ =	swait.ge [sflag:s21], $0x4000  }
0x123: {  	[sflag:s21] =	ssyncset.done $0x0  }
0x124: {  	[sflag:s21] =	ssyncadd.s32 $0xFFFFC000  }
0x125: {  	[bflag:$0x0] =	sbarrier.arrive $0xFFFF  }
0x126: {  	s20 =	rddreg [dreg:$0x6]  }
0x127: {  	s12 =	rddreg [dreg:$0x9]  }
0x128: {  	s15 =	rddreg [dreg:$0xc]  }
0x129: {  	[hbm:s12], [sflag:s20] =	dma.local [spmem:s15], $0x2700  }
.Ltmp9:
0x12a: {  	_ = 	snop;
	(pc) =	sbr.rel @p0 .LBB2_11-.Ltmp9, $4  }
.Ltmp10:
0x12b: {  	_ = 	snop;
	(pc) =	sbr.rel @!p0 .LBB2_10-.Ltmp10, $4  }
0x12c: {  	_ =	swait.ge [sflag:s21], $0x2700  }
0x12d: {  	[sflag:s21] =	ssyncset.done $0x0  }
0x12e: {  	s12 =	rddreg [dreg:$0x4];
	[sflag:s21] =	ssyncadd.s32 $0xFFFFD900  }
0x12f: {  	_ = 	snop  }
.LBB2_12:
0x130: {  	_ =	sfence.sel $0x180000  }
0x131: {  	[bflag:$0x0] =	sbarrier.arrive $0xFFFF  }
0x132: {  	_ =	strace $0x9000004A  }
0x133: {  	s0 =	stileid.u32;
	[bflag:$0x2] =	sbarrier.arrive $0xFFFF  }
0x134: {  	p0 =	sne.s32 s0, $0x0;
	s0 =	rddreg [dreg:$0x2]  }
0x135: {  	s0 =	sadd.s32 @!p0 $0x100000, s0  }
0x136: {  	[sflag:s0] =	ssyncadd.tile.s32 @!p0 $0x1;
	_ =	shalt  }
.Lfunc_end2:
_tile_overlayer_lowered:
.L_overlay_start_2:
0x137: {  	(tag) =	ssettag $0x2  }
0x138: {  	s0 =	rddreg [dreg:$0x0];
	s2 =	stileid.u32  }
0x139: {  	s1 =	rddreg [dreg:$0x1];
	p0 =	sne.s32 s2, $0x0  }
0x13a: {  	s3 =	rddreg [dreg:$0x2];
	[bflag:$0x3] =	sbarrier.arrive $0xFFFF;
	s2 =	simm.s32 @!p0 $0x1C03  }
0x13b: {  	[timem:s3], [sflag:s2] =	dma.local @!p0 [hbm:s0], s1  }
0x13c: {  	s0 =	simm.s32 @!p0 $0x3  }
0x13d: {  	_ =	swait.ge @!p0 [sflag:s0], s1  }
0x13e: {  	s1 =	ssub.s32 @!p0 $0x0, s1;
	[sflag:s0] =	ssyncset.done @!p0 $0x0  }
0x13f: {  	[sflag:s0] =	ssyncadd.s32 @!p0 s1  }
0x140: {  	[bflag:$0x3] =	sbarrier.arrive $0xFFFF  }
0x141: {  	_ =	shalt  }

// kernel: kernel.16.cloned.1.call-start
scs
__scs_entry_jumppad:
0x0: {  	(pc) =	sbr.rel $0x88, $3  }
0x1: {  	(tag) =	ssettag $0x0;
	lr =	simm.s32 $0x1  }
0x2: {  	[smem:$0x3F82] =	sst lr;
	_ =	strace $0xD0000000  }
0x3: {  	_ = 	snop  }
0x4: {  	_ = 	snop  }
0x5: {  	_ = 	snop  }
0x6: {  	_ = 	snop  }
0x7: {  	_ = 	snop  }
__scs_overlays_trampoline_lowered:
0x8: {  	[smem:$0x3F91] =	sst s0  }
0x9: {  	[smem:$0x3F92] =	sst s1  }
0xa: {  	[smem:$0x3F93] =	sst s2  }
0xb: {  	[smem:$0x3F94] =	sst s3  }
0xc: {  	[smem:$0x3F95] =	sst s4  }
0xd: {  	[smem:$0x3F96] =	sst s5  }
0xe: {  	[smem:$0x3F97] =	sst s6  }
0xf: {  	[smem:$0x3F98] =	sst s7  }
0x10: {  	[smem:$0x3F99] =	sst s8  }
0x11: {  	[smem:$0x3F9A] =	sst s9;
	s0 =	simm.s32 @!p0 $0x0  }
0x12: {  	s1 =	sld [smem:$0x3F80];
	s0 =	simm.s32 @p0 $0x1  }
0x13: {  	[smem:$0x3F9B] =	sst s0;
	s0 =	simm.s32 @!p1 $0x0  }
0x14: {  	s2 =	sld [smem:$0x3F7F];
	s0 =	simm.s32 @p1 $0x1  }
0x15: {  	[smem:$0x3F9C] =	sst s0;
	s0 =	simm.s32 @!p2 $0x0  }
0x16: {  	s3 =	sld [smem:$0x3FDB];
	s0 =	simm.s32 @p2 $0x1  }
0x17: {  	s4 =	simm.s32 $0x1BF5;
	[smem:$0x3F9E] =	sst s0  }
0x18: {  	s0 =	sld [smem:$0x3F81];
	_ =	swait.ge [sflag:s4], $0x0  }
0x19: {  	s7 =	sld [smem:$0x3F82]  }
0x1a: {  	s8 =	sadd.s32 $0xFFFFE003, lr  }
0x1b: {  	s9 =	sadd.s32 $0xFFFFFEF7, lr;
	s5 =	simm.s32 $0xFFFFFFFF;
	p2 =	slt.u32 s8, $0xFFFFF086  }
0x1c: {  	p1 =	slt.u32 s9, $0xF7A;
	s5 =	simm.s32 @!p2 $0x0  }
0x1d: {  	s5 =	simm.s32 @p1 $0x1;
	p0 =	seq.s32 s7, s2  }
0x1e: {  	s7 =	smul.u32 @!p0 $0xF7A, s2;
	p2 =	seq.s32 @!p0 s5, $0x0  }
0x1f: {  	s9 =	smul.u32 $0xF7A, s1;
	s8 =	simm.s32 @!p0 $0x1BF5;
	p2 =	por !p2, p0  }
0x20: {  	[sflag:s8] =	ssyncset.s32 @!p0 $0xFFFFF086;
	s6 =	sadd.s32 @!p0 s3, s7;
	s7 =	simm.s32 @!p0 $0x108  }
0x21: {  	s3 =	sadd.s32 s3, s9;
	s6 =	sadd.s32 @!p0 $0x88, s6;
	s7 =	simm.s32 @p2 $0x1082  }
0x22: {  	[simem:s7], [sflag:s8] =	dma.local @!p0 [hbm:s6], $0xF7A  }
0x23: {  	s9 =	sor.u32 $0xD0000000, s2;
	s6 =	simm.s32 $0x108;
	_ =	swait.ge @!p0 [sflag:s8], $0x0  }
0x24: {  	s3 =	sadd.s32 $0x88, s3;
	s6 =	simm.s32 @!p1 $0x1082;
	[sflag:s4] =	ssyncset.s32 $0xFFFFF086  }
0x25: {  	[simem:s6], [sflag:s4] =	dma.local [hbm:s3], $0xF7A  }
0x26: {  	[smem:$0x3F82] =	sst s1;
	(tag) =	ssettag s2;
	_ =	strace s9  }
0x27: {  	s1 =	sld [smem:$0x3F92]  }
0x28: {  	s2 =	sld [smem:$0x3F93]  }
0x29: {  	s4 =	sld [smem:$0x3F95]  }
0x2a: {  	p0 =	seq.s32 s5, $0x0;
	s5 =	sld [smem:$0x3F96]  }
0x2b: {  	s6 =	sld [smem:$0x3F97]  }
0x2c: {  	s7 =	sld [smem:$0x3F98]  }
0x2d: {  	s3 =	simm.s32 $0x108;
	s8 =	sld [smem:$0x3F99]  }
0x2e: {  	s3 =	simm.s32 @!p0 $0x1082;
	s9 =	sld [smem:$0x3F9A]  }
0x2f: {  	lr =	sadd.s32 s0, s3;
	s0 =	sld [smem:$0x3F91]  }
0x30: {  	s3 =	sld [smem:$0x3F94]  }
0x31: {  	[smem:$0x3F9D] =	sst s10  }
0x32: {  	s10 =	sld [smem:$0x3F9B];
	_ =	sdelay $0x3  }
0x33: {  	p0 =	seq.s32 s10, $0x1;
	s10 =	sld [smem:$0x3F9D];
	_ =	sdelay $0x3  }
0x34: {  	[smem:$0x3F9D] =	sst s10  }
0x35: {  	s10 =	sld [smem:$0x3F9C];
	_ =	sdelay $0x3  }
0x36: {  	p1 =	seq.s32 s10, $0x1;
	s10 =	sld [smem:$0x3F9D];
	_ =	sdelay $0x3  }
0x37: {  	[smem:$0x3F9D] =	sst s10  }
0x38: {  	s10 =	sld [smem:$0x3F9E]  }
0x39: {  	_ = 	snop;
	(pc) =	sbr.ind lr, $3  }
0x3a: {  	_ = 	snop  }
0x3b: {  	_ = 	snop  }
0x3c: {  	p2 =	seq.s32 s10, $0x1;
	s10 =	sld [smem:$0x3F9D]  }
0x3d: {  	_ =	shalt  }
0x3e: {  	_ =	shalt  }
0x3f: {  	_ =	shalt  }
0x40: {  	_ =	shalt  }
0x41: {  	_ =	shalt  }
0x42: {  	_ =	shalt  }
0x43: {  	_ =	shalt  }
0x44: {  	_ =	shalt  }
0x45: {  	_ =	shalt  }
0x46: {  	_ =	shalt  }
0x47: {  	_ =	shalt  }
0x48: {  	_ =	shalt  }
0x49: {  	_ =	shalt  }
0x4a: {  	_ =	shalt  }
0x4b: {  	_ =	shalt  }
0x4c: {  	_ =	shalt  }
0x4d: {  	_ =	shalt  }
0x4e: {  	_ =	shalt  }
0x4f: {  	_ =	shalt  }
0x50: {  	_ =	shalt  }
0x51: {  	_ =	shalt  }
0x52: {  	_ =	shalt  }
0x53: {  	_ =	shalt  }
0x54: {  	_ =	shalt  }
0x55: {  	_ =	shalt  }
0x56: {  	_ =	shalt  }
0x57: {  	_ =	shalt  }
0x58: {  	_ =	shalt  }
0x59: {  	_ =	shalt  }
0x5a: {  	_ =	shalt  }
0x5b: {  	_ =	shalt  }
0x5c: {  	_ =	shalt  }
0x5d: {  	_ =	shalt  }
0x5e: {  	_ =	shalt  }
0x5f: {  	_ =	shalt  }
0x60: {  	_ =	shalt  }
0x61: {  	_ =	shalt  }
0x62: {  	_ =	shalt  }
0x63: {  	_ =	shalt  }
0x64: {  	_ =	shalt  }
0x65: {  	_ =	shalt  }
0x66: {  	_ =	shalt  }
0x67: {  	_ =	shalt  }
0x68: {  	_ =	shalt  }
0x69: {  	_ =	shalt  }
0x6a: {  	_ =	shalt  }
0x6b: {  	_ =	shalt  }
0x6c: {  	_ =	shalt  }
0x6d: {  	_ =	shalt  }
0x6e: {  	_ =	shalt  }
0x6f: {  	_ =	shalt  }
0x70: {  	_ =	shalt  }
0x71: {  	_ =	shalt  }
0x72: {  	_ =	shalt  }
0x73: {  	_ =	shalt  }
0x74: {  	_ =	shalt  }
0x75: {  	_ =	shalt  }
0x76: {  	_ =	shalt  }
0x77: {  	_ =	shalt  }
0x78: {  	_ =	shalt  }
0x79: {  	_ =	shalt  }
0x7a: {  	_ =	shalt  }
0x7b: {  	_ =	shalt  }
0x7c: {  	_ =	shalt  }
0x7d: {  	_ =	shalt  }
0x7e: {  	_ =	shalt  }
0x7f: {  	_ =	shalt  }
0x80: {  	_ =	shalt  }
0x81: {  	_ =	shalt  }
0x82: {  	_ =	shalt  }
0x83: {  	_ =	shalt  }
0x84: {  	_ =	shalt  }
0x85: {  	_ =	shalt  }
0x86: {  	_ =	shalt  }
0x87: {  	_ =	shalt  }
.Lfunc_end0:
.L_simem_size_0:
called_computation.2_lowered:
.L_overlay_start_0:
0x88: {  	s2 =	sld [smem:$0x3FD9]  }
0x89: {  	s3 =	sld [smem:$0x3FFE];
	_ =	sdelay $0x1  }
0x8a: {  	s1 =	srdreg.scid  }
0x8b: {  	s0 =	sand.u32 $0x1, s1  }
0x8c: {  	s16 =	sshll.u32 s0, $0xA;
	s2 =	sadd.s32 s3, s2  }
0x8d: {  	s2 =	sadd.s32 s2, s16  }
0x8e: {  	[smem:$0x3FA9] =	sst s2  }
0x8f: {  	_ = 	snop  }
0x90: {  	(tm) =	ssettm $0x1  }
0x91: {  	s17 =	sld [smem:$0x3FFB];
	_ =	sdelay $0x3  }
0x92: {  	_ =	strace s17  }
0x93: {  	s2 =	sld [smem:$0x3FFC];
	_ =	sdelay $0x3  }
0x94: {  	_ =	strace s2  }
0x95: {  	s2 =	sld [smem:$0x3FFD];
	_ =	sdelay $0x3  }
0x96: {  	_ =	strace s2  }
0x97: {  	_ =	strace $0x8FFFFFFF  }
0x98: {  	s18 =	sld [smem:$0x3FDB];
	_ =	sdelay $0x1  }
0x99: {  	s19 =	simm.s32 $_scs_section_size  }
0x9a: {  	s4 =	simm.s32 $_size__tile_overlayer_lowered;
	s5 =	simm.s32 $_tile_overlayer_lowered  }
0x9b: {  	s22 =	simm.s32 $0x1BFF;
	s21 =	sshll.u32 s5, $0x1;
	s2 =	sadd.s32 s19, s18  }
0x9c: {  	s6 =	simm.s32 $0x0;
	s20 =	sshll.u32 s4, $0x1;
	s4 =	sadd.s32 s21, s2  }
0x9d: {  	[timem:s6], [sflag:s22] =	dma.local [hbm:s4], s20  }
0x9e: {  	_ =	swait.ge [sflag:s22], s20  }
0x9f: {  	s3 =	ssub.s32 $0x0, s20;
	[sflag:s22] =	ssyncset.done $0x0  }
0xa0: {  	[sflag:s22] =	ssyncadd.s32 s3;
	_ =	sdelay $0x1  }
0xa1: {  	s23 =	simm.s32 $0x1B8B  }
0xa2: {  	_ =	swait.ge [sflag:s23], $0x1  }
0xa3: {  	[sflag:s23] =	ssyncset.done $0x0  }
0xa4: {  	s25 =	simm.s32 $0x1B8E;
	s24 =	sld [smem:$0x3FFE];
	[sflag:s23] =	ssyncadd.s32 $0xFFFFFFFF  }
0xa5: {  	s26 =	simm.s32 $execute0_lowered;
	[smem:$0x3FD2] =	sst s25  }
0xa6: {  	s4 =	sshll.u32 s26, $0x1;
	_ =	strace $0x8000004C;
	[dreg:$0x1] =	wrdreg $0xFFFFFFFF  }
0xa7: {  	s28 =	simm.s32 $_size_execute0_lowered;
	s2 =	sadd.s32 s2, s4;
	[dreg:$0x0] =	wrdreg $0x0  }
0xa8: {  	s4 =	sshll.u32 s28, $0x1;
	[dreg:$0x2] =	wrdreg s2  }
0xa9: {  	[dreg:$0x3] =	wrdreg s4  }
0xaa: {  	[dreg:$0x4] =	wrdreg $0xC0  }
0xab: {  	_ =	task [dreg:s6], $0x5FFFF  }
0xac: {  	[dreg:$0x1] =	wrdreg $0xFFFFFFFF  }
0xad: {  	[dreg:$0x0] =	wrdreg $0x60  }
0xae: {  	[dreg:$0x2] =	wrdreg s24  }
0xaf: {  	[dreg:$0x3] =	wrdreg $0x0  }
0xb0: {  	[dreg:$0x4] =	wrdreg $0x9  }
0xb1: {  	_ =	task.clear_ibuf [dreg:s6], $0x5FFFF;
	_ =	strace $0x9000004C  }
0xb2: {  	s29 =	simm.s32 $0x9;
	_ =	strace $0x8000004E  }
0xb3: {  	_ =	swait.ge [sflag:s29], $0x1  }
0xb4: {  	[sflag:s29] =	ssyncadd.s32 $0xFFFFFFFF  }
0xb5: {  	_ =	strace $0x9000004E  }
0xb6: {  	_ =	sfence  }
0xb7: {  	s30 =	sld [smem:$0x0];
	_ =	sdelay $0x2  }
0xb8: {  	s31 =	sshll.u32 s1, $0xD;
	s1 =	sshrl.u32 s1, $0x2  }
0xb9: {  	s3 =	sand.u32 $0x4000, s31;
	s1 =	sadd.s32 s1, s30  }
0xba: {  	s0 =	sor.u32 s3, s0;
	s1 =	sshll.u32 s1, $0x11  }
0xbb: {  	s0 =	sor.u32 s1, s0  }
0xbc: {  	s0 =	sadd.s32 $0x8F2B, s0  }
0xbd: {  	[sflag:s0] =	ssyncadd.remote.s32 $0x1  }
0xbe: {  	_ =	sfence.sel $0xFFFF  }
0xbf: {  	[dreg:$0x0] =	wrdreg $0xFFFFFFFF;
	(pc) =	sbr.abs _section_cstart, $3  }
0xc0: {  	[dreg:$0x1] =	wrdreg $0xFFFFFFFF  }
0xc1: {  	_ =	task.clear_ibuf [dreg:s6], $0x2FFFF;
	_ =	strace $0x9FFFFFFF  }
0xc2: {  	(tm) =	ssettm $0x7FFFFFFF  }
0xc3: {  	_ =	shalt  }
tec
execute0_lowered:
.L_overlay_start_1:
0x0: {  	(tag) =	ssettag $0x1  }
0x1: {  	s0 =	rddreg [dreg:$0x0]  }
0x2: {  	s1 =	rddreg [dreg:$0x1];
	s2 =	simm.s32 $0x0  }
0x3: {  	s17 =	stileid.u32;
	s10 =	srdreg.scid;
	s21 =	simm.s32 $0x3  }
0x4: {  	s28 =	simm.s32 $0x1B900;
	s29 =	simm.s32 $0x158C0;
	s30 =	simm.s32 $0x178C0  }
0x5: {  	s31 =	simm.s32 $0x198C0;
	[smem:$0x7FF] =	sst s2;
	s4 =	sadd.s32 $0x92800, s0  }
0x6: {  	s5 =	sadd.s32 $0xB9A00, s0;
	s6 =	sadd.s32 $0x2E600, s0;
	s7 =	sadd.s32 $0x38600, s0  }
0x7: {  	s3 =	smul.u32 $0x2700, s17;
	s8 =	sadd.s32 $0x10600, s0;
	s9 =	sadd.s32 $0x1A600, s0  }
0x8: {  	s10 =	sand.u32 $0x1, s10;
	s13 =	smul.u32 $0x4E000, s17;
	s18 =	sadd.s32 $0x107E00, s0  }
0x9: {  	s19 =	sadd.s32 $0x12F000, s0;
	s23 =	sshll.u32 s17, $0x6;
	s16 =	smul.u32 $0x5000, s17  }
0xa: {  	p0 =	sne.s32 s17, $0xF;
	p2 =	seq.s32 s17, $0xF;
	s17 =	simm.s32 $0x2  }
0xb: {  	_ =	strace $0x8000004D;
	s12 =	ssub.s32 $0x2, s10;
	[dreg:$0x4] =	wrdreg s19  }
0xc: {  	s20 =	sor.u32 $0x1C03, s23;
	[dreg:$0x3] =	wrdreg s18;
	p1 =	sne.s32 s10, $0x0  }
0xd: {  	s23 =	simm.s32 $0x1B8C0;
	s10 =	simm.s32 $0x1C880;
	s11 =	sadd.s32 s3, s0  }
0xe: {  	s14 =	sshrl.u32 s12, $0x1;
	s13 =	sshrl.u32 s13, $0x2;
	s0 =	sadd.s32 $0x107C00, s0  }
0xf: {  	s24 =	sadd.s32 s19, s3;
	s25 =	sadd.s32 s18, s3;
	[dreg:$0x6] =	wrdreg s20  }
0x10: {  	s3 =	simm.s32 $0x80;
	s18 =	simm.s32 $0x1C840;
	[dreg:$0x8] =	wrdreg s0  }
0x11: {  	s12 =	ssub.s32 s12, s14;
	s15 =	sadd.s32 s13, s1;
	[dreg:$0x9] =	wrdreg s24  }
0x12: {  	s11 =	sadd.s32 $0xE0C00, s11;
	[dreg:$0xa] =	wrdreg s25;
	s24 =	simm.s32 $0x1C8C0  }
.Ltmp0:
0x13: {  	[dreg:$0x5] =	wrdreg s11;
	s26 =	smax.u32 s12, $0x1;
	(pc) =	sbr.rel .LBB2_1-.Ltmp0, $4  }
0x14: {  	s25 =	simm.s32 $0x40;
	s11 =	sadd.s32 $0x138000, s1;
	[dreg:$0xb] =	wrdreg s26  }
0x15: {  	s14 =	simm.s32 $0x1D840;
	s15 =	sshrl.u32 s15, $0x3;
	[dreg:$0x7] =	wrdreg s11  }
0x16: {  	s0 =	sshrl.u32 @!p0 s11, $0x3;
	s26 =	simm.s32 $0x138C0;
	[dreg:$0xc] =	wrdreg s15  }
0x17: {  	s11 =	simm.s32 $0x1D7C0;
	[dreg:$0xd] =	wrdreg s0;
	s0 =	simm.s32 $0x1  }
.LBB2_10:
0x18: {  	s13 =	rddreg [dreg:$0x7]  }
0x19: {  	s12 =	sadd.s32 $0x27000, s12;
	s13 =	sshrl.u32 s13, $0x3  }
0x1a: {  	[hbm:s12], [sflag:s20] =	dma.local [spmem:s13], $0x100  }
0x1b: {  	_ =	swait.ge [sflag:s21], $0x100  }
0x1c: {  	[sflag:s21] =	ssyncset.done $0x0  }
0x1d: {  	[sflag:s21] =	ssyncadd.s32 $0xFFFFFF00  }
.LBB2_11:
0x1e: {  	s2 =	sadd.s32 $0x1, s2;
	s12 =	rddreg [dreg:$0xb]  }
0x1f: {  	p3 =	sne.s32 s2, s12  }
.Ltmp1:
0x20: {  	_ = 	snop;
	(pc) =	sbr.rel @!p3 .LBB2_12-.Ltmp1, $1  }
0x21: {  	_ =	sdelay $0x3  }
.LBB2_1:
0x22: {  	s12 =	rddreg [dreg:$0x5]  }
0x23: {  	[spmem:s15], [sflag:s20] =	dma.local [hbm:s12], $0x2700  }
0x24: {  	_ =	swait.ge [sflag:s21], $0x2700  }
0x25: {  	[sflag:s21] =	ssyncset.done $0x0;
	s12 =	rddreg [dreg:$0x8]  }
0x26: {  	s13 =	rddreg [dreg:$0xd];
	[sflag:s21] =	ssyncadd.s32 $0xFFFFD900  }
0x27: {  	[spmem:s13], [sflag:s20] =	dma.local @!p0 [hbm:s12], $0x100  }
0x28: {  	s12 =	simm.s32 @!p0 $0x3  }
.Ltmp2:
0x29: {  	_ =	swait.ge @!p0 [sflag:s12], $0x100;
	(pc) =	sbr.rel @p1 .LBB2_6-.Ltmp2, $4  }
0x2a: {  	[sflag:s12] =	ssyncset.done @!p0 $0x0  }
0x2b: {  	[sflag:s12] =	ssyncadd.s32 @!p0 $0xFFFFFF00  }
0x2c: {  	[bflag:$0x0] =	sbarrier.arrive $0xFFFF  }
0x2d: {  	s15 =	simm.s32 $0x0;
	s12 =	simm.s32 $0x0  }
.LBB2_2:
0x2e: {  	s15 =	sshll.u32 s12, $0xC  }
0x2f: {  	s15 =	sadd.s32 s16, s15  }
0x30: {  	s15 =	sshrl.u32 s15, $0x3  }
0x31: {  	s22 =	simm.s32 $0x0;
	s19 =	sadd.s32 s6, s15  }
0x32: {  	[tilespmem:s23], [sflag:$0x3] =	stream.linear.gather [hbm4b:s19+s22], $0x1000, $0x38;
	[tilespmem:$0x1D8C0] =	vst v63  }
0x33: {  	_ =	swait.ge [sflag:s21], $0x1000  }
0x34: {  	[sflag:s21] =	ssyncset.done $0x0  }
0x35: {  	s15 =	sadd.s32 s7, s15;
	[sflag:s21] =	ssyncadd.s32 $0xFFFFF000  }
0x36: {  	[tilespmem:s24], [sflag:$0x3] =	stream.linear.gather [hbm4b:s15+s22], $0x1000, $0x38;
	[tilespmem:$0x1D8C0] =	vst v63  }
0x37: {  	_ =	swait.ge [sflag:s21], $0x1000  }
0x38: {  	[sflag:s21] =	ssyncset.done $0x0  }
0x39: {  	[sflag:s21] =	ssyncadd.s32 $0xFFFFF000  }
0x3a: {  	[tilespmem:s26], [sflag:$0x1] =	stream.indirect.gather [hbm4b:s4+s25], $0x80, s23, s25, $0xb8;
	[tilespmem:$0x1D8C0] =	vst v63  }
0x3b: {  	_ = 	snop  }
0x3c: {  	[tilespmem:s29], [sflag:$0x1] =	stream.indirect.gather [hbm4b:s4+s25], $0x80, s28, s25, $0xb8;
	[tilespmem:$0x1D8C0] =	vst v63  }
0x3d: {  	s20 =	simm.s32 $0x1B940  }
0x3e: {  	[tilespmem:s30], [sflag:$0x2] =	stream.indirect.gather [hbm4b:s4+s25], $0x80, s20, s25, $0xb8;
	[tilespmem:$0x1D8C0] =	vst v63  }
0x3f: {  	s22 =	simm.s32 $0x1B980  }
0x40: {  	[tilespmem:s31], [sflag:$0x2] =	stream.indirect.gather [hbm4b:s4+s25], $0x80, s22, s25, $0xb8;
	[tilespmem:$0x1D8C0] =	vst v63  }
0x41: {  	_ =	swait.ge [sflag:s0], $0x2000  }
0x42: {  	[sflag:s0] =	ssyncset.done $0x0  }
0x43: {  	[sflag:s0] =	ssyncadd.s32 $0xFFFFE000  }
0x44: {  	_ =	swait.ge [sflag:s0], $0x2000  }
0x45: {  	[sflag:s0] =	ssyncset.done $0x0  }
0x46: {  	s13 =	simm.s32 $0x1C8C0;
	[sflag:s0] =	ssyncadd.s32 $0xFFFFE000  }
0x47: {  	[spmem:s1] =	stream.indirect.scatter.add.f32 [tilespmem:s26], [sflag:$0x3], $0x80, s13, s3, $0xb8;
	[tilespmem:$0x1D8C0] =	vst v63  }
0x48: {  	_ =	swait.ge [sflag:s21], $0x4000  }
0x49: {  	[sflag:s21] =	ssyncset.done $0x0  }
0x4a: {  	s19 =	simm.s32 $0x1B9C0;
	[sflag:s21] =	ssyncadd.s32 $0xFFFFC000  }
0x4b: {  	[tilespmem:s26], [sflag:$0x1] =	stream.indirect.gather [hbm4b:s4+s25], $0x80, s19, s25, $0xb8;
	[tilespmem:$0x1D8C0] =	vst v63  }
0x4c: {  	s20 =	simm.s32 $0x1BA00  }
0x4d: {  	[tilespmem:s29], [sflag:$0x1] =	stream.indirect.gather [hbm4b:s4+s25], $0x80, s20, s25, $0xb8;
	[tilespmem:$0x1D8C0] =	vst v63  }
0x4e: {  	_ =	swait.ge [sflag:s17], $0x2000  }
0x4f: {  	[sflag:s17] =	ssyncset.done $0x0  }
0x50: {  	[sflag:s17] =	ssyncadd.s32 $0xFFFFE000  }
0x51: {  	_ =	swait.ge [sflag:s17], $0x2000  }
0x52: {  	[sflag:s17] =	ssyncset.done $0x0  }
0x53: {  	s22 =	simm.s32 $0x1C940;
	[sflag:s17] =	ssyncadd.s32 $0xFFFFE000  }
0x54: {  	[spmem:s1] =	stream.indirect.scatter.add.f32 [tilespmem:s30], [sflag:$0x3], $0x80, s22, s3, $0xb8;
	[tilespmem:$0x1D8C0] =	vst v63  }
0x55: {  	_ =	swait.ge [sflag:s21], $0x4000  }
0x56: {  	s15 =	simm.s32 $0x100;
	s19 =	simm.s32 $0x800;
	[sflag:s21] =	ssyncset.done $0x0  }
.LBB2_3:
0x57: {  	s22 =	sadd.s32 $0x1B940, s15  }
0x58: {  	[sflag:s21] =	ssyncadd.s32 $0xFFFFC000;
	s20 =	smov.u32 s19;
	s13 =	sadd.s32 $0x400, s19  }
0x59: {  	[tilespmem:s30], [sflag:$0x2] =	stream.indirect.gather [hbm4b:s4+s25], $0x80, s22, s25, $0xb8;
	[tilespmem:$0x1D8C0] =	vst v63  }
0x5a: {  	p3 =	sne.s32 s19, $0x3800;
	s19 =	sadd.s32 $0x1B980, s15  }
0x5b: {  	[tilespmem:s31], [sflag:$0x2] =	stream.indirect.gather [hbm4b:s4+s25], $0x80, s19, s25, $0xb8;
	[tilespmem:$0x1D8C0] =	vst v63  }
0x5c: {  	_ =	swait.ge [sflag:s0], $0x2000  }
0x5d: {  	[sflag:s0] =	ssyncset.done $0x0  }
0x5e: {  	[sflag:s0] =	ssyncadd.s32 $0xFFFFE000  }
0x5f: {  	_ =	swait.ge [sflag:s0], $0x2000  }
0x60: {  	[sflag:s0] =	ssyncset.done $0x0  }
0x61: {  	s19 =	sadd.s32 $0x1C8C0, s15;
	[sflag:s0] =	ssyncadd.s32 $0xFFFFE000  }
0x62: {  	[spmem:s1] =	stream.indirect.scatter.add.f32 [tilespmem:s26], [sflag:$0x3], $0x80, s19, s3, $0xb8;
	[tilespmem:$0x1D8C0] =	vst v63  }
0x63: {  	_ =	swait.ge [sflag:s21], $0x4000  }
0x64: {  	[sflag:s21] =	ssyncset.done $0x0  }
0x65: {  	s19 =	sadd.s32 $0x1B9C0, s15;
	[sflag:s21] =	ssyncadd.s32 $0xFFFFC000  }
0x66: {  	[tilespmem:s26], [sflag:$0x1] =	stream.indirect.gather [hbm4b:s4+s25], $0x80, s19, s25, $0xb8;
	[tilespmem:$0x1D8C0] =	vst v63  }
0x67: {  	s19 =	sadd.s32 $0x1BA00, s15  }
0x68: {  	[tilespmem:s29], [sflag:$0x1] =	stream.indirect.gather [hbm4b:s4+s25], $0x80, s19, s25, $0xb8;
	[tilespmem:$0x1D8C0] =	vst v63  }
0x69: {  	_ =	swait.ge [sflag:s17], $0x2000  }
0x6a: {  	[sflag:s17] =	ssyncset.done $0x0  }
0x6b: {  	[sflag:s17] =	ssyncadd.s32 $0xFFFFE000  }
0x6c: {  	_ =	swait.ge [sflag:s17], $0x2000  }
.Ltmp3:
0x6d: {  	[sflag:s17] =	ssyncset.done $0x0;
	(pc) =	sbr.rel @p3 .LBB2_3-.Ltmp3, $4  }
0x6e: {  	s15 =	sadd.s32 $0x1C940, s15;
	[sflag:s17] =	ssyncadd.s32 $0xFFFFE000  }
0x6f: {  	[spmem:s1] =	stream.indirect.scatter.add.f32 [tilespmem:s30], [sflag:$0x3], $0x80, s15, s3, $0xb8;
	[tilespmem:$0x1D8C0] =	vst v63  }
0x70: {  	_ =	swait.ge [sflag:s21], $0x4000  }
0x71: {  	s19 =	smov.u32 s13;
	s15 =	sshra.s32 s20, $0x2;
	[sflag:s21] =	ssyncset.done $0x0  }
0x72: {  	s13 =	sadd.s32 $0x1B940, s15;
	[sflag:s21] =	ssyncadd.s32 $0xFFFFC000  }
0x73: {  	[tilespmem:s30], [sflag:$0x2] =	stream.indirect.gather [hbm4b:s4+s25], $0x80, s13, s25, $0xb8;
	[tilespmem:$0x1D8C0] =	vst v63  }
0x74: {  	s20 =	sadd.s32 $0x1B980, s15  }
0x75: {  	[tilespmem:s31], [sflag:$0x2] =	stream.indirect.gather [hbm4b:s4+s25], $0x80, s20, s25, $0xb8;
	[tilespmem:$0x1D8C0] =	vst v63  }
0x76: {  	_ =	swait.ge [sflag:s0], $0x2000  }
0x77: {  	[sflag:s0] =	ssyncset.done $0x0  }
0x78: {  	[sflag:s0] =	ssyncadd.s32 $0xFFFFE000  }
0x79: {  	_ =	swait.ge [sflag:s0], $0x2000  }
0x7a: {  	[sflag:s0] =	ssyncset.done $0x0  }
0x7b: {  	s22 =	sadd.s32 $0x1C8C0, s15;
	[sflag:s0] =	ssyncadd.s32 $0xFFFFE000  }
0x7c: {  	[spmem:s1] =	stream.indirect.scatter.add.f32 [tilespmem:s26], [sflag:$0x3], $0x80, s22, s3, $0xb8;
	[tilespmem:$0x1D8C0] =	vst v63  }
0x7d: {  	_ =	swait.ge [sflag:s21], $0x4000  }
0x7e: {  	[sflag:s21] =	ssyncset.done $0x0  }
0x7f: {  	s19 =	sadd.s32 $0x1B9C0, s15;
	[sflag:s21] =	ssyncadd.s32 $0xFFFFC000  }
0x80: {  	[tilespmem:s26], [sflag:$0x1] =	stream.indirect.gather [hbm4b:s4+s25], $0x80, s19, s25, $0xb8;
	[tilespmem:$0x1D8C0] =	vst v63  }
0x81: {  	s20 =	sadd.s32 $0x1BA00, s15  }
0x82: {  	[tilespmem:s29], [sflag:$0x1] =	stream.indirect.gather [hbm4b:s4+s25], $0x80, s20, s25, $0xb8;
	[tilespmem:$0x1D8C0] =	vst v63  }
0x83: {  	_ =	swait.ge [sflag:s17], $0x2000  }
0x84: {  	[sflag:s17] =	ssyncset.done $0x0  }
0x85: {  	[sflag:s17] =	ssyncadd.s32 $0xFFFFE000  }
0x86: {  	_ =	swait.ge [sflag:s17], $0x2000  }
0x87: {  	[sflag:s17] =	ssyncset.done $0x0  }
0x88: {  	s22 =	sadd.s32 $0x1C940, s15;
	[sflag:s17] =	ssyncadd.s32 $0xFFFFE000  }
0x89: {  	[spmem:s1] =	stream.indirect.scatter.add.f32 [tilespmem:s30], [sflag:$0x3], $0x80, s22, s3, $0xb8;
	[tilespmem:$0x1D8C0] =	vst v63  }
0x8a: {  	_ =	swait.ge [sflag:s21], $0x4000  }
0x8b: {  	[sflag:s21] =	ssyncset.done $0x0  }
0x8c: {  	[sflag:s21] =	ssyncadd.s32 $0xFFFFC000  }
0x8d: {  	[tilespmem:s30], [sflag:$0x2] =	stream.indirect.gather [hbm4b:s4+s25], $0x80, s18, s25, $0xb8;
	[tilespmem:$0x1D8C0] =	vst v63  }
0x8e: {  	_ = 	snop  }
0x8f: {  	[tilespmem:s31], [sflag:$0x2] =	stream.indirect.gather [hbm4b:s4+s25], $0x80, s10, s25, $0xb8;
	[tilespmem:$0x1D8C0] =	vst v63  }
0x90: {  	_ =	swait.ge [sflag:s0], $0x2000  }
0x91: {  	[sflag:s0] =	ssyncset.done $0x0  }
0x92: {  	[sflag:s0] =	ssyncadd.s32 $0xFFFFE000  }
0x93: {  	_ =	swait.ge [sflag:s0], $0x2000  }
0x94: {  	[sflag:s0] =	ssyncset.done $0x0  }
0x95: {  	[sflag:s0] =	ssyncadd.s32 $0xFFFFE000  }
0x96: {  	[spmem:s1] =	stream.indirect.scatter.add.f32 [tilespmem:s26], [sflag:$0x3], $0x80, s11, s3, $0xb8;
	[tilespmem:$0x1D8C0] =	vst v63  }
0x97: {  	_ =	swait.ge [sflag:s21], $0x4000  }
0x98: {  	[sflag:s21] =	ssyncset.done $0x0  }
0x99: {  	[sflag:s21] =	ssyncadd.s32 $0xFFFFC000  }
0x9a: {  	_ =	swait.ge [sflag:s17], $0x2000  }
0x9b: {  	[sflag:s17] =	ssyncset.done $0x0  }
0x9c: {  	[sflag:s17] =	ssyncadd.s32 $0xFFFFE000  }
0x9d: {  	s12 =	sadd.s32 $0x1, s12;
	_ =	swait.ge [sflag:s17], $0x2000  }
0x9e: {  	p3 =	sne.s32 s12, $0x5;
	[sflag:s17] =	ssyncset.done $0x0  }
.Ltmp4:
0x9f: {  	[sflag:s17] =	ssyncadd.s32 $0xFFFFE000;
	(pc) =	sbr.rel @p3 .LBB2_2-.Ltmp4, $4  }
0xa0: {  	[spmem:s1] =	stream.indirect.scatter.add.f32 [tilespmem:s30], [sflag:$0x3], $0x80, s14, s3, $0xb8;
	[tilespmem:$0x1D8C0] =	vst v63  }
0xa1: {  	_ =	swait.ge [sflag:s21], $0x4000  }
0xa2: {  	[sflag:s21] =	ssyncset.done $0x0  }
0xa3: {  	[sflag:s21] =	ssyncadd.s32 $0xFFFFC000  }
0xa4: {  	[bflag:$0x0] =	sbarrier.arrive $0xFFFF  }
0xa5: {  	s20 =	rddreg [dreg:$0x6]  }
0xa6: {  	s12 =	rddreg [dreg:$0xa]  }
0xa7: {  	s15 =	rddreg [dreg:$0xc]  }
0xa8: {  	[hbm:s12], [sflag:s20] =	dma.local [spmem:s15], $0x2700  }
.Ltmp5:
0xa9: {  	_ = 	snop;
	(pc) =	sbr.rel @p2 .LBB2_10-.Ltmp5, $4  }
.Ltmp6:
0xaa: {  	_ = 	snop;
	(pc) =	sbr.rel @!p2 .LBB2_11-.Ltmp6, $4  }
0xab: {  	_ =	swait.ge [sflag:s21], $0x2700  }
0xac: {  	[sflag:s21] =	ssyncset.done $0x0  }
0xad: {  	s12 =	rddreg [dreg:$0x3];
	[sflag:s21] =	ssyncadd.s32 $0xFFFFD900  }
0xae: {  	_ = 	snop  }
.LBB2_6:
0xaf: {  	s12 =	sshll.u32 s15, $0xC  }
0xb0: {  	s12 =	sadd.s32 s16, s12  }
0xb1: {  	s12 =	sshrl.u32 s12, $0x3  }
0xb2: {  	s19 =	simm.s32 $0x0;
	s13 =	sadd.s32 s8, s12  }
0xb3: {  	[tilespmem:s23], [sflag:$0x3] =	stream.linear.gather [hbm4b:s13+s19], $0x1000, $0x38;
	[tilespmem:$0x1D8C0] =	vst v63  }
0xb4: {  	_ =	swait.ge [sflag:s21], $0x1000  }
0xb5: {  	[sflag:s21] =	ssyncset.done $0x0  }
0xb6: {  	s12 =	sadd.s32 s9, s12;
	[sflag:s21] =	ssyncadd.s32 $0xFFFFF000  }
0xb7: {  	[tilespmem:s24], [sflag:$0x3] =	stream.linear.gather [hbm4b:s12+s19], $0x1000, $0x38;
	[tilespmem:$0x1D8C0] =	vst v63  }
0xb8: {  	_ =	swait.ge [sflag:s21], $0x1000  }
0xb9: {  	[sflag:s21] =	ssyncset.done $0x0  }
0xba: {  	[sflag:s21] =	ssyncadd.s32 $0xFFFFF000  }
0xbb: {  	[tilespmem:s26], [sflag:$0x1] =	stream.indirect.gather [hbm4b:s5+s25], $0x80, s23, s25, $0xb8;
	[tilespmem:$0x1D8C0] =	vst v63  }
0xbc: {  	_ = 	snop  }
0xbd: {  	[tilespmem:s29], [sflag:$0x1] =	stream.indirect.gather [hbm4b:s5+s25], $0x80, s28, s25, $0xb8;
	[tilespmem:$0x1D8C0] =	vst v63  }
0xbe: {  	s20 =	simm.s32 $0x1B940  }
0xbf: {  	[tilespmem:s30], [sflag:$0x2] =	stream.indirect.gather [hbm4b:s5+s25], $0x80, s20, s25, $0xb8;
	[tilespmem:$0x1D8C0] =	vst v63  }
0xc0: {  	s22 =	simm.s32 $0x1B980  }
0xc1: {  	[tilespmem:s31], [sflag:$0x2] =	stream.indirect.gather [hbm4b:s5+s25], $0x80, s22, s25, $0xb8;
	[tilespmem:$0x1D8C0] =	vst v63  }
0xc2: {  	_ =	swait.ge [sflag:s0], $0x2000  }
0xc3: {  	[sflag:s0] =	ssyncset.done $0x0  }
0xc4: {  	[sflag:s0] =	ssyncadd.s32 $0xFFFFE000  }
0xc5: {  	_ =	swait.ge [sflag:s0], $0x2000  }
0xc6: {  	[sflag:s0] =	ssyncset.done $0x0  }
0xc7: {  	s13 =	simm.s32 $0x1C8C0;
	[sflag:s0] =	ssyncadd.s32 $0xFFFFE000  }
0xc8: {  	[spmem:s1] =	stream.indirect.scatter.add.f32 [tilespmem:s26], [sflag:$0x3], $0x80, s13, s3, $0xb8;
	[tilespmem:$0x1D8C0] =	vst v63  }
0xc9: {  	_ =	swait.ge [sflag:s21], $0x4000  }
0xca: {  	[sflag:s21] =	ssyncset.done $0x0  }
0xcb: {  	s19 =	simm.s32 $0x1B9C0;
	[sflag:s21] =	ssyncadd.s32 $0xFFFFC000  }
0xcc: {  	[tilespmem:s26], [sflag:$0x1] =	stream.indirect.gather [hbm4b:s5+s25], $0x80, s19, s25, $0xb8;
	[tilespmem:$0x1D8C0] =	vst v63  }
0xcd: {  	s20 =	simm.s32 $0x1BA00  }
0xce: {  	[tilespmem:s29], [sflag:$0x1] =	stream.indirect.gather [hbm4b:s5+s25], $0x80, s20, s25, $0xb8;
	[tilespmem:$0x1D8C0] =	vst v63  }
0xcf: {  	_ =	swait.ge [sflag:s17], $0x2000  }
0xd0: {  	[sflag:s17] =	ssyncset.done $0x0  }
0xd1: {  	[sflag:s17] =	ssyncadd.s32 $0xFFFFE000  }
0xd2: {  	_ =	swait.ge [sflag:s17], $0x2000  }
0xd3: {  	[sflag:s17] =	ssyncset.done $0x0  }
0xd4: {  	s22 =	simm.s32 $0x1C940;
	[sflag:s17] =	ssyncadd.s32 $0xFFFFE000  }
0xd5: {  	[spmem:s1] =	stream.indirect.scatter.add.f32 [tilespmem:s30], [sflag:$0x3], $0x80, s22, s3, $0xb8;
	[tilespmem:$0x1D8C0] =	vst v63  }
0xd6: {  	_ =	swait.ge [sflag:s21], $0x4000  }
0xd7: {  	s12 =	simm.s32 $0x100;
	s19 =	simm.s32 $0x800;
	[sflag:s21] =	ssyncset.done $0x0  }
.LBB2_7:
0xd8: {  	s13 =	sadd.s32 $0x1B940, s12  }
0xd9: {  	[sflag:s21] =	ssyncadd.s32 $0xFFFFC000;
	s20 =	smov.u32 s19;
	s22 =	sadd.s32 $0x400, s19  }
0xda: {  	[tilespmem:s30], [sflag:$0x2] =	stream.indirect.gather [hbm4b:s5+s25], $0x80, s13, s25, $0xb8;
	[tilespmem:$0x1D8C0] =	vst v63  }
0xdb: {  	p3 =	sne.s32 s19, $0x3800;
	s13 =	sadd.s32 $0x1B980, s12  }
0xdc: {  	[tilespmem:s31], [sflag:$0x2] =	stream.indirect.gather [hbm4b:s5+s25], $0x80, s13, s25, $0xb8;
	[tilespmem:$0x1D8C0] =	vst v63  }
0xdd: {  	_ =	swait.ge [sflag:s0], $0x2000  }
0xde: {  	[sflag:s0] =	ssyncset.done $0x0  }
0xdf: {  	[sflag:s0] =	ssyncadd.s32 $0xFFFFE000  }
0xe0: {  	_ =	swait.ge [sflag:s0], $0x2000  }
0xe1: {  	[sflag:s0] =	ssyncset.done $0x0  }
0xe2: {  	s13 =	sadd.s32 $0x1C8C0, s12;
	[sflag:s0] =	ssyncadd.s32 $0xFFFFE000  }
0xe3: {  	[spmem:s1] =	stream.indirect.scatter.add.f32 [tilespmem:s26], [sflag:$0x3], $0x80, s13, s3, $0xb8;
	[tilespmem:$0x1D8C0] =	vst v63  }
0xe4: {  	_ =	swait.ge [sflag:s21], $0x4000  }
0xe5: {  	[sflag:s21] =	ssyncset.done $0x0  }
0xe6: {  	s13 =	sadd.s32 $0x1B9C0, s12;
	[sflag:s21] =	ssyncadd.s32 $0xFFFFC000  }
0xe7: {  	[tilespmem:s26], [sflag:$0x1] =	stream.indirect.gather [hbm4b:s5+s25], $0x80, s13, s25, $0xb8;
	[tilespmem:$0x1D8C0] =	vst v63  }
0xe8: {  	s13 =	sadd.s32 $0x1BA00, s12  }
0xe9: {  	[tilespmem:s29], [sflag:$0x1] =	stream.indirect.gather [hbm4b:s5+s25], $0x80, s13, s25, $0xb8;
	[tilespmem:$0x1D8C0] =	vst v63  }
0xea: {  	_ =	swait.ge [sflag:s17], $0x2000  }
0xeb: {  	[sflag:s17] =	ssyncset.done $0x0  }
0xec: {  	[sflag:s17] =	ssyncadd.s32 $0xFFFFE000  }
0xed: {  	_ =	swait.ge [sflag:s17], $0x2000  }
.Ltmp7:
0xee: {  	[sflag:s17] =	ssyncset.done $0x0;
	(pc) =	sbr.rel @p3 .LBB2_7-.Ltmp7, $4  }
0xef: {  	s12 =	sadd.s32 $0x1C940, s12;
	[sflag:s17] =	ssyncadd.s32 $0xFFFFE000  }
0xf0: {  	[spmem:s1] =	stream.indirect.scatter.add.f32 [tilespmem:s30], [sflag:$0x3], $0x80, s12, s3, $0xb8;
	[tilespmem:$0x1D8C0] =	vst v63  }
0xf1: {  	_ =	swait.ge [sflag:s21], $0x4000  }
0xf2: {  	s19 =	smov.u32 s22;
	s12 =	sshra.s32 s20, $0x2;
	[sflag:s21] =	ssyncset.done $0x0  }
0xf3: {  	s13 =	sadd.s32 $0x1B940, s12;
	[sflag:s21] =	ssyncadd.s32 $0xFFFFC000  }
0xf4: {  	[tilespmem:s30], [sflag:$0x2] =	stream.indirect.gather [hbm4b:s5+s25], $0x80, s13, s25, $0xb8;
	[tilespmem:$0x1D8C0] =	vst v63  }
0xf5: {  	s20 =	sadd.s32 $0x1B980, s12  }
0xf6: {  	[tilespmem:s31], [sflag:$0x2] =	stream.indirect.gather [hbm4b:s5+s25], $0x80, s20, s25, $0xb8;
	[tilespmem:$0x1D8C0] =	vst v63  }
0xf7: {  	_ =	swait.ge [sflag:s0], $0x2000  }
0xf8: {  	[sflag:s0] =	ssyncset.done $0x0  }
0xf9: {  	[sflag:s0] =	ssyncadd.s32 $0xFFFFE000  }
0xfa: {  	_ =	swait.ge [sflag:s0], $0x2000  }
0xfb: {  	[sflag:s0] =	ssyncset.done $0x0  }
0xfc: {  	s22 =	sadd.s32 $0x1C8C0, s12;
	[sflag:s0] =	ssyncadd.s32 $0xFFFFE000  }
0xfd: {  	[spmem:s1] =	stream.indirect.scatter.add.f32 [tilespmem:s26], [sflag:$0x3], $0x80, s22, s3, $0xb8;
	[tilespmem:$0x1D8C0] =	vst v63  }
0xfe: {  	_ =	swait.ge [sflag:s21], $0x4000  }
0xff: {  	[sflag:s21] =	ssyncset.done $0x0  }
0x100: {  	s19 =	sadd.s32 $0x1B9C0, s12;
	[sflag:s21] =	ssyncadd.s32 $0xFFFFC000  }
0x101: {  	[tilespmem:s26], [sflag:$0x1] =	stream.indirect.gather [hbm4b:s5+s25], $0x80, s19, s25, $0xb8;
	[tilespmem:$0x1D8C0] =	vst v63  }
0x102: {  	s20 =	sadd.s32 $0x1BA00, s12  }
0x103: {  	[tilespmem:s29], [sflag:$0x1] =	stream.indirect.gather [hbm4b:s5+s25], $0x80, s20, s25, $0xb8;
	[tilespmem:$0x1D8C0] =	vst v63  }
0x104: {  	_ =	swait.ge [sflag:s17], $0x2000  }
0x105: {  	[sflag:s17] =	ssyncset.done $0x0  }
0x106: {  	[sflag:s17] =	ssyncadd.s32 $0xFFFFE000  }
0x107: {  	_ =	swait.ge [sflag:s17], $0x2000  }
0x108: {  	[sflag:s17] =	ssyncset.done $0x0  }
0x109: {  	s22 =	sadd.s32 $0x1C940, s12;
	[sflag:s17] =	ssyncadd.s32 $0xFFFFE000  }
0x10a: {  	[spmem:s1] =	stream.indirect.scatter.add.f32 [tilespmem:s30], [sflag:$0x3], $0x80, s22, s3, $0xb8;
	[tilespmem:$0x1D8C0] =	vst v63  }
0x10b: {  	_ =	swait.ge [sflag:s21], $0x4000  }
0x10c: {  	[sflag:s21] =	ssyncset.done $0x0  }
0x10d: {  	[sflag:s21] =	ssyncadd.s32 $0xFFFFC000  }
0x10e: {  	[tilespmem:s30], [sflag:$0x2] =	stream.indirect.gather [hbm4b:s5+s25], $0x80, s18, s25, $0xb8;
	[tilespmem:$0x1D8C0] =	vst v63  }
0x10f: {  	_ = 	snop  }
0x110: {  	[tilespmem:s31], [sflag:$0x2] =	stream.indirect.gather [hbm4b:s5+s25], $0x80, s10, s25, $0xb8;
	[tilespmem:$0x1D8C0] =	vst v63  }
0x111: {  	_ =	swait.ge [sflag:s0], $0x2000  }
0x112: {  	[sflag:s0] =	ssyncset.done $0x0  }
0x113: {  	[sflag:s0] =	ssyncadd.s32 $0xFFFFE000  }
0x114: {  	_ =	swait.ge [sflag:s0], $0x2000  }
0x115: {  	[sflag:s0] =	ssyncset.done $0x0  }
0x116: {  	[sflag:s0] =	ssyncadd.s32 $0xFFFFE000  }
0x117: {  	[spmem:s1] =	stream.indirect.scatter.add.f32 [tilespmem:s26], [sflag:$0x3], $0x80, s11, s3, $0xb8;
	[tilespmem:$0x1D8C0] =	vst v63  }
0x118: {  	_ =	swait.ge [sflag:s21], $0x4000  }
0x119: {  	[sflag:s21] =	ssyncset.done $0x0  }
0x11a: {  	[sflag:s21] =	ssyncadd.s32 $0xFFFFC000  }
0x11b: {  	_ =	swait.ge [sflag:s17], $0x2000  }
0x11c: {  	[sflag:s17] =	ssyncset.done $0x0  }
0x11d: {  	[sflag:s17] =	ssyncadd.s32 $0xFFFFE000  }
0x11e: {  	s15 =	sadd.s32 $0x1, s15;
	_ =	swait.ge [sflag:s17], $0x2000  }
0x11f: {  	p3 =	sne.s32 s15, $0x5;
	[sflag:s17] =	ssyncset.done $0x0  }
.Ltmp8:
0x120: {  	[sflag:s17] =	ssyncadd.s32 $0xFFFFE000;
	(pc) =	sbr.rel @p3 .LBB2_6-.Ltmp8, $4  }
0x121: {  	[spmem:s1] =	stream.indirect.scatter.add.f32 [tilespmem:s30], [sflag:$0x3], $0x80, s14, s3, $0xb8;
	[tilespmem:$0x1D8C0] =	vst v63  }
0x122: {  	_ =	swait.ge [sflag:s21], $0x4000  }
0x123: {  	[sflag:s21] =	ssyncset.done $0x0  }
0x124: {  	[sflag:s21] =	ssyncadd.s32 $0xFFFFC000  }
0x125: {  	[bflag:$0x0] =	sbarrier.arrive $0xFFFF  }
0x126: {  	s20 =	rddreg [dreg:$0x6]  }
0x127: {  	s12 =	rddreg [dreg:$0x9]  }
0x128: {  	s15 =	rddreg [dreg:$0xc]  }
0x129: {  	[hbm:s12], [sflag:s20] =	dma.local [spmem:s15], $0x2700  }
.Ltmp9:
0x12a: {  	_ = 	snop;
	(pc) =	sbr.rel @p0 .LBB2_11-.Ltmp9, $4  }
.Ltmp10:
0x12b: {  	_ = 	snop;
	(pc) =	sbr.rel @!p0 .LBB2_10-.Ltmp10, $4  }
0x12c: {  	_ =	swait.ge [sflag:s21], $0x2700  }
0x12d: {  	[sflag:s21] =	ssyncset.done $0x0  }
0x12e: {  	s12 =	rddreg [dreg:$0x4];
	[sflag:s21] =	ssyncadd.s32 $0xFFFFD900  }
0x12f: {  	_ = 	snop  }
.LBB2_12:
0x130: {  	_ =	sfence.sel $0x180000  }
0x131: {  	[bflag:$0x0] =	sbarrier.arrive $0xFFFF  }
0x132: {  	_ =	strace $0x9000004D  }
0x133: {  	s0 =	stileid.u32;
	[bflag:$0x2] =	sbarrier.arrive $0xFFFF  }
0x134: {  	p0 =	sne.s32 s0, $0x0;
	s0 =	rddreg [dreg:$0x2]  }
0x135: {  	s0 =	sadd.s32 @!p0 $0x100000, s0  }
0x136: {  	[sflag:s0] =	ssyncadd.tile.s32 @!p0 $0x1;
	_ =	shalt  }
.Lfunc_end2:
_tile_overlayer_lowered:
.L_overlay_start_2:
0x137: {  	(tag) =	ssettag $0x2  }
0x138: {  	s0 =	rddreg [dreg:$0x0];
	s2 =	stileid.u32  }
0x139: {  	s1 =	rddreg [dreg:$0x1];
	p0 =	sne.s32 s2, $0x0  }
0x13a: {  	s3 =	rddreg [dreg:$0x2];
	[bflag:$0x3] =	sbarrier.arrive $0xFFFF;
	s2 =	simm.s32 @!p0 $0x1C03  }
0x13b: {  	[timem:s3], [sflag:s2] =	dma.local @!p0 [hbm:s0], s1  }
0x13c: {  	s0 =	simm.s32 @!p0 $0x3  }
0x13d: {  	_ =	swait.ge @!p0 [sflag:s0], s1  }
0x13e: {  	s1 =	ssub.s32 @!p0 $0x0, s1;
	[sflag:s0] =	ssyncset.done @!p0 $0x0  }
0x13f: {  	[sflag:s0] =	ssyncadd.s32 @!p0 s1  }
0x140: {  	[bflag:$0x3] =	sbarrier.arrive $0xFFFF  }
0x141: {  	_ =	shalt  }

// kernel: kernel.19.cloned.1.call-start
scs
__scs_entry_jumppad:
0x0: {  	(pc) =	sbr.rel $0x88, $3  }
0x1: {  	(tag) =	ssettag $0x0;
	lr =	simm.s32 $0x1  }
0x2: {  	[smem:$0x3F82] =	sst lr;
	_ =	strace $0xD0000000  }
0x3: {  	_ = 	snop  }
0x4: {  	_ = 	snop  }
0x5: {  	_ = 	snop  }
0x6: {  	_ = 	snop  }
0x7: {  	_ = 	snop  }
__scs_overlays_trampoline_lowered:
0x8: {  	[smem:$0x3F91] =	sst s0  }
0x9: {  	[smem:$0x3F92] =	sst s1  }
0xa: {  	[smem:$0x3F93] =	sst s2  }
0xb: {  	[smem:$0x3F94] =	sst s3  }
0xc: {  	[smem:$0x3F95] =	sst s4  }
0xd: {  	[smem:$0x3F96] =	sst s5  }
0xe: {  	[smem:$0x3F97] =	sst s6  }
0xf: {  	[smem:$0x3F98] =	sst s7  }
0x10: {  	[smem:$0x3F99] =	sst s8  }
0x11: {  	[smem:$0x3F9A] =	sst s9;
	s0 =	simm.s32 @!p0 $0x0  }
0x12: {  	s1 =	sld [smem:$0x3F80];
	s0 =	simm.s32 @p0 $0x1  }
0x13: {  	[smem:$0x3F9B] =	sst s0;
	s0 =	simm.s32 @!p1 $0x0  }
0x14: {  	s2 =	sld [smem:$0x3F7F];
	s0 =	simm.s32 @p1 $0x1  }
0x15: {  	[smem:$0x3F9C] =	sst s0;
	s0 =	simm.s32 @!p2 $0x0  }
0x16: {  	s3 =	sld [smem:$0x3FDB];
	s0 =	simm.s32 @p2 $0x1  }
0x17: {  	s4 =	simm.s32 $0x1BF5;
	[smem:$0x3F9E] =	sst s0  }
0x18: {  	s0 =	sld [smem:$0x3F81];
	_ =	swait.ge [sflag:s4], $0x0  }
0x19: {  	s7 =	sld [smem:$0x3F82]  }
0x1a: {  	s8 =	sadd.s32 $0xFFFFE003, lr  }
0x1b: {  	s9 =	sadd.s32 $0xFFFFFEF7, lr;
	s5 =	simm.s32 $0xFFFFFFFF;
	p2 =	slt.u32 s8, $0xFFFFF086  }
0x1c: {  	p1 =	slt.u32 s9, $0xF7A;
	s5 =	simm.s32 @!p2 $0x0  }
0x1d: {  	s5 =	simm.s32 @p1 $0x1;
	p0 =	seq.s32 s7, s2  }
0x1e: {  	s7 =	smul.u32 @!p0 $0xF7A, s2;
	p2 =	seq.s32 @!p0 s5, $0x0  }
0x1f: {  	s9 =	smul.u32 $0xF7A, s1;
	s8 =	simm.s32 @!p0 $0x1BF5;
	p2 =	por !p2, p0  }
0x20: {  	[sflag:s8] =	ssyncset.s32 @!p0 $0xFFFFF086;
	s6 =	sadd.s32 @!p0 s3, s7;
	s7 =	simm.s32 @!p0 $0x108  }
0x21: {  	s3 =	sadd.s32 s3, s9;
	s6 =	sadd.s32 @!p0 $0x88, s6;
	s7 =	simm.s32 @p2 $0x1082  }
0x22: {  	[simem:s7], [sflag:s8] =	dma.local @!p0 [hbm:s6], $0xF7A  }
0x23: {  	s9 =	sor.u32 $0xD0000000, s2;
	s6 =	simm.s32 $0x108;
	_ =	swait.ge @!p0 [sflag:s8], $0x0  }
0x24: {  	s3 =	sadd.s32 $0x88, s3;
	s6 =	simm.s32 @!p1 $0x1082;
	[sflag:s4] =	ssyncset.s32 $0xFFFFF086  }
0x25: {  	[simem:s6], [sflag:s4] =	dma.local [hbm:s3], $0xF7A  }
0x26: {  	[smem:$0x3F82] =	sst s1;
	(tag) =	ssettag s2;
	_ =	strace s9  }
0x27: {  	s1 =	sld [smem:$0x3F92]  }
0x28: {  	s2 =	sld [smem:$0x3F93]  }
0x29: {  	s4 =	sld [smem:$0x3F95]  }
0x2a: {  	p0 =	seq.s32 s5, $0x0;
	s5 =	sld [smem:$0x3F96]  }
0x2b: {  	s6 =	sld [smem:$0x3F97]  }
0x2c: {  	s7 =	sld [smem:$0x3F98]  }
0x2d: {  	s3 =	simm.s32 $0x108;
	s8 =	sld [smem:$0x3F99]  }
0x2e: {  	s3 =	simm.s32 @!p0 $0x1082;
	s9 =	sld [smem:$0x3F9A]  }
0x2f: {  	lr =	sadd.s32 s0, s3;
	s0 =	sld [smem:$0x3F91]  }
0x30: {  	s3 =	sld [smem:$0x3F94]  }
0x31: {  	[smem:$0x3F9D] =	sst s10  }
0x32: {  	s10 =	sld [smem:$0x3F9B];
	_ =	sdelay $0x3  }
0x33: {  	p0 =	seq.s32 s10, $0x1;
	s10 =	sld [smem:$0x3F9D];
	_ =	sdelay $0x3  }
0x34: {  	[smem:$0x3F9D] =	sst s10  }
0x35: {  	s10 =	sld [smem:$0x3F9C];
	_ =	sdelay $0x3  }
0x36: {  	p1 =	seq.s32 s10, $0x1;
	s10 =	sld [smem:$0x3F9D];
	_ =	sdelay $0x3  }
0x37: {  	[smem:$0x3F9D] =	sst s10  }
0x38: {  	s10 =	sld [smem:$0x3F9E]  }
0x39: {  	_ = 	snop;
	(pc) =	sbr.ind lr, $3  }
0x3a: {  	_ = 	snop  }
0x3b: {  	_ = 	snop  }
0x3c: {  	p2 =	seq.s32 s10, $0x1;
	s10 =	sld [smem:$0x3F9D]  }
0x3d: {  	_ =	shalt  }
0x3e: {  	_ =	shalt  }
0x3f: {  	_ =	shalt  }
0x40: {  	_ =	shalt  }
0x41: {  	_ =	shalt  }
0x42: {  	_ =	shalt  }
0x43: {  	_ =	shalt  }
0x44: {  	_ =	shalt  }
0x45: {  	_ =	shalt  }
0x46: {  	_ =	shalt  }
0x47: {  	_ =	shalt  }
0x48: {  	_ =	shalt  }
0x49: {  	_ =	shalt  }
0x4a: {  	_ =	shalt  }
0x4b: {  	_ =	shalt  }
0x4c: {  	_ =	shalt  }
0x4d: {  	_ =	shalt  }
0x4e: {  	_ =	shalt  }
0x4f: {  	_ =	shalt  }
0x50: {  	_ =	shalt  }
0x51: {  	_ =	shalt  }
0x52: {  	_ =	shalt  }
0x53: {  	_ =	shalt  }
0x54: {  	_ =	shalt  }
0x55: {  	_ =	shalt  }
0x56: {  	_ =	shalt  }
0x57: {  	_ =	shalt  }
0x58: {  	_ =	shalt  }
0x59: {  	_ =	shalt  }
0x5a: {  	_ =	shalt  }
0x5b: {  	_ =	shalt  }
0x5c: {  	_ =	shalt  }
0x5d: {  	_ =	shalt  }
0x5e: {  	_ =	shalt  }
0x5f: {  	_ =	shalt  }
0x60: {  	_ =	shalt  }
0x61: {  	_ =	shalt  }
0x62: {  	_ =	shalt  }
0x63: {  	_ =	shalt  }
0x64: {  	_ =	shalt  }
0x65: {  	_ =	shalt  }
0x66: {  	_ =	shalt  }
0x67: {  	_ =	shalt  }
0x68: {  	_ =	shalt  }
0x69: {  	_ =	shalt  }
0x6a: {  	_ =	shalt  }
0x6b: {  	_ =	shalt  }
0x6c: {  	_ =	shalt  }
0x6d: {  	_ =	shalt  }
0x6e: {  	_ =	shalt  }
0x6f: {  	_ =	shalt  }
0x70: {  	_ =	shalt  }
0x71: {  	_ =	shalt  }
0x72: {  	_ =	shalt  }
0x73: {  	_ =	shalt  }
0x74: {  	_ =	shalt  }
0x75: {  	_ =	shalt  }
0x76: {  	_ =	shalt  }
0x77: {  	_ =	shalt  }
0x78: {  	_ =	shalt  }
0x79: {  	_ =	shalt  }
0x7a: {  	_ =	shalt  }
0x7b: {  	_ =	shalt  }
0x7c: {  	_ =	shalt  }
0x7d: {  	_ =	shalt  }
0x7e: {  	_ =	shalt  }
0x7f: {  	_ =	shalt  }
0x80: {  	_ =	shalt  }
0x81: {  	_ =	shalt  }
0x82: {  	_ =	shalt  }
0x83: {  	_ =	shalt  }
0x84: {  	_ =	shalt  }
0x85: {  	_ =	shalt  }
0x86: {  	_ =	shalt  }
0x87: {  	_ =	shalt  }
.Lfunc_end0:
.L_simem_size_0:
called_computation.3_lowered:
.L_overlay_start_0:
0x88: {  	s2 =	sld [smem:$0x3FD9]  }
0x89: {  	s3 =	sld [smem:$0x3FFE];
	_ =	sdelay $0x1  }
0x8a: {  	s1 =	srdreg.scid  }
0x8b: {  	s0 =	sand.u32 $0x1, s1  }
0x8c: {  	s17 =	sshll.u32 s0, $0xA;
	s2 =	sadd.s32 s3, s2  }
0x8d: {  	s2 =	sadd.s32 s2, s17  }
0x8e: {  	[smem:$0x3FA9] =	sst s2  }
0x8f: {  	_ = 	snop  }
0x90: {  	s2 =	sld [smem:$0x3FAC]  }
0x91: {  	s18 =	sld [smem:$0x3FAB];
	(tm) =	ssettm $0x1  }
0x92: {  	s4 =	sld [smem:$0x3FFB];
	_ =	sdelay $0x3  }
0x93: {  	_ =	strace s4  }
0x94: {  	s4 =	sld [smem:$0x3FFC];
	_ =	sdelay $0x3  }
0x95: {  	_ =	strace s4  }
0x96: {  	s4 =	sld [smem:$0x3FFD];
	_ =	sdelay $0x3  }
0x97: {  	_ =	strace s4  }
0x98: {  	_ =	strace $0x8FFFFFFF  }
0x99: {  	s19 =	sld [smem:$0x3FDB];
	_ =	sdelay $0x1  }
0x9a: {  	s5 =	simm.s32 $_scs_section_size  }
0x9b: {  	s6 =	simm.s32 $_size__tile_overlayer_lowered;
	s7 =	simm.s32 $_tile_overlayer_lowered  }
0x9c: {  	s22 =	simm.s32 $0x1BFF;
	s21 =	sshll.u32 s7, $0x1;
	s4 =	sadd.s32 s5, s19  }
0x9d: {  	s8 =	simm.s32 $0x0;
	s20 =	sshll.u32 s6, $0x1;
	s6 =	sadd.s32 s21, s4  }
0x9e: {  	[timem:s8], [sflag:s22] =	dma.local [hbm:s6], s20  }
0x9f: {  	_ =	swait.ge [sflag:s22], s20  }
0xa0: {  	s5 =	ssub.s32 $0x0, s20;
	[sflag:s22] =	ssyncset.done $0x0  }
0xa1: {  	[sflag:s22] =	ssyncadd.s32 s5;
	_ =	sdelay $0x1  }
0xa2: {  	s23 =	simm.s32 $0x1B8B  }
0xa3: {  	_ =	swait.ge [sflag:s23], $0x1  }
0xa4: {  	[sflag:s23] =	ssyncset.done $0x0  }
0xa5: {  	s25 =	simm.s32 $0x1B8E;
	s24 =	sld [smem:$0x3FFE];
	[sflag:s23] =	ssyncadd.s32 $0xFFFFFFFF  }
0xa6: {  	s26 =	simm.s32 $execute0_lowered;
	[smem:$0x3FD2] =	sst s25  }
0xa7: {  	s6 =	sshll.u32 s26, $0x1;
	_ =	strace $0x8000004F;
	[dreg:$0x1] =	wrdreg $0xFFFFFFFF  }
0xa8: {  	s28 =	simm.s32 $_size_execute0_lowered;
	s4 =	sadd.s32 s4, s6;
	[dreg:$0x0] =	wrdreg $0x0  }
0xa9: {  	s6 =	sshll.u32 s28, $0x1;
	[dreg:$0x2] =	wrdreg s4  }
0xaa: {  	[dreg:$0x3] =	wrdreg s6  }
0xab: {  	[dreg:$0x4] =	wrdreg $0xC0  }
0xac: {  	_ =	task [dreg:s8], $0x5FFFF  }
0xad: {  	[dreg:$0x1] =	wrdreg $0xFFFFFFFF  }
0xae: {  	[dreg:$0x0] =	wrdreg $0x60  }
0xaf: {  	[dreg:$0x2] =	wrdreg s24  }
0xb0: {  	[dreg:$0x3] =	wrdreg s2  }
0xb1: {  	[dreg:$0x4] =	wrdreg s18  }
0xb2: {  	[dreg:$0x5] =	wrdreg $0x0  }
0xb3: {  	[dreg:$0x6] =	wrdreg $0x20000  }
0xb4: {  	[dreg:$0x7] =	wrdreg $0x9  }
0xb5: {  	_ =	task.clear_ibuf [dreg:s8], $0x8FFFF;
	_ =	strace $0x9000004F  }
0xb6: {  	s29 =	simm.s32 $0x9;
	_ =	strace $0x80000051  }
0xb7: {  	_ =	swait.ge [sflag:s29], $0x1  }
0xb8: {  	[sflag:s29] =	ssyncadd.s32 $0xFFFFFFFF  }
0xb9: {  	_ =	strace $0x90000051  }
0xba: {  	_ =	sfence  }
0xbb: {  	s30 =	sld [smem:$0x0];
	_ =	sdelay $0x2  }
0xbc: {  	s31 =	sshll.u32 s1, $0xD;
	s1 =	sshrl.u32 s1, $0x2  }
0xbd: {  	s3 =	sand.u32 $0x4000, s31;
	s1 =	sadd.s32 s1, s30  }
0xbe: {  	s0 =	sor.u32 s3, s0;
	s1 =	sshll.u32 s1, $0x11  }
0xbf: {  	s0 =	sor.u32 s1, s0  }
0xc0: {  	s0 =	sadd.s32 $0x8F2B, s0  }
0xc1: {  	[sflag:s0] =	ssyncadd.remote.s32 $0x1  }
0xc2: {  	_ =	sfence.sel $0xFFFF  }
0xc3: {  	[dreg:$0x0] =	wrdreg $0xFFFFFFFF;
	(pc) =	sbr.abs _section_cstart, $3  }
0xc4: {  	[dreg:$0x1] =	wrdreg $0xFFFFFFFF  }
0xc5: {  	_ =	task.clear_ibuf [dreg:s8], $0x2FFFF;
	_ =	strace $0x9FFFFFFF  }
0xc6: {  	(tm) =	ssettm $0x7FFFFFFF  }
0xc7: {  	_ =	shalt  }
tec
execute0_lowered:
.L_overlay_start_1:
0x0: {  	(tag) =	ssettag $0x1  }
0x1: {  	s10 =	rddreg [dreg:$0x0]  }
0x2: {  	s17 =	rddreg [dreg:$0x1]  }
0x3: {  	s15 =	rddreg [dreg:$0x2]  }
0x4: {  	s2 =	rddreg [dreg:$0x3]  }
0x5: {  	s3 =	rddreg [dreg:$0x4];
	s4 =	simm.s32 $0x0  }
0x6: {  	s1 =	stileid.u32;
	s8 =	srdreg.scid;
	s22 =	simm.s32 $0x0  }
0x7: {  	[smem:$0x7FF] =	sst s4;
	s6 =	smul.u32 $0x500, s1;
	s5 =	sshll.u32 s1, $0xA  }
0x8: {  	s7 =	sadd.s32 $0x55000, s10;
	s18 =	sand.u32 $0x1, s8;
	s8 =	sadd.s32 $0x59000, s10  }
0x9: {  	s9 =	sadd.s32 $0x5D000, s10;
	s14 =	sshll.u32 s1, $0xD;
	s31 =	sshll.u32 s1, $0x6  }
0xa: {  	s20 =	smul.u32 $0xA, s1;
	_ =	strace $0x80000050;
	s11 =	sadd.s32 s5, s10  }
0xb: {  	s12 =	ssub.s32 $0x2, s18;
	s19 =	sadd.s32 s14, s2;
	s21 =	sadd.s32 s14, s3  }
0xc: {  	p0 =	sne.s32 s18, $0x0;
	s16 =	sadd.s32 s6, s10;
	s6 =	sadd.s32 $0x54A00, s10  }
.Ltmp0:
0xd: {  	s10 =	sadd.s32 $0x61000, s10;
	s13 =	sshrl.u32 s12, $0x1;
	(pc) =	sbr.rel .LBB2_1-.Ltmp0, $4  }
0xe: {  	s11 =	sadd.s32 $0xE0C00, s11;
	s15 =	sadd.s32 s20, s15;
	s17 =	sadd.s32 s20, s17  }
0xf: {  	s18 =	sshrl.u32 s19, $0x3;
	s19 =	simm.s32 $0x1;
	s20 =	sshrl.u32 s21, $0x3  }
0x10: {  	s21 =	simm.s32 $0x6800;
	s13 =	ssub.s32 s12, s13;
	s12 =	sor.u32 $0x1C01, s31  }
0x11: {  	s14 =	sadd.s32 $0x2D800, s16;
	s16 =	sadd.s32 $0x6600, s16;
	s13 =	smax.u32 s13, $0x1  }
.LBB2_7:
0x12: {  	s0 =	simm.s32 @!p3 $0x0;
	[sflag:s26] =	ssyncset.done @!p1 $0x0  }
0x13: {  	s24 =	simm.s32 @!p3 $0x4000;
	s28 =	simm.s32 @!p3 $0x2;
	[sflag:s26] =	ssyncadd.s32 @!p1 $0xFFFFD800  }
0x14: {  	[tilespmem:s24], [sflag:$0x2] =	stream.linear.gather @!p3 [hbm4b:s25+s0], $0x2800, $0x38;
	[tilespmem:$0x9080] =	vst v63  }
0x15: {  	p1 =	por p3, p3;
	_ =	swait.ge @!p3 [sflag:s28], $0x2800  }
0x16: {  	[sflag:s28] =	ssyncset.done @!p1 $0x0  }
0x17: {  	s25 =	simm.s32 @!p1 $0x9000;
	[sflag:s28] =	ssyncadd.s32 @!p1 $0xFFFFD800  }
0x18: {  	[tilespmem:s25], [sflag:$0x2] =	stream.linear.gather @!p1 [hbm4b:s23+s0], $0x50, $0x38;
	[tilespmem:$0x9080] =	vst v63  }
0x19: {  	_ =	swait.ge @!p1 [sflag:s28], $0x50  }
0x1a: {  	[sflag:s28] =	ssyncset.done @!p1 $0x0  }
0x1b: {  	s0 =	simm.s32 @!p1 $0x50;
	[sflag:s28] =	ssyncadd.s32 @!p1 $0xFFFFFFB0  }
0x1c: {  	[spmem:s2] =	stream.indirect.scatter.add.f32 @!p1 [tilespmem:s24], [sflag:$0x2], $0x80, s25, s0, $0xb8;
	[tilespmem:$0x9080] =	vst v63  }
0x1d: {  	_ =	swait.ge @!p1 [sflag:s28], $0x2800  }
0x1e: {  	[sflag:s28] =	ssyncset.done @!p1 $0x0  }
0x1f: {  	s23 =	simm.s32 @!p1 $0x1;
	s24 =	simm.s32 @!p1 $0x6800;
	[sflag:s28] =	ssyncadd.s32 @!p1 $0xFFFFD800  }
0x20: {  	[spmem:s3] =	stream.indirect.scatter.add.f32 @!p1 [tilespmem:s24], [sflag:$0x1], $0x80, s25, s0, $0xb8;
	[tilespmem:$0x9080] =	vst v63  }
0x21: {  	_ =	swait.ge @!p1 [sflag:s23], $0x2800  }
0x22: {  	[sflag:s23] =	ssyncset.done @!p1 $0x0  }
0x23: {  	s24 =	smov.u32 s9;
	[sflag:s23] =	ssyncadd.s32 @!p1 $0xFFFFD800;
	s23 =	smov.u32 s10  }
.LBB2_8:
0x24: {  	s0 =	sadd.s32 s24, s5;
	[bflag:$0x0] =	sbarrier.arrive $0xFFFF  }
0x25: {  	[hbm:s0], [sflag:s12] =	dma.local [spmem:s18], $0x400  }
0x26: {  	s22 =	sadd.s32 $0x1, s22;
	_ =	swait.ge [sflag:s19], $0x400  }
0x27: {  	p1 =	sne.s32 s22, s13;
	[sflag:s19] =	ssyncset.done $0x0  }
.Ltmp1:
0x28: {  	s31 =	sadd.s32 s23, s5;
	[sflag:s19] =	ssyncadd.s32 $0xFFFFFC00;
	(pc) =	sbr.rel @!p1 .LBB2_9-.Ltmp1, $4  }
0x29: {  	[hbm:s31], [sflag:s12] =	dma.local [spmem:s20], $0x400  }
0x2a: {  	_ =	swait.ge [sflag:s19], $0x400  }
0x2b: {  	[sflag:s19] =	ssyncset.done $0x0  }
0x2c: {  	[sflag:s19] =	ssyncadd.s32 $0xFFFFFC00  }
.LBB2_1:
0x2d: {  	[spmem:s18], [sflag:s12] =	dma.local [hbm:s11], $0x400  }
0x2e: {  	_ =	swait.ge [sflag:s19], $0x400  }
0x2f: {  	[sflag:s19] =	ssyncset.done $0x0  }
0x30: {  	[sflag:s19] =	ssyncadd.s32 $0xFFFFFC00  }
0x31: {  	[spmem:s20], [sflag:s12] =	dma.local [hbm:s11], $0x400  }
0x32: {  	_ =	swait.ge [sflag:s19], $0x400  }
0x33: {  	[sflag:s19] =	ssyncset.done $0x0  }
0x34: {  	[sflag:s19] =	ssyncadd.s32 $0xFFFFFC00  }
0x35: {  	[tilespmem:s21], [sflag:$0x1] =	stream.linear.gather [hbm4b:s6+s4], $0x2800, $0x38;
	[tilespmem:$0x9080] =	vst v63  }
.Ltmp2:
0x36: {  	_ =	swait.ge [sflag:s19], $0x2800;
	(pc) =	sbr.rel @p0 .LBB2_5-.Ltmp2, $3  }
0x37: {  	[sflag:s19] =	ssyncset.done $0x0  }
0x38: {  	[sflag:s19] =	ssyncadd.s32 $0xFFFFD800  }
0x39: {  	[bflag:$0x0] =	sbarrier.arrive $0xFFFF;
	_ =	sdelay $0x1  }
0x3a: {  	s23 =	sadd.s32 $0x0, s1  }
0x3b: {  	p1 =	sgt.u32 s23, $0x7C  }
0x3c: {  	s23 =	simm.s32 @!p1 $0x0;
	s24 =	simm.s32 @!p1 $0x4000;
	s25 =	simm.s32 @!p1 $0x2  }
0x3d: {  	[tilespmem:s24], [sflag:$0x2] =	stream.linear.gather @!p1 [hbm4b:s16+s23], $0x2800, $0x38;
	[tilespmem:$0x9080] =	vst v63  }
0x3e: {  	_ =	swait.ge @!p1 [sflag:s25], $0x2800;
	p1 =	por p1, p1  }
0x3f: {  	[sflag:s25] =	ssyncset.done @!p1 $0x0  }
0x40: {  	s26 =	simm.s32 @!p1 $0x9000;
	[sflag:s25] =	ssyncadd.s32 @!p1 $0xFFFFD800  }
0x41: {  	[tilespmem:s26], [sflag:$0x2] =	stream.linear.gather @!p1 [hbm4b:s17+s23], $0x50, $0x38;
	[tilespmem:$0x9080] =	vst v63  }
0x42: {  	_ =	swait.ge @!p1 [sflag:s25], $0x50  }
0x43: {  	[sflag:s25] =	ssyncset.done @!p1 $0x0  }
0x44: {  	s23 =	simm.s32 @!p1 $0x50;
	[sflag:s25] =	ssyncadd.s32 @!p1 $0xFFFFFFB0  }
0x45: {  	[spmem:s2] =	stream.indirect.scatter.add.f32 @!p1 [tilespmem:s24], [sflag:$0x2], $0x80, s26, s23, $0xb8;
	[tilespmem:$0x9080] =	vst v63  }
0x46: {  	_ =	swait.ge @!p1 [sflag:s25], $0x2800  }
0x47: {  	[sflag:s25] =	ssyncset.done @!p1 $0x0  }
0x48: {  	s31 =	sadd.s32 $0x10, s1;
	[sflag:s25] =	ssyncadd.s32 @!p1 $0xFFFFD800;
	s25 =	simm.s32 @!p1 $0x6800  }
0x49: {  	[spmem:s3] =	stream.indirect.scatter.add.f32 @!p1 [tilespmem:s25], [sflag:$0x1], $0x80, s26, s23, $0xb8;
	[tilespmem:$0x9080] =	vst v63  }
0x4a: {  	p3 =	sgt.u32 s31, $0x7C;
	s24 =	simm.s32 $0x20;
	s26 =	simm.s32 @!p1 $0x1  }
0x4b: {  	s23 =	sadd.s32 $0xA0, s17;
	s25 =	sadd.s32 $0x5000, s16;
	_ =	swait.ge @!p1 [sflag:s26], $0x2800  }
.LBB2_3:
0x4c: {  	s28 =	simm.s32 @!p3 $0x0  }
0x4d: {  	s29 =	simm.s32 @!p3 $0x4000;
	[sflag:s26] =	ssyncset.done @!p1 $0x0;
	s30 =	smov.u32 s24  }
0x4e: {  	s24 =	sadd.s32 $0x10, s24;
	s31 =	simm.s32 @!p3 $0x2;
	[sflag:s26] =	ssyncadd.s32 @!p1 $0xFFFFD800  }
0x4f: {  	[tilespmem:s29], [sflag:$0x2] =	stream.linear.gather @!p3 [hbm4b:s25+s28], $0x2800, $0x38;
	[tilespmem:$0x9080] =	vst v63  }
0x50: {  	p2 =	seq.s32 s24, $0x80;
	p1 =	por p3, p3;
	_ =	swait.ge @!p3 [sflag:s31], $0x2800  }
0x51: {  	[sflag:s31] =	ssyncset.done @!p1 $0x0  }
0x52: {  	s0 =	simm.s32 @!p1 $0x9000;
	[sflag:s31] =	ssyncadd.s32 @!p1 $0xFFFFD800  }
0x53: {  	[tilespmem:s0], [sflag:$0x2] =	stream.linear.gather @!p1 [hbm4b:s23+s28], $0x50, $0x38;
	[tilespmem:$0x9080] =	vst v63  }
0x54: {  	_ =	swait.ge @!p1 [sflag:s31], $0x50  }
0x55: {  	[sflag:s31] =	ssyncset.done @!p1 $0x0  }
0x56: {  	s28 =	simm.s32 @!p1 $0x50;
	[sflag:s31] =	ssyncadd.s32 @!p1 $0xFFFFFFB0  }
0x57: {  	[spmem:s2] =	stream.indirect.scatter.add.f32 @!p1 [tilespmem:s29], [sflag:$0x2], $0x80, s0, s28, $0xb8;
	[tilespmem:$0x9080] =	vst v63  }
.Ltmp3:
0x58: {  	_ =	swait.ge @!p1 [sflag:s31], $0x2800;
	(pc) =	sbr.rel @!p2 .LBB2_3-.Ltmp3, $4  }
0x59: {  	s26 =	simm.s32 @!p1 $0x1;
	s23 =	sadd.s32 $0xA0, s23;
	[sflag:s31] =	ssyncset.done @!p1 $0x0  }
0x5a: {  	s29 =	sadd.s32 s30, s1;
	s30 =	simm.s32 @!p1 $0x6800;
	[sflag:s31] =	ssyncadd.s32 @!p1 $0xFFFFD800  }
0x5b: {  	[spmem:s3] =	stream.indirect.scatter.add.f32 @!p1 [tilespmem:s30], [sflag:$0x1], $0x80, s0, s28, $0xb8;
	[tilespmem:$0x9080] =	vst v63  }
0x5c: {  	s25 =	sadd.s32 $0x5000, s25;
	p3 =	sgt.u32 s29, $0x7C;
	_ =	swait.ge @!p1 [sflag:s26], $0x2800  }
0x5d: {  	s0 =	simm.s32 @!p3 $0x0;
	[sflag:s26] =	ssyncset.done @!p1 $0x0  }
0x5e: {  	s24 =	simm.s32 @!p3 $0x4000;
	s28 =	simm.s32 @!p3 $0x2;
	[sflag:s26] =	ssyncadd.s32 @!p1 $0xFFFFD800  }
0x5f: {  	[tilespmem:s24], [sflag:$0x2] =	stream.linear.gather @!p3 [hbm4b:s25+s0], $0x2800, $0x38;
	[tilespmem:$0x9080] =	vst v63  }
0x60: {  	p1 =	por p3, p3;
	_ =	swait.ge @!p3 [sflag:s28], $0x2800  }
0x61: {  	[sflag:s28] =	ssyncset.done @!p1 $0x0  }
0x62: {  	s25 =	simm.s32 @!p1 $0x9000;
	[sflag:s28] =	ssyncadd.s32 @!p1 $0xFFFFD800  }
0x63: {  	[tilespmem:s25], [sflag:$0x2] =	stream.linear.gather @!p1 [hbm4b:s23+s0], $0x50, $0x38;
	[tilespmem:$0x9080] =	vst v63  }
0x64: {  	_ =	swait.ge @!p1 [sflag:s28], $0x50  }
0x65: {  	[sflag:s28] =	ssyncset.done @!p1 $0x0  }
0x66: {  	s0 =	simm.s32 @!p1 $0x50;
	[sflag:s28] =	ssyncadd.s32 @!p1 $0xFFFFFFB0  }
0x67: {  	[spmem:s2] =	stream.indirect.scatter.add.f32 @!p1 [tilespmem:s24], [sflag:$0x2], $0x80, s25, s0, $0xb8;
	[tilespmem:$0x9080] =	vst v63  }
0x68: {  	_ =	swait.ge @!p1 [sflag:s28], $0x2800  }
0x69: {  	s23 =	simm.s32 @!p1 $0x1;
	[sflag:s28] =	ssyncset.done @!p1 $0x0  }
.Ltmp4:
0x6a: {  	s24 =	simm.s32 @!p1 $0x6800;
	[sflag:s28] =	ssyncadd.s32 @!p1 $0xFFFFD800;
	(pc) =	sbr.rel .LBB2_8-.Ltmp4, $4  }
0x6b: {  	[spmem:s3] =	stream.indirect.scatter.add.f32 @!p1 [tilespmem:s24], [sflag:$0x1], $0x80, s25, s0, $0xb8;
	[tilespmem:$0x9080] =	vst v63  }
0x6c: {  	_ =	swait.ge @!p1 [sflag:s23], $0x2800  }
0x6d: {  	[sflag:s23] =	ssyncset.done @!p1 $0x0  }
0x6e: {  	s24 =	smov.u32 s7;
	[sflag:s23] =	ssyncadd.s32 @!p1 $0xFFFFD800;
	s23 =	smov.u32 s8  }
.LBB2_5:
0x6f: {  	s0 =	sadd.s32 $0x0, s1  }
0x70: {  	p1 =	sgt.u32 s0, $0x7C  }
0x71: {  	s0 =	simm.s32 @!p1 $0x0;
	s23 =	simm.s32 @!p1 $0x4000;
	s25 =	simm.s32 @!p1 $0x2  }
0x72: {  	[tilespmem:s23], [sflag:$0x2] =	stream.linear.gather @!p1 [hbm4b:s14+s0], $0x2800, $0x38;
	[tilespmem:$0x9080] =	vst v63  }
0x73: {  	_ =	swait.ge @!p1 [sflag:s25], $0x2800;
	p1 =	por p1, p1  }
0x74: {  	[sflag:s25] =	ssyncset.done @!p1 $0x0  }
0x75: {  	s26 =	simm.s32 @!p1 $0x9000;
	[sflag:s25] =	ssyncadd.s32 @!p1 $0xFFFFD800  }
0x76: {  	[tilespmem:s26], [sflag:$0x2] =	stream.linear.gather @!p1 [hbm4b:s15+s0], $0x50, $0x38;
	[tilespmem:$0x9080] =	vst v63  }
0x77: {  	_ =	swait.ge @!p1 [sflag:s25], $0x50  }
0x78: {  	[sflag:s25] =	ssyncset.done @!p1 $0x0  }
0x79: {  	s0 =	simm.s32 @!p1 $0x50;
	[sflag:s25] =	ssyncadd.s32 @!p1 $0xFFFFFFB0  }
0x7a: {  	[spmem:s2] =	stream.indirect.scatter.add.f32 @!p1 [tilespmem:s23], [sflag:$0x2], $0x80, s26, s0, $0xb8;
	[tilespmem:$0x9080] =	vst v63  }
0x7b: {  	_ =	swait.ge @!p1 [sflag:s25], $0x2800  }
0x7c: {  	[sflag:s25] =	ssyncset.done @!p1 $0x0  }
0x7d: {  	s31 =	sadd.s32 $0x10, s1;
	s23 =	simm.s32 @!p1 $0x6800;
	[sflag:s25] =	ssyncadd.s32 @!p1 $0xFFFFD800  }
0x7e: {  	[spmem:s3] =	stream.indirect.scatter.add.f32 @!p1 [tilespmem:s23], [sflag:$0x1], $0x80, s26, s0, $0xb8;
	[tilespmem:$0x9080] =	vst v63  }
0x7f: {  	s24 =	simm.s32 $0x20;
	p3 =	sgt.u32 s31, $0x7C;
	s26 =	simm.s32 @!p1 $0x1  }
0x80: {  	s25 =	sadd.s32 $0x5000, s14;
	s23 =	sadd.s32 $0xA0, s15;
	_ =	swait.ge @!p1 [sflag:s26], $0x2800  }
.LBB2_6:
0x81: {  	s0 =	simm.s32 @!p3 $0x0  }
0x82: {  	s28 =	simm.s32 @!p3 $0x4000;
	[sflag:s26] =	ssyncset.done @!p1 $0x0;
	s29 =	smov.u32 s24  }
0x83: {  	s24 =	sadd.s32 $0x10, s24;
	s30 =	simm.s32 @!p3 $0x2;
	[sflag:s26] =	ssyncadd.s32 @!p1 $0xFFFFD800  }
0x84: {  	[tilespmem:s28], [sflag:$0x2] =	stream.linear.gather @!p3 [hbm4b:s25+s0], $0x2800, $0x38;
	[tilespmem:$0x9080] =	vst v63  }
0x85: {  	p2 =	sne.s32 s24, $0x80;
	p1 =	por p3, p3;
	_ =	swait.ge @!p3 [sflag:s30], $0x2800  }
0x86: {  	[sflag:s30] =	ssyncset.done @!p1 $0x0  }
0x87: {  	s31 =	simm.s32 @!p1 $0x9000;
	[sflag:s30] =	ssyncadd.s32 @!p1 $0xFFFFD800  }
0x88: {  	[tilespmem:s31], [sflag:$0x2] =	stream.linear.gather @!p1 [hbm4b:s23+s0], $0x50, $0x38;
	[tilespmem:$0x9080] =	vst v63  }
0x89: {  	_ =	swait.ge @!p1 [sflag:s30], $0x50  }
0x8a: {  	[sflag:s30] =	ssyncset.done @!p1 $0x0  }
0x8b: {  	s0 =	simm.s32 @!p1 $0x50;
	[sflag:s30] =	ssyncadd.s32 @!p1 $0xFFFFFFB0  }
0x8c: {  	[spmem:s2] =	stream.indirect.scatter.add.f32 @!p1 [tilespmem:s28], [sflag:$0x2], $0x80, s31, s0, $0xb8;
	[tilespmem:$0x9080] =	vst v63  }
.Ltmp5:
0x8d: {  	_ =	swait.ge @!p1 [sflag:s30], $0x2800;
	(pc) =	sbr.rel @p2 .LBB2_6-.Ltmp5, $4  }
0x8e: {  	s26 =	simm.s32 @!p1 $0x1;
	s23 =	sadd.s32 $0xA0, s23;
	[sflag:s30] =	ssyncset.done @!p1 $0x0  }
0x8f: {  	s28 =	sadd.s32 s29, s1;
	s29 =	simm.s32 @!p1 $0x6800;
	[sflag:s30] =	ssyncadd.s32 @!p1 $0xFFFFD800  }
0x90: {  	[spmem:s3] =	stream.indirect.scatter.add.f32 @!p1 [tilespmem:s29], [sflag:$0x1], $0x80, s31, s0, $0xb8;
	[tilespmem:$0x9080] =	vst v63  }
0x91: {  	s25 =	sadd.s32 $0x5000, s25;
	p3 =	sgt.u32 s28, $0x7C;
	_ =	swait.ge @!p1 [sflag:s26], $0x2800  }
.Ltmp6:
0x92: {  	_ = 	snop;
	(pc) =	sbr.rel .LBB2_7-.Ltmp6, $1  }
0x93: {  	_ =	sdelay $0x3  }
.LBB2_9:
0x94: {  	_ =	sfence.sel $0x180000  }
0x95: {  	[bflag:$0x0] =	sbarrier.arrive $0xFFFF  }
0x96: {  	_ =	strace $0x90000050  }
0x97: {  	[bflag:$0x2] =	sbarrier.arrive $0xFFFF  }
0x98: {  	p0 =	sne.s32 s1, $0x0;
	s0 =	rddreg [dreg:$0x5]  }
0x99: {  	s0 =	sadd.s32 @!p0 $0x100000, s0  }
0x9a: {  	[sflag:s0] =	ssyncadd.tile.s32 @!p0 $0x1;
	_ =	shalt  }
.Lfunc_end2:
_tile_overlayer_lowered:
.L_overlay_start_2:
0x9b: {  	(tag) =	ssettag $0x2  }
0x9c: {  	s0 =	rddreg [dreg:$0x0];
	s2 =	stileid.u32  }
0x9d: {  	s1 =	rddreg [dreg:$0x1];
	p0 =	sne.s32 s2, $0x0  }
0x9e: {  	s3 =	rddreg [dreg:$0x2];
	[bflag:$0x3] =	sbarrier.arrive $0xFFFF;
	s2 =	simm.s32 @!p0 $0x1C01  }
0x9f: {  	[timem:s3], [sflag:s2] =	dma.local @!p0 [hbm:s0], s1  }
0xa0: {  	s0 =	simm.s32 @!p0 $0x1  }
0xa1: {  	_ =	swait.ge @!p0 [sflag:s0], s1  }
0xa2: {  	s1 =	ssub.s32 @!p0 $0x0, s1;
	[sflag:s0] =	ssyncset.done @!p0 $0x0  }
0xa3: {  	[sflag:s0] =	ssyncadd.s32 @!p0 s1  }
0xa4: {  	[bflag:$0x3] =	sbarrier.arrive $0xFFFF  }
0xa5: {  	_ =	shalt  }

</sc_bundles>
